<compile_context>
chip_gen: v7x
topology: tpu7x:2x2x1
jax: 0.10.2.dev20260603
libtpu: 0.0.44.dev20260713+nightly
codegen_flags: <defaults>
</compile_context>

<pallas_src>
import functools

import jax
import jax.numpy as jnp
from jax import lax
from jax.experimental import pallas as pl
from jax.experimental.pallas import tpu as pltpu
from jax.experimental.pallas import tpu_sc as plsc

B, S, D = 16, 2048, 768
L = 16
C = 32
NB = 4
NCHUNK = S // C
WPB = 2
NVEC = S // L
DL = D // L
MCH = NCHUNK // WPB


def _compact_body(x_hbm, valid_hbm, out_hbm, valid_v, srcidx_v,
                  gb0, gb1, gb2, gb3, shared_z,
                  sg0, sg1, sg2, sg3, sw0, sw1, sw2, sw3, sz):
    cid = lax.axis_index("c")
    sid = lax.axis_index("s")
    b = sid
    sub = (sid + cid) % WPB
    base = b * S
    gbufs = (gb0, gb1, gb2, gb3)
    sgs = (sg0, sg1, sg2, sg3)
    sws = (sw0, sw1, sw2, sw3)

    pltpu.sync_copy(valid_hbm.at[b], valid_v)

    @pl.when(sid == 0)
    def _():
        def _zrow(r, carry):
            for i in range(DL):
                gb0[r, pl.ds(i * L, L)] = jnp.zeros((L,), jnp.float32)
            return carry

        lax.fori_loop(0, C, _zrow, 0)
        pltpu.sync_copy(gb0, shared_z)

    def _cnt(i, carry):
        m0 = valid_v[pl.ds((2 * i) * L, L)] == 1
        m1 = valid_v[pl.ds((2 * i + 1) * L, L)] == 1
        return (carry + plsc.all_reduce_population_count(m0)
                + plsc.all_reduce_population_count(m1))

    count_vec = lax.fori_loop(0, NVEC // 2, _cnt, jnp.zeros((L,), jnp.int32))
    count = count_vec[0]

    n_full = count // C
    rem = count - n_full * C
    ng_all = (count + C - 1) // C
    mg = jnp.maximum(0, (ng_all - sub + 1) // WPB)

    plsc.subcore_barrier()

    def _zfire(i, carry):
        j0 = base + (sub + WPB * i) * C
        pltpu.async_copy(shared_z, out_hbm.at[pl.ds(j0, C)], sz)
        return carry

    lax.fori_loop(mg, MCH, _zfire, 0)

    def _init(i, carry):
        srcidx_v[pl.ds(i * L, L)] = jnp.full((L,), base, jnp.int32)
        return carry

    lax.fori_loop(0, NVEC, _init, 0)

    lanes = lax.iota(jnp.int32, L)

    def _prefix(i, carry):
        v0 = valid_v[pl.ds((2 * i) * L, L)]
        m0 = v0 == 1
        incl0 = plsc.cumsum(v0)
        v1 = valid_v[pl.ds((2 * i + 1) * L, L)]
        m1 = v1 == 1
        incl1 = plsc.cumsum(v1)
        plsc.store_scatter(
            srcidx_v, [incl0 - v0 + carry], base + (2 * i) * L + lanes, mask=m0
        )
        c1 = carry + plsc.all_reduce_population_count(m0)
        plsc.store_scatter(
            srcidx_v, [incl1 - v1 + c1], base + (2 * i + 1) * L + lanes, mask=m1
        )
        return c1 + plsc.all_reduce_population_count(m1)

    lax.fori_loop(0, NVEC // 2, _prefix, jnp.zeros((L,), jnp.int32))

    def _start_g(i, buf, sem):
        k = sub + WPB * i
        pltpu.async_copy(x_hbm.at[srcidx_v.at[pl.ds(k * C, C)]], buf, sem)

    def _wait(buf, sem):
        pltpu.make_async_copy(x_hbm.at[pl.ds(0, C)], buf, sem).wait()

    def _finish_g(i, buf, wsem):
        k = sub + WPB * i

        @pl.when(jnp.logical_and(k == n_full, rem > 0))
        def _():
            def _ztail(r, c2):
                for q in range(DL):
                    buf[r, pl.ds(q * L, L)] = jnp.zeros((L,), jnp.float32)
                return c2

            lax.fori_loop(rem, C, _ztail, 0)

        pltpu.async_copy(buf, out_hbm.at[pl.ds(base + k * C, C)], wsem)

    @pl.when(mg > 0)
    def _():
        _start_g(0, gb0, sg0)

    @pl.when(mg > 1)
    def _():
        _start_g(1, gb1, sg1)

    def _quad(q, carry):
        i0 = NB * q
        for j in range(NB):
            i = i0 + j
            ja = (j + 2) % NB

            @pl.when(i < mg)
            def _(i=i, j=j, ja=ja):
                @pl.when(i + 2 < mg)
                def _():
                    @pl.when(i >= 2)
                    def _():
                        _wait(gbufs[ja], sws[ja])

                    _start_g(i + 2, gbufs[ja], sgs[ja])

                _wait(gbufs[j], sgs[j])
                _finish_g(i, gbufs[j], sws[j])

        return carry

    lax.fori_loop(0, MCH // NB, _quad, 0)

    for j in range(NB):
        nfired = jnp.maximum(0, (mg + (NB - 1) - j) // NB)
        nwaited = jnp.maximum(0, (mg - 1 - j) // NB)

        def _wdrain(i, carry, j=j):
            _wait(gbufs[j], sws[j])
            return carry

        lax.fori_loop(0, nfired - nwaited, _wdrain, 0)

    def _zdrain(i, carry):
        pltpu.make_async_copy(x_hbm.at[pl.ds(0, C)], shared_z, sz).wait()
        return carry

    lax.fori_loop(0, MCH - mg, _zdrain, 0)


@functools.partial(jax.jit, static_argnums=())
def _compact(x_flat, valid_ids):
    mesh = plsc.VectorSubcoreMesh(core_axis_name="c", subcore_axis_name="s")
    f = pl.kernel(
        _compact_body,
        out_type=jax.ShapeDtypeStruct((B * S, D), jnp.float32),
        mesh=mesh,
        compiler_params=pltpu.CompilerParams(needs_layout_passes=False),
        scratch_types=[
            pltpu.VMEM((S,), jnp.int32),
            pltpu.VMEM((S,), jnp.int32),
            pltpu.VMEM((C, D), jnp.float32),
            pltpu.VMEM((C, D), jnp.float32),
            pltpu.VMEM((C, D), jnp.float32),
            pltpu.VMEM((C, D), jnp.float32),
            pltpu.VMEM_SHARED((C, D), jnp.float32),
            pltpu.SemaphoreType.DMA,
            pltpu.SemaphoreType.DMA,
            pltpu.SemaphoreType.DMA,
            pltpu.SemaphoreType.DMA,
            pltpu.SemaphoreType.DMA,
            pltpu.SemaphoreType.DMA,
            pltpu.SemaphoreType.DMA,
            pltpu.SemaphoreType.DMA,
            pltpu.SemaphoreType.DMA,
        ],
    )
    return f(x_flat, valid_ids)


def kernel(sequence_output, valid_ids):
    x_flat = sequence_output.reshape(B * S, D)
    out = _compact(x_flat, valid_ids)
    return out.reshape(B, S, D)

# --- scband reference (transcript-rebuilt; emitter-appended) ---
"""Pipeline reference for scband-validation-layer-738734375311 (READ-ONLY COPY).

The authoritative reference and input builder live on the scoring server;
editing this copy changes nothing except your own understanding.
"""

import jax, jax.numpy as jnp
import numpy as np

B, S, D = 16, 2048, 768

def setup_inputs(seed: int = 0) -> dict:
    key = jax.random.key(seed)
    k1, k2 = jax.random.split(key)
    sequence_output = jax.random.normal(k1, (B, S, D), dtype=jnp.float32)
    valid_ids = jax.random.randint(k2, (B, S), 0, 2, dtype=jnp.int32)
    return {"sequence_output": sequence_output, "valid_ids": valid_ids}

def reference(sequence_output, valid_ids):
    # For each batch element: gather rows where valid_ids==1 to the front
    # (preserving order), then pad the tail with zeros to full length S.
    def per_example(x, v):
        mask = (v == 1)
        # stable argsort of ~mask brings valid positions to the front in order
        order = jnp.argsort(jnp.logical_not(mask), stable=True)
        gathered = jnp.take(x, order, axis=0)
        count = jnp.sum(mask)
        keep = jnp.arange(x.shape[0]) < count
        return jnp.where(keep[:, None], gathered, jnp.zeros_like(gathered))
    return jax.vmap(per_example)(sequence_output, valid_ids)

if __name__ == "__main__":
    import jax
    _d = setup_inputs()
    print(jax.jit(kernel)(*tuple(_d.values())))

</pallas_src>

<mosaic_0001>
#map = affine_map<(d0, d1) -> (0, 0)>
module attributes {stable_mosaic.version = 14 : i64} {
  func.func @_compact_body(%arg0: i32, %arg1: i32, %arg2: memref<32768x768xf32, #tpu.memory_space<hbm>>, %arg3: memref<16x2048xi32, #tpu.memory_space<hbm>>, %arg4: memref<32768x768xf32, #tpu.memory_space<hbm>>, %arg5: memref<2048xi32, #tpu.memory_space<vmem>>, %arg6: memref<2048xi32, #tpu.memory_space<vmem>>, %arg7: memref<32x768xf32, #tpu.memory_space<vmem>>, %arg8: memref<32x768xf32, #tpu.memory_space<vmem>>, %arg9: memref<32x768xf32, #tpu.memory_space<vmem>>, %arg10: memref<32x768xf32, #tpu.memory_space<vmem>>, %arg11: memref<32x768xf32, #tpu.memory_space<vmem_shared>>, %arg12: memref<!tpu.dma_semaphore, #tpu.memory_space<semaphore_mem>>, %arg13: memref<!tpu.dma_semaphore, #tpu.memory_space<semaphore_mem>>, %arg14: memref<!tpu.dma_semaphore, #tpu.memory_space<semaphore_mem>>, %arg15: memref<!tpu.dma_semaphore, #tpu.memory_space<semaphore_mem>>, %arg16: memref<!tpu.dma_semaphore, #tpu.memory_space<semaphore_mem>>, %arg17: memref<!tpu.dma_semaphore, #tpu.memory_space<semaphore_mem>>, %arg18: memref<!tpu.dma_semaphore, #tpu.memory_space<semaphore_mem>>, %arg19: memref<!tpu.dma_semaphore, #tpu.memory_space<semaphore_mem>>, %arg20: memref<!tpu.dma_semaphore, #tpu.memory_space<semaphore_mem>>) attributes {dimension_semantics = [#tpu.dimension_semantics<core_parallel>, #tpu.dimension_semantics<subcore_parallel>], iteration_bounds = array<i64: 2, 16>, scalar_prefetch = 0 : i64, scratch_operands = 16 : i64, tpu.core_type = #tpu.core_type<sc_vector_subcore>, window_params = [{transform_indices = #map}, {transform_indices = #map}, {transform_indices = #map}]} {
    %add3A = arith.addi %arg1, %arg0 : i32
    %jit3A = arith.constant 2 : i32
    %eq3A = arith.constant 0 : i32
    %eq3A_0 = arith.cmpi eq, %jit3A, %eq3A : i32
    %jit3A_1 = arith.constant 1 : i32
    %select_n3A = arith.select %eq3A_0, %jit3A_1, %jit3A : i32
    %rem3A = arith.remsi %add3A, %select_n3A : i32
    %ne3A = arith.constant 0 : i32
    %ne3A_2 = arith.cmpi ne, %rem3A, %ne3A : i32
    %lt3A = arith.constant 0 : i32
    %lt3A_3 = arith.cmpi slt, %rem3A, %lt3A : i32
    %lt3A_4 = arith.constant 0 : i32
    %lt3A_5 = arith.cmpi slt, %select_n3A, %lt3A_4 : i32
    %ne3A_6 = arith.xori %lt3A_3, %lt3A_5 : i1
    %and3A = arith.andi %ne3A_6, %ne3A_2 : i1
    %add3A_7 = arith.addi %rem3A, %select_n3A : i32
    %select_n3A_8 = arith.select %and3A, %add3A_7, %rem3A : i32
    %mul3A = arith.constant 2048 : i32
    %mul3A_9 = arith.muli %arg1, %mul3A : i32
    "tpu.region"() ({
      %run_scoped3A = tpu.sem_alloc : memref<!tpu.dma_semaphore, #tpu.memory_space<semaphore_mem>>
      %dma_start3A = arith.constant 0 : i32
      %dma_start3A_433 = tpu.memref_slice %arg3[%arg1, %dma_start3A] : memref<16x2048xi32, #tpu.memory_space<hbm>> -> memref<1x2048xi32, #tpu.memory_space<hbm>>
      %dma_start3A_434 = tpu.memref_squeeze %dma_start3A_433 : memref<1x2048xi32, #tpu.memory_space<hbm>> -> memref<2048xi32, #tpu.memory_space<hbm>>
      %dma_start3A_435 = arith.constant 0 : i32
      %dma_start3A_436 = tpu.memref_slice %arg3[%arg1, %dma_start3A_435] : memref<16x2048xi32, #tpu.memory_space<hbm>> -> memref<1x2048xi32, #tpu.memory_space<hbm>>
      %dma_start3A_437 = tpu.memref_squeeze %dma_start3A_436 : memref<1x2048xi32, #tpu.memory_space<hbm>> -> memref<2048xi32, #tpu.memory_space<hbm>>
      tpu.enqueue_dma source(%dma_start3A_437 : memref<2048xi32, #tpu.memory_space<hbm>>) target(%arg5 : memref<2048xi32, #tpu.memory_space<vmem>>) target_semaphore(%run_scoped3A : memref<!tpu.dma_semaphore, #tpu.memory_space<semaphore_mem>>)
      %dma_wait3A = arith.constant 0 : i32
      %dma_wait3A_438 = tpu.memref_slice %arg3[%arg1, %dma_wait3A] : memref<16x2048xi32, #tpu.memory_space<hbm>> -> memref<1x2048xi32, #tpu.memory_space<hbm>>
      %dma_wait3A_439 = tpu.memref_squeeze %dma_wait3A_438 : memref<1x2048xi32, #tpu.memory_space<hbm>> -> memref<2048xi32, #tpu.memory_space<hbm>>
      %dma_wait3A_440 = arith.constant 0 : i32
      %dma_wait3A_441 = tpu.memref_slice %arg3[%arg1, %dma_wait3A_440] : memref<16x2048xi32, #tpu.memory_space<hbm>> -> memref<1x2048xi32, #tpu.memory_space<hbm>>
      %dma_wait3A_442 = tpu.memref_squeeze %dma_wait3A_441 : memref<1x2048xi32, #tpu.memory_space<hbm>> -> memref<2048xi32, #tpu.memory_space<hbm>>
      tpu.wait_dma2 semaphore(%run_scoped3A : memref<!tpu.dma_semaphore, #tpu.memory_space<semaphore_mem>>) src(%dma_wait3A_442 : memref<2048xi32, #tpu.memory_space<hbm>>) dst(%arg5 : memref<2048xi32, #tpu.memory_space<vmem>>)
      tpu.yield
    }) : () -> ()
    %eq3A_10 = arith.constant 0 : i32
    %eq3A_11 = arith.cmpi eq, %arg1, %eq3A_10 : i32
    %convert_element_type3A = arith.extui %eq3A_11 : i1 to i32
    %cond3A = arith.constant 0 : i32
    %cond3A_12 = arith.cmpi ne, %convert_element_type3A, %cond3A : i32
    scf.if %cond3A_12 {
      %scan3A_433 = arith.constant 0 : i32
      %scan3A_434 = arith.constant 0 : i32
      %scan3A_435 = arith.constant 32 : i32
      %scan3A_436 = arith.addi %scan3A_434, %scan3A_435 : i32
      %scan3A_437 = arith.constant 1 : i32
      scf.for %scan3A_439 = %scan3A_434 to %scan3A_436 step %scan3A_437  : i32 {
        %broadcast_in_dim3A_440 = arith.constant 0.000000e+00 : f32
        %broadcast_in_dim3A_441 = vector.broadcast %broadcast_in_dim3A_440 : f32 to vector<16xf32>
        %swap3A = arith.index_cast %scan3A_439 : i32 to index
        %swap3A_442 = arith.constant 0 : index
        %swap3A_443 = tpu.vector_load %arg7[%swap3A, %swap3A_442] {strides = array<i32>} : memref<32x768xf32, #tpu.memory_space<vmem>>, vector<16xf32>,
        tpu.vector_store %arg7[%swap3A, %swap3A_442], %broadcast_in_dim3A_441 {strides = array<i32>} : memref<32x768xf32, #tpu.memory_space<vmem>>, vector<16xf32>,
        %broadcast_in_dim3A_444 = arith.constant 0.000000e+00 : f32
        %broadcast_in_dim3A_445 = vector.broadcast %broadcast_in_dim3A_444 : f32 to vector<16xf32>
        %swap3A_446 = arith.index_cast %scan3A_439 : i32 to index
        %swap3A_447 = arith.constant 16 : index
        %swap3A_448 = tpu.vector_load %arg7[%swap3A_446, %swap3A_447] {strides = array<i32>} : memref<32x768xf32, #tpu.memory_space<vmem>>, vector<16xf32>,
        tpu.vector_store %arg7[%swap3A_446, %swap3A_447], %broadcast_in_dim3A_445 {strides = array<i32>} : memref<32x768xf32, #tpu.memory_space<vmem>>, vector<16xf32>,
        %broadcast_in_dim3A_449 = arith.constant 0.000000e+00 : f32
        %broadcast_in_dim3A_450 = vector.broadcast %broadcast_in_dim3A_449 : f32 to vector<16xf32>
        %swap3A_451 = arith.index_cast %scan3A_439 : i32 to index
        %swap3A_452 = arith.constant 32 : index
        %swap3A_453 = tpu.vector_load %arg7[%swap3A_451, %swap3A_452] {strides = array<i32>} : memref<32x768xf32, #tpu.memory_space<vmem>>, vector<16xf32>,
        tpu.vector_store %arg7[%swap3A_451, %swap3A_452], %broadcast_in_dim3A_450 {strides = array<i32>} : memref<32x768xf32, #tpu.memory_space<vmem>>, vector<16xf32>,
        %broadcast_in_dim3A_454 = arith.constant 0.000000e+00 : f32
        %broadcast_in_dim3A_455 = vector.broadcast %broadcast_in_dim3A_454 : f32 to vector<16xf32>
        %swap3A_456 = arith.index_cast %scan3A_439 : i32 to index
        %swap3A_457 = arith.constant 48 : index
        %swap3A_458 = tpu.vector_load %arg7[%swap3A_456, %swap3A_457] {strides = array<i32>} : memref<32x768xf32, #tpu.memory_space<vmem>>, vector<16xf32>,
        tpu.vector_store %arg7[%swap3A_456, %swap3A_457], %broadcast_in_dim3A_455 {strides = array<i32>} : memref<32x768xf32, #tpu.memory_space<vmem>>, vector<16xf32>,
        %broadcast_in_dim3A_459 = arith.constant 0.000000e+00 : f32
        %broadcast_in_dim3A_460 = vector.broadcast %broadcast_in_dim3A_459 : f32 to vector<16xf32>
        %swap3A_461 = arith.index_cast %scan3A_439 : i32 to index
        %swap3A_462 = arith.constant 64 : index
        %swap3A_463 = tpu.vector_load %arg7[%swap3A_461, %swap3A_462] {strides = array<i32>} : memref<32x768xf32, #tpu.memory_space<vmem>>, vector<16xf32>,
        tpu.vector_store %arg7[%swap3A_461, %swap3A_462], %broadcast_in_dim3A_460 {strides = array<i32>} : memref<32x768xf32, #tpu.memory_space<vmem>>, vector<16xf32>,
        %broadcast_in_dim3A_464 = arith.constant 0.000000e+00 : f32
        %broadcast_in_dim3A_465 = vector.broadcast %broadcast_in_dim3A_464 : f32 to vector<16xf32>
        %swap3A_466 = arith.index_cast %scan3A_439 : i32 to index
        %swap3A_467 = arith.constant 80 : index
        %swap3A_468 = tpu.vector_load %arg7[%swap3A_466, %swap3A_467] {strides = array<i32>} : memref<32x768xf32, #tpu.memory_space<vmem>>, vector<16xf32>,
        tpu.vector_store %arg7[%swap3A_466, %swap3A_467], %broadcast_in_dim3A_465 {strides = array<i32>} : memref<32x768xf32, #tpu.memory_space<vmem>>, vector<16xf32>,
        %broadcast_in_dim3A_469 = arith.constant 0.000000e+00 : f32
        %broadcast_in_dim3A_470 = vector.broadcast %broadcast_in_dim3A_469 : f32 to vector<16xf32>
        %swap3A_471 = arith.index_cast %scan3A_439 : i32 to index
        %swap3A_472 = arith.constant 96 : index
        %swap3A_473 = tpu.vector_load %arg7[%swap3A_471, %swap3A_472] {strides = array<i32>} : memref<32x768xf32, #tpu.memory_space<vmem>>, vector<16xf32>,
        tpu.vector_store %arg7[%swap3A_471, %swap3A_472], %broadcast_in_dim3A_470 {strides = array<i32>} : memref<32x768xf32, #tpu.memory_space<vmem>>, vector<16xf32>,
        %broadcast_in_dim3A_474 = arith.constant 0.000000e+00 : f32
        %broadcast_in_dim3A_475 = vector.broadcast %broadcast_in_dim3A_474 : f32 to vector<16xf32>
        %swap3A_476 = arith.index_cast %scan3A_439 : i32 to index
        %swap3A_477 = arith.constant 112 : index
        %swap3A_478 = tpu.vector_load %arg7[%swap3A_476, %swap3A_477] {strides = array<i32>} : memref<32x768xf32, #tpu.memory_space<vmem>>, vector<16xf32>,
        tpu.vector_store %arg7[%swap3A_476, %swap3A_477], %broadcast_in_dim3A_475 {strides = array<i32>} : memref<32x768xf32, #tpu.memory_space<vmem>>, vector<16xf32>,
        %broadcast_in_dim3A_479 = arith.constant 0.000000e+00 : f32
        %broadcast_in_dim3A_480 = vector.broadcast %broadcast_in_dim3A_479 : f32 to vector<16xf32>
        %swap3A_481 = arith.index_cast %scan3A_439 : i32 to index
        %swap3A_482 = arith.constant 128 : index
        %swap3A_483 = tpu.vector_load %arg7[%swap3A_481, %swap3A_482] {strides = array<i32>} : memref<32x768xf32, #tpu.memory_space<vmem>>, vector<16xf32>,
        tpu.vector_store %arg7[%swap3A_481, %swap3A_482], %broadcast_in_dim3A_480 {strides = array<i32>} : memref<32x768xf32, #tpu.memory_space<vmem>>, vector<16xf32>,
        %broadcast_in_dim3A_484 = arith.constant 0.000000e+00 : f32
        %broadcast_in_dim3A_485 = vector.broadcast %broadcast_in_dim3A_484 : f32 to vector<16xf32>
        %swap3A_486 = arith.index_cast %scan3A_439 : i32 to index
        %swap3A_487 = arith.constant 144 : index
        %swap3A_488 = tpu.vector_load %arg7[%swap3A_486, %swap3A_487] {strides = array<i32>} : memref<32x768xf32, #tpu.memory_space<vmem>>, vector<16xf32>,
        tpu.vector_store %arg7[%swap3A_486, %swap3A_487], %broadcast_in_dim3A_485 {strides = array<i32>} : memref<32x768xf32, #tpu.memory_space<vmem>>, vector<16xf32>,
        %broadcast_in_dim3A_489 = arith.constant 0.000000e+00 : f32
        %broadcast_in_dim3A_490 = vector.broadcast %broadcast_in_dim3A_489 : f32 to vector<16xf32>
        %swap3A_491 = arith.index_cast %scan3A_439 : i32 to index
        %swap3A_492 = arith.constant 160 : index
        %swap3A_493 = tpu.vector_load %arg7[%swap3A_491, %swap3A_492] {strides = array<i32>} : memref<32x768xf32, #tpu.memory_space<vmem>>, vector<16xf32>,
        tpu.vector_store %arg7[%swap3A_491, %swap3A_492], %broadcast_in_dim3A_490 {strides = array<i32>} : memref<32x768xf32, #tpu.memory_space<vmem>>, vector<16xf32>,
        %broadcast_in_dim3A_494 = arith.constant 0.000000e+00 : f32
        %broadcast_in_dim3A_495 = vector.broadcast %broadcast_in_dim3A_494 : f32 to vector<16xf32>
        %swap3A_496 = arith.index_cast %scan3A_439 : i32 to index
        %swap3A_497 = arith.constant 176 : index
        %swap3A_498 = tpu.vector_load %arg7[%swap3A_496, %swap3A_497] {strides = array<i32>} : memref<32x768xf32, #tpu.memory_space<vmem>>, vector<16xf32>,
        tpu.vector_store %arg7[%swap3A_496, %swap3A_497], %broadcast_in_dim3A_495 {strides = array<i32>} : memref<32x768xf32, #tpu.memory_space<vmem>>, vector<16xf32>,
        %broadcast_in_dim3A_499 = arith.constant 0.000000e+00 : f32
        %broadcast_in_dim3A_500 = vector.broadcast %broadcast_in_dim3A_499 : f32 to vector<16xf32>
        %swap3A_501 = arith.index_cast %scan3A_439 : i32 to index
        %swap3A_502 = arith.constant 192 : index
        %swap3A_503 = tpu.vector_load %arg7[%swap3A_501, %swap3A_502] {strides = array<i32>} : memref<32x768xf32, #tpu.memory_space<vmem>>, vector<16xf32>,
        tpu.vector_store %arg7[%swap3A_501, %swap3A_502], %broadcast_in_dim3A_500 {strides = array<i32>} : memref<32x768xf32, #tpu.memory_space<vmem>>, vector<16xf32>,
        %broadcast_in_dim3A_504 = arith.constant 0.000000e+00 : f32
        %broadcast_in_dim3A_505 = vector.broadcast %broadcast_in_dim3A_504 : f32 to vector<16xf32>
        %swap3A_506 = arith.index_cast %scan3A_439 : i32 to index
        %swap3A_507 = arith.constant 208 : index
        %swap3A_508 = tpu.vector_load %arg7[%swap3A_506, %swap3A_507] {strides = array<i32>} : memref<32x768xf32, #tpu.memory_space<vmem>>, vector<16xf32>,
        tpu.vector_store %arg7[%swap3A_506, %swap3A_507], %broadcast_in_dim3A_505 {strides = array<i32>} : memref<32x768xf32, #tpu.memory_space<vmem>>, vector<16xf32>,
        %broadcast_in_dim3A_509 = arith.constant 0.000000e+00 : f32
        %broadcast_in_dim3A_510 = vector.broadcast %broadcast_in_dim3A_509 : f32 to vector<16xf32>
        %swap3A_511 = arith.index_cast %scan3A_439 : i32 to index
        %swap3A_512 = arith.constant 224 : index
        %swap3A_513 = tpu.vector_load %arg7[%swap3A_511, %swap3A_512] {strides = array<i32>} : memref<32x768xf32, #tpu.memory_space<vmem>>, vector<16xf32>,
        tpu.vector_store %arg7[%swap3A_511, %swap3A_512], %broadcast_in_dim3A_510 {strides = array<i32>} : memref<32x768xf32, #tpu.memory_space<vmem>>, vector<16xf32>,
        %broadcast_in_dim3A_514 = arith.constant 0.000000e+00 : f32
        %broadcast_in_dim3A_515 = vector.broadcast %broadcast_in_dim3A_514 : f32 to vector<16xf32>
        %swap3A_516 = arith.index_cast %scan3A_439 : i32 to index
        %swap3A_517 = arith.constant 240 : index
        %swap3A_518 = tpu.vector_load %arg7[%swap3A_516, %swap3A_517] {strides = array<i32>} : memref<32x768xf32, #tpu.memory_space<vmem>>, vector<16xf32>,
        tpu.vector_store %arg7[%swap3A_516, %swap3A_517], %broadcast_in_dim3A_515 {strides = array<i32>} : memref<32x768xf32, #tpu.memory_space<vmem>>, vector<16xf32>,
        %broadcast_in_dim3A_519 = arith.constant 0.000000e+00 : f32
        %broadcast_in_dim3A_520 = vector.broadcast %broadcast_in_dim3A_519 : f32 to vector<16xf32>
        %swap3A_521 = arith.index_cast %scan3A_439 : i32 to index
        %swap3A_522 = arith.constant 256 : index
        %swap3A_523 = tpu.vector_load %arg7[%swap3A_521, %swap3A_522] {strides = array<i32>} : memref<32x768xf32, #tpu.memory_space<vmem>>, vector<16xf32>,
        tpu.vector_store %arg7[%swap3A_521, %swap3A_522], %broadcast_in_dim3A_520 {strides = array<i32>} : memref<32x768xf32, #tpu.memory_space<vmem>>, vector<16xf32>,
        %broadcast_in_dim3A_524 = arith.constant 0.000000e+00 : f32
        %broadcast_in_dim3A_525 = vector.broadcast %broadcast_in_dim3A_524 : f32 to vector<16xf32>
        %swap3A_526 = arith.index_cast %scan3A_439 : i32 to index
        %swap3A_527 = arith.constant 272 : index
        %swap3A_528 = tpu.vector_load %arg7[%swap3A_526, %swap3A_527] {strides = array<i32>} : memref<32x768xf32, #tpu.memory_space<vmem>>, vector<16xf32>,
        tpu.vector_store %arg7[%swap3A_526, %swap3A_527], %broadcast_in_dim3A_525 {strides = array<i32>} : memref<32x768xf32, #tpu.memory_space<vmem>>, vector<16xf32>,
        %broadcast_in_dim3A_529 = arith.constant 0.000000e+00 : f32
        %broadcast_in_dim3A_530 = vector.broadcast %broadcast_in_dim3A_529 : f32 to vector<16xf32>
        %swap3A_531 = arith.index_cast %scan3A_439 : i32 to index
        %swap3A_532 = arith.constant 288 : index
        %swap3A_533 = tpu.vector_load %arg7[%swap3A_531, %swap3A_532] {strides = array<i32>} : memref<32x768xf32, #tpu.memory_space<vmem>>, vector<16xf32>,
        tpu.vector_store %arg7[%swap3A_531, %swap3A_532], %broadcast_in_dim3A_530 {strides = array<i32>} : memref<32x768xf32, #tpu.memory_space<vmem>>, vector<16xf32>,
        %broadcast_in_dim3A_534 = arith.constant 0.000000e+00 : f32
        %broadcast_in_dim3A_535 = vector.broadcast %broadcast_in_dim3A_534 : f32 to vector<16xf32>
        %swap3A_536 = arith.index_cast %scan3A_439 : i32 to index
        %swap3A_537 = arith.constant 304 : index
        %swap3A_538 = tpu.vector_load %arg7[%swap3A_536, %swap3A_537] {strides = array<i32>} : memref<32x768xf32, #tpu.memory_space<vmem>>, vector<16xf32>,
        tpu.vector_store %arg7[%swap3A_536, %swap3A_537], %broadcast_in_dim3A_535 {strides = array<i32>} : memref<32x768xf32, #tpu.memory_space<vmem>>, vector<16xf32>,
        %broadcast_in_dim3A_539 = arith.constant 0.000000e+00 : f32
        %broadcast_in_dim3A_540 = vector.broadcast %broadcast_in_dim3A_539 : f32 to vector<16xf32>
        %swap3A_541 = arith.index_cast %scan3A_439 : i32 to index
        %swap3A_542 = arith.constant 320 : index
        %swap3A_543 = tpu.vector_load %arg7[%swap3A_541, %swap3A_542] {strides = array<i32>} : memref<32x768xf32, #tpu.memory_space<vmem>>, vector<16xf32>,
        tpu.vector_store %arg7[%swap3A_541, %swap3A_542], %broadcast_in_dim3A_540 {strides = array<i32>} : memref<32x768xf32, #tpu.memory_space<vmem>>, vector<16xf32>,
        %broadcast_in_dim3A_544 = arith.constant 0.000000e+00 : f32
        %broadcast_in_dim3A_545 = vector.broadcast %broadcast_in_dim3A_544 : f32 to vector<16xf32>
        %swap3A_546 = arith.index_cast %scan3A_439 : i32 to index
        %swap3A_547 = arith.constant 336 : index
        %swap3A_548 = tpu.vector_load %arg7[%swap3A_546, %swap3A_547] {strides = array<i32>} : memref<32x768xf32, #tpu.memory_space<vmem>>, vector<16xf32>,
        tpu.vector_store %arg7[%swap3A_546, %swap3A_547], %broadcast_in_dim3A_545 {strides = array<i32>} : memref<32x768xf32, #tpu.memory_space<vmem>>, vector<16xf32>,
        %broadcast_in_dim3A_549 = arith.constant 0.000000e+00 : f32
        %broadcast_in_dim3A_550 = vector.broadcast %broadcast_in_dim3A_549 : f32 to vector<16xf32>
        %swap3A_551 = arith.index_cast %scan3A_439 : i32 to index
        %swap3A_552 = arith.constant 352 : index
        %swap3A_553 = tpu.vector_load %arg7[%swap3A_551, %swap3A_552] {strides = array<i32>} : memref<32x768xf32, #tpu.memory_space<vmem>>, vector<16xf32>,
        tpu.vector_store %arg7[%swap3A_551, %swap3A_552], %broadcast_in_dim3A_550 {strides = array<i32>} : memref<32x768xf32, #tpu.memory_space<vmem>>, vector<16xf32>,
        %broadcast_in_dim3A_554 = arith.constant 0.000000e+00 : f32
        %broadcast_in_dim3A_555 = vector.broadcast %broadcast_in_dim3A_554 : f32 to vector<16xf32>
        %swap3A_556 = arith.index_cast %scan3A_439 : i32 to index
        %swap3A_557 = arith.constant 368 : index
        %swap3A_558 = tpu.vector_load %arg7[%swap3A_556, %swap3A_557] {strides = array<i32>} : memref<32x768xf32, #tpu.memory_space<vmem>>, vector<16xf32>,
        tpu.vector_store %arg7[%swap3A_556, %swap3A_557], %broadcast_in_dim3A_555 {strides = array<i32>} : memref<32x768xf32, #tpu.memory_space<vmem>>, vector<16xf32>,
        %broadcast_in_dim3A_559 = arith.constant 0.000000e+00 : f32
        %broadcast_in_dim3A_560 = vector.broadcast %broadcast_in_dim3A_559 : f32 to vector<16xf32>
        %swap3A_561 = arith.index_cast %scan3A_439 : i32 to index
        %swap3A_562 = arith.constant 384 : index
        %swap3A_563 = tpu.vector_load %arg7[%swap3A_561, %swap3A_562] {strides = array<i32>} : memref<32x768xf32, #tpu.memory_space<vmem>>, vector<16xf32>,
        tpu.vector_store %arg7[%swap3A_561, %swap3A_562], %broadcast_in_dim3A_560 {strides = array<i32>} : memref<32x768xf32, #tpu.memory_space<vmem>>, vector<16xf32>,
        %broadcast_in_dim3A_564 = arith.constant 0.000000e+00 : f32
        %broadcast_in_dim3A_565 = vector.broadcast %broadcast_in_dim3A_564 : f32 to vector<16xf32>
        %swap3A_566 = arith.index_cast %scan3A_439 : i32 to index
        %swap3A_567 = arith.constant 400 : index
        %swap3A_568 = tpu.vector_load %arg7[%swap3A_566, %swap3A_567] {strides = array<i32>} : memref<32x768xf32, #tpu.memory_space<vmem>>, vector<16xf32>,
        tpu.vector_store %arg7[%swap3A_566, %swap3A_567], %broadcast_in_dim3A_565 {strides = array<i32>} : memref<32x768xf32, #tpu.memory_space<vmem>>, vector<16xf32>,
        %broadcast_in_dim3A_569 = arith.constant 0.000000e+00 : f32
        %broadcast_in_dim3A_570 = vector.broadcast %broadcast_in_dim3A_569 : f32 to vector<16xf32>
        %swap3A_571 = arith.index_cast %scan3A_439 : i32 to index
        %swap3A_572 = arith.constant 416 : index
        %swap3A_573 = tpu.vector_load %arg7[%swap3A_571, %swap3A_572] {strides = array<i32>} : memref<32x768xf32, #tpu.memory_space<vmem>>, vector<16xf32>,
        tpu.vector_store %arg7[%swap3A_571, %swap3A_572], %broadcast_in_dim3A_570 {strides = array<i32>} : memref<32x768xf32, #tpu.memory_space<vmem>>, vector<16xf32>,
        %broadcast_in_dim3A_574 = arith.constant 0.000000e+00 : f32
        %broadcast_in_dim3A_575 = vector.broadcast %broadcast_in_dim3A_574 : f32 to vector<16xf32>
        %swap3A_576 = arith.index_cast %scan3A_439 : i32 to index
        %swap3A_577 = arith.constant 432 : index
        %swap3A_578 = tpu.vector_load %arg7[%swap3A_576, %swap3A_577] {strides = array<i32>} : memref<32x768xf32, #tpu.memory_space<vmem>>, vector<16xf32>,
        tpu.vector_store %arg7[%swap3A_576, %swap3A_577], %broadcast_in_dim3A_575 {strides = array<i32>} : memref<32x768xf32, #tpu.memory_space<vmem>>, vector<16xf32>,
        %broadcast_in_dim3A_579 = arith.constant 0.000000e+00 : f32
        %broadcast_in_dim3A_580 = vector.broadcast %broadcast_in_dim3A_579 : f32 to vector<16xf32>
        %swap3A_581 = arith.index_cast %scan3A_439 : i32 to index
        %swap3A_582 = arith.constant 448 : index
        %swap3A_583 = tpu.vector_load %arg7[%swap3A_581, %swap3A_582] {strides = array<i32>} : memref<32x768xf32, #tpu.memory_space<vmem>>, vector<16xf32>,
        tpu.vector_store %arg7[%swap3A_581, %swap3A_582], %broadcast_in_dim3A_580 {strides = array<i32>} : memref<32x768xf32, #tpu.memory_space<vmem>>, vector<16xf32>,
        %broadcast_in_dim3A_584 = arith.constant 0.000000e+00 : f32
        %broadcast_in_dim3A_585 = vector.broadcast %broadcast_in_dim3A_584 : f32 to vector<16xf32>
        %swap3A_586 = arith.index_cast %scan3A_439 : i32 to index
        %swap3A_587 = arith.constant 464 : index
        %swap3A_588 = tpu.vector_load %arg7[%swap3A_586, %swap3A_587] {strides = array<i32>} : memref<32x768xf32, #tpu.memory_space<vmem>>, vector<16xf32>,
        tpu.vector_store %arg7[%swap3A_586, %swap3A_587], %broadcast_in_dim3A_585 {strides = array<i32>} : memref<32x768xf32, #tpu.memory_space<vmem>>, vector<16xf32>,
        %broadcast_in_dim3A_589 = arith.constant 0.000000e+00 : f32
        %broadcast_in_dim3A_590 = vector.broadcast %broadcast_in_dim3A_589 : f32 to vector<16xf32>
        %swap3A_591 = arith.index_cast %scan3A_439 : i32 to index
        %swap3A_592 = arith.constant 480 : index
        %swap3A_593 = tpu.vector_load %arg7[%swap3A_591, %swap3A_592] {strides = array<i32>} : memref<32x768xf32, #tpu.memory_space<vmem>>, vector<16xf32>,
        tpu.vector_store %arg7[%swap3A_591, %swap3A_592], %broadcast_in_dim3A_590 {strides = array<i32>} : memref<32x768xf32, #tpu.memory_space<vmem>>, vector<16xf32>,
        %broadcast_in_dim3A_594 = arith.constant 0.000000e+00 : f32
        %broadcast_in_dim3A_595 = vector.broadcast %broadcast_in_dim3A_594 : f32 to vector<16xf32>
        %swap3A_596 = arith.index_cast %scan3A_439 : i32 to index
        %swap3A_597 = arith.constant 496 : index
        %swap3A_598 = tpu.vector_load %arg7[%swap3A_596, %swap3A_597] {strides = array<i32>} : memref<32x768xf32, #tpu.memory_space<vmem>>, vector<16xf32>,
        tpu.vector_store %arg7[%swap3A_596, %swap3A_597], %broadcast_in_dim3A_595 {strides = array<i32>} : memref<32x768xf32, #tpu.memory_space<vmem>>, vector<16xf32>,
        %broadcast_in_dim3A_599 = arith.constant 0.000000e+00 : f32
        %broadcast_in_dim3A_600 = vector.broadcast %broadcast_in_dim3A_599 : f32 to vector<16xf32>
        %swap3A_601 = arith.index_cast %scan3A_439 : i32 to index
        %swap3A_602 = arith.constant 512 : index
        %swap3A_603 = tpu.vector_load %arg7[%swap3A_601, %swap3A_602] {strides = array<i32>} : memref<32x768xf32, #tpu.memory_space<vmem>>, vector<16xf32>,
        tpu.vector_store %arg7[%swap3A_601, %swap3A_602], %broadcast_in_dim3A_600 {strides = array<i32>} : memref<32x768xf32, #tpu.memory_space<vmem>>, vector<16xf32>,
        %broadcast_in_dim3A_604 = arith.constant 0.000000e+00 : f32
        %broadcast_in_dim3A_605 = vector.broadcast %broadcast_in_dim3A_604 : f32 to vector<16xf32>
        %swap3A_606 = arith.index_cast %scan3A_439 : i32 to index
        %swap3A_607 = arith.constant 528 : index
        %swap3A_608 = tpu.vector_load %arg7[%swap3A_606, %swap3A_607] {strides = array<i32>} : memref<32x768xf32, #tpu.memory_space<vmem>>, vector<16xf32>,
        tpu.vector_store %arg7[%swap3A_606, %swap3A_607], %broadcast_in_dim3A_605 {strides = array<i32>} : memref<32x768xf32, #tpu.memory_space<vmem>>, vector<16xf32>,
        %broadcast_in_dim3A_609 = arith.constant 0.000000e+00 : f32
        %broadcast_in_dim3A_610 = vector.broadcast %broadcast_in_dim3A_609 : f32 to vector<16xf32>
        %swap3A_611 = arith.index_cast %scan3A_439 : i32 to index
        %swap3A_612 = arith.constant 544 : index
        %swap3A_613 = tpu.vector_load %arg7[%swap3A_611, %swap3A_612] {strides = array<i32>} : memref<32x768xf32, #tpu.memory_space<vmem>>, vector<16xf32>,
        tpu.vector_store %arg7[%swap3A_611, %swap3A_612], %broadcast_in_dim3A_610 {strides = array<i32>} : memref<32x768xf32, #tpu.memory_space<vmem>>, vector<16xf32>,
        %broadcast_in_dim3A_614 = arith.constant 0.000000e+00 : f32
        %broadcast_in_dim3A_615 = vector.broadcast %broadcast_in_dim3A_614 : f32 to vector<16xf32>
        %swap3A_616 = arith.index_cast %scan3A_439 : i32 to index
        %swap3A_617 = arith.constant 560 : index
        %swap3A_618 = tpu.vector_load %arg7[%swap3A_616, %swap3A_617] {strides = array<i32>} : memref<32x768xf32, #tpu.memory_space<vmem>>, vector<16xf32>,
        tpu.vector_store %arg7[%swap3A_616, %swap3A_617], %broadcast_in_dim3A_615 {strides = array<i32>} : memref<32x768xf32, #tpu.memory_space<vmem>>, vector<16xf32>,
        %broadcast_in_dim3A_619 = arith.constant 0.000000e+00 : f32
        %broadcast_in_dim3A_620 = vector.broadcast %broadcast_in_dim3A_619 : f32 to vector<16xf32>
        %swap3A_621 = arith.index_cast %scan3A_439 : i32 to index
        %swap3A_622 = arith.constant 576 : index
        %swap3A_623 = tpu.vector_load %arg7[%swap3A_621, %swap3A_622] {strides = array<i32>} : memref<32x768xf32, #tpu.memory_space<vmem>>, vector<16xf32>,
        tpu.vector_store %arg7[%swap3A_621, %swap3A_622], %broadcast_in_dim3A_620 {strides = array<i32>} : memref<32x768xf32, #tpu.memory_space<vmem>>, vector<16xf32>,
        %broadcast_in_dim3A_624 = arith.constant 0.000000e+00 : f32
        %broadcast_in_dim3A_625 = vector.broadcast %broadcast_in_dim3A_624 : f32 to vector<16xf32>
        %swap3A_626 = arith.index_cast %scan3A_439 : i32 to index
        %swap3A_627 = arith.constant 592 : index
        %swap3A_628 = tpu.vector_load %arg7[%swap3A_626, %swap3A_627] {strides = array<i32>} : memref<32x768xf32, #tpu.memory_space<vmem>>, vector<16xf32>,
        tpu.vector_store %arg7[%swap3A_626, %swap3A_627], %broadcast_in_dim3A_625 {strides = array<i32>} : memref<32x768xf32, #tpu.memory_space<vmem>>, vector<16xf32>,
        %broadcast_in_dim3A_629 = arith.constant 0.000000e+00 : f32
        %broadcast_in_dim3A_630 = vector.broadcast %broadcast_in_dim3A_629 : f32 to vector<16xf32>
        %swap3A_631 = arith.index_cast %scan3A_439 : i32 to index
        %swap3A_632 = arith.constant 608 : index
        %swap3A_633 = tpu.vector_load %arg7[%swap3A_631, %swap3A_632] {strides = array<i32>} : memref<32x768xf32, #tpu.memory_space<vmem>>, vector<16xf32>,
        tpu.vector_store %arg7[%swap3A_631, %swap3A_632], %broadcast_in_dim3A_630 {strides = array<i32>} : memref<32x768xf32, #tpu.memory_space<vmem>>, vector<16xf32>,
        %broadcast_in_dim3A_634 = arith.constant 0.000000e+00 : f32
        %broadcast_in_dim3A_635 = vector.broadcast %broadcast_in_dim3A_634 : f32 to vector<16xf32>
        %swap3A_636 = arith.index_cast %scan3A_439 : i32 to index
        %swap3A_637 = arith.constant 624 : index
        %swap3A_638 = tpu.vector_load %arg7[%swap3A_636, %swap3A_637] {strides = array<i32>} : memref<32x768xf32, #tpu.memory_space<vmem>>, vector<16xf32>,
        tpu.vector_store %arg7[%swap3A_636, %swap3A_637], %broadcast_in_dim3A_635 {strides = array<i32>} : memref<32x768xf32, #tpu.memory_space<vmem>>, vector<16xf32>,
        %broadcast_in_dim3A_639 = arith.constant 0.000000e+00 : f32
        %broadcast_in_dim3A_640 = vector.broadcast %broadcast_in_dim3A_639 : f32 to vector<16xf32>
        %swap3A_641 = arith.index_cast %scan3A_439 : i32 to index
        %swap3A_642 = arith.constant 640 : index
        %swap3A_643 = tpu.vector_load %arg7[%swap3A_641, %swap3A_642] {strides = array<i32>} : memref<32x768xf32, #tpu.memory_space<vmem>>, vector<16xf32>,
        tpu.vector_store %arg7[%swap3A_641, %swap3A_642], %broadcast_in_dim3A_640 {strides = array<i32>} : memref<32x768xf32, #tpu.memory_space<vmem>>, vector<16xf32>,
        %broadcast_in_dim3A_644 = arith.constant 0.000000e+00 : f32
        %broadcast_in_dim3A_645 = vector.broadcast %broadcast_in_dim3A_644 : f32 to vector<16xf32>
        %swap3A_646 = arith.index_cast %scan3A_439 : i32 to index
        %swap3A_647 = arith.constant 656 : index
        %swap3A_648 = tpu.vector_load %arg7[%swap3A_646, %swap3A_647] {strides = array<i32>} : memref<32x768xf32, #tpu.memory_space<vmem>>, vector<16xf32>,
        tpu.vector_store %arg7[%swap3A_646, %swap3A_647], %broadcast_in_dim3A_645 {strides = array<i32>} : memref<32x768xf32, #tpu.memory_space<vmem>>, vector<16xf32>,
        %broadcast_in_dim3A_649 = arith.constant 0.000000e+00 : f32
        %broadcast_in_dim3A_650 = vector.broadcast %broadcast_in_dim3A_649 : f32 to vector<16xf32>
        %swap3A_651 = arith.index_cast %scan3A_439 : i32 to index
        %swap3A_652 = arith.constant 672 : index
        %swap3A_653 = tpu.vector_load %arg7[%swap3A_651, %swap3A_652] {strides = array<i32>} : memref<32x768xf32, #tpu.memory_space<vmem>>, vector<16xf32>,
        tpu.vector_store %arg7[%swap3A_651, %swap3A_652], %broadcast_in_dim3A_650 {strides = array<i32>} : memref<32x768xf32, #tpu.memory_space<vmem>>, vector<16xf32>,
        %broadcast_in_dim3A_654 = arith.constant 0.000000e+00 : f32
        %broadcast_in_dim3A_655 = vector.broadcast %broadcast_in_dim3A_654 : f32 to vector<16xf32>
        %swap3A_656 = arith.index_cast %scan3A_439 : i32 to index
        %swap3A_657 = arith.constant 688 : index
        %swap3A_658 = tpu.vector_load %arg7[%swap3A_656, %swap3A_657] {strides = array<i32>} : memref<32x768xf32, #tpu.memory_space<vmem>>, vector<16xf32>,
        tpu.vector_store %arg7[%swap3A_656, %swap3A_657], %broadcast_in_dim3A_655 {strides = array<i32>} : memref<32x768xf32, #tpu.memory_space<vmem>>, vector<16xf32>,
        %broadcast_in_dim3A_659 = arith.constant 0.000000e+00 : f32
        %broadcast_in_dim3A_660 = vector.broadcast %broadcast_in_dim3A_659 : f32 to vector<16xf32>
        %swap3A_661 = arith.index_cast %scan3A_439 : i32 to index
        %swap3A_662 = arith.constant 704 : index
        %swap3A_663 = tpu.vector_load %arg7[%swap3A_661, %swap3A_662] {strides = array<i32>} : memref<32x768xf32, #tpu.memory_space<vmem>>, vector<16xf32>,
        tpu.vector_store %arg7[%swap3A_661, %swap3A_662], %broadcast_in_dim3A_660 {strides = array<i32>} : memref<32x768xf32, #tpu.memory_space<vmem>>, vector<16xf32>,
        %broadcast_in_dim3A_664 = arith.constant 0.000000e+00 : f32
        %broadcast_in_dim3A_665 = vector.broadcast %broadcast_in_dim3A_664 : f32 to vector<16xf32>
        %swap3A_666 = arith.index_cast %scan3A_439 : i32 to index
        %swap3A_667 = arith.constant 720 : index
        %swap3A_668 = tpu.vector_load %arg7[%swap3A_666, %swap3A_667] {strides = array<i32>} : memref<32x768xf32, #tpu.memory_space<vmem>>, vector<16xf32>,
        tpu.vector_store %arg7[%swap3A_666, %swap3A_667], %broadcast_in_dim3A_665 {strides = array<i32>} : memref<32x768xf32, #tpu.memory_space<vmem>>, vector<16xf32>,
        %broadcast_in_dim3A_669 = arith.constant 0.000000e+00 : f32
        %broadcast_in_dim3A_670 = vector.broadcast %broadcast_in_dim3A_669 : f32 to vector<16xf32>
        %swap3A_671 = arith.index_cast %scan3A_439 : i32 to index
        %swap3A_672 = arith.constant 736 : index
        %swap3A_673 = tpu.vector_load %arg7[%swap3A_671, %swap3A_672] {strides = array<i32>} : memref<32x768xf32, #tpu.memory_space<vmem>>, vector<16xf32>,
        tpu.vector_store %arg7[%swap3A_671, %swap3A_672], %broadcast_in_dim3A_670 {strides = array<i32>} : memref<32x768xf32, #tpu.memory_space<vmem>>, vector<16xf32>,
        %broadcast_in_dim3A_674 = arith.constant 0.000000e+00 : f32
        %broadcast_in_dim3A_675 = vector.broadcast %broadcast_in_dim3A_674 : f32 to vector<16xf32>
        %swap3A_676 = arith.index_cast %scan3A_439 : i32 to index
        %swap3A_677 = arith.constant 752 : index
        %swap3A_678 = tpu.vector_load %arg7[%swap3A_676, %swap3A_677] {strides = array<i32>} : memref<32x768xf32, #tpu.memory_space<vmem>>, vector<16xf32>,
        tpu.vector_store %arg7[%swap3A_676, %swap3A_677], %broadcast_in_dim3A_675 {strides = array<i32>} : memref<32x768xf32, #tpu.memory_space<vmem>>, vector<16xf32>,
      }
      %scan3A_438 = arith.constant 32 : i32
      "tpu.region"() ({
        %run_scoped3A = tpu.sem_alloc : memref<!tpu.dma_semaphore, #tpu.memory_space<semaphore_mem>>
        tpu.enqueue_dma source(%arg7 : memref<32x768xf32, #tpu.memory_space<vmem>>) target(%arg11 : memref<32x768xf32, #tpu.memory_space<vmem_shared>>) target_semaphore(%run_scoped3A : memref<!tpu.dma_semaphore, #tpu.memory_space<semaphore_mem>>)
        tpu.wait_dma2 semaphore(%run_scoped3A : memref<!tpu.dma_semaphore, #tpu.memory_space<semaphore_mem>>) src(%arg7 : memref<32x768xf32, #tpu.memory_space<vmem>>) dst(%arg11 : memref<32x768xf32, #tpu.memory_space<vmem_shared>>)
        tpu.yield
      }) : () -> ()
    } else {
    }
    %broadcast_in_dim3A = arith.constant 0 : i32
    %broadcast_in_dim3A_13 = vector.broadcast %broadcast_in_dim3A : i32 to vector<16xi32>
    %scan3A = arith.constant 0 : i32
    %scan3A_14 = arith.constant 64 : i32
    %scan3A_15 = arith.addi %scan3A, %scan3A_14 : i32
    %scan3A_16 = arith.constant 1 : i32
    %scan3A_17 = scf.for %scan3A_433 = %scan3A to %scan3A_15 step %scan3A_16 iter_args(%scan3A_434 = %broadcast_in_dim3A_13) -> (vector<16xi32>)  : i32 {
      %mul3A_435 = arith.constant 2 : i32
      %mul3A_436 = arith.muli %mul3A_435, %scan3A_433 : i32
      %mul3A_437 = arith.constant 16 : i32
      %mul3A_438 = arith.muli %mul3A_436, %mul3A_437 : i32
      %get3A = arith.index_cast %mul3A_438 : i32 to index
      %get3A_439 = tpu.vector_load %arg5[%get3A] {strides = array<i32>} : memref<2048xi32, #tpu.memory_space<vmem>>, vector<16xi32>,
      %eq3A_440 = arith.constant 1 : i32
      %eq3A_441 = vector.broadcast %eq3A_440 : i32 to vector<16xi32>
      %eq3A_442 = arith.cmpi eq, %get3A_439, %eq3A_441 : vector<16xi32>
      %mul3A_443 = arith.constant 2 : i32
      %mul3A_444 = arith.muli %mul3A_443, %scan3A_433 : i32
      %add3A_445 = arith.constant 1 : i32
      %add3A_446 = arith.addi %mul3A_444, %add3A_445 : i32
      %mul3A_447 = arith.constant 16 : i32
      %mul3A_448 = arith.muli %add3A_446, %mul3A_447 : i32
      %get3A_449 = arith.index_cast %mul3A_448 : i32 to index
      %get3A_450 = tpu.vector_load %arg5[%get3A_449] {strides = array<i32>} : memref<2048xi32, #tpu.memory_space<vmem>>, vector<16xi32>,
      %eq3A_451 = arith.constant 1 : i32
      %eq3A_452 = vector.broadcast %eq3A_451 : i32 to vector<16xi32>
      %eq3A_453 = arith.cmpi eq, %get3A_450, %eq3A_452 : vector<16xi32>
      %all_reduce_population_count3A = tpu.all_reduce %eq3A_442 {dim = 0 : i64, kind = #tpu.reduction_kind<sum>} : vector<16xi1> -> vector<16xi32>
      %add3A_454 = arith.addi %scan3A_434, %all_reduce_population_count3A : vector<16xi32>
      %all_reduce_population_count3A_455 = tpu.all_reduce %eq3A_453 {dim = 0 : i64, kind = #tpu.reduction_kind<sum>} : vector<16xi1> -> vector<16xi32>
      %add3A_456 = arith.addi %add3A_454, %all_reduce_population_count3A_455 : vector<16xi32>
      scf.yield %add3A_456 : vector<16xi32>
    }
    %scan3A_18 = arith.constant 64 : i32
    %slice3A = vector.extract_strided_slice %scan3A_17 {offsets = [0], sizes = [1], strides = [1]} : vector<16xi32> to vector<1xi32>
    %squeeze3A = vector.extract %slice3A[0] : i32 from vector<1xi32>
    %jit3A_19 = arith.constant 32 : i32
    %div3A = arith.divsi %squeeze3A, %jit3A_19 : i32
    %sign3A = arith.constant 0 : i32
    %sign3A_20 = arith.cmpi sgt, %squeeze3A, %sign3A : i32
    %sign3A_21 = arith.extui %sign3A_20 : i1 to i32
    %sign3A_22 = arith.constant 0 : i32
    %sign3A_23 = arith.cmpi slt, %squeeze3A, %sign3A_22 : i32
    %sign3A_24 = arith.extui %sign3A_23 : i1 to i32
    %sign3A_25 = arith.subi %sign3A_21, %sign3A_24 : i32
    %sign3A_26 = arith.constant 0 : i32
    %sign3A_27 = arith.cmpi sgt, %jit3A_19, %sign3A_26 : i32
    %sign3A_28 = arith.extui %sign3A_27 : i1 to i32
    %sign3A_29 = arith.constant 0 : i32
    %sign3A_30 = arith.cmpi slt, %jit3A_19, %sign3A_29 : i32
    %sign3A_31 = arith.extui %sign3A_30 : i1 to i32
    %sign3A_32 = arith.subi %sign3A_28, %sign3A_31 : i32
    %ne3A_33 = arith.cmpi ne, %sign3A_25, %sign3A_32 : i32
    %rem3A_34 = arith.remsi %squeeze3A, %jit3A_19 : i32
    %ne3A_35 = arith.constant 0 : i32
    %ne3A_36 = arith.cmpi ne, %rem3A_34, %ne3A_35 : i32
    %and3A_37 = arith.andi %ne3A_33, %ne3A_36 : i1
    %sub3A = arith.constant 1 : i32
    %sub3A_38 = arith.subi %div3A, %sub3A : i32
    %select_n3A_39 = arith.select %and3A_37, %sub3A_38, %div3A : i32
    %mul3A_40 = arith.constant 32 : i32
    %mul3A_41 = arith.muli %select_n3A_39, %mul3A_40 : i32
    %sub3A_42 = arith.subi %squeeze3A, %mul3A_41 : i32
    %add3A_43 = arith.constant 32 : i32
    %add3A_44 = arith.addi %squeeze3A, %add3A_43 : i32
    %sub3A_45 = arith.constant 1 : i32
    %sub3A_46 = arith.subi %add3A_44, %sub3A_45 : i32
    %jit3A_47 = arith.constant 32 : i32
    %div3A_48 = arith.divsi %sub3A_46, %jit3A_47 : i32
    %sign3A_49 = arith.constant 0 : i32
    %sign3A_50 = arith.cmpi sgt, %sub3A_46, %sign3A_49 : i32
    %sign3A_51 = arith.extui %sign3A_50 : i1 to i32
    %sign3A_52 = arith.constant 0 : i32
    %sign3A_53 = arith.cmpi slt, %sub3A_46, %sign3A_52 : i32
    %sign3A_54 = arith.extui %sign3A_53 : i1 to i32
    %sign3A_55 = arith.subi %sign3A_51, %sign3A_54 : i32
    %sign3A_56 = arith.constant 0 : i32
    %sign3A_57 = arith.cmpi sgt, %jit3A_47, %sign3A_56 : i32
    %sign3A_58 = arith.extui %sign3A_57 : i1 to i32
    %sign3A_59 = arith.constant 0 : i32
    %sign3A_60 = arith.cmpi slt, %jit3A_47, %sign3A_59 : i32
    %sign3A_61 = arith.extui %sign3A_60 : i1 to i32
    %sign3A_62 = arith.subi %sign3A_58, %sign3A_61 : i32
    %ne3A_63 = arith.cmpi ne, %sign3A_55, %sign3A_62 : i32
    %rem3A_64 = arith.remsi %sub3A_46, %jit3A_47 : i32
    %ne3A_65 = arith.constant 0 : i32
    %ne3A_66 = arith.cmpi ne, %rem3A_64, %ne3A_65 : i32
    %and3A_67 = arith.andi %ne3A_63, %ne3A_66 : i1
    %sub3A_68 = arith.constant 1 : i32
    %sub3A_69 = arith.subi %div3A_48, %sub3A_68 : i32
    %select_n3A_70 = arith.select %and3A_67, %sub3A_69, %div3A_48 : i32
    %sub3A_71 = arith.subi %select_n3A_70, %select_n3A_8 : i32
    %add3A_72 = arith.constant 1 : i32
    %add3A_73 = arith.addi %sub3A_71, %add3A_72 : i32
    %jit3A_74 = arith.constant 2 : i32
    %div3A_75 = arith.divsi %add3A_73, %jit3A_74 : i32
    %sign3A_76 = arith.constant 0 : i32
    %sign3A_77 = arith.cmpi sgt, %add3A_73, %sign3A_76 : i32
    %sign3A_78 = arith.extui %sign3A_77 : i1 to i32
    %sign3A_79 = arith.constant 0 : i32
    %sign3A_80 = arith.cmpi slt, %add3A_73, %sign3A_79 : i32
    %sign3A_81 = arith.extui %sign3A_80 : i1 to i32
    %sign3A_82 = arith.subi %sign3A_78, %sign3A_81 : i32
    %sign3A_83 = arith.constant 0 : i32
    %sign3A_84 = arith.cmpi sgt, %jit3A_74, %sign3A_83 : i32
    %sign3A_85 = arith.extui %sign3A_84 : i1 to i32
    %sign3A_86 = arith.constant 0 : i32
    %sign3A_87 = arith.cmpi slt, %jit3A_74, %sign3A_86 : i32
    %sign3A_88 = arith.extui %sign3A_87 : i1 to i32
    %sign3A_89 = arith.subi %sign3A_85, %sign3A_88 : i32
    %ne3A_90 = arith.cmpi ne, %sign3A_82, %sign3A_89 : i32
    %rem3A_91 = arith.remsi %add3A_73, %jit3A_74 : i32
    %ne3A_92 = arith.constant 0 : i32
    %ne3A_93 = arith.cmpi ne, %rem3A_91, %ne3A_92 : i32
    %and3A_94 = arith.andi %ne3A_90, %ne3A_93 : i1
    %sub3A_95 = arith.constant 1 : i32
    %sub3A_96 = arith.subi %div3A_75, %sub3A_95 : i32
    %select_n3A_97 = arith.select %and3A_94, %sub3A_96, %div3A_75 : i32
    %max3A = arith.constant 0 : i32
    %max3A_98 = arith.maxsi %max3A, %select_n3A_97 : i32
    %barrier3A = arith.constant 0 : index
    tpu.barrier barrier_id(%barrier3A)
    %while3A = arith.constant 0 : i32
    %while3A_99 = arith.constant 32 : i32
    %while3A_100 = arith.subi %while3A_99, %max3A_98 : i32
    %while3A_101 = arith.addi %max3A_98, %while3A_100 : i32
    %while3A_102 = arith.constant 1 : i32
    %while3A_103 = arith.divsi %while3A_100, %while3A_102 : i32
    %while3A_104 = arith.muli %while3A_103, %while3A_102 : i32
    %while3A_105 = arith.addi %max3A_98, %while3A_104 : i32
    %while3A_106 = arith.constant 1 : i32
    scf.for %while3A_433 = %max3A_98 to %while3A_105 step %while3A_106  : i32 {
      %mul3A_434 = arith.constant 2 : i32
      %mul3A_435 = arith.muli %mul3A_434, %while3A_433 : i32
      %add3A_436 = arith.addi %select_n3A_8, %mul3A_435 : i32
      %mul3A_437 = arith.constant 32 : i32
      %mul3A_438 = arith.muli %add3A_436, %mul3A_437 : i32
      %add3A_439 = arith.addi %mul3A_9, %mul3A_438 : i32
      %dma_start3A = arith.constant 0 : i32
      %dma_start3A_440 = tpu.memref_slice %arg4[%add3A_439, %dma_start3A] : memref<32768x768xf32, #tpu.memory_space<hbm>> -> memref<32x768xf32, #tpu.memory_space<hbm>>
      tpu.enqueue_dma source(%arg11 : memref<32x768xf32, #tpu.memory_space<vmem_shared>>) target(%dma_start3A_440 : memref<32x768xf32, #tpu.memory_space<hbm>>) target_semaphore(%arg20 : memref<!tpu.dma_semaphore, #tpu.memory_space<semaphore_mem>>)
    }
    %while3A_107 = arith.constant 1 : i32
    scf.for %while3A_433 = %while3A_105 to %while3A_101 step %while3A_107  : i32 {
      %mul3A_434 = arith.constant 2 : i32
      %mul3A_435 = arith.muli %mul3A_434, %while3A_433 : i32
      %add3A_436 = arith.addi %select_n3A_8, %mul3A_435 : i32
      %mul3A_437 = arith.constant 32 : i32
      %mul3A_438 = arith.muli %add3A_436, %mul3A_437 : i32
      %add3A_439 = arith.addi %mul3A_9, %mul3A_438 : i32
      %dma_start3A = arith.constant 0 : i32
      %dma_start3A_440 = tpu.memref_slice %arg4[%add3A_439, %dma_start3A] : memref<32768x768xf32, #tpu.memory_space<hbm>> -> memref<32x768xf32, #tpu.memory_space<hbm>>
      tpu.enqueue_dma source(%arg11 : memref<32x768xf32, #tpu.memory_space<vmem_shared>>) target(%dma_start3A_440 : memref<32x768xf32, #tpu.memory_space<hbm>>) target_semaphore(%arg20 : memref<!tpu.dma_semaphore, #tpu.memory_space<semaphore_mem>>)
    }
    %scan3A_108 = arith.constant 0 : i32
    %scan3A_109 = arith.constant 0 : i32
    %scan3A_110 = arith.constant 128 : i32
    %scan3A_111 = arith.addi %scan3A_109, %scan3A_110 : i32
    %scan3A_112 = arith.constant 1 : i32
    scf.for %scan3A_433 = %scan3A_109 to %scan3A_111 step %scan3A_112  : i32 {
      %broadcast_in_dim3A_434 = vector.broadcast %mul3A_9 : i32 to vector<16xi32>
      %mul3A_435 = arith.constant 16 : i32
      %mul3A_436 = arith.muli %scan3A_433, %mul3A_435 : i32
      %swap3A = arith.index_cast %mul3A_436 : i32 to index
      %swap3A_437 = tpu.vector_load %arg6[%swap3A] {strides = array<i32>} : memref<2048xi32, #tpu.memory_space<vmem>>, vector<16xi32>,
      tpu.vector_store %arg6[%swap3A], %broadcast_in_dim3A_434 {strides = array<i32>} : memref<2048xi32, #tpu.memory_space<vmem>>, vector<16xi32>,
    }
    %scan3A_113 = arith.constant 128 : i32
    %iota3A = tpu.iota {dimensions = array<i32: 0>} : vector<16xi32>
    %broadcast_in_dim3A_114 = arith.constant 0 : i32
    %broadcast_in_dim3A_115 = vector.broadcast %broadcast_in_dim3A_114 : i32 to vector<16xi32>
    %scan3A_116 = arith.constant 0 : i32
    %scan3A_117 = arith.constant 64 : i32
    %scan3A_118 = arith.addi %scan3A_116, %scan3A_117 : i32
    %scan3A_119 = arith.constant 1 : i32
    %scan3A_120 = scf.for %scan3A_433 = %scan3A_116 to %scan3A_118 step %scan3A_119 iter_args(%scan3A_434 = %broadcast_in_dim3A_115) -> (vector<16xi32>)  : i32 {
      %mul3A_435 = arith.constant 2 : i32
      %mul3A_436 = arith.muli %mul3A_435, %scan3A_433 : i32
      %mul3A_437 = arith.constant 16 : i32
      %mul3A_438 = arith.muli %mul3A_436, %mul3A_437 : i32
      %get3A = arith.index_cast %mul3A_438 : i32 to index
      %get3A_439 = tpu.vector_load %arg5[%get3A] {strides = array<i32>} : memref<2048xi32, #tpu.memory_space<vmem>>, vector<16xi32>,
      %eq3A_440 = arith.constant 1 : i32
      %eq3A_441 = vector.broadcast %eq3A_440 : i32 to vector<16xi32>
      %eq3A_442 = arith.cmpi eq, %get3A_439, %eq3A_441 : vector<16xi32>
      %broadcast_in_dim3A_443 = arith.constant true
      %broadcast_in_dim3A_444 = vector.broadcast %broadcast_in_dim3A_443 : i1 to vector<16xi1>
      %masked_cumsum3A = tpu.scan <sum>, %get3A_439 masked %broadcast_in_dim3A_444 : vector<16xi32>, vector<16xi1> -> vector<16xi32>
      %mul3A_445 = arith.constant 2 : i32
      %mul3A_446 = arith.muli %mul3A_445, %scan3A_433 : i32
      %add3A_447 = arith.constant 1 : i32
      %add3A_448 = arith.addi %mul3A_446, %add3A_447 : i32
      %mul3A_449 = arith.constant 16 : i32
      %mul3A_450 = arith.muli %add3A_448, %mul3A_449 : i32
      %get3A_451 = arith.index_cast %mul3A_450 : i32 to index
      %get3A_452 = tpu.vector_load %arg5[%get3A_451] {strides = array<i32>} : memref<2048xi32, #tpu.memory_space<vmem>>, vector<16xi32>,
      %eq3A_453 = arith.constant 1 : i32
      %eq3A_454 = vector.broadcast %eq3A_453 : i32 to vector<16xi32>
      %eq3A_455 = arith.cmpi eq, %get3A_452, %eq3A_454 : vector<16xi32>
      %broadcast_in_dim3A_456 = arith.constant true
      %broadcast_in_dim3A_457 = vector.broadcast %broadcast_in_dim3A_456 : i1 to vector<16xi1>
      %masked_cumsum3A_458 = tpu.scan <sum>, %get3A_452 masked %broadcast_in_dim3A_457 : vector<16xi32>, vector<16xi1> -> vector<16xi32>
      %sub3A_459 = arith.subi %masked_cumsum3A, %get3A_439 : vector<16xi32>
      %add3A_460 = arith.addi %sub3A_459, %scan3A_434 : vector<16xi32>
      %mul3A_461 = arith.constant 2 : i32
      %mul3A_462 = arith.muli %mul3A_461, %scan3A_433 : i32
      %mul3A_463 = arith.constant 16 : i32
      %mul3A_464 = arith.muli %mul3A_462, %mul3A_463 : i32
      %add3A_465 = arith.addi %mul3A_9, %mul3A_464 : i32
      %add3A_466 = vector.broadcast %add3A_465 : i32 to vector<16xi32>
      %add3A_467 = arith.addi %add3A_466, %iota3A : vector<16xi32>
      tpu.vector_store_idx %arg6[%add3A_460], %add3A_467 masked %eq3A_442 : memref<2048xi32, #tpu.memory_space<vmem>>[vector<16xi32>], vector<16xi32>, vector<16xi1>
      %all_reduce_population_count3A = tpu.all_reduce %eq3A_442 {dim = 0 : i64, kind = #tpu.reduction_kind<sum>} : vector<16xi1> -> vector<16xi32>
      %add3A_468 = arith.addi %scan3A_434, %all_reduce_population_count3A : vector<16xi32>
      %sub3A_469 = arith.subi %masked_cumsum3A_458, %get3A_452 : vector<16xi32>
      %add3A_470 = arith.addi %sub3A_469, %add3A_468 : vector<16xi32>
      %mul3A_471 = arith.constant 2 : i32
      %mul3A_472 = arith.muli %mul3A_471, %scan3A_433 : i32
      %add3A_473 = arith.constant 1 : i32
      %add3A_474 = arith.addi %mul3A_472, %add3A_473 : i32
      %mul3A_475 = arith.constant 16 : i32
      %mul3A_476 = arith.muli %add3A_474, %mul3A_475 : i32
      %add3A_477 = arith.addi %mul3A_9, %mul3A_476 : i32
      %add3A_478 = vector.broadcast %add3A_477 : i32 to vector<16xi32>
      %add3A_479 = arith.addi %add3A_478, %iota3A : vector<16xi32>
      tpu.vector_store_idx %arg6[%add3A_470], %add3A_479 masked %eq3A_455 : memref<2048xi32, #tpu.memory_space<vmem>>[vector<16xi32>], vector<16xi32>, vector<16xi1>
      %all_reduce_population_count3A_480 = tpu.all_reduce %eq3A_455 {dim = 0 : i64, kind = #tpu.reduction_kind<sum>} : vector<16xi1> -> vector<16xi32>
      %add3A_481 = arith.addi %add3A_468, %all_reduce_population_count3A_480 : vector<16xi32>
      scf.yield %add3A_481 : vector<16xi32>
    }
    %scan3A_121 = arith.constant 64 : i32
    %gt3A = arith.constant 0 : i32
    %gt3A_122 = arith.cmpi sgt, %max3A_98, %gt3A : i32
    %convert_element_type3A_123 = arith.extui %gt3A_122 : i1 to i32
    %cond3A_124 = arith.constant 0 : i32
    %cond3A_125 = arith.cmpi ne, %convert_element_type3A_123, %cond3A_124 : i32
    scf.if %cond3A_125 {
      %add3A_433 = arith.constant 0 : i32
      %add3A_434 = arith.addi %select_n3A_8, %add3A_433 : i32
      %mul3A_435 = arith.constant 32 : i32
      %mul3A_436 = arith.muli %add3A_434, %mul3A_435 : i32
      %dma_start3A = tpu.memref_slice %arg6[%mul3A_436] : memref<2048xi32, #tpu.memory_space<vmem>> -> memref<32xi32, #tpu.memory_space<vmem>>
      %dma_start3A_437 = arith.constant 0 : i32
      %dma_start3A_438 = arith.constant 0 : i32
      %dma_start3A_439 = tpu.memref_slice %arg2[%dma_start3A_437, %dma_start3A_438] : memref<32768x768xf32, #tpu.memory_space<hbm>> -> memref<32768x768xf32, #tpu.memory_space<hbm>>
      tpu.enqueue_indirect_dma source(%dma_start3A_439 : memref<32768x768xf32, #tpu.memory_space<hbm>>) target(%arg7 : memref<32x768xf32, #tpu.memory_space<vmem>>) offsets(%dma_start3A : memref<32xi32, #tpu.memory_space<vmem>>) semaphore(%arg12 : memref<!tpu.dma_semaphore, #tpu.memory_space<semaphore_mem>>)
    } else {
    }
    %gt3A_126 = arith.constant 1 : i32
    %gt3A_127 = arith.cmpi sgt, %max3A_98, %gt3A_126 : i32
    %convert_element_type3A_128 = arith.extui %gt3A_127 : i1 to i32
    %cond3A_129 = arith.constant 0 : i32
    %cond3A_130 = arith.cmpi ne, %convert_element_type3A_128, %cond3A_129 : i32
    scf.if %cond3A_130 {
      %add3A_433 = arith.constant 2 : i32
      %add3A_434 = arith.addi %select_n3A_8, %add3A_433 : i32
      %mul3A_435 = arith.constant 32 : i32
      %mul3A_436 = arith.muli %add3A_434, %mul3A_435 : i32
      %dma_start3A = tpu.memref_slice %arg6[%mul3A_436] : memref<2048xi32, #tpu.memory_space<vmem>> -> memref<32xi32, #tpu.memory_space<vmem>>
      %dma_start3A_437 = arith.constant 0 : i32
      %dma_start3A_438 = arith.constant 0 : i32
      %dma_start3A_439 = tpu.memref_slice %arg2[%dma_start3A_437, %dma_start3A_438] : memref<32768x768xf32, #tpu.memory_space<hbm>> -> memref<32768x768xf32, #tpu.memory_space<hbm>>
      tpu.enqueue_indirect_dma source(%dma_start3A_439 : memref<32768x768xf32, #tpu.memory_space<hbm>>) target(%arg8 : memref<32x768xf32, #tpu.memory_space<vmem>>) offsets(%dma_start3A : memref<32xi32, #tpu.memory_space<vmem>>) semaphore(%arg13 : memref<!tpu.dma_semaphore, #tpu.memory_space<semaphore_mem>>)
    } else {
    }
    %scan3A_131 = arith.constant 0 : i32
    %scan3A_132 = arith.constant 0 : i32
    %scan3A_133 = arith.constant 8 : i32
    %scan3A_134 = arith.addi %scan3A_132, %scan3A_133 : i32
    %scan3A_135 = arith.constant 1 : i32
    scf.for %scan3A_433 = %scan3A_132 to %scan3A_134 step %scan3A_135  : i32 {
      %mul3A_434 = arith.constant 4 : i32
      %mul3A_435 = arith.muli %mul3A_434, %scan3A_433 : i32
      %add3A_436 = arith.constant 0 : i32
      %add3A_437 = arith.addi %mul3A_435, %add3A_436 : i32
      %lt3A_438 = arith.cmpi slt, %add3A_437, %max3A_98 : i32
      %convert_element_type3A_439 = arith.extui %lt3A_438 : i1 to i32
      %cond3A_440 = arith.constant 0 : i32
      %cond3A_441 = arith.cmpi ne, %convert_element_type3A_439, %cond3A_440 : i32
      scf.if %cond3A_441 {
        %add3A_460 = arith.constant 2 : i32
        %add3A_461 = arith.addi %add3A_437, %add3A_460 : i32
        %lt3A_462 = arith.cmpi slt, %add3A_461, %max3A_98 : i32
        %convert_element_type3A_463 = arith.extui %lt3A_462 : i1 to i32
        %cond3A_464 = arith.constant 0 : i32
        %cond3A_465 = arith.cmpi ne, %convert_element_type3A_463, %cond3A_464 : i32
        scf.if %cond3A_465 {
          %ge3A = arith.constant 2 : i32
          %ge3A_487 = arith.cmpi sge, %add3A_437, %ge3A : i32
          %convert_element_type3A_488 = arith.extui %ge3A_487 : i1 to i32
          %cond3A_489 = arith.constant 0 : i32
          %cond3A_490 = arith.cmpi ne, %convert_element_type3A_488, %cond3A_489 : i32
          scf.if %cond3A_490 {
            %dma_wait3A_502 = arith.constant 0 : i32
            %dma_wait3A_503 = arith.constant 0 : i32
            %dma_wait3A_504 = tpu.memref_slice %arg2[%dma_wait3A_502, %dma_wait3A_503] : memref<32768x768xf32, #tpu.memory_space<hbm>> -> memref<32x768xf32, #tpu.memory_space<hbm>>
            %dma_wait3A_505 = arith.constant 0 : i32
            %dma_wait3A_506 = arith.constant 0 : i32
            %dma_wait3A_507 = tpu.memref_slice %arg2[%dma_wait3A_505, %dma_wait3A_506] : memref<32768x768xf32, #tpu.memory_space<hbm>> -> memref<32x768xf32, #tpu.memory_space<hbm>>
            tpu.wait_dma2 semaphore(%arg18 : memref<!tpu.dma_semaphore, #tpu.memory_space<semaphore_mem>>) src(%dma_wait3A_507 : memref<32x768xf32, #tpu.memory_space<hbm>>) dst(%arg9 : memref<32x768xf32, #tpu.memory_space<vmem>>)
          } else {
          }
          %add3A_491 = arith.constant 2 : i32
          %add3A_492 = arith.addi %add3A_437, %add3A_491 : i32
          %mul3A_493 = arith.constant 2 : i32
          %mul3A_494 = arith.muli %mul3A_493, %add3A_492 : i32
          %add3A_495 = arith.addi %select_n3A_8, %mul3A_494 : i32
          %mul3A_496 = arith.constant 32 : i32
          %mul3A_497 = arith.muli %add3A_495, %mul3A_496 : i32
          %dma_start3A_498 = tpu.memref_slice %arg6[%mul3A_497] : memref<2048xi32, #tpu.memory_space<vmem>> -> memref<32xi32, #tpu.memory_space<vmem>>
          %dma_start3A_499 = arith.constant 0 : i32
          %dma_start3A_500 = arith.constant 0 : i32
          %dma_start3A_501 = tpu.memref_slice %arg2[%dma_start3A_499, %dma_start3A_500] : memref<32768x768xf32, #tpu.memory_space<hbm>> -> memref<32768x768xf32, #tpu.memory_space<hbm>>
          tpu.enqueue_indirect_dma source(%dma_start3A_501 : memref<32768x768xf32, #tpu.memory_space<hbm>>) target(%arg9 : memref<32x768xf32, #tpu.memory_space<vmem>>) offsets(%dma_start3A_498 : memref<32xi32, #tpu.memory_space<vmem>>) semaphore(%arg14 : memref<!tpu.dma_semaphore, #tpu.memory_space<semaphore_mem>>)
        } else {
        }
        %dma_wait3A = arith.constant 0 : i32
        %dma_wait3A_466 = arith.constant 0 : i32
        %dma_wait3A_467 = tpu.memref_slice %arg2[%dma_wait3A, %dma_wait3A_466] : memref<32768x768xf32, #tpu.memory_space<hbm>> -> memref<32x768xf32, #tpu.memory_space<hbm>>
        %dma_wait3A_468 = arith.constant 0 : i32
        %dma_wait3A_469 = arith.constant 0 : i32
        %dma_wait3A_470 = tpu.memref_slice %arg2[%dma_wait3A_468, %dma_wait3A_469] : memref<32768x768xf32, #tpu.memory_space<hbm>> -> memref<32x768xf32, #tpu.memory_space<hbm>>
        tpu.wait_dma2 semaphore(%arg12 : memref<!tpu.dma_semaphore, #tpu.memory_space<semaphore_mem>>) src(%dma_wait3A_470 : memref<32x768xf32, #tpu.memory_space<hbm>>) dst(%arg7 : memref<32x768xf32, #tpu.memory_space<vmem>>)
        %mul3A_471 = arith.constant 2 : i32
        %mul3A_472 = arith.muli %mul3A_471, %add3A_437 : i32
        %add3A_473 = arith.addi %select_n3A_8, %mul3A_472 : i32
        %eq3A_474 = arith.cmpi eq, %add3A_473, %select_n3A_39 : i32
        %gt3A_475 = arith.constant 0 : i32
        %gt3A_476 = arith.cmpi sgt, %sub3A_42, %gt3A_475 : i32
        %and3A_477 = arith.andi %eq3A_474, %gt3A_476 : i1
        %convert_element_type3A_478 = arith.extui %and3A_477 : i1 to i32
        %cond3A_479 = arith.constant 0 : i32
        %cond3A_480 = arith.cmpi ne, %convert_element_type3A_478, %cond3A_479 : i32
        scf.if %cond3A_480 {
          %while3A_487 = arith.constant 0 : i32
          %while3A_488 = arith.constant 32 : i32
          %while3A_489 = arith.subi %while3A_488, %sub3A_42 : i32
          %while3A_490 = arith.addi %sub3A_42, %while3A_489 : i32
          %while3A_491 = arith.constant 1 : i32
          %while3A_492 = arith.divsi %while3A_489, %while3A_491 : i32
          %while3A_493 = arith.muli %while3A_492, %while3A_491 : i32
          %while3A_494 = arith.addi %sub3A_42, %while3A_493 : i32
          %while3A_495 = arith.constant 1 : i32
          scf.for %while3A_497 = %sub3A_42 to %while3A_494 step %while3A_495  : i32 {
            %broadcast_in_dim3A_498 = arith.constant 0.000000e+00 : f32
            %broadcast_in_dim3A_499 = vector.broadcast %broadcast_in_dim3A_498 : f32 to vector<16xf32>
            %swap3A = arith.index_cast %while3A_497 : i32 to index
            %swap3A_500 = arith.constant 0 : index
            %swap3A_501 = tpu.vector_load %arg7[%swap3A, %swap3A_500] {strides = array<i32>} : memref<32x768xf32, #tpu.memory_space<vmem>>, vector<16xf32>,
            tpu.vector_store %arg7[%swap3A, %swap3A_500], %broadcast_in_dim3A_499 {strides = array<i32>} : memref<32x768xf32, #tpu.memory_space<vmem>>, vector<16xf32>,
            %broadcast_in_dim3A_502 = arith.constant 0.000000e+00 : f32
            %broadcast_in_dim3A_503 = vector.broadcast %broadcast_in_dim3A_502 : f32 to vector<16xf32>
            %swap3A_504 = arith.index_cast %while3A_497 : i32 to index
            %swap3A_505 = arith.constant 16 : index
            %swap3A_506 = tpu.vector_load %arg7[%swap3A_504, %swap3A_505] {strides = array<i32>} : memref<32x768xf32, #tpu.memory_space<vmem>>, vector<16xf32>,
            tpu.vector_store %arg7[%swap3A_504, %swap3A_505], %broadcast_in_dim3A_503 {strides = array<i32>} : memref<32x768xf32, #tpu.memory_space<vmem>>, vector<16xf32>,
            %broadcast_in_dim3A_507 = arith.constant 0.000000e+00 : f32
            %broadcast_in_dim3A_508 = vector.broadcast %broadcast_in_dim3A_507 : f32 to vector<16xf32>
            %swap3A_509 = arith.index_cast %while3A_497 : i32 to index
            %swap3A_510 = arith.constant 32 : index
            %swap3A_511 = tpu.vector_load %arg7[%swap3A_509, %swap3A_510] {strides = array<i32>} : memref<32x768xf32, #tpu.memory_space<vmem>>, vector<16xf32>,
            tpu.vector_store %arg7[%swap3A_509, %swap3A_510], %broadcast_in_dim3A_508 {strides = array<i32>} : memref<32x768xf32, #tpu.memory_space<vmem>>, vector<16xf32>,
            %broadcast_in_dim3A_512 = arith.constant 0.000000e+00 : f32
            %broadcast_in_dim3A_513 = vector.broadcast %broadcast_in_dim3A_512 : f32 to vector<16xf32>
            %swap3A_514 = arith.index_cast %while3A_497 : i32 to index
            %swap3A_515 = arith.constant 48 : index
            %swap3A_516 = tpu.vector_load %arg7[%swap3A_514, %swap3A_515] {strides = array<i32>} : memref<32x768xf32, #tpu.memory_space<vmem>>, vector<16xf32>,
            tpu.vector_store %arg7[%swap3A_514, %swap3A_515], %broadcast_in_dim3A_513 {strides = array<i32>} : memref<32x768xf32, #tpu.memory_space<vmem>>, vector<16xf32>,
            %broadcast_in_dim3A_517 = arith.constant 0.000000e+00 : f32
            %broadcast_in_dim3A_518 = vector.broadcast %broadcast_in_dim3A_517 : f32 to vector<16xf32>
            %swap3A_519 = arith.index_cast %while3A_497 : i32 to index
            %swap3A_520 = arith.constant 64 : index
            %swap3A_521 = tpu.vector_load %arg7[%swap3A_519, %swap3A_520] {strides = array<i32>} : memref<32x768xf32, #tpu.memory_space<vmem>>, vector<16xf32>,
            tpu.vector_store %arg7[%swap3A_519, %swap3A_520], %broadcast_in_dim3A_518 {strides = array<i32>} : memref<32x768xf32, #tpu.memory_space<vmem>>, vector<16xf32>,
            %broadcast_in_dim3A_522 = arith.constant 0.000000e+00 : f32
            %broadcast_in_dim3A_523 = vector.broadcast %broadcast_in_dim3A_522 : f32 to vector<16xf32>
            %swap3A_524 = arith.index_cast %while3A_497 : i32 to index
            %swap3A_525 = arith.constant 80 : index
            %swap3A_526 = tpu.vector_load %arg7[%swap3A_524, %swap3A_525] {strides = array<i32>} : memref<32x768xf32, #tpu.memory_space<vmem>>, vector<16xf32>,
            tpu.vector_store %arg7[%swap3A_524, %swap3A_525], %broadcast_in_dim3A_523 {strides = array<i32>} : memref<32x768xf32, #tpu.memory_space<vmem>>, vector<16xf32>,
            %broadcast_in_dim3A_527 = arith.constant 0.000000e+00 : f32
            %broadcast_in_dim3A_528 = vector.broadcast %broadcast_in_dim3A_527 : f32 to vector<16xf32>
            %swap3A_529 = arith.index_cast %while3A_497 : i32 to index
            %swap3A_530 = arith.constant 96 : index
            %swap3A_531 = tpu.vector_load %arg7[%swap3A_529, %swap3A_530] {strides = array<i32>} : memref<32x768xf32, #tpu.memory_space<vmem>>, vector<16xf32>,
            tpu.vector_store %arg7[%swap3A_529, %swap3A_530], %broadcast_in_dim3A_528 {strides = array<i32>} : memref<32x768xf32, #tpu.memory_space<vmem>>, vector<16xf32>,
            %broadcast_in_dim3A_532 = arith.constant 0.000000e+00 : f32
            %broadcast_in_dim3A_533 = vector.broadcast %broadcast_in_dim3A_532 : f32 to vector<16xf32>
            %swap3A_534 = arith.index_cast %while3A_497 : i32 to index
            %swap3A_535 = arith.constant 112 : index
            %swap3A_536 = tpu.vector_load %arg7[%swap3A_534, %swap3A_535] {strides = array<i32>} : memref<32x768xf32, #tpu.memory_space<vmem>>, vector<16xf32>,
            tpu.vector_store %arg7[%swap3A_534, %swap3A_535], %broadcast_in_dim3A_533 {strides = array<i32>} : memref<32x768xf32, #tpu.memory_space<vmem>>, vector<16xf32>,
            %broadcast_in_dim3A_537 = arith.constant 0.000000e+00 : f32
            %broadcast_in_dim3A_538 = vector.broadcast %broadcast_in_dim3A_537 : f32 to vector<16xf32>
            %swap3A_539 = arith.index_cast %while3A_497 : i32 to index
            %swap3A_540 = arith.constant 128 : index
            %swap3A_541 = tpu.vector_load %arg7[%swap3A_539, %swap3A_540] {strides = array<i32>} : memref<32x768xf32, #tpu.memory_space<vmem>>, vector<16xf32>,
            tpu.vector_store %arg7[%swap3A_539, %swap3A_540], %broadcast_in_dim3A_538 {strides = array<i32>} : memref<32x768xf32, #tpu.memory_space<vmem>>, vector<16xf32>,
            %broadcast_in_dim3A_542 = arith.constant 0.000000e+00 : f32
            %broadcast_in_dim3A_543 = vector.broadcast %broadcast_in_dim3A_542 : f32 to vector<16xf32>
            %swap3A_544 = arith.index_cast %while3A_497 : i32 to index
            %swap3A_545 = arith.constant 144 : index
            %swap3A_546 = tpu.vector_load %arg7[%swap3A_544, %swap3A_545] {strides = array<i32>} : memref<32x768xf32, #tpu.memory_space<vmem>>, vector<16xf32>,
            tpu.vector_store %arg7[%swap3A_544, %swap3A_545], %broadcast_in_dim3A_543 {strides = array<i32>} : memref<32x768xf32, #tpu.memory_space<vmem>>, vector<16xf32>,
            %broadcast_in_dim3A_547 = arith.constant 0.000000e+00 : f32
            %broadcast_in_dim3A_548 = vector.broadcast %broadcast_in_dim3A_547 : f32 to vector<16xf32>
            %swap3A_549 = arith.index_cast %while3A_497 : i32 to index
            %swap3A_550 = arith.constant 160 : index
            %swap3A_551 = tpu.vector_load %arg7[%swap3A_549, %swap3A_550] {strides = array<i32>} : memref<32x768xf32, #tpu.memory_space<vmem>>, vector<16xf32>,
            tpu.vector_store %arg7[%swap3A_549, %swap3A_550], %broadcast_in_dim3A_548 {strides = array<i32>} : memref<32x768xf32, #tpu.memory_space<vmem>>, vector<16xf32>,
            %broadcast_in_dim3A_552 = arith.constant 0.000000e+00 : f32
            %broadcast_in_dim3A_553 = vector.broadcast %broadcast_in_dim3A_552 : f32 to vector<16xf32>
            %swap3A_554 = arith.index_cast %while3A_497 : i32 to index
            %swap3A_555 = arith.constant 176 : index
            %swap3A_556 = tpu.vector_load %arg7[%swap3A_554, %swap3A_555] {strides = array<i32>} : memref<32x768xf32, #tpu.memory_space<vmem>>, vector<16xf32>,
            tpu.vector_store %arg7[%swap3A_554, %swap3A_555], %broadcast_in_dim3A_553 {strides = array<i32>} : memref<32x768xf32, #tpu.memory_space<vmem>>, vector<16xf32>,
            %broadcast_in_dim3A_557 = arith.constant 0.000000e+00 : f32
            %broadcast_in_dim3A_558 = vector.broadcast %broadcast_in_dim3A_557 : f32 to vector<16xf32>
            %swap3A_559 = arith.index_cast %while3A_497 : i32 to index
            %swap3A_560 = arith.constant 192 : index
            %swap3A_561 = tpu.vector_load %arg7[%swap3A_559, %swap3A_560] {strides = array<i32>} : memref<32x768xf32, #tpu.memory_space<vmem>>, vector<16xf32>,
            tpu.vector_store %arg7[%swap3A_559, %swap3A_560], %broadcast_in_dim3A_558 {strides = array<i32>} : memref<32x768xf32, #tpu.memory_space<vmem>>, vector<16xf32>,
            %broadcast_in_dim3A_562 = arith.constant 0.000000e+00 : f32
            %broadcast_in_dim3A_563 = vector.broadcast %broadcast_in_dim3A_562 : f32 to vector<16xf32>
            %swap3A_564 = arith.index_cast %while3A_497 : i32 to index
            %swap3A_565 = arith.constant 208 : index
            %swap3A_566 = tpu.vector_load %arg7[%swap3A_564, %swap3A_565] {strides = array<i32>} : memref<32x768xf32, #tpu.memory_space<vmem>>, vector<16xf32>,
            tpu.vector_store %arg7[%swap3A_564, %swap3A_565], %broadcast_in_dim3A_563 {strides = array<i32>} : memref<32x768xf32, #tpu.memory_space<vmem>>, vector<16xf32>,
            %broadcast_in_dim3A_567 = arith.constant 0.000000e+00 : f32
            %broadcast_in_dim3A_568 = vector.broadcast %broadcast_in_dim3A_567 : f32 to vector<16xf32>
            %swap3A_569 = arith.index_cast %while3A_497 : i32 to index
            %swap3A_570 = arith.constant 224 : index
            %swap3A_571 = tpu.vector_load %arg7[%swap3A_569, %swap3A_570] {strides = array<i32>} : memref<32x768xf32, #tpu.memory_space<vmem>>, vector<16xf32>,
            tpu.vector_store %arg7[%swap3A_569, %swap3A_570], %broadcast_in_dim3A_568 {strides = array<i32>} : memref<32x768xf32, #tpu.memory_space<vmem>>, vector<16xf32>,
            %broadcast_in_dim3A_572 = arith.constant 0.000000e+00 : f32
            %broadcast_in_dim3A_573 = vector.broadcast %broadcast_in_dim3A_572 : f32 to vector<16xf32>
            %swap3A_574 = arith.index_cast %while3A_497 : i32 to index
            %swap3A_575 = arith.constant 240 : index
            %swap3A_576 = tpu.vector_load %arg7[%swap3A_574, %swap3A_575] {strides = array<i32>} : memref<32x768xf32, #tpu.memory_space<vmem>>, vector<16xf32>,
            tpu.vector_store %arg7[%swap3A_574, %swap3A_575], %broadcast_in_dim3A_573 {strides = array<i32>} : memref<32x768xf32, #tpu.memory_space<vmem>>, vector<16xf32>,
            %broadcast_in_dim3A_577 = arith.constant 0.000000e+00 : f32
            %broadcast_in_dim3A_578 = vector.broadcast %broadcast_in_dim3A_577 : f32 to vector<16xf32>
            %swap3A_579 = arith.index_cast %while3A_497 : i32 to index
            %swap3A_580 = arith.constant 256 : index
            %swap3A_581 = tpu.vector_load %arg7[%swap3A_579, %swap3A_580] {strides = array<i32>} : memref<32x768xf32, #tpu.memory_space<vmem>>, vector<16xf32>,
            tpu.vector_store %arg7[%swap3A_579, %swap3A_580], %broadcast_in_dim3A_578 {strides = array<i32>} : memref<32x768xf32, #tpu.memory_space<vmem>>, vector<16xf32>,
            %broadcast_in_dim3A_582 = arith.constant 0.000000e+00 : f32
            %broadcast_in_dim3A_583 = vector.broadcast %broadcast_in_dim3A_582 : f32 to vector<16xf32>
            %swap3A_584 = arith.index_cast %while3A_497 : i32 to index
            %swap3A_585 = arith.constant 272 : index
            %swap3A_586 = tpu.vector_load %arg7[%swap3A_584, %swap3A_585] {strides = array<i32>} : memref<32x768xf32, #tpu.memory_space<vmem>>, vector<16xf32>,
            tpu.vector_store %arg7[%swap3A_584, %swap3A_585], %broadcast_in_dim3A_583 {strides = array<i32>} : memref<32x768xf32, #tpu.memory_space<vmem>>, vector<16xf32>,
            %broadcast_in_dim3A_587 = arith.constant 0.000000e+00 : f32
            %broadcast_in_dim3A_588 = vector.broadcast %broadcast_in_dim3A_587 : f32 to vector<16xf32>
            %swap3A_589 = arith.index_cast %while3A_497 : i32 to index
            %swap3A_590 = arith.constant 288 : index
            %swap3A_591 = tpu.vector_load %arg7[%swap3A_589, %swap3A_590] {strides = array<i32>} : memref<32x768xf32, #tpu.memory_space<vmem>>, vector<16xf32>,
            tpu.vector_store %arg7[%swap3A_589, %swap3A_590], %broadcast_in_dim3A_588 {strides = array<i32>} : memref<32x768xf32, #tpu.memory_space<vmem>>, vector<16xf32>,
            %broadcast_in_dim3A_592 = arith.constant 0.000000e+00 : f32
            %broadcast_in_dim3A_593 = vector.broadcast %broadcast_in_dim3A_592 : f32 to vector<16xf32>
            %swap3A_594 = arith.index_cast %while3A_497 : i32 to index
            %swap3A_595 = arith.constant 304 : index
            %swap3A_596 = tpu.vector_load %arg7[%swap3A_594, %swap3A_595] {strides = array<i32>} : memref<32x768xf32, #tpu.memory_space<vmem>>, vector<16xf32>,
            tpu.vector_store %arg7[%swap3A_594, %swap3A_595], %broadcast_in_dim3A_593 {strides = array<i32>} : memref<32x768xf32, #tpu.memory_space<vmem>>, vector<16xf32>,
            %broadcast_in_dim3A_597 = arith.constant 0.000000e+00 : f32
            %broadcast_in_dim3A_598 = vector.broadcast %broadcast_in_dim3A_597 : f32 to vector<16xf32>
            %swap3A_599 = arith.index_cast %while3A_497 : i32 to index
            %swap3A_600 = arith.constant 320 : index
            %swap3A_601 = tpu.vector_load %arg7[%swap3A_599, %swap3A_600] {strides = array<i32>} : memref<32x768xf32, #tpu.memory_space<vmem>>, vector<16xf32>,
            tpu.vector_store %arg7[%swap3A_599, %swap3A_600], %broadcast_in_dim3A_598 {strides = array<i32>} : memref<32x768xf32, #tpu.memory_space<vmem>>, vector<16xf32>,
            %broadcast_in_dim3A_602 = arith.constant 0.000000e+00 : f32
            %broadcast_in_dim3A_603 = vector.broadcast %broadcast_in_dim3A_602 : f32 to vector<16xf32>
            %swap3A_604 = arith.index_cast %while3A_497 : i32 to index
            %swap3A_605 = arith.constant 336 : index
            %swap3A_606 = tpu.vector_load %arg7[%swap3A_604, %swap3A_605] {strides = array<i32>} : memref<32x768xf32, #tpu.memory_space<vmem>>, vector<16xf32>,
            tpu.vector_store %arg7[%swap3A_604, %swap3A_605], %broadcast_in_dim3A_603 {strides = array<i32>} : memref<32x768xf32, #tpu.memory_space<vmem>>, vector<16xf32>,
            %broadcast_in_dim3A_607 = arith.constant 0.000000e+00 : f32
            %broadcast_in_dim3A_608 = vector.broadcast %broadcast_in_dim3A_607 : f32 to vector<16xf32>
            %swap3A_609 = arith.index_cast %while3A_497 : i32 to index
            %swap3A_610 = arith.constant 352 : index
            %swap3A_611 = tpu.vector_load %arg7[%swap3A_609, %swap3A_610] {strides = array<i32>} : memref<32x768xf32, #tpu.memory_space<vmem>>, vector<16xf32>,
            tpu.vector_store %arg7[%swap3A_609, %swap3A_610], %broadcast_in_dim3A_608 {strides = array<i32>} : memref<32x768xf32, #tpu.memory_space<vmem>>, vector<16xf32>,
            %broadcast_in_dim3A_612 = arith.constant 0.000000e+00 : f32
            %broadcast_in_dim3A_613 = vector.broadcast %broadcast_in_dim3A_612 : f32 to vector<16xf32>
            %swap3A_614 = arith.index_cast %while3A_497 : i32 to index
            %swap3A_615 = arith.constant 368 : index
            %swap3A_616 = tpu.vector_load %arg7[%swap3A_614, %swap3A_615] {strides = array<i32>} : memref<32x768xf32, #tpu.memory_space<vmem>>, vector<16xf32>,
            tpu.vector_store %arg7[%swap3A_614, %swap3A_615], %broadcast_in_dim3A_613 {strides = array<i32>} : memref<32x768xf32, #tpu.memory_space<vmem>>, vector<16xf32>,
            %broadcast_in_dim3A_617 = arith.constant 0.000000e+00 : f32
            %broadcast_in_dim3A_618 = vector.broadcast %broadcast_in_dim3A_617 : f32 to vector<16xf32>
            %swap3A_619 = arith.index_cast %while3A_497 : i32 to index
            %swap3A_620 = arith.constant 384 : index
            %swap3A_621 = tpu.vector_load %arg7[%swap3A_619, %swap3A_620] {strides = array<i32>} : memref<32x768xf32, #tpu.memory_space<vmem>>, vector<16xf32>,
            tpu.vector_store %arg7[%swap3A_619, %swap3A_620], %broadcast_in_dim3A_618 {strides = array<i32>} : memref<32x768xf32, #tpu.memory_space<vmem>>, vector<16xf32>,
            %broadcast_in_dim3A_622 = arith.constant 0.000000e+00 : f32
            %broadcast_in_dim3A_623 = vector.broadcast %broadcast_in_dim3A_622 : f32 to vector<16xf32>
            %swap3A_624 = arith.index_cast %while3A_497 : i32 to index
            %swap3A_625 = arith.constant 400 : index
            %swap3A_626 = tpu.vector_load %arg7[%swap3A_624, %swap3A_625] {strides = array<i32>} : memref<32x768xf32, #tpu.memory_space<vmem>>, vector<16xf32>,
            tpu.vector_store %arg7[%swap3A_624, %swap3A_625], %broadcast_in_dim3A_623 {strides = array<i32>} : memref<32x768xf32, #tpu.memory_space<vmem>>, vector<16xf32>,
            %broadcast_in_dim3A_627 = arith.constant 0.000000e+00 : f32
            %broadcast_in_dim3A_628 = vector.broadcast %broadcast_in_dim3A_627 : f32 to vector<16xf32>
            %swap3A_629 = arith.index_cast %while3A_497 : i32 to index
            %swap3A_630 = arith.constant 416 : index
            %swap3A_631 = tpu.vector_load %arg7[%swap3A_629, %swap3A_630] {strides = array<i32>} : memref<32x768xf32, #tpu.memory_space<vmem>>, vector<16xf32>,
            tpu.vector_store %arg7[%swap3A_629, %swap3A_630], %broadcast_in_dim3A_628 {strides = array<i32>} : memref<32x768xf32, #tpu.memory_space<vmem>>, vector<16xf32>,
            %broadcast_in_dim3A_632 = arith.constant 0.000000e+00 : f32
            %broadcast_in_dim3A_633 = vector.broadcast %broadcast_in_dim3A_632 : f32 to vector<16xf32>
            %swap3A_634 = arith.index_cast %while3A_497 : i32 to index
            %swap3A_635 = arith.constant 432 : index
            %swap3A_636 = tpu.vector_load %arg7[%swap3A_634, %swap3A_635] {strides = array<i32>} : memref<32x768xf32, #tpu.memory_space<vmem>>, vector<16xf32>,
            tpu.vector_store %arg7[%swap3A_634, %swap3A_635], %broadcast_in_dim3A_633 {strides = array<i32>} : memref<32x768xf32, #tpu.memory_space<vmem>>, vector<16xf32>,
            %broadcast_in_dim3A_637 = arith.constant 0.000000e+00 : f32
            %broadcast_in_dim3A_638 = vector.broadcast %broadcast_in_dim3A_637 : f32 to vector<16xf32>
            %swap3A_639 = arith.index_cast %while3A_497 : i32 to index
            %swap3A_640 = arith.constant 448 : index
            %swap3A_641 = tpu.vector_load %arg7[%swap3A_639, %swap3A_640] {strides = array<i32>} : memref<32x768xf32, #tpu.memory_space<vmem>>, vector<16xf32>,
            tpu.vector_store %arg7[%swap3A_639, %swap3A_640], %broadcast_in_dim3A_638 {strides = array<i32>} : memref<32x768xf32, #tpu.memory_space<vmem>>, vector<16xf32>,
            %broadcast_in_dim3A_642 = arith.constant 0.000000e+00 : f32
            %broadcast_in_dim3A_643 = vector.broadcast %broadcast_in_dim3A_642 : f32 to vector<16xf32>
            %swap3A_644 = arith.index_cast %while3A_497 : i32 to index
            %swap3A_645 = arith.constant 464 : index
            %swap3A_646 = tpu.vector_load %arg7[%swap3A_644, %swap3A_645] {strides = array<i32>} : memref<32x768xf32, #tpu.memory_space<vmem>>, vector<16xf32>,
            tpu.vector_store %arg7[%swap3A_644, %swap3A_645], %broadcast_in_dim3A_643 {strides = array<i32>} : memref<32x768xf32, #tpu.memory_space<vmem>>, vector<16xf32>,
            %broadcast_in_dim3A_647 = arith.constant 0.000000e+00 : f32
            %broadcast_in_dim3A_648 = vector.broadcast %broadcast_in_dim3A_647 : f32 to vector<16xf32>
            %swap3A_649 = arith.index_cast %while3A_497 : i32 to index
            %swap3A_650 = arith.constant 480 : index
            %swap3A_651 = tpu.vector_load %arg7[%swap3A_649, %swap3A_650] {strides = array<i32>} : memref<32x768xf32, #tpu.memory_space<vmem>>, vector<16xf32>,
            tpu.vector_store %arg7[%swap3A_649, %swap3A_650], %broadcast_in_dim3A_648 {strides = array<i32>} : memref<32x768xf32, #tpu.memory_space<vmem>>, vector<16xf32>,
            %broadcast_in_dim3A_652 = arith.constant 0.000000e+00 : f32
            %broadcast_in_dim3A_653 = vector.broadcast %broadcast_in_dim3A_652 : f32 to vector<16xf32>
            %swap3A_654 = arith.index_cast %while3A_497 : i32 to index
            %swap3A_655 = arith.constant 496 : index
            %swap3A_656 = tpu.vector_load %arg7[%swap3A_654, %swap3A_655] {strides = array<i32>} : memref<32x768xf32, #tpu.memory_space<vmem>>, vector<16xf32>,
            tpu.vector_store %arg7[%swap3A_654, %swap3A_655], %broadcast_in_dim3A_653 {strides = array<i32>} : memref<32x768xf32, #tpu.memory_space<vmem>>, vector<16xf32>,
            %broadcast_in_dim3A_657 = arith.constant 0.000000e+00 : f32
            %broadcast_in_dim3A_658 = vector.broadcast %broadcast_in_dim3A_657 : f32 to vector<16xf32>
            %swap3A_659 = arith.index_cast %while3A_497 : i32 to index
            %swap3A_660 = arith.constant 512 : index
            %swap3A_661 = tpu.vector_load %arg7[%swap3A_659, %swap3A_660] {strides = array<i32>} : memref<32x768xf32, #tpu.memory_space<vmem>>, vector<16xf32>,
            tpu.vector_store %arg7[%swap3A_659, %swap3A_660], %broadcast_in_dim3A_658 {strides = array<i32>} : memref<32x768xf32, #tpu.memory_space<vmem>>, vector<16xf32>,
            %broadcast_in_dim3A_662 = arith.constant 0.000000e+00 : f32
            %broadcast_in_dim3A_663 = vector.broadcast %broadcast_in_dim3A_662 : f32 to vector<16xf32>
            %swap3A_664 = arith.index_cast %while3A_497 : i32 to index
            %swap3A_665 = arith.constant 528 : index
            %swap3A_666 = tpu.vector_load %arg7[%swap3A_664, %swap3A_665] {strides = array<i32>} : memref<32x768xf32, #tpu.memory_space<vmem>>, vector<16xf32>,
            tpu.vector_store %arg7[%swap3A_664, %swap3A_665], %broadcast_in_dim3A_663 {strides = array<i32>} : memref<32x768xf32, #tpu.memory_space<vmem>>, vector<16xf32>,
            %broadcast_in_dim3A_667 = arith.constant 0.000000e+00 : f32
            %broadcast_in_dim3A_668 = vector.broadcast %broadcast_in_dim3A_667 : f32 to vector<16xf32>
            %swap3A_669 = arith.index_cast %while3A_497 : i32 to index
            %swap3A_670 = arith.constant 544 : index
            %swap3A_671 = tpu.vector_load %arg7[%swap3A_669, %swap3A_670] {strides = array<i32>} : memref<32x768xf32, #tpu.memory_space<vmem>>, vector<16xf32>,
            tpu.vector_store %arg7[%swap3A_669, %swap3A_670], %broadcast_in_dim3A_668 {strides = array<i32>} : memref<32x768xf32, #tpu.memory_space<vmem>>, vector<16xf32>,
            %broadcast_in_dim3A_672 = arith.constant 0.000000e+00 : f32
            %broadcast_in_dim3A_673 = vector.broadcast %broadcast_in_dim3A_672 : f32 to vector<16xf32>
            %swap3A_674 = arith.index_cast %while3A_497 : i32 to index
            %swap3A_675 = arith.constant 560 : index
            %swap3A_676 = tpu.vector_load %arg7[%swap3A_674, %swap3A_675] {strides = array<i32>} : memref<32x768xf32, #tpu.memory_space<vmem>>, vector<16xf32>,
            tpu.vector_store %arg7[%swap3A_674, %swap3A_675], %broadcast_in_dim3A_673 {strides = array<i32>} : memref<32x768xf32, #tpu.memory_space<vmem>>, vector<16xf32>,
            %broadcast_in_dim3A_677 = arith.constant 0.000000e+00 : f32
            %broadcast_in_dim3A_678 = vector.broadcast %broadcast_in_dim3A_677 : f32 to vector<16xf32>
            %swap3A_679 = arith.index_cast %while3A_497 : i32 to index
            %swap3A_680 = arith.constant 576 : index
            %swap3A_681 = tpu.vector_load %arg7[%swap3A_679, %swap3A_680] {strides = array<i32>} : memref<32x768xf32, #tpu.memory_space<vmem>>, vector<16xf32>,
            tpu.vector_store %arg7[%swap3A_679, %swap3A_680], %broadcast_in_dim3A_678 {strides = array<i32>} : memref<32x768xf32, #tpu.memory_space<vmem>>, vector<16xf32>,
            %broadcast_in_dim3A_682 = arith.constant 0.000000e+00 : f32
            %broadcast_in_dim3A_683 = vector.broadcast %broadcast_in_dim3A_682 : f32 to vector<16xf32>
            %swap3A_684 = arith.index_cast %while3A_497 : i32 to index
            %swap3A_685 = arith.constant 592 : index
            %swap3A_686 = tpu.vector_load %arg7[%swap3A_684, %swap3A_685] {strides = array<i32>} : memref<32x768xf32, #tpu.memory_space<vmem>>, vector<16xf32>,
            tpu.vector_store %arg7[%swap3A_684, %swap3A_685], %broadcast_in_dim3A_683 {strides = array<i32>} : memref<32x768xf32, #tpu.memory_space<vmem>>, vector<16xf32>,
            %broadcast_in_dim3A_687 = arith.constant 0.000000e+00 : f32
            %broadcast_in_dim3A_688 = vector.broadcast %broadcast_in_dim3A_687 : f32 to vector<16xf32>
            %swap3A_689 = arith.index_cast %while3A_497 : i32 to index
            %swap3A_690 = arith.constant 608 : index
            %swap3A_691 = tpu.vector_load %arg7[%swap3A_689, %swap3A_690] {strides = array<i32>} : memref<32x768xf32, #tpu.memory_space<vmem>>, vector<16xf32>,
            tpu.vector_store %arg7[%swap3A_689, %swap3A_690], %broadcast_in_dim3A_688 {strides = array<i32>} : memref<32x768xf32, #tpu.memory_space<vmem>>, vector<16xf32>,
            %broadcast_in_dim3A_692 = arith.constant 0.000000e+00 : f32
            %broadcast_in_dim3A_693 = vector.broadcast %broadcast_in_dim3A_692 : f32 to vector<16xf32>
            %swap3A_694 = arith.index_cast %while3A_497 : i32 to index
            %swap3A_695 = arith.constant 624 : index
            %swap3A_696 = tpu.vector_load %arg7[%swap3A_694, %swap3A_695] {strides = array<i32>} : memref<32x768xf32, #tpu.memory_space<vmem>>, vector<16xf32>,
            tpu.vector_store %arg7[%swap3A_694, %swap3A_695], %broadcast_in_dim3A_693 {strides = array<i32>} : memref<32x768xf32, #tpu.memory_space<vmem>>, vector<16xf32>,
            %broadcast_in_dim3A_697 = arith.constant 0.000000e+00 : f32
            %broadcast_in_dim3A_698 = vector.broadcast %broadcast_in_dim3A_697 : f32 to vector<16xf32>
            %swap3A_699 = arith.index_cast %while3A_497 : i32 to index
            %swap3A_700 = arith.constant 640 : index
            %swap3A_701 = tpu.vector_load %arg7[%swap3A_699, %swap3A_700] {strides = array<i32>} : memref<32x768xf32, #tpu.memory_space<vmem>>, vector<16xf32>,
            tpu.vector_store %arg7[%swap3A_699, %swap3A_700], %broadcast_in_dim3A_698 {strides = array<i32>} : memref<32x768xf32, #tpu.memory_space<vmem>>, vector<16xf32>,
            %broadcast_in_dim3A_702 = arith.constant 0.000000e+00 : f32
            %broadcast_in_dim3A_703 = vector.broadcast %broadcast_in_dim3A_702 : f32 to vector<16xf32>
            %swap3A_704 = arith.index_cast %while3A_497 : i32 to index
            %swap3A_705 = arith.constant 656 : index
            %swap3A_706 = tpu.vector_load %arg7[%swap3A_704, %swap3A_705] {strides = array<i32>} : memref<32x768xf32, #tpu.memory_space<vmem>>, vector<16xf32>,
            tpu.vector_store %arg7[%swap3A_704, %swap3A_705], %broadcast_in_dim3A_703 {strides = array<i32>} : memref<32x768xf32, #tpu.memory_space<vmem>>, vector<16xf32>,
            %broadcast_in_dim3A_707 = arith.constant 0.000000e+00 : f32
            %broadcast_in_dim3A_708 = vector.broadcast %broadcast_in_dim3A_707 : f32 to vector<16xf32>
            %swap3A_709 = arith.index_cast %while3A_497 : i32 to index
            %swap3A_710 = arith.constant 672 : index
            %swap3A_711 = tpu.vector_load %arg7[%swap3A_709, %swap3A_710] {strides = array<i32>} : memref<32x768xf32, #tpu.memory_space<vmem>>, vector<16xf32>,
            tpu.vector_store %arg7[%swap3A_709, %swap3A_710], %broadcast_in_dim3A_708 {strides = array<i32>} : memref<32x768xf32, #tpu.memory_space<vmem>>, vector<16xf32>,
            %broadcast_in_dim3A_712 = arith.constant 0.000000e+00 : f32
            %broadcast_in_dim3A_713 = vector.broadcast %broadcast_in_dim3A_712 : f32 to vector<16xf32>
            %swap3A_714 = arith.index_cast %while3A_497 : i32 to index
            %swap3A_715 = arith.constant 688 : index
            %swap3A_716 = tpu.vector_load %arg7[%swap3A_714, %swap3A_715] {strides = array<i32>} : memref<32x768xf32, #tpu.memory_space<vmem>>, vector<16xf32>,
            tpu.vector_store %arg7[%swap3A_714, %swap3A_715], %broadcast_in_dim3A_713 {strides = array<i32>} : memref<32x768xf32, #tpu.memory_space<vmem>>, vector<16xf32>,
            %broadcast_in_dim3A_717 = arith.constant 0.000000e+00 : f32
            %broadcast_in_dim3A_718 = vector.broadcast %broadcast_in_dim3A_717 : f32 to vector<16xf32>
            %swap3A_719 = arith.index_cast %while3A_497 : i32 to index
            %swap3A_720 = arith.constant 704 : index
            %swap3A_721 = tpu.vector_load %arg7[%swap3A_719, %swap3A_720] {strides = array<i32>} : memref<32x768xf32, #tpu.memory_space<vmem>>, vector<16xf32>,
            tpu.vector_store %arg7[%swap3A_719, %swap3A_720], %broadcast_in_dim3A_718 {strides = array<i32>} : memref<32x768xf32, #tpu.memory_space<vmem>>, vector<16xf32>,
            %broadcast_in_dim3A_722 = arith.constant 0.000000e+00 : f32
            %broadcast_in_dim3A_723 = vector.broadcast %broadcast_in_dim3A_722 : f32 to vector<16xf32>
            %swap3A_724 = arith.index_cast %while3A_497 : i32 to index
            %swap3A_725 = arith.constant 720 : index
            %swap3A_726 = tpu.vector_load %arg7[%swap3A_724, %swap3A_725] {strides = array<i32>} : memref<32x768xf32, #tpu.memory_space<vmem>>, vector<16xf32>,
            tpu.vector_store %arg7[%swap3A_724, %swap3A_725], %broadcast_in_dim3A_723 {strides = array<i32>} : memref<32x768xf32, #tpu.memory_space<vmem>>, vector<16xf32>,
            %broadcast_in_dim3A_727 = arith.constant 0.000000e+00 : f32
            %broadcast_in_dim3A_728 = vector.broadcast %broadcast_in_dim3A_727 : f32 to vector<16xf32>
            %swap3A_729 = arith.index_cast %while3A_497 : i32 to index
            %swap3A_730 = arith.constant 736 : index
            %swap3A_731 = tpu.vector_load %arg7[%swap3A_729, %swap3A_730] {strides = array<i32>} : memref<32x768xf32, #tpu.memory_space<vmem>>, vector<16xf32>,
            tpu.vector_store %arg7[%swap3A_729, %swap3A_730], %broadcast_in_dim3A_728 {strides = array<i32>} : memref<32x768xf32, #tpu.memory_space<vmem>>, vector<16xf32>,
            %broadcast_in_dim3A_732 = arith.constant 0.000000e+00 : f32
            %broadcast_in_dim3A_733 = vector.broadcast %broadcast_in_dim3A_732 : f32 to vector<16xf32>
            %swap3A_734 = arith.index_cast %while3A_497 : i32 to index
            %swap3A_735 = arith.constant 752 : index
            %swap3A_736 = tpu.vector_load %arg7[%swap3A_734, %swap3A_735] {strides = array<i32>} : memref<32x768xf32, #tpu.memory_space<vmem>>, vector<16xf32>,
            tpu.vector_store %arg7[%swap3A_734, %swap3A_735], %broadcast_in_dim3A_733 {strides = array<i32>} : memref<32x768xf32, #tpu.memory_space<vmem>>, vector<16xf32>,
          }
          %while3A_496 = arith.constant 1 : i32
          scf.for %while3A_497 = %while3A_494 to %while3A_490 step %while3A_496  : i32 {
            %broadcast_in_dim3A_498 = arith.constant 0.000000e+00 : f32
            %broadcast_in_dim3A_499 = vector.broadcast %broadcast_in_dim3A_498 : f32 to vector<16xf32>
            %swap3A = arith.index_cast %while3A_497 : i32 to index
            %swap3A_500 = arith.constant 0 : index
            %swap3A_501 = tpu.vector_load %arg7[%swap3A, %swap3A_500] {strides = array<i32>} : memref<32x768xf32, #tpu.memory_space<vmem>>, vector<16xf32>,
            tpu.vector_store %arg7[%swap3A, %swap3A_500], %broadcast_in_dim3A_499 {strides = array<i32>} : memref<32x768xf32, #tpu.memory_space<vmem>>, vector<16xf32>,
            %broadcast_in_dim3A_502 = arith.constant 0.000000e+00 : f32
            %broadcast_in_dim3A_503 = vector.broadcast %broadcast_in_dim3A_502 : f32 to vector<16xf32>
            %swap3A_504 = arith.index_cast %while3A_497 : i32 to index
            %swap3A_505 = arith.constant 16 : index
            %swap3A_506 = tpu.vector_load %arg7[%swap3A_504, %swap3A_505] {strides = array<i32>} : memref<32x768xf32, #tpu.memory_space<vmem>>, vector<16xf32>,
            tpu.vector_store %arg7[%swap3A_504, %swap3A_505], %broadcast_in_dim3A_503 {strides = array<i32>} : memref<32x768xf32, #tpu.memory_space<vmem>>, vector<16xf32>,
            %broadcast_in_dim3A_507 = arith.constant 0.000000e+00 : f32
            %broadcast_in_dim3A_508 = vector.broadcast %broadcast_in_dim3A_507 : f32 to vector<16xf32>
            %swap3A_509 = arith.index_cast %while3A_497 : i32 to index
            %swap3A_510 = arith.constant 32 : index
            %swap3A_511 = tpu.vector_load %arg7[%swap3A_509, %swap3A_510] {strides = array<i32>} : memref<32x768xf32, #tpu.memory_space<vmem>>, vector<16xf32>,
            tpu.vector_store %arg7[%swap3A_509, %swap3A_510], %broadcast_in_dim3A_508 {strides = array<i32>} : memref<32x768xf32, #tpu.memory_space<vmem>>, vector<16xf32>,
            %broadcast_in_dim3A_512 = arith.constant 0.000000e+00 : f32
            %broadcast_in_dim3A_513 = vector.broadcast %broadcast_in_dim3A_512 : f32 to vector<16xf32>
            %swap3A_514 = arith.index_cast %while3A_497 : i32 to index
            %swap3A_515 = arith.constant 48 : index
            %swap3A_516 = tpu.vector_load %arg7[%swap3A_514, %swap3A_515] {strides = array<i32>} : memref<32x768xf32, #tpu.memory_space<vmem>>, vector<16xf32>,
            tpu.vector_store %arg7[%swap3A_514, %swap3A_515], %broadcast_in_dim3A_513 {strides = array<i32>} : memref<32x768xf32, #tpu.memory_space<vmem>>, vector<16xf32>,
            %broadcast_in_dim3A_517 = arith.constant 0.000000e+00 : f32
            %broadcast_in_dim3A_518 = vector.broadcast %broadcast_in_dim3A_517 : f32 to vector<16xf32>
            %swap3A_519 = arith.index_cast %while3A_497 : i32 to index
            %swap3A_520 = arith.constant 64 : index
            %swap3A_521 = tpu.vector_load %arg7[%swap3A_519, %swap3A_520] {strides = array<i32>} : memref<32x768xf32, #tpu.memory_space<vmem>>, vector<16xf32>,
            tpu.vector_store %arg7[%swap3A_519, %swap3A_520], %broadcast_in_dim3A_518 {strides = array<i32>} : memref<32x768xf32, #tpu.memory_space<vmem>>, vector<16xf32>,
            %broadcast_in_dim3A_522 = arith.constant 0.000000e+00 : f32
            %broadcast_in_dim3A_523 = vector.broadcast %broadcast_in_dim3A_522 : f32 to vector<16xf32>
            %swap3A_524 = arith.index_cast %while3A_497 : i32 to index
            %swap3A_525 = arith.constant 80 : index
            %swap3A_526 = tpu.vector_load %arg7[%swap3A_524, %swap3A_525] {strides = array<i32>} : memref<32x768xf32, #tpu.memory_space<vmem>>, vector<16xf32>,
            tpu.vector_store %arg7[%swap3A_524, %swap3A_525], %broadcast_in_dim3A_523 {strides = array<i32>} : memref<32x768xf32, #tpu.memory_space<vmem>>, vector<16xf32>,
            %broadcast_in_dim3A_527 = arith.constant 0.000000e+00 : f32
            %broadcast_in_dim3A_528 = vector.broadcast %broadcast_in_dim3A_527 : f32 to vector<16xf32>
            %swap3A_529 = arith.index_cast %while3A_497 : i32 to index
            %swap3A_530 = arith.constant 96 : index
            %swap3A_531 = tpu.vector_load %arg7[%swap3A_529, %swap3A_530] {strides = array<i32>} : memref<32x768xf32, #tpu.memory_space<vmem>>, vector<16xf32>,
            tpu.vector_store %arg7[%swap3A_529, %swap3A_530], %broadcast_in_dim3A_528 {strides = array<i32>} : memref<32x768xf32, #tpu.memory_space<vmem>>, vector<16xf32>,
            %broadcast_in_dim3A_532 = arith.constant 0.000000e+00 : f32
            %broadcast_in_dim3A_533 = vector.broadcast %broadcast_in_dim3A_532 : f32 to vector<16xf32>
            %swap3A_534 = arith.index_cast %while3A_497 : i32 to index
            %swap3A_535 = arith.constant 112 : index
            %swap3A_536 = tpu.vector_load %arg7[%swap3A_534, %swap3A_535] {strides = array<i32>} : memref<32x768xf32, #tpu.memory_space<vmem>>, vector<16xf32>,
            tpu.vector_store %arg7[%swap3A_534, %swap3A_535], %broadcast_in_dim3A_533 {strides = array<i32>} : memref<32x768xf32, #tpu.memory_space<vmem>>, vector<16xf32>,
            %broadcast_in_dim3A_537 = arith.constant 0.000000e+00 : f32
            %broadcast_in_dim3A_538 = vector.broadcast %broadcast_in_dim3A_537 : f32 to vector<16xf32>
            %swap3A_539 = arith.index_cast %while3A_497 : i32 to index
            %swap3A_540 = arith.constant 128 : index
            %swap3A_541 = tpu.vector_load %arg7[%swap3A_539, %swap3A_540] {strides = array<i32>} : memref<32x768xf32, #tpu.memory_space<vmem>>, vector<16xf32>,
            tpu.vector_store %arg7[%swap3A_539, %swap3A_540], %broadcast_in_dim3A_538 {strides = array<i32>} : memref<32x768xf32, #tpu.memory_space<vmem>>, vector<16xf32>,
            %broadcast_in_dim3A_542 = arith.constant 0.000000e+00 : f32
            %broadcast_in_dim3A_543 = vector.broadcast %broadcast_in_dim3A_542 : f32 to vector<16xf32>
            %swap3A_544 = arith.index_cast %while3A_497 : i32 to index
            %swap3A_545 = arith.constant 144 : index
            %swap3A_546 = tpu.vector_load %arg7[%swap3A_544, %swap3A_545] {strides = array<i32>} : memref<32x768xf32, #tpu.memory_space<vmem>>, vector<16xf32>,
            tpu.vector_store %arg7[%swap3A_544, %swap3A_545], %broadcast_in_dim3A_543 {strides = array<i32>} : memref<32x768xf32, #tpu.memory_space<vmem>>, vector<16xf32>,
            %broadcast_in_dim3A_547 = arith.constant 0.000000e+00 : f32
            %broadcast_in_dim3A_548 = vector.broadcast %broadcast_in_dim3A_547 : f32 to vector<16xf32>
            %swap3A_549 = arith.index_cast %while3A_497 : i32 to index
            %swap3A_550 = arith.constant 160 : index
            %swap3A_551 = tpu.vector_load %arg7[%swap3A_549, %swap3A_550] {strides = array<i32>} : memref<32x768xf32, #tpu.memory_space<vmem>>, vector<16xf32>,
            tpu.vector_store %arg7[%swap3A_549, %swap3A_550], %broadcast_in_dim3A_548 {strides = array<i32>} : memref<32x768xf32, #tpu.memory_space<vmem>>, vector<16xf32>,
            %broadcast_in_dim3A_552 = arith.constant 0.000000e+00 : f32
            %broadcast_in_dim3A_553 = vector.broadcast %broadcast_in_dim3A_552 : f32 to vector<16xf32>
            %swap3A_554 = arith.index_cast %while3A_497 : i32 to index
            %swap3A_555 = arith.constant 176 : index
            %swap3A_556 = tpu.vector_load %arg7[%swap3A_554, %swap3A_555] {strides = array<i32>} : memref<32x768xf32, #tpu.memory_space<vmem>>, vector<16xf32>,
            tpu.vector_store %arg7[%swap3A_554, %swap3A_555], %broadcast_in_dim3A_553 {strides = array<i32>} : memref<32x768xf32, #tpu.memory_space<vmem>>, vector<16xf32>,
            %broadcast_in_dim3A_557 = arith.constant 0.000000e+00 : f32
            %broadcast_in_dim3A_558 = vector.broadcast %broadcast_in_dim3A_557 : f32 to vector<16xf32>
            %swap3A_559 = arith.index_cast %while3A_497 : i32 to index
            %swap3A_560 = arith.constant 192 : index
            %swap3A_561 = tpu.vector_load %arg7[%swap3A_559, %swap3A_560] {strides = array<i32>} : memref<32x768xf32, #tpu.memory_space<vmem>>, vector<16xf32>,
            tpu.vector_store %arg7[%swap3A_559, %swap3A_560], %broadcast_in_dim3A_558 {strides = array<i32>} : memref<32x768xf32, #tpu.memory_space<vmem>>, vector<16xf32>,
            %broadcast_in_dim3A_562 = arith.constant 0.000000e+00 : f32
            %broadcast_in_dim3A_563 = vector.broadcast %broadcast_in_dim3A_562 : f32 to vector<16xf32>
            %swap3A_564 = arith.index_cast %while3A_497 : i32 to index
            %swap3A_565 = arith.constant 208 : index
            %swap3A_566 = tpu.vector_load %arg7[%swap3A_564, %swap3A_565] {strides = array<i32>} : memref<32x768xf32, #tpu.memory_space<vmem>>, vector<16xf32>,
            tpu.vector_store %arg7[%swap3A_564, %swap3A_565], %broadcast_in_dim3A_563 {strides = array<i32>} : memref<32x768xf32, #tpu.memory_space<vmem>>, vector<16xf32>,
            %broadcast_in_dim3A_567 = arith.constant 0.000000e+00 : f32
            %broadcast_in_dim3A_568 = vector.broadcast %broadcast_in_dim3A_567 : f32 to vector<16xf32>
            %swap3A_569 = arith.index_cast %while3A_497 : i32 to index
            %swap3A_570 = arith.constant 224 : index
            %swap3A_571 = tpu.vector_load %arg7[%swap3A_569, %swap3A_570] {strides = array<i32>} : memref<32x768xf32, #tpu.memory_space<vmem>>, vector<16xf32>,
            tpu.vector_store %arg7[%swap3A_569, %swap3A_570], %broadcast_in_dim3A_568 {strides = array<i32>} : memref<32x768xf32, #tpu.memory_space<vmem>>, vector<16xf32>,
            %broadcast_in_dim3A_572 = arith.constant 0.000000e+00 : f32
            %broadcast_in_dim3A_573 = vector.broadcast %broadcast_in_dim3A_572 : f32 to vector<16xf32>
            %swap3A_574 = arith.index_cast %while3A_497 : i32 to index
            %swap3A_575 = arith.constant 240 : index
            %swap3A_576 = tpu.vector_load %arg7[%swap3A_574, %swap3A_575] {strides = array<i32>} : memref<32x768xf32, #tpu.memory_space<vmem>>, vector<16xf32>,
            tpu.vector_store %arg7[%swap3A_574, %swap3A_575], %broadcast_in_dim3A_573 {strides = array<i32>} : memref<32x768xf32, #tpu.memory_space<vmem>>, vector<16xf32>,
            %broadcast_in_dim3A_577 = arith.constant 0.000000e+00 : f32
            %broadcast_in_dim3A_578 = vector.broadcast %broadcast_in_dim3A_577 : f32 to vector<16xf32>
            %swap3A_579 = arith.index_cast %while3A_497 : i32 to index
            %swap3A_580 = arith.constant 256 : index
            %swap3A_581 = tpu.vector_load %arg7[%swap3A_579, %swap3A_580] {strides = array<i32>} : memref<32x768xf32, #tpu.memory_space<vmem>>, vector<16xf32>,
            tpu.vector_store %arg7[%swap3A_579, %swap3A_580], %broadcast_in_dim3A_578 {strides = array<i32>} : memref<32x768xf32, #tpu.memory_space<vmem>>, vector<16xf32>,
            %broadcast_in_dim3A_582 = arith.constant 0.000000e+00 : f32
            %broadcast_in_dim3A_583 = vector.broadcast %broadcast_in_dim3A_582 : f32 to vector<16xf32>
            %swap3A_584 = arith.index_cast %while3A_497 : i32 to index
            %swap3A_585 = arith.constant 272 : index
            %swap3A_586 = tpu.vector_load %arg7[%swap3A_584, %swap3A_585] {strides = array<i32>} : memref<32x768xf32, #tpu.memory_space<vmem>>, vector<16xf32>,
            tpu.vector_store %arg7[%swap3A_584, %swap3A_585], %broadcast_in_dim3A_583 {strides = array<i32>} : memref<32x768xf32, #tpu.memory_space<vmem>>, vector<16xf32>,
            %broadcast_in_dim3A_587 = arith.constant 0.000000e+00 : f32
            %broadcast_in_dim3A_588 = vector.broadcast %broadcast_in_dim3A_587 : f32 to vector<16xf32>
            %swap3A_589 = arith.index_cast %while3A_497 : i32 to index
            %swap3A_590 = arith.constant 288 : index
            %swap3A_591 = tpu.vector_load %arg7[%swap3A_589, %swap3A_590] {strides = array<i32>} : memref<32x768xf32, #tpu.memory_space<vmem>>, vector<16xf32>,
            tpu.vector_store %arg7[%swap3A_589, %swap3A_590], %broadcast_in_dim3A_588 {strides = array<i32>} : memref<32x768xf32, #tpu.memory_space<vmem>>, vector<16xf32>,
            %broadcast_in_dim3A_592 = arith.constant 0.000000e+00 : f32
            %broadcast_in_dim3A_593 = vector.broadcast %broadcast_in_dim3A_592 : f32 to vector<16xf32>
            %swap3A_594 = arith.index_cast %while3A_497 : i32 to index
            %swap3A_595 = arith.constant 304 : index
            %swap3A_596 = tpu.vector_load %arg7[%swap3A_594, %swap3A_595] {strides = array<i32>} : memref<32x768xf32, #tpu.memory_space<vmem>>, vector<16xf32>,
            tpu.vector_store %arg7[%swap3A_594, %swap3A_595], %broadcast_in_dim3A_593 {strides = array<i32>} : memref<32x768xf32, #tpu.memory_space<vmem>>, vector<16xf32>,
            %broadcast_in_dim3A_597 = arith.constant 0.000000e+00 : f32
            %broadcast_in_dim3A_598 = vector.broadcast %broadcast_in_dim3A_597 : f32 to vector<16xf32>
            %swap3A_599 = arith.index_cast %while3A_497 : i32 to index
            %swap3A_600 = arith.constant 320 : index
            %swap3A_601 = tpu.vector_load %arg7[%swap3A_599, %swap3A_600] {strides = array<i32>} : memref<32x768xf32, #tpu.memory_space<vmem>>, vector<16xf32>,
            tpu.vector_store %arg7[%swap3A_599, %swap3A_600], %broadcast_in_dim3A_598 {strides = array<i32>} : memref<32x768xf32, #tpu.memory_space<vmem>>, vector<16xf32>,
            %broadcast_in_dim3A_602 = arith.constant 0.000000e+00 : f32
            %broadcast_in_dim3A_603 = vector.broadcast %broadcast_in_dim3A_602 : f32 to vector<16xf32>
            %swap3A_604 = arith.index_cast %while3A_497 : i32 to index
            %swap3A_605 = arith.constant 336 : index
            %swap3A_606 = tpu.vector_load %arg7[%swap3A_604, %swap3A_605] {strides = array<i32>} : memref<32x768xf32, #tpu.memory_space<vmem>>, vector<16xf32>,
            tpu.vector_store %arg7[%swap3A_604, %swap3A_605], %broadcast_in_dim3A_603 {strides = array<i32>} : memref<32x768xf32, #tpu.memory_space<vmem>>, vector<16xf32>,
            %broadcast_in_dim3A_607 = arith.constant 0.000000e+00 : f32
            %broadcast_in_dim3A_608 = vector.broadcast %broadcast_in_dim3A_607 : f32 to vector<16xf32>
            %swap3A_609 = arith.index_cast %while3A_497 : i32 to index
            %swap3A_610 = arith.constant 352 : index
            %swap3A_611 = tpu.vector_load %arg7[%swap3A_609, %swap3A_610] {strides = array<i32>} : memref<32x768xf32, #tpu.memory_space<vmem>>, vector<16xf32>,
            tpu.vector_store %arg7[%swap3A_609, %swap3A_610], %broadcast_in_dim3A_608 {strides = array<i32>} : memref<32x768xf32, #tpu.memory_space<vmem>>, vector<16xf32>,
            %broadcast_in_dim3A_612 = arith.constant 0.000000e+00 : f32
            %broadcast_in_dim3A_613 = vector.broadcast %broadcast_in_dim3A_612 : f32 to vector<16xf32>
            %swap3A_614 = arith.index_cast %while3A_497 : i32 to index
            %swap3A_615 = arith.constant 368 : index
            %swap3A_616 = tpu.vector_load %arg7[%swap3A_614, %swap3A_615] {strides = array<i32>} : memref<32x768xf32, #tpu.memory_space<vmem>>, vector<16xf32>,
            tpu.vector_store %arg7[%swap3A_614, %swap3A_615], %broadcast_in_dim3A_613 {strides = array<i32>} : memref<32x768xf32, #tpu.memory_space<vmem>>, vector<16xf32>,
            %broadcast_in_dim3A_617 = arith.constant 0.000000e+00 : f32
            %broadcast_in_dim3A_618 = vector.broadcast %broadcast_in_dim3A_617 : f32 to vector<16xf32>
            %swap3A_619 = arith.index_cast %while3A_497 : i32 to index
            %swap3A_620 = arith.constant 384 : index
            %swap3A_621 = tpu.vector_load %arg7[%swap3A_619, %swap3A_620] {strides = array<i32>} : memref<32x768xf32, #tpu.memory_space<vmem>>, vector<16xf32>,
            tpu.vector_store %arg7[%swap3A_619, %swap3A_620], %broadcast_in_dim3A_618 {strides = array<i32>} : memref<32x768xf32, #tpu.memory_space<vmem>>, vector<16xf32>,
            %broadcast_in_dim3A_622 = arith.constant 0.000000e+00 : f32
            %broadcast_in_dim3A_623 = vector.broadcast %broadcast_in_dim3A_622 : f32 to vector<16xf32>
            %swap3A_624 = arith.index_cast %while3A_497 : i32 to index
            %swap3A_625 = arith.constant 400 : index
            %swap3A_626 = tpu.vector_load %arg7[%swap3A_624, %swap3A_625] {strides = array<i32>} : memref<32x768xf32, #tpu.memory_space<vmem>>, vector<16xf32>,
            tpu.vector_store %arg7[%swap3A_624, %swap3A_625], %broadcast_in_dim3A_623 {strides = array<i32>} : memref<32x768xf32, #tpu.memory_space<vmem>>, vector<16xf32>,
            %broadcast_in_dim3A_627 = arith.constant 0.000000e+00 : f32
            %broadcast_in_dim3A_628 = vector.broadcast %broadcast_in_dim3A_627 : f32 to vector<16xf32>
            %swap3A_629 = arith.index_cast %while3A_497 : i32 to index
            %swap3A_630 = arith.constant 416 : index
            %swap3A_631 = tpu.vector_load %arg7[%swap3A_629, %swap3A_630] {strides = array<i32>} : memref<32x768xf32, #tpu.memory_space<vmem>>, vector<16xf32>,
            tpu.vector_store %arg7[%swap3A_629, %swap3A_630], %broadcast_in_dim3A_628 {strides = array<i32>} : memref<32x768xf32, #tpu.memory_space<vmem>>, vector<16xf32>,
            %broadcast_in_dim3A_632 = arith.constant 0.000000e+00 : f32
            %broadcast_in_dim3A_633 = vector.broadcast %broadcast_in_dim3A_632 : f32 to vector<16xf32>
            %swap3A_634 = arith.index_cast %while3A_497 : i32 to index
            %swap3A_635 = arith.constant 432 : index
            %swap3A_636 = tpu.vector_load %arg7[%swap3A_634, %swap3A_635] {strides = array<i32>} : memref<32x768xf32, #tpu.memory_space<vmem>>, vector<16xf32>,
            tpu.vector_store %arg7[%swap3A_634, %swap3A_635], %broadcast_in_dim3A_633 {strides = array<i32>} : memref<32x768xf32, #tpu.memory_space<vmem>>, vector<16xf32>,
            %broadcast_in_dim3A_637 = arith.constant 0.000000e+00 : f32
            %broadcast_in_dim3A_638 = vector.broadcast %broadcast_in_dim3A_637 : f32 to vector<16xf32>
            %swap3A_639 = arith.index_cast %while3A_497 : i32 to index
            %swap3A_640 = arith.constant 448 : index
            %swap3A_641 = tpu.vector_load %arg7[%swap3A_639, %swap3A_640] {strides = array<i32>} : memref<32x768xf32, #tpu.memory_space<vmem>>, vector<16xf32>,
            tpu.vector_store %arg7[%swap3A_639, %swap3A_640], %broadcast_in_dim3A_638 {strides = array<i32>} : memref<32x768xf32, #tpu.memory_space<vmem>>, vector<16xf32>,
            %broadcast_in_dim3A_642 = arith.constant 0.000000e+00 : f32
            %broadcast_in_dim3A_643 = vector.broadcast %broadcast_in_dim3A_642 : f32 to vector<16xf32>
            %swap3A_644 = arith.index_cast %while3A_497 : i32 to index
            %swap3A_645 = arith.constant 464 : index
            %swap3A_646 = tpu.vector_load %arg7[%swap3A_644, %swap3A_645] {strides = array<i32>} : memref<32x768xf32, #tpu.memory_space<vmem>>, vector<16xf32>,
            tpu.vector_store %arg7[%swap3A_644, %swap3A_645], %broadcast_in_dim3A_643 {strides = array<i32>} : memref<32x768xf32, #tpu.memory_space<vmem>>, vector<16xf32>,
            %broadcast_in_dim3A_647 = arith.constant 0.000000e+00 : f32
            %broadcast_in_dim3A_648 = vector.broadcast %broadcast_in_dim3A_647 : f32 to vector<16xf32>
            %swap3A_649 = arith.index_cast %while3A_497 : i32 to index
            %swap3A_650 = arith.constant 480 : index
            %swap3A_651 = tpu.vector_load %arg7[%swap3A_649, %swap3A_650] {strides = array<i32>} : memref<32x768xf32, #tpu.memory_space<vmem>>, vector<16xf32>,
            tpu.vector_store %arg7[%swap3A_649, %swap3A_650], %broadcast_in_dim3A_648 {strides = array<i32>} : memref<32x768xf32, #tpu.memory_space<vmem>>, vector<16xf32>,
            %broadcast_in_dim3A_652 = arith.constant 0.000000e+00 : f32
            %broadcast_in_dim3A_653 = vector.broadcast %broadcast_in_dim3A_652 : f32 to vector<16xf32>
            %swap3A_654 = arith.index_cast %while3A_497 : i32 to index
            %swap3A_655 = arith.constant 496 : index
            %swap3A_656 = tpu.vector_load %arg7[%swap3A_654, %swap3A_655] {strides = array<i32>} : memref<32x768xf32, #tpu.memory_space<vmem>>, vector<16xf32>,
            tpu.vector_store %arg7[%swap3A_654, %swap3A_655], %broadcast_in_dim3A_653 {strides = array<i32>} : memref<32x768xf32, #tpu.memory_space<vmem>>, vector<16xf32>,
            %broadcast_in_dim3A_657 = arith.constant 0.000000e+00 : f32
            %broadcast_in_dim3A_658 = vector.broadcast %broadcast_in_dim3A_657 : f32 to vector<16xf32>
            %swap3A_659 = arith.index_cast %while3A_497 : i32 to index
            %swap3A_660 = arith.constant 512 : index
            %swap3A_661 = tpu.vector_load %arg7[%swap3A_659, %swap3A_660] {strides = array<i32>} : memref<32x768xf32, #tpu.memory_space<vmem>>, vector<16xf32>,
            tpu.vector_store %arg7[%swap3A_659, %swap3A_660], %broadcast_in_dim3A_658 {strides = array<i32>} : memref<32x768xf32, #tpu.memory_space<vmem>>, vector<16xf32>,
            %broadcast_in_dim3A_662 = arith.constant 0.000000e+00 : f32
            %broadcast_in_dim3A_663 = vector.broadcast %broadcast_in_dim3A_662 : f32 to vector<16xf32>
            %swap3A_664 = arith.index_cast %while3A_497 : i32 to index
            %swap3A_665 = arith.constant 528 : index
            %swap3A_666 = tpu.vector_load %arg7[%swap3A_664, %swap3A_665] {strides = array<i32>} : memref<32x768xf32, #tpu.memory_space<vmem>>, vector<16xf32>,
            tpu.vector_store %arg7[%swap3A_664, %swap3A_665], %broadcast_in_dim3A_663 {strides = array<i32>} : memref<32x768xf32, #tpu.memory_space<vmem>>, vector<16xf32>,
            %broadcast_in_dim3A_667 = arith.constant 0.000000e+00 : f32
            %broadcast_in_dim3A_668 = vector.broadcast %broadcast_in_dim3A_667 : f32 to vector<16xf32>
            %swap3A_669 = arith.index_cast %while3A_497 : i32 to index
            %swap3A_670 = arith.constant 544 : index
            %swap3A_671 = tpu.vector_load %arg7[%swap3A_669, %swap3A_670] {strides = array<i32>} : memref<32x768xf32, #tpu.memory_space<vmem>>, vector<16xf32>,
            tpu.vector_store %arg7[%swap3A_669, %swap3A_670], %broadcast_in_dim3A_668 {strides = array<i32>} : memref<32x768xf32, #tpu.memory_space<vmem>>, vector<16xf32>,
            %broadcast_in_dim3A_672 = arith.constant 0.000000e+00 : f32
            %broadcast_in_dim3A_673 = vector.broadcast %broadcast_in_dim3A_672 : f32 to vector<16xf32>
            %swap3A_674 = arith.index_cast %while3A_497 : i32 to index
            %swap3A_675 = arith.constant 560 : index
            %swap3A_676 = tpu.vector_load %arg7[%swap3A_674, %swap3A_675] {strides = array<i32>} : memref<32x768xf32, #tpu.memory_space<vmem>>, vector<16xf32>,
            tpu.vector_store %arg7[%swap3A_674, %swap3A_675], %broadcast_in_dim3A_673 {strides = array<i32>} : memref<32x768xf32, #tpu.memory_space<vmem>>, vector<16xf32>,
            %broadcast_in_dim3A_677 = arith.constant 0.000000e+00 : f32
            %broadcast_in_dim3A_678 = vector.broadcast %broadcast_in_dim3A_677 : f32 to vector<16xf32>
            %swap3A_679 = arith.index_cast %while3A_497 : i32 to index
            %swap3A_680 = arith.constant 576 : index
            %swap3A_681 = tpu.vector_load %arg7[%swap3A_679, %swap3A_680] {strides = array<i32>} : memref<32x768xf32, #tpu.memory_space<vmem>>, vector<16xf32>,
            tpu.vector_store %arg7[%swap3A_679, %swap3A_680], %broadcast_in_dim3A_678 {strides = array<i32>} : memref<32x768xf32, #tpu.memory_space<vmem>>, vector<16xf32>,
            %broadcast_in_dim3A_682 = arith.constant 0.000000e+00 : f32
            %broadcast_in_dim3A_683 = vector.broadcast %broadcast_in_dim3A_682 : f32 to vector<16xf32>
            %swap3A_684 = arith.index_cast %while3A_497 : i32 to index
            %swap3A_685 = arith.constant 592 : index
            %swap3A_686 = tpu.vector_load %arg7[%swap3A_684, %swap3A_685] {strides = array<i32>} : memref<32x768xf32, #tpu.memory_space<vmem>>, vector<16xf32>,
            tpu.vector_store %arg7[%swap3A_684, %swap3A_685], %broadcast_in_dim3A_683 {strides = array<i32>} : memref<32x768xf32, #tpu.memory_space<vmem>>, vector<16xf32>,
            %broadcast_in_dim3A_687 = arith.constant 0.000000e+00 : f32
            %broadcast_in_dim3A_688 = vector.broadcast %broadcast_in_dim3A_687 : f32 to vector<16xf32>
            %swap3A_689 = arith.index_cast %while3A_497 : i32 to index
            %swap3A_690 = arith.constant 608 : index
            %swap3A_691 = tpu.vector_load %arg7[%swap3A_689, %swap3A_690] {strides = array<i32>} : memref<32x768xf32, #tpu.memory_space<vmem>>, vector<16xf32>,
            tpu.vector_store %arg7[%swap3A_689, %swap3A_690], %broadcast_in_dim3A_688 {strides = array<i32>} : memref<32x768xf32, #tpu.memory_space<vmem>>, vector<16xf32>,
            %broadcast_in_dim3A_692 = arith.constant 0.000000e+00 : f32
            %broadcast_in_dim3A_693 = vector.broadcast %broadcast_in_dim3A_692 : f32 to vector<16xf32>
            %swap3A_694 = arith.index_cast %while3A_497 : i32 to index
            %swap3A_695 = arith.constant 624 : index
            %swap3A_696 = tpu.vector_load %arg7[%swap3A_694, %swap3A_695] {strides = array<i32>} : memref<32x768xf32, #tpu.memory_space<vmem>>, vector<16xf32>,
            tpu.vector_store %arg7[%swap3A_694, %swap3A_695], %broadcast_in_dim3A_693 {strides = array<i32>} : memref<32x768xf32, #tpu.memory_space<vmem>>, vector<16xf32>,
            %broadcast_in_dim3A_697 = arith.constant 0.000000e+00 : f32
            %broadcast_in_dim3A_698 = vector.broadcast %broadcast_in_dim3A_697 : f32 to vector<16xf32>
            %swap3A_699 = arith.index_cast %while3A_497 : i32 to index
            %swap3A_700 = arith.constant 640 : index
            %swap3A_701 = tpu.vector_load %arg7[%swap3A_699, %swap3A_700] {strides = array<i32>} : memref<32x768xf32, #tpu.memory_space<vmem>>, vector<16xf32>,
            tpu.vector_store %arg7[%swap3A_699, %swap3A_700], %broadcast_in_dim3A_698 {strides = array<i32>} : memref<32x768xf32, #tpu.memory_space<vmem>>, vector<16xf32>,
            %broadcast_in_dim3A_702 = arith.constant 0.000000e+00 : f32
            %broadcast_in_dim3A_703 = vector.broadcast %broadcast_in_dim3A_702 : f32 to vector<16xf32>
            %swap3A_704 = arith.index_cast %while3A_497 : i32 to index
            %swap3A_705 = arith.constant 656 : index
            %swap3A_706 = tpu.vector_load %arg7[%swap3A_704, %swap3A_705] {strides = array<i32>} : memref<32x768xf32, #tpu.memory_space<vmem>>, vector<16xf32>,
            tpu.vector_store %arg7[%swap3A_704, %swap3A_705], %broadcast_in_dim3A_703 {strides = array<i32>} : memref<32x768xf32, #tpu.memory_space<vmem>>, vector<16xf32>,
            %broadcast_in_dim3A_707 = arith.constant 0.000000e+00 : f32
            %broadcast_in_dim3A_708 = vector.broadcast %broadcast_in_dim3A_707 : f32 to vector<16xf32>
            %swap3A_709 = arith.index_cast %while3A_497 : i32 to index
            %swap3A_710 = arith.constant 672 : index
            %swap3A_711 = tpu.vector_load %arg7[%swap3A_709, %swap3A_710] {strides = array<i32>} : memref<32x768xf32, #tpu.memory_space<vmem>>, vector<16xf32>,
            tpu.vector_store %arg7[%swap3A_709, %swap3A_710], %broadcast_in_dim3A_708 {strides = array<i32>} : memref<32x768xf32, #tpu.memory_space<vmem>>, vector<16xf32>,
            %broadcast_in_dim3A_712 = arith.constant 0.000000e+00 : f32
            %broadcast_in_dim3A_713 = vector.broadcast %broadcast_in_dim3A_712 : f32 to vector<16xf32>
            %swap3A_714 = arith.index_cast %while3A_497 : i32 to index
            %swap3A_715 = arith.constant 688 : index
            %swap3A_716 = tpu.vector_load %arg7[%swap3A_714, %swap3A_715] {strides = array<i32>} : memref<32x768xf32, #tpu.memory_space<vmem>>, vector<16xf32>,
            tpu.vector_store %arg7[%swap3A_714, %swap3A_715], %broadcast_in_dim3A_713 {strides = array<i32>} : memref<32x768xf32, #tpu.memory_space<vmem>>, vector<16xf32>,
            %broadcast_in_dim3A_717 = arith.constant 0.000000e+00 : f32
            %broadcast_in_dim3A_718 = vector.broadcast %broadcast_in_dim3A_717 : f32 to vector<16xf32>
            %swap3A_719 = arith.index_cast %while3A_497 : i32 to index
            %swap3A_720 = arith.constant 704 : index
            %swap3A_721 = tpu.vector_load %arg7[%swap3A_719, %swap3A_720] {strides = array<i32>} : memref<32x768xf32, #tpu.memory_space<vmem>>, vector<16xf32>,
            tpu.vector_store %arg7[%swap3A_719, %swap3A_720], %broadcast_in_dim3A_718 {strides = array<i32>} : memref<32x768xf32, #tpu.memory_space<vmem>>, vector<16xf32>,
            %broadcast_in_dim3A_722 = arith.constant 0.000000e+00 : f32
            %broadcast_in_dim3A_723 = vector.broadcast %broadcast_in_dim3A_722 : f32 to vector<16xf32>
            %swap3A_724 = arith.index_cast %while3A_497 : i32 to index
            %swap3A_725 = arith.constant 720 : index
            %swap3A_726 = tpu.vector_load %arg7[%swap3A_724, %swap3A_725] {strides = array<i32>} : memref<32x768xf32, #tpu.memory_space<vmem>>, vector<16xf32>,
            tpu.vector_store %arg7[%swap3A_724, %swap3A_725], %broadcast_in_dim3A_723 {strides = array<i32>} : memref<32x768xf32, #tpu.memory_space<vmem>>, vector<16xf32>,
            %broadcast_in_dim3A_727 = arith.constant 0.000000e+00 : f32
            %broadcast_in_dim3A_728 = vector.broadcast %broadcast_in_dim3A_727 : f32 to vector<16xf32>
            %swap3A_729 = arith.index_cast %while3A_497 : i32 to index
            %swap3A_730 = arith.constant 736 : index
            %swap3A_731 = tpu.vector_load %arg7[%swap3A_729, %swap3A_730] {strides = array<i32>} : memref<32x768xf32, #tpu.memory_space<vmem>>, vector<16xf32>,
            tpu.vector_store %arg7[%swap3A_729, %swap3A_730], %broadcast_in_dim3A_728 {strides = array<i32>} : memref<32x768xf32, #tpu.memory_space<vmem>>, vector<16xf32>,
            %broadcast_in_dim3A_732 = arith.constant 0.000000e+00 : f32
            %broadcast_in_dim3A_733 = vector.broadcast %broadcast_in_dim3A_732 : f32 to vector<16xf32>
            %swap3A_734 = arith.index_cast %while3A_497 : i32 to index
            %swap3A_735 = arith.constant 752 : index
            %swap3A_736 = tpu.vector_load %arg7[%swap3A_734, %swap3A_735] {strides = array<i32>} : memref<32x768xf32, #tpu.memory_space<vmem>>, vector<16xf32>,
            tpu.vector_store %arg7[%swap3A_734, %swap3A_735], %broadcast_in_dim3A_733 {strides = array<i32>} : memref<32x768xf32, #tpu.memory_space<vmem>>, vector<16xf32>,
          }
        } else {
        }
        %mul3A_481 = arith.constant 32 : i32
        %mul3A_482 = arith.muli %add3A_473, %mul3A_481 : i32
        %add3A_483 = arith.addi %mul3A_9, %mul3A_482 : i32
        %dma_start3A = arith.constant 0 : i32
        %dma_start3A_484 = tpu.memref_slice %arg4[%add3A_483, %dma_start3A] : memref<32768x768xf32, #tpu.memory_space<hbm>> -> memref<32x768xf32, #tpu.memory_space<hbm>>
        %dma_start3A_485 = arith.constant 0 : i32
        %dma_start3A_486 = tpu.memref_slice %arg4[%add3A_483, %dma_start3A_485] : memref<32768x768xf32, #tpu.memory_space<hbm>> -> memref<32x768xf32, #tpu.memory_space<hbm>>
        tpu.enqueue_dma source(%arg7 : memref<32x768xf32, #tpu.memory_space<vmem>>) target(%dma_start3A_486 : memref<32x768xf32, #tpu.memory_space<hbm>>) target_semaphore(%arg16 : memref<!tpu.dma_semaphore, #tpu.memory_space<semaphore_mem>>)
      } else {
      }
      %add3A_442 = arith.constant 1 : i32
      %add3A_443 = arith.addi %mul3A_435, %add3A_442 : i32
      %lt3A_444 = arith.cmpi slt, %add3A_443, %max3A_98 : i32
      %convert_element_type3A_445 = arith.extui %lt3A_444 : i1 to i32
      %cond3A_446 = arith.constant 0 : i32
      %cond3A_447 = arith.cmpi ne, %convert_element_type3A_445, %cond3A_446 : i32
      scf.if %cond3A_447 {
        %add3A_460 = arith.constant 2 : i32
        %add3A_461 = arith.addi %add3A_443, %add3A_460 : i32
        %lt3A_462 = arith.cmpi slt, %add3A_461, %max3A_98 : i32
        %convert_element_type3A_463 = arith.extui %lt3A_462 : i1 to i32
        %cond3A_464 = arith.constant 0 : i32
        %cond3A_465 = arith.cmpi ne, %convert_element_type3A_463, %cond3A_464 : i32
        scf.if %cond3A_465 {
          %ge3A = arith.constant 2 : i32
          %ge3A_487 = arith.cmpi sge, %add3A_443, %ge3A : i32
          %convert_element_type3A_488 = arith.extui %ge3A_487 : i1 to i32
          %cond3A_489 = arith.constant 0 : i32
          %cond3A_490 = arith.cmpi ne, %convert_element_type3A_488, %cond3A_489 : i32
          scf.if %cond3A_490 {
            %dma_wait3A_502 = arith.constant 0 : i32
            %dma_wait3A_503 = arith.constant 0 : i32
            %dma_wait3A_504 = tpu.memref_slice %arg2[%dma_wait3A_502, %dma_wait3A_503] : memref<32768x768xf32, #tpu.memory_space<hbm>> -> memref<32x768xf32, #tpu.memory_space<hbm>>
            %dma_wait3A_505 = arith.constant 0 : i32
            %dma_wait3A_506 = arith.constant 0 : i32
            %dma_wait3A_507 = tpu.memref_slice %arg2[%dma_wait3A_505, %dma_wait3A_506] : memref<32768x768xf32, #tpu.memory_space<hbm>> -> memref<32x768xf32, #tpu.memory_space<hbm>>
            tpu.wait_dma2 semaphore(%arg19 : memref<!tpu.dma_semaphore, #tpu.memory_space<semaphore_mem>>) src(%dma_wait3A_507 : memref<32x768xf32, #tpu.memory_space<hbm>>) dst(%arg10 : memref<32x768xf32, #tpu.memory_space<vmem>>)
          } else {
          }
          %add3A_491 = arith.constant 2 : i32
          %add3A_492 = arith.addi %add3A_443, %add3A_491 : i32
          %mul3A_493 = arith.constant 2 : i32
          %mul3A_494 = arith.muli %mul3A_493, %add3A_492 : i32
          %add3A_495 = arith.addi %select_n3A_8, %mul3A_494 : i32
          %mul3A_496 = arith.constant 32 : i32
          %mul3A_497 = arith.muli %add3A_495, %mul3A_496 : i32
          %dma_start3A_498 = tpu.memref_slice %arg6[%mul3A_497] : memref<2048xi32, #tpu.memory_space<vmem>> -> memref<32xi32, #tpu.memory_space<vmem>>
          %dma_start3A_499 = arith.constant 0 : i32
          %dma_start3A_500 = arith.constant 0 : i32
          %dma_start3A_501 = tpu.memref_slice %arg2[%dma_start3A_499, %dma_start3A_500] : memref<32768x768xf32, #tpu.memory_space<hbm>> -> memref<32768x768xf32, #tpu.memory_space<hbm>>
          tpu.enqueue_indirect_dma source(%dma_start3A_501 : memref<32768x768xf32, #tpu.memory_space<hbm>>) target(%arg10 : memref<32x768xf32, #tpu.memory_space<vmem>>) offsets(%dma_start3A_498 : memref<32xi32, #tpu.memory_space<vmem>>) semaphore(%arg15 : memref<!tpu.dma_semaphore, #tpu.memory_space<semaphore_mem>>)
        } else {
        }
        %dma_wait3A = arith.constant 0 : i32
        %dma_wait3A_466 = arith.constant 0 : i32
        %dma_wait3A_467 = tpu.memref_slice %arg2[%dma_wait3A, %dma_wait3A_466] : memref<32768x768xf32, #tpu.memory_space<hbm>> -> memref<32x768xf32, #tpu.memory_space<hbm>>
        %dma_wait3A_468 = arith.constant 0 : i32
        %dma_wait3A_469 = arith.constant 0 : i32
        %dma_wait3A_470 = tpu.memref_slice %arg2[%dma_wait3A_468, %dma_wait3A_469] : memref<32768x768xf32, #tpu.memory_space<hbm>> -> memref<32x768xf32, #tpu.memory_space<hbm>>
        tpu.wait_dma2 semaphore(%arg13 : memref<!tpu.dma_semaphore, #tpu.memory_space<semaphore_mem>>) src(%dma_wait3A_470 : memref<32x768xf32, #tpu.memory_space<hbm>>) dst(%arg8 : memref<32x768xf32, #tpu.memory_space<vmem>>)
        %mul3A_471 = arith.constant 2 : i32
        %mul3A_472 = arith.muli %mul3A_471, %add3A_443 : i32
        %add3A_473 = arith.addi %select_n3A_8, %mul3A_472 : i32
        %eq3A_474 = arith.cmpi eq, %add3A_473, %select_n3A_39 : i32
        %gt3A_475 = arith.constant 0 : i32
        %gt3A_476 = arith.cmpi sgt, %sub3A_42, %gt3A_475 : i32
        %and3A_477 = arith.andi %eq3A_474, %gt3A_476 : i1
        %convert_element_type3A_478 = arith.extui %and3A_477 : i1 to i32
        %cond3A_479 = arith.constant 0 : i32
        %cond3A_480 = arith.cmpi ne, %convert_element_type3A_478, %cond3A_479 : i32
        scf.if %cond3A_480 {
          %while3A_487 = arith.constant 0 : i32
          %while3A_488 = arith.constant 32 : i32
          %while3A_489 = arith.subi %while3A_488, %sub3A_42 : i32
          %while3A_490 = arith.addi %sub3A_42, %while3A_489 : i32
          %while3A_491 = arith.constant 1 : i32
          %while3A_492 = arith.divsi %while3A_489, %while3A_491 : i32
          %while3A_493 = arith.muli %while3A_492, %while3A_491 : i32
          %while3A_494 = arith.addi %sub3A_42, %while3A_493 : i32
          %while3A_495 = arith.constant 1 : i32
          scf.for %while3A_497 = %sub3A_42 to %while3A_494 step %while3A_495  : i32 {
            %broadcast_in_dim3A_498 = arith.constant 0.000000e+00 : f32
            %broadcast_in_dim3A_499 = vector.broadcast %broadcast_in_dim3A_498 : f32 to vector<16xf32>
            %swap3A = arith.index_cast %while3A_497 : i32 to index
            %swap3A_500 = arith.constant 0 : index
            %swap3A_501 = tpu.vector_load %arg8[%swap3A, %swap3A_500] {strides = array<i32>} : memref<32x768xf32, #tpu.memory_space<vmem>>, vector<16xf32>,
            tpu.vector_store %arg8[%swap3A, %swap3A_500], %broadcast_in_dim3A_499 {strides = array<i32>} : memref<32x768xf32, #tpu.memory_space<vmem>>, vector<16xf32>,
            %broadcast_in_dim3A_502 = arith.constant 0.000000e+00 : f32
            %broadcast_in_dim3A_503 = vector.broadcast %broadcast_in_dim3A_502 : f32 to vector<16xf32>
            %swap3A_504 = arith.index_cast %while3A_497 : i32 to index
            %swap3A_505 = arith.constant 16 : index
            %swap3A_506 = tpu.vector_load %arg8[%swap3A_504, %swap3A_505] {strides = array<i32>} : memref<32x768xf32, #tpu.memory_space<vmem>>, vector<16xf32>,
            tpu.vector_store %arg8[%swap3A_504, %swap3A_505], %broadcast_in_dim3A_503 {strides = array<i32>} : memref<32x768xf32, #tpu.memory_space<vmem>>, vector<16xf32>,
            %broadcast_in_dim3A_507 = arith.constant 0.000000e+00 : f32
            %broadcast_in_dim3A_508 = vector.broadcast %broadcast_in_dim3A_507 : f32 to vector<16xf32>
            %swap3A_509 = arith.index_cast %while3A_497 : i32 to index
            %swap3A_510 = arith.constant 32 : index
            %swap3A_511 = tpu.vector_load %arg8[%swap3A_509, %swap3A_510] {strides = array<i32>} : memref<32x768xf32, #tpu.memory_space<vmem>>, vector<16xf32>,
            tpu.vector_store %arg8[%swap3A_509, %swap3A_510], %broadcast_in_dim3A_508 {strides = array<i32>} : memref<32x768xf32, #tpu.memory_space<vmem>>, vector<16xf32>,
            %broadcast_in_dim3A_512 = arith.constant 0.000000e+00 : f32
            %broadcast_in_dim3A_513 = vector.broadcast %broadcast_in_dim3A_512 : f32 to vector<16xf32>
            %swap3A_514 = arith.index_cast %while3A_497 : i32 to index
            %swap3A_515 = arith.constant 48 : index
            %swap3A_516 = tpu.vector_load %arg8[%swap3A_514, %swap3A_515] {strides = array<i32>} : memref<32x768xf32, #tpu.memory_space<vmem>>, vector<16xf32>,
            tpu.vector_store %arg8[%swap3A_514, %swap3A_515], %broadcast_in_dim3A_513 {strides = array<i32>} : memref<32x768xf32, #tpu.memory_space<vmem>>, vector<16xf32>,
            %broadcast_in_dim3A_517 = arith.constant 0.000000e+00 : f32
            %broadcast_in_dim3A_518 = vector.broadcast %broadcast_in_dim3A_517 : f32 to vector<16xf32>
            %swap3A_519 = arith.index_cast %while3A_497 : i32 to index
            %swap3A_520 = arith.constant 64 : index
            %swap3A_521 = tpu.vector_load %arg8[%swap3A_519, %swap3A_520] {strides = array<i32>} : memref<32x768xf32, #tpu.memory_space<vmem>>, vector<16xf32>,
            tpu.vector_store %arg8[%swap3A_519, %swap3A_520], %broadcast_in_dim3A_518 {strides = array<i32>} : memref<32x768xf32, #tpu.memory_space<vmem>>, vector<16xf32>,
            %broadcast_in_dim3A_522 = arith.constant 0.000000e+00 : f32
            %broadcast_in_dim3A_523 = vector.broadcast %broadcast_in_dim3A_522 : f32 to vector<16xf32>
            %swap3A_524 = arith.index_cast %while3A_497 : i32 to index
            %swap3A_525 = arith.constant 80 : index
            %swap3A_526 = tpu.vector_load %arg8[%swap3A_524, %swap3A_525] {strides = array<i32>} : memref<32x768xf32, #tpu.memory_space<vmem>>, vector<16xf32>,
            tpu.vector_store %arg8[%swap3A_524, %swap3A_525], %broadcast_in_dim3A_523 {strides = array<i32>} : memref<32x768xf32, #tpu.memory_space<vmem>>, vector<16xf32>,
            %broadcast_in_dim3A_527 = arith.constant 0.000000e+00 : f32
            %broadcast_in_dim3A_528 = vector.broadcast %broadcast_in_dim3A_527 : f32 to vector<16xf32>
            %swap3A_529 = arith.index_cast %while3A_497 : i32 to index
            %swap3A_530 = arith.constant 96 : index
            %swap3A_531 = tpu.vector_load %arg8[%swap3A_529, %swap3A_530] {strides = array<i32>} : memref<32x768xf32, #tpu.memory_space<vmem>>, vector<16xf32>,
            tpu.vector_store %arg8[%swap3A_529, %swap3A_530], %broadcast_in_dim3A_528 {strides = array<i32>} : memref<32x768xf32, #tpu.memory_space<vmem>>, vector<16xf32>,
            %broadcast_in_dim3A_532 = arith.constant 0.000000e+00 : f32
            %broadcast_in_dim3A_533 = vector.broadcast %broadcast_in_dim3A_532 : f32 to vector<16xf32>
            %swap3A_534 = arith.index_cast %while3A_497 : i32 to index
            %swap3A_535 = arith.constant 112 : index
            %swap3A_536 = tpu.vector_load %arg8[%swap3A_534, %swap3A_535] {strides = array<i32>} : memref<32x768xf32, #tpu.memory_space<vmem>>, vector<16xf32>,
            tpu.vector_store %arg8[%swap3A_534, %swap3A_535], %broadcast_in_dim3A_533 {strides = array<i32>} : memref<32x768xf32, #tpu.memory_space<vmem>>, vector<16xf32>,
            %broadcast_in_dim3A_537 = arith.constant 0.000000e+00 : f32
            %broadcast_in_dim3A_538 = vector.broadcast %broadcast_in_dim3A_537 : f32 to vector<16xf32>
            %swap3A_539 = arith.index_cast %while3A_497 : i32 to index
            %swap3A_540 = arith.constant 128 : index
            %swap3A_541 = tpu.vector_load %arg8[%swap3A_539, %swap3A_540] {strides = array<i32>} : memref<32x768xf32, #tpu.memory_space<vmem>>, vector<16xf32>,
            tpu.vector_store %arg8[%swap3A_539, %swap3A_540], %broadcast_in_dim3A_538 {strides = array<i32>} : memref<32x768xf32, #tpu.memory_space<vmem>>, vector<16xf32>,
            %broadcast_in_dim3A_542 = arith.constant 0.000000e+00 : f32
            %broadcast_in_dim3A_543 = vector.broadcast %broadcast_in_dim3A_542 : f32 to vector<16xf32>
            %swap3A_544 = arith.index_cast %while3A_497 : i32 to index
            %swap3A_545 = arith.constant 144 : index
            %swap3A_546 = tpu.vector_load %arg8[%swap3A_544, %swap3A_545] {strides = array<i32>} : memref<32x768xf32, #tpu.memory_space<vmem>>, vector<16xf32>,
            tpu.vector_store %arg8[%swap3A_544, %swap3A_545], %broadcast_in_dim3A_543 {strides = array<i32>} : memref<32x768xf32, #tpu.memory_space<vmem>>, vector<16xf32>,
            %broadcast_in_dim3A_547 = arith.constant 0.000000e+00 : f32
            %broadcast_in_dim3A_548 = vector.broadcast %broadcast_in_dim3A_547 : f32 to vector<16xf32>
            %swap3A_549 = arith.index_cast %while3A_497 : i32 to index
            %swap3A_550 = arith.constant 160 : index
            %swap3A_551 = tpu.vector_load %arg8[%swap3A_549, %swap3A_550] {strides = array<i32>} : memref<32x768xf32, #tpu.memory_space<vmem>>, vector<16xf32>,
            tpu.vector_store %arg8[%swap3A_549, %swap3A_550], %broadcast_in_dim3A_548 {strides = array<i32>} : memref<32x768xf32, #tpu.memory_space<vmem>>, vector<16xf32>,
            %broadcast_in_dim3A_552 = arith.constant 0.000000e+00 : f32
            %broadcast_in_dim3A_553 = vector.broadcast %broadcast_in_dim3A_552 : f32 to vector<16xf32>
            %swap3A_554 = arith.index_cast %while3A_497 : i32 to index
            %swap3A_555 = arith.constant 176 : index
            %swap3A_556 = tpu.vector_load %arg8[%swap3A_554, %swap3A_555] {strides = array<i32>} : memref<32x768xf32, #tpu.memory_space<vmem>>, vector<16xf32>,
            tpu.vector_store %arg8[%swap3A_554, %swap3A_555], %broadcast_in_dim3A_553 {strides = array<i32>} : memref<32x768xf32, #tpu.memory_space<vmem>>, vector<16xf32>,
            %broadcast_in_dim3A_557 = arith.constant 0.000000e+00 : f32
            %broadcast_in_dim3A_558 = vector.broadcast %broadcast_in_dim3A_557 : f32 to vector<16xf32>
            %swap3A_559 = arith.index_cast %while3A_497 : i32 to index
            %swap3A_560 = arith.constant 192 : index
            %swap3A_561 = tpu.vector_load %arg8[%swap3A_559, %swap3A_560] {strides = array<i32>} : memref<32x768xf32, #tpu.memory_space<vmem>>, vector<16xf32>,
            tpu.vector_store %arg8[%swap3A_559, %swap3A_560], %broadcast_in_dim3A_558 {strides = array<i32>} : memref<32x768xf32, #tpu.memory_space<vmem>>, vector<16xf32>,
            %broadcast_in_dim3A_562 = arith.constant 0.000000e+00 : f32
            %broadcast_in_dim3A_563 = vector.broadcast %broadcast_in_dim3A_562 : f32 to vector<16xf32>
            %swap3A_564 = arith.index_cast %while3A_497 : i32 to index
            %swap3A_565 = arith.constant 208 : index
            %swap3A_566 = tpu.vector_load %arg8[%swap3A_564, %swap3A_565] {strides = array<i32>} : memref<32x768xf32, #tpu.memory_space<vmem>>, vector<16xf32>,
            tpu.vector_store %arg8[%swap3A_564, %swap3A_565], %broadcast_in_dim3A_563 {strides = array<i32>} : memref<32x768xf32, #tpu.memory_space<vmem>>, vector<16xf32>,
            %broadcast_in_dim3A_567 = arith.constant 0.000000e+00 : f32
            %broadcast_in_dim3A_568 = vector.broadcast %broadcast_in_dim3A_567 : f32 to vector<16xf32>
            %swap3A_569 = arith.index_cast %while3A_497 : i32 to index
            %swap3A_570 = arith.constant 224 : index
            %swap3A_571 = tpu.vector_load %arg8[%swap3A_569, %swap3A_570] {strides = array<i32>} : memref<32x768xf32, #tpu.memory_space<vmem>>, vector<16xf32>,
            tpu.vector_store %arg8[%swap3A_569, %swap3A_570], %broadcast_in_dim3A_568 {strides = array<i32>} : memref<32x768xf32, #tpu.memory_space<vmem>>, vector<16xf32>,
            %broadcast_in_dim3A_572 = arith.constant 0.000000e+00 : f32
            %broadcast_in_dim3A_573 = vector.broadcast %broadcast_in_dim3A_572 : f32 to vector<16xf32>
            %swap3A_574 = arith.index_cast %while3A_497 : i32 to index
            %swap3A_575 = arith.constant 240 : index
            %swap3A_576 = tpu.vector_load %arg8[%swap3A_574, %swap3A_575] {strides = array<i32>} : memref<32x768xf32, #tpu.memory_space<vmem>>, vector<16xf32>,
            tpu.vector_store %arg8[%swap3A_574, %swap3A_575], %broadcast_in_dim3A_573 {strides = array<i32>} : memref<32x768xf32, #tpu.memory_space<vmem>>, vector<16xf32>,
            %broadcast_in_dim3A_577 = arith.constant 0.000000e+00 : f32
            %broadcast_in_dim3A_578 = vector.broadcast %broadcast_in_dim3A_577 : f32 to vector<16xf32>
            %swap3A_579 = arith.index_cast %while3A_497 : i32 to index
            %swap3A_580 = arith.constant 256 : index
            %swap3A_581 = tpu.vector_load %arg8[%swap3A_579, %swap3A_580] {strides = array<i32>} : memref<32x768xf32, #tpu.memory_space<vmem>>, vector<16xf32>,
            tpu.vector_store %arg8[%swap3A_579, %swap3A_580], %broadcast_in_dim3A_578 {strides = array<i32>} : memref<32x768xf32, #tpu.memory_space<vmem>>, vector<16xf32>,
            %broadcast_in_dim3A_582 = arith.constant 0.000000e+00 : f32
            %broadcast_in_dim3A_583 = vector.broadcast %broadcast_in_dim3A_582 : f32 to vector<16xf32>
            %swap3A_584 = arith.index_cast %while3A_497 : i32 to index
            %swap3A_585 = arith.constant 272 : index
            %swap3A_586 = tpu.vector_load %arg8[%swap3A_584, %swap3A_585] {strides = array<i32>} : memref<32x768xf32, #tpu.memory_space<vmem>>, vector<16xf32>,
            tpu.vector_store %arg8[%swap3A_584, %swap3A_585], %broadcast_in_dim3A_583 {strides = array<i32>} : memref<32x768xf32, #tpu.memory_space<vmem>>, vector<16xf32>,
            %broadcast_in_dim3A_587 = arith.constant 0.000000e+00 : f32
            %broadcast_in_dim3A_588 = vector.broadcast %broadcast_in_dim3A_587 : f32 to vector<16xf32>
            %swap3A_589 = arith.index_cast %while3A_497 : i32 to index
            %swap3A_590 = arith.constant 288 : index
            %swap3A_591 = tpu.vector_load %arg8[%swap3A_589, %swap3A_590] {strides = array<i32>} : memref<32x768xf32, #tpu.memory_space<vmem>>, vector<16xf32>,
            tpu.vector_store %arg8[%swap3A_589, %swap3A_590], %broadcast_in_dim3A_588 {strides = array<i32>} : memref<32x768xf32, #tpu.memory_space<vmem>>, vector<16xf32>,
            %broadcast_in_dim3A_592 = arith.constant 0.000000e+00 : f32
            %broadcast_in_dim3A_593 = vector.broadcast %broadcast_in_dim3A_592 : f32 to vector<16xf32>
            %swap3A_594 = arith.index_cast %while3A_497 : i32 to index
            %swap3A_595 = arith.constant 304 : index
            %swap3A_596 = tpu.vector_load %arg8[%swap3A_594, %swap3A_595] {strides = array<i32>} : memref<32x768xf32, #tpu.memory_space<vmem>>, vector<16xf32>,
            tpu.vector_store %arg8[%swap3A_594, %swap3A_595], %broadcast_in_dim3A_593 {strides = array<i32>} : memref<32x768xf32, #tpu.memory_space<vmem>>, vector<16xf32>,
            %broadcast_in_dim3A_597 = arith.constant 0.000000e+00 : f32
            %broadcast_in_dim3A_598 = vector.broadcast %broadcast_in_dim3A_597 : f32 to vector<16xf32>
            %swap3A_599 = arith.index_cast %while3A_497 : i32 to index
            %swap3A_600 = arith.constant 320 : index
            %swap3A_601 = tpu.vector_load %arg8[%swap3A_599, %swap3A_600] {strides = array<i32>} : memref<32x768xf32, #tpu.memory_space<vmem>>, vector<16xf32>,
            tpu.vector_store %arg8[%swap3A_599, %swap3A_600], %broadcast_in_dim3A_598 {strides = array<i32>} : memref<32x768xf32, #tpu.memory_space<vmem>>, vector<16xf32>,
            %broadcast_in_dim3A_602 = arith.constant 0.000000e+00 : f32
            %broadcast_in_dim3A_603 = vector.broadcast %broadcast_in_dim3A_602 : f32 to vector<16xf32>
            %swap3A_604 = arith.index_cast %while3A_497 : i32 to index
            %swap3A_605 = arith.constant 336 : index
            %swap3A_606 = tpu.vector_load %arg8[%swap3A_604, %swap3A_605] {strides = array<i32>} : memref<32x768xf32, #tpu.memory_space<vmem>>, vector<16xf32>,
            tpu.vector_store %arg8[%swap3A_604, %swap3A_605], %broadcast_in_dim3A_603 {strides = array<i32>} : memref<32x768xf32, #tpu.memory_space<vmem>>, vector<16xf32>,
            %broadcast_in_dim3A_607 = arith.constant 0.000000e+00 : f32
            %broadcast_in_dim3A_608 = vector.broadcast %broadcast_in_dim3A_607 : f32 to vector<16xf32>
            %swap3A_609 = arith.index_cast %while3A_497 : i32 to index
            %swap3A_610 = arith.constant 352 : index
            %swap3A_611 = tpu.vector_load %arg8[%swap3A_609, %swap3A_610] {strides = array<i32>} : memref<32x768xf32, #tpu.memory_space<vmem>>, vector<16xf32>,
            tpu.vector_store %arg8[%swap3A_609, %swap3A_610], %broadcast_in_dim3A_608 {strides = array<i32>} : memref<32x768xf32, #tpu.memory_space<vmem>>, vector<16xf32>,
            %broadcast_in_dim3A_612 = arith.constant 0.000000e+00 : f32
            %broadcast_in_dim3A_613 = vector.broadcast %broadcast_in_dim3A_612 : f32 to vector<16xf32>
            %swap3A_614 = arith.index_cast %while3A_497 : i32 to index
            %swap3A_615 = arith.constant 368 : index
            %swap3A_616 = tpu.vector_load %arg8[%swap3A_614, %swap3A_615] {strides = array<i32>} : memref<32x768xf32, #tpu.memory_space<vmem>>, vector<16xf32>,
            tpu.vector_store %arg8[%swap3A_614, %swap3A_615], %broadcast_in_dim3A_613 {strides = array<i32>} : memref<32x768xf32, #tpu.memory_space<vmem>>, vector<16xf32>,
            %broadcast_in_dim3A_617 = arith.constant 0.000000e+00 : f32
            %broadcast_in_dim3A_618 = vector.broadcast %broadcast_in_dim3A_617 : f32 to vector<16xf32>
            %swap3A_619 = arith.index_cast %while3A_497 : i32 to index
            %swap3A_620 = arith.constant 384 : index
            %swap3A_621 = tpu.vector_load %arg8[%swap3A_619, %swap3A_620] {strides = array<i32>} : memref<32x768xf32, #tpu.memory_space<vmem>>, vector<16xf32>,
            tpu.vector_store %arg8[%swap3A_619, %swap3A_620], %broadcast_in_dim3A_618 {strides = array<i32>} : memref<32x768xf32, #tpu.memory_space<vmem>>, vector<16xf32>,
            %broadcast_in_dim3A_622 = arith.constant 0.000000e+00 : f32
            %broadcast_in_dim3A_623 = vector.broadcast %broadcast_in_dim3A_622 : f32 to vector<16xf32>
            %swap3A_624 = arith.index_cast %while3A_497 : i32 to index
            %swap3A_625 = arith.constant 400 : index
            %swap3A_626 = tpu.vector_load %arg8[%swap3A_624, %swap3A_625] {strides = array<i32>} : memref<32x768xf32, #tpu.memory_space<vmem>>, vector<16xf32>,
            tpu.vector_store %arg8[%swap3A_624, %swap3A_625], %broadcast_in_dim3A_623 {strides = array<i32>} : memref<32x768xf32, #tpu.memory_space<vmem>>, vector<16xf32>,
            %broadcast_in_dim3A_627 = arith.constant 0.000000e+00 : f32
            %broadcast_in_dim3A_628 = vector.broadcast %broadcast_in_dim3A_627 : f32 to vector<16xf32>
            %swap3A_629 = arith.index_cast %while3A_497 : i32 to index
            %swap3A_630 = arith.constant 416 : index
            %swap3A_631 = tpu.vector_load %arg8[%swap3A_629, %swap3A_630] {strides = array<i32>} : memref<32x768xf32, #tpu.memory_space<vmem>>, vector<16xf32>,
            tpu.vector_store %arg8[%swap3A_629, %swap3A_630], %broadcast_in_dim3A_628 {strides = array<i32>} : memref<32x768xf32, #tpu.memory_space<vmem>>, vector<16xf32>,
            %broadcast_in_dim3A_632 = arith.constant 0.000000e+00 : f32
            %broadcast_in_dim3A_633 = vector.broadcast %broadcast_in_dim3A_632 : f32 to vector<16xf32>
            %swap3A_634 = arith.index_cast %while3A_497 : i32 to index
            %swap3A_635 = arith.constant 432 : index
            %swap3A_636 = tpu.vector_load %arg8[%swap3A_634, %swap3A_635] {strides = array<i32>} : memref<32x768xf32, #tpu.memory_space<vmem>>, vector<16xf32>,
            tpu.vector_store %arg8[%swap3A_634, %swap3A_635], %broadcast_in_dim3A_633 {strides = array<i32>} : memref<32x768xf32, #tpu.memory_space<vmem>>, vector<16xf32>,
            %broadcast_in_dim3A_637 = arith.constant 0.000000e+00 : f32
            %broadcast_in_dim3A_638 = vector.broadcast %broadcast_in_dim3A_637 : f32 to vector<16xf32>
            %swap3A_639 = arith.index_cast %while3A_497 : i32 to index
            %swap3A_640 = arith.constant 448 : index
            %swap3A_641 = tpu.vector_load %arg8[%swap3A_639, %swap3A_640] {strides = array<i32>} : memref<32x768xf32, #tpu.memory_space<vmem>>, vector<16xf32>,
            tpu.vector_store %arg8[%swap3A_639, %swap3A_640], %broadcast_in_dim3A_638 {strides = array<i32>} : memref<32x768xf32, #tpu.memory_space<vmem>>, vector<16xf32>,
            %broadcast_in_dim3A_642 = arith.constant 0.000000e+00 : f32
            %broadcast_in_dim3A_643 = vector.broadcast %broadcast_in_dim3A_642 : f32 to vector<16xf32>
            %swap3A_644 = arith.index_cast %while3A_497 : i32 to index
            %swap3A_645 = arith.constant 464 : index
            %swap3A_646 = tpu.vector_load %arg8[%swap3A_644, %swap3A_645] {strides = array<i32>} : memref<32x768xf32, #tpu.memory_space<vmem>>, vector<16xf32>,
            tpu.vector_store %arg8[%swap3A_644, %swap3A_645], %broadcast_in_dim3A_643 {strides = array<i32>} : memref<32x768xf32, #tpu.memory_space<vmem>>, vector<16xf32>,
            %broadcast_in_dim3A_647 = arith.constant 0.000000e+00 : f32
            %broadcast_in_dim3A_648 = vector.broadcast %broadcast_in_dim3A_647 : f32 to vector<16xf32>
            %swap3A_649 = arith.index_cast %while3A_497 : i32 to index
            %swap3A_650 = arith.constant 480 : index
            %swap3A_651 = tpu.vector_load %arg8[%swap3A_649, %swap3A_650] {strides = array<i32>} : memref<32x768xf32, #tpu.memory_space<vmem>>, vector<16xf32>,
            tpu.vector_store %arg8[%swap3A_649, %swap3A_650], %broadcast_in_dim3A_648 {strides = array<i32>} : memref<32x768xf32, #tpu.memory_space<vmem>>, vector<16xf32>,
            %broadcast_in_dim3A_652 = arith.constant 0.000000e+00 : f32
            %broadcast_in_dim3A_653 = vector.broadcast %broadcast_in_dim3A_652 : f32 to vector<16xf32>
            %swap3A_654 = arith.index_cast %while3A_497 : i32 to index
            %swap3A_655 = arith.constant 496 : index
            %swap3A_656 = tpu.vector_load %arg8[%swap3A_654, %swap3A_655] {strides = array<i32>} : memref<32x768xf32, #tpu.memory_space<vmem>>, vector<16xf32>,
            tpu.vector_store %arg8[%swap3A_654, %swap3A_655], %broadcast_in_dim3A_653 {strides = array<i32>} : memref<32x768xf32, #tpu.memory_space<vmem>>, vector<16xf32>,
            %broadcast_in_dim3A_657 = arith.constant 0.000000e+00 : f32
            %broadcast_in_dim3A_658 = vector.broadcast %broadcast_in_dim3A_657 : f32 to vector<16xf32>
            %swap3A_659 = arith.index_cast %while3A_497 : i32 to index
            %swap3A_660 = arith.constant 512 : index
            %swap3A_661 = tpu.vector_load %arg8[%swap3A_659, %swap3A_660] {strides = array<i32>} : memref<32x768xf32, #tpu.memory_space<vmem>>, vector<16xf32>,
            tpu.vector_store %arg8[%swap3A_659, %swap3A_660], %broadcast_in_dim3A_658 {strides = array<i32>} : memref<32x768xf32, #tpu.memory_space<vmem>>, vector<16xf32>,
            %broadcast_in_dim3A_662 = arith.constant 0.000000e+00 : f32
            %broadcast_in_dim3A_663 = vector.broadcast %broadcast_in_dim3A_662 : f32 to vector<16xf32>
            %swap3A_664 = arith.index_cast %while3A_497 : i32 to index
            %swap3A_665 = arith.constant 528 : index
            %swap3A_666 = tpu.vector_load %arg8[%swap3A_664, %swap3A_665] {strides = array<i32>} : memref<32x768xf32, #tpu.memory_space<vmem>>, vector<16xf32>,
            tpu.vector_store %arg8[%swap3A_664, %swap3A_665], %broadcast_in_dim3A_663 {strides = array<i32>} : memref<32x768xf32, #tpu.memory_space<vmem>>, vector<16xf32>,
            %broadcast_in_dim3A_667 = arith.constant 0.000000e+00 : f32
            %broadcast_in_dim3A_668 = vector.broadcast %broadcast_in_dim3A_667 : f32 to vector<16xf32>
            %swap3A_669 = arith.index_cast %while3A_497 : i32 to index
            %swap3A_670 = arith.constant 544 : index
            %swap3A_671 = tpu.vector_load %arg8[%swap3A_669, %swap3A_670] {strides = array<i32>} : memref<32x768xf32, #tpu.memory_space<vmem>>, vector<16xf32>,
            tpu.vector_store %arg8[%swap3A_669, %swap3A_670], %broadcast_in_dim3A_668 {strides = array<i32>} : memref<32x768xf32, #tpu.memory_space<vmem>>, vector<16xf32>,
            %broadcast_in_dim3A_672 = arith.constant 0.000000e+00 : f32
            %broadcast_in_dim3A_673 = vector.broadcast %broadcast_in_dim3A_672 : f32 to vector<16xf32>
            %swap3A_674 = arith.index_cast %while3A_497 : i32 to index
            %swap3A_675 = arith.constant 560 : index
            %swap3A_676 = tpu.vector_load %arg8[%swap3A_674, %swap3A_675] {strides = array<i32>} : memref<32x768xf32, #tpu.memory_space<vmem>>, vector<16xf32>,
            tpu.vector_store %arg8[%swap3A_674, %swap3A_675], %broadcast_in_dim3A_673 {strides = array<i32>} : memref<32x768xf32, #tpu.memory_space<vmem>>, vector<16xf32>,
            %broadcast_in_dim3A_677 = arith.constant 0.000000e+00 : f32
            %broadcast_in_dim3A_678 = vector.broadcast %broadcast_in_dim3A_677 : f32 to vector<16xf32>
            %swap3A_679 = arith.index_cast %while3A_497 : i32 to index
            %swap3A_680 = arith.constant 576 : index
            %swap3A_681 = tpu.vector_load %arg8[%swap3A_679, %swap3A_680] {strides = array<i32>} : memref<32x768xf32, #tpu.memory_space<vmem>>, vector<16xf32>,
            tpu.vector_store %arg8[%swap3A_679, %swap3A_680], %broadcast_in_dim3A_678 {strides = array<i32>} : memref<32x768xf32, #tpu.memory_space<vmem>>, vector<16xf32>,
            %broadcast_in_dim3A_682 = arith.constant 0.000000e+00 : f32
            %broadcast_in_dim3A_683 = vector.broadcast %broadcast_in_dim3A_682 : f32 to vector<16xf32>
            %swap3A_684 = arith.index_cast %while3A_497 : i32 to index
            %swap3A_685 = arith.constant 592 : index
            %swap3A_686 = tpu.vector_load %arg8[%swap3A_684, %swap3A_685] {strides = array<i32>} : memref<32x768xf32, #tpu.memory_space<vmem>>, vector<16xf32>,
            tpu.vector_store %arg8[%swap3A_684, %swap3A_685], %broadcast_in_dim3A_683 {strides = array<i32>} : memref<32x768xf32, #tpu.memory_space<vmem>>, vector<16xf32>,
            %broadcast_in_dim3A_687 = arith.constant 0.000000e+00 : f32
            %broadcast_in_dim3A_688 = vector.broadcast %broadcast_in_dim3A_687 : f32 to vector<16xf32>
            %swap3A_689 = arith.index_cast %while3A_497 : i32 to index
            %swap3A_690 = arith.constant 608 : index
            %swap3A_691 = tpu.vector_load %arg8[%swap3A_689, %swap3A_690] {strides = array<i32>} : memref<32x768xf32, #tpu.memory_space<vmem>>, vector<16xf32>,
            tpu.vector_store %arg8[%swap3A_689, %swap3A_690], %broadcast_in_dim3A_688 {strides = array<i32>} : memref<32x768xf32, #tpu.memory_space<vmem>>, vector<16xf32>,
            %broadcast_in_dim3A_692 = arith.constant 0.000000e+00 : f32
            %broadcast_in_dim3A_693 = vector.broadcast %broadcast_in_dim3A_692 : f32 to vector<16xf32>
            %swap3A_694 = arith.index_cast %while3A_497 : i32 to index
            %swap3A_695 = arith.constant 624 : index
            %swap3A_696 = tpu.vector_load %arg8[%swap3A_694, %swap3A_695] {strides = array<i32>} : memref<32x768xf32, #tpu.memory_space<vmem>>, vector<16xf32>,
            tpu.vector_store %arg8[%swap3A_694, %swap3A_695], %broadcast_in_dim3A_693 {strides = array<i32>} : memref<32x768xf32, #tpu.memory_space<vmem>>, vector<16xf32>,
            %broadcast_in_dim3A_697 = arith.constant 0.000000e+00 : f32
            %broadcast_in_dim3A_698 = vector.broadcast %broadcast_in_dim3A_697 : f32 to vector<16xf32>
            %swap3A_699 = arith.index_cast %while3A_497 : i32 to index
            %swap3A_700 = arith.constant 640 : index
            %swap3A_701 = tpu.vector_load %arg8[%swap3A_699, %swap3A_700] {strides = array<i32>} : memref<32x768xf32, #tpu.memory_space<vmem>>, vector<16xf32>,
            tpu.vector_store %arg8[%swap3A_699, %swap3A_700], %broadcast_in_dim3A_698 {strides = array<i32>} : memref<32x768xf32, #tpu.memory_space<vmem>>, vector<16xf32>,
            %broadcast_in_dim3A_702 = arith.constant 0.000000e+00 : f32
            %broadcast_in_dim3A_703 = vector.broadcast %broadcast_in_dim3A_702 : f32 to vector<16xf32>
            %swap3A_704 = arith.index_cast %while3A_497 : i32 to index
            %swap3A_705 = arith.constant 656 : index
            %swap3A_706 = tpu.vector_load %arg8[%swap3A_704, %swap3A_705] {strides = array<i32>} : memref<32x768xf32, #tpu.memory_space<vmem>>, vector<16xf32>,
            tpu.vector_store %arg8[%swap3A_704, %swap3A_705], %broadcast_in_dim3A_703 {strides = array<i32>} : memref<32x768xf32, #tpu.memory_space<vmem>>, vector<16xf32>,
            %broadcast_in_dim3A_707 = arith.constant 0.000000e+00 : f32
            %broadcast_in_dim3A_708 = vector.broadcast %broadcast_in_dim3A_707 : f32 to vector<16xf32>
            %swap3A_709 = arith.index_cast %while3A_497 : i32 to index
            %swap3A_710 = arith.constant 672 : index
            %swap3A_711 = tpu.vector_load %arg8[%swap3A_709, %swap3A_710] {strides = array<i32>} : memref<32x768xf32, #tpu.memory_space<vmem>>, vector<16xf32>,
            tpu.vector_store %arg8[%swap3A_709, %swap3A_710], %broadcast_in_dim3A_708 {strides = array<i32>} : memref<32x768xf32, #tpu.memory_space<vmem>>, vector<16xf32>,
            %broadcast_in_dim3A_712 = arith.constant 0.000000e+00 : f32
            %broadcast_in_dim3A_713 = vector.broadcast %broadcast_in_dim3A_712 : f32 to vector<16xf32>
            %swap3A_714 = arith.index_cast %while3A_497 : i32 to index
            %swap3A_715 = arith.constant 688 : index
            %swap3A_716 = tpu.vector_load %arg8[%swap3A_714, %swap3A_715] {strides = array<i32>} : memref<32x768xf32, #tpu.memory_space<vmem>>, vector<16xf32>,
            tpu.vector_store %arg8[%swap3A_714, %swap3A_715], %broadcast_in_dim3A_713 {strides = array<i32>} : memref<32x768xf32, #tpu.memory_space<vmem>>, vector<16xf32>,
            %broadcast_in_dim3A_717 = arith.constant 0.000000e+00 : f32
            %broadcast_in_dim3A_718 = vector.broadcast %broadcast_in_dim3A_717 : f32 to vector<16xf32>
            %swap3A_719 = arith.index_cast %while3A_497 : i32 to index
            %swap3A_720 = arith.constant 704 : index
            %swap3A_721 = tpu.vector_load %arg8[%swap3A_719, %swap3A_720] {strides = array<i32>} : memref<32x768xf32, #tpu.memory_space<vmem>>, vector<16xf32>,
            tpu.vector_store %arg8[%swap3A_719, %swap3A_720], %broadcast_in_dim3A_718 {strides = array<i32>} : memref<32x768xf32, #tpu.memory_space<vmem>>, vector<16xf32>,
            %broadcast_in_dim3A_722 = arith.constant 0.000000e+00 : f32
            %broadcast_in_dim3A_723 = vector.broadcast %broadcast_in_dim3A_722 : f32 to vector<16xf32>
            %swap3A_724 = arith.index_cast %while3A_497 : i32 to index
            %swap3A_725 = arith.constant 720 : index
            %swap3A_726 = tpu.vector_load %arg8[%swap3A_724, %swap3A_725] {strides = array<i32>} : memref<32x768xf32, #tpu.memory_space<vmem>>, vector<16xf32>,
            tpu.vector_store %arg8[%swap3A_724, %swap3A_725], %broadcast_in_dim3A_723 {strides = array<i32>} : memref<32x768xf32, #tpu.memory_space<vmem>>, vector<16xf32>,
            %broadcast_in_dim3A_727 = arith.constant 0.000000e+00 : f32
            %broadcast_in_dim3A_728 = vector.broadcast %broadcast_in_dim3A_727 : f32 to vector<16xf32>
            %swap3A_729 = arith.index_cast %while3A_497 : i32 to index
            %swap3A_730 = arith.constant 736 : index
            %swap3A_731 = tpu.vector_load %arg8[%swap3A_729, %swap3A_730] {strides = array<i32>} : memref<32x768xf32, #tpu.memory_space<vmem>>, vector<16xf32>,
            tpu.vector_store %arg8[%swap3A_729, %swap3A_730], %broadcast_in_dim3A_728 {strides = array<i32>} : memref<32x768xf32, #tpu.memory_space<vmem>>, vector<16xf32>,
            %broadcast_in_dim3A_732 = arith.constant 0.000000e+00 : f32
            %broadcast_in_dim3A_733 = vector.broadcast %broadcast_in_dim3A_732 : f32 to vector<16xf32>
            %swap3A_734 = arith.index_cast %while3A_497 : i32 to index
            %swap3A_735 = arith.constant 752 : index
            %swap3A_736 = tpu.vector_load %arg8[%swap3A_734, %swap3A_735] {strides = array<i32>} : memref<32x768xf32, #tpu.memory_space<vmem>>, vector<16xf32>,
            tpu.vector_store %arg8[%swap3A_734, %swap3A_735], %broadcast_in_dim3A_733 {strides = array<i32>} : memref<32x768xf32, #tpu.memory_space<vmem>>, vector<16xf32>,
          }
          %while3A_496 = arith.constant 1 : i32
          scf.for %while3A_497 = %while3A_494 to %while3A_490 step %while3A_496  : i32 {
            %broadcast_in_dim3A_498 = arith.constant 0.000000e+00 : f32
            %broadcast_in_dim3A_499 = vector.broadcast %broadcast_in_dim3A_498 : f32 to vector<16xf32>
            %swap3A = arith.index_cast %while3A_497 : i32 to index
            %swap3A_500 = arith.constant 0 : index
            %swap3A_501 = tpu.vector_load %arg8[%swap3A, %swap3A_500] {strides = array<i32>} : memref<32x768xf32, #tpu.memory_space<vmem>>, vector<16xf32>,
            tpu.vector_store %arg8[%swap3A, %swap3A_500], %broadcast_in_dim3A_499 {strides = array<i32>} : memref<32x768xf32, #tpu.memory_space<vmem>>, vector<16xf32>,
            %broadcast_in_dim3A_502 = arith.constant 0.000000e+00 : f32
            %broadcast_in_dim3A_503 = vector.broadcast %broadcast_in_dim3A_502 : f32 to vector<16xf32>
            %swap3A_504 = arith.index_cast %while3A_497 : i32 to index
            %swap3A_505 = arith.constant 16 : index
            %swap3A_506 = tpu.vector_load %arg8[%swap3A_504, %swap3A_505] {strides = array<i32>} : memref<32x768xf32, #tpu.memory_space<vmem>>, vector<16xf32>,
            tpu.vector_store %arg8[%swap3A_504, %swap3A_505], %broadcast_in_dim3A_503 {strides = array<i32>} : memref<32x768xf32, #tpu.memory_space<vmem>>, vector<16xf32>,
            %broadcast_in_dim3A_507 = arith.constant 0.000000e+00 : f32
            %broadcast_in_dim3A_508 = vector.broadcast %broadcast_in_dim3A_507 : f32 to vector<16xf32>
            %swap3A_509 = arith.index_cast %while3A_497 : i32 to index
            %swap3A_510 = arith.constant 32 : index
            %swap3A_511 = tpu.vector_load %arg8[%swap3A_509, %swap3A_510] {strides = array<i32>} : memref<32x768xf32, #tpu.memory_space<vmem>>, vector<16xf32>,
            tpu.vector_store %arg8[%swap3A_509, %swap3A_510], %broadcast_in_dim3A_508 {strides = array<i32>} : memref<32x768xf32, #tpu.memory_space<vmem>>, vector<16xf32>,
            %broadcast_in_dim3A_512 = arith.constant 0.000000e+00 : f32
            %broadcast_in_dim3A_513 = vector.broadcast %broadcast_in_dim3A_512 : f32 to vector<16xf32>
            %swap3A_514 = arith.index_cast %while3A_497 : i32 to index
            %swap3A_515 = arith.constant 48 : index
            %swap3A_516 = tpu.vector_load %arg8[%swap3A_514, %swap3A_515] {strides = array<i32>} : memref<32x768xf32, #tpu.memory_space<vmem>>, vector<16xf32>,
            tpu.vector_store %arg8[%swap3A_514, %swap3A_515], %broadcast_in_dim3A_513 {strides = array<i32>} : memref<32x768xf32, #tpu.memory_space<vmem>>, vector<16xf32>,
            %broadcast_in_dim3A_517 = arith.constant 0.000000e+00 : f32
            %broadcast_in_dim3A_518 = vector.broadcast %broadcast_in_dim3A_517 : f32 to vector<16xf32>
            %swap3A_519 = arith.index_cast %while3A_497 : i32 to index
            %swap3A_520 = arith.constant 64 : index
            %swap3A_521 = tpu.vector_load %arg8[%swap3A_519, %swap3A_520] {strides = array<i32>} : memref<32x768xf32, #tpu.memory_space<vmem>>, vector<16xf32>,
            tpu.vector_store %arg8[%swap3A_519, %swap3A_520], %broadcast_in_dim3A_518 {strides = array<i32>} : memref<32x768xf32, #tpu.memory_space<vmem>>, vector<16xf32>,
            %broadcast_in_dim3A_522 = arith.constant 0.000000e+00 : f32
            %broadcast_in_dim3A_523 = vector.broadcast %broadcast_in_dim3A_522 : f32 to vector<16xf32>
            %swap3A_524 = arith.index_cast %while3A_497 : i32 to index
            %swap3A_525 = arith.constant 80 : index
            %swap3A_526 = tpu.vector_load %arg8[%swap3A_524, %swap3A_525] {strides = array<i32>} : memref<32x768xf32, #tpu.memory_space<vmem>>, vector<16xf32>,
            tpu.vector_store %arg8[%swap3A_524, %swap3A_525], %broadcast_in_dim3A_523 {strides = array<i32>} : memref<32x768xf32, #tpu.memory_space<vmem>>, vector<16xf32>,
            %broadcast_in_dim3A_527 = arith.constant 0.000000e+00 : f32
            %broadcast_in_dim3A_528 = vector.broadcast %broadcast_in_dim3A_527 : f32 to vector<16xf32>
            %swap3A_529 = arith.index_cast %while3A_497 : i32 to index
            %swap3A_530 = arith.constant 96 : index
            %swap3A_531 = tpu.vector_load %arg8[%swap3A_529, %swap3A_530] {strides = array<i32>} : memref<32x768xf32, #tpu.memory_space<vmem>>, vector<16xf32>,
            tpu.vector_store %arg8[%swap3A_529, %swap3A_530], %broadcast_in_dim3A_528 {strides = array<i32>} : memref<32x768xf32, #tpu.memory_space<vmem>>, vector<16xf32>,
            %broadcast_in_dim3A_532 = arith.constant 0.000000e+00 : f32
            %broadcast_in_dim3A_533 = vector.broadcast %broadcast_in_dim3A_532 : f32 to vector<16xf32>
            %swap3A_534 = arith.index_cast %while3A_497 : i32 to index
            %swap3A_535 = arith.constant 112 : index
            %swap3A_536 = tpu.vector_load %arg8[%swap3A_534, %swap3A_535] {strides = array<i32>} : memref<32x768xf32, #tpu.memory_space<vmem>>, vector<16xf32>,
            tpu.vector_store %arg8[%swap3A_534, %swap3A_535], %broadcast_in_dim3A_533 {strides = array<i32>} : memref<32x768xf32, #tpu.memory_space<vmem>>, vector<16xf32>,
            %broadcast_in_dim3A_537 = arith.constant 0.000000e+00 : f32
            %broadcast_in_dim3A_538 = vector.broadcast %broadcast_in_dim3A_537 : f32 to vector<16xf32>
            %swap3A_539 = arith.index_cast %while3A_497 : i32 to index
            %swap3A_540 = arith.constant 128 : index
            %swap3A_541 = tpu.vector_load %arg8[%swap3A_539, %swap3A_540] {strides = array<i32>} : memref<32x768xf32, #tpu.memory_space<vmem>>, vector<16xf32>,
            tpu.vector_store %arg8[%swap3A_539, %swap3A_540], %broadcast_in_dim3A_538 {strides = array<i32>} : memref<32x768xf32, #tpu.memory_space<vmem>>, vector<16xf32>,
            %broadcast_in_dim3A_542 = arith.constant 0.000000e+00 : f32
            %broadcast_in_dim3A_543 = vector.broadcast %broadcast_in_dim3A_542 : f32 to vector<16xf32>
            %swap3A_544 = arith.index_cast %while3A_497 : i32 to index
            %swap3A_545 = arith.constant 144 : index
            %swap3A_546 = tpu.vector_load %arg8[%swap3A_544, %swap3A_545] {strides = array<i32>} : memref<32x768xf32, #tpu.memory_space<vmem>>, vector<16xf32>,
            tpu.vector_store %arg8[%swap3A_544, %swap3A_545], %broadcast_in_dim3A_543 {strides = array<i32>} : memref<32x768xf32, #tpu.memory_space<vmem>>, vector<16xf32>,
            %broadcast_in_dim3A_547 = arith.constant 0.000000e+00 : f32
            %broadcast_in_dim3A_548 = vector.broadcast %broadcast_in_dim3A_547 : f32 to vector<16xf32>
            %swap3A_549 = arith.index_cast %while3A_497 : i32 to index
            %swap3A_550 = arith.constant 160 : index
            %swap3A_551 = tpu.vector_load %arg8[%swap3A_549, %swap3A_550] {strides = array<i32>} : memref<32x768xf32, #tpu.memory_space<vmem>>, vector<16xf32>,
            tpu.vector_store %arg8[%swap3A_549, %swap3A_550], %broadcast_in_dim3A_548 {strides = array<i32>} : memref<32x768xf32, #tpu.memory_space<vmem>>, vector<16xf32>,
            %broadcast_in_dim3A_552 = arith.constant 0.000000e+00 : f32
            %broadcast_in_dim3A_553 = vector.broadcast %broadcast_in_dim3A_552 : f32 to vector<16xf32>
            %swap3A_554 = arith.index_cast %while3A_497 : i32 to index
            %swap3A_555 = arith.constant 176 : index
            %swap3A_556 = tpu.vector_load %arg8[%swap3A_554, %swap3A_555] {strides = array<i32>} : memref<32x768xf32, #tpu.memory_space<vmem>>, vector<16xf32>,
            tpu.vector_store %arg8[%swap3A_554, %swap3A_555], %broadcast_in_dim3A_553 {strides = array<i32>} : memref<32x768xf32, #tpu.memory_space<vmem>>, vector<16xf32>,
            %broadcast_in_dim3A_557 = arith.constant 0.000000e+00 : f32
            %broadcast_in_dim3A_558 = vector.broadcast %broadcast_in_dim3A_557 : f32 to vector<16xf32>
            %swap3A_559 = arith.index_cast %while3A_497 : i32 to index
            %swap3A_560 = arith.constant 192 : index
            %swap3A_561 = tpu.vector_load %arg8[%swap3A_559, %swap3A_560] {strides = array<i32>} : memref<32x768xf32, #tpu.memory_space<vmem>>, vector<16xf32>,
            tpu.vector_store %arg8[%swap3A_559, %swap3A_560], %broadcast_in_dim3A_558 {strides = array<i32>} : memref<32x768xf32, #tpu.memory_space<vmem>>, vector<16xf32>,
            %broadcast_in_dim3A_562 = arith.constant 0.000000e+00 : f32
            %broadcast_in_dim3A_563 = vector.broadcast %broadcast_in_dim3A_562 : f32 to vector<16xf32>
            %swap3A_564 = arith.index_cast %while3A_497 : i32 to index
            %swap3A_565 = arith.constant 208 : index
            %swap3A_566 = tpu.vector_load %arg8[%swap3A_564, %swap3A_565] {strides = array<i32>} : memref<32x768xf32, #tpu.memory_space<vmem>>, vector<16xf32>,
            tpu.vector_store %arg8[%swap3A_564, %swap3A_565], %broadcast_in_dim3A_563 {strides = array<i32>} : memref<32x768xf32, #tpu.memory_space<vmem>>, vector<16xf32>,
            %broadcast_in_dim3A_567 = arith.constant 0.000000e+00 : f32
            %broadcast_in_dim3A_568 = vector.broadcast %broadcast_in_dim3A_567 : f32 to vector<16xf32>
            %swap3A_569 = arith.index_cast %while3A_497 : i32 to index
            %swap3A_570 = arith.constant 224 : index
            %swap3A_571 = tpu.vector_load %arg8[%swap3A_569, %swap3A_570] {strides = array<i32>} : memref<32x768xf32, #tpu.memory_space<vmem>>, vector<16xf32>,
            tpu.vector_store %arg8[%swap3A_569, %swap3A_570], %broadcast_in_dim3A_568 {strides = array<i32>} : memref<32x768xf32, #tpu.memory_space<vmem>>, vector<16xf32>,
            %broadcast_in_dim3A_572 = arith.constant 0.000000e+00 : f32
            %broadcast_in_dim3A_573 = vector.broadcast %broadcast_in_dim3A_572 : f32 to vector<16xf32>
            %swap3A_574 = arith.index_cast %while3A_497 : i32 to index
            %swap3A_575 = arith.constant 240 : index
            %swap3A_576 = tpu.vector_load %arg8[%swap3A_574, %swap3A_575] {strides = array<i32>} : memref<32x768xf32, #tpu.memory_space<vmem>>, vector<16xf32>,
            tpu.vector_store %arg8[%swap3A_574, %swap3A_575], %broadcast_in_dim3A_573 {strides = array<i32>} : memref<32x768xf32, #tpu.memory_space<vmem>>, vector<16xf32>,
            %broadcast_in_dim3A_577 = arith.constant 0.000000e+00 : f32
            %broadcast_in_dim3A_578 = vector.broadcast %broadcast_in_dim3A_577 : f32 to vector<16xf32>
            %swap3A_579 = arith.index_cast %while3A_497 : i32 to index
            %swap3A_580 = arith.constant 256 : index
            %swap3A_581 = tpu.vector_load %arg8[%swap3A_579, %swap3A_580] {strides = array<i32>} : memref<32x768xf32, #tpu.memory_space<vmem>>, vector<16xf32>,
            tpu.vector_store %arg8[%swap3A_579, %swap3A_580], %broadcast_in_dim3A_578 {strides = array<i32>} : memref<32x768xf32, #tpu.memory_space<vmem>>, vector<16xf32>,
            %broadcast_in_dim3A_582 = arith.constant 0.000000e+00 : f32
            %broadcast_in_dim3A_583 = vector.broadcast %broadcast_in_dim3A_582 : f32 to vector<16xf32>
            %swap3A_584 = arith.index_cast %while3A_497 : i32 to index
            %swap3A_585 = arith.constant 272 : index
            %swap3A_586 = tpu.vector_load %arg8[%swap3A_584, %swap3A_585] {strides = array<i32>} : memref<32x768xf32, #tpu.memory_space<vmem>>, vector<16xf32>,
            tpu.vector_store %arg8[%swap3A_584, %swap3A_585], %broadcast_in_dim3A_583 {strides = array<i32>} : memref<32x768xf32, #tpu.memory_space<vmem>>, vector<16xf32>,
            %broadcast_in_dim3A_587 = arith.constant 0.000000e+00 : f32
            %broadcast_in_dim3A_588 = vector.broadcast %broadcast_in_dim3A_587 : f32 to vector<16xf32>
            %swap3A_589 = arith.index_cast %while3A_497 : i32 to index
            %swap3A_590 = arith.constant 288 : index
            %swap3A_591 = tpu.vector_load %arg8[%swap3A_589, %swap3A_590] {strides = array<i32>} : memref<32x768xf32, #tpu.memory_space<vmem>>, vector<16xf32>,
            tpu.vector_store %arg8[%swap3A_589, %swap3A_590], %broadcast_in_dim3A_588 {strides = array<i32>} : memref<32x768xf32, #tpu.memory_space<vmem>>, vector<16xf32>,
            %broadcast_in_dim3A_592 = arith.constant 0.000000e+00 : f32
            %broadcast_in_dim3A_593 = vector.broadcast %broadcast_in_dim3A_592 : f32 to vector<16xf32>
            %swap3A_594 = arith.index_cast %while3A_497 : i32 to index
            %swap3A_595 = arith.constant 304 : index
            %swap3A_596 = tpu.vector_load %arg8[%swap3A_594, %swap3A_595] {strides = array<i32>} : memref<32x768xf32, #tpu.memory_space<vmem>>, vector<16xf32>,
            tpu.vector_store %arg8[%swap3A_594, %swap3A_595], %broadcast_in_dim3A_593 {strides = array<i32>} : memref<32x768xf32, #tpu.memory_space<vmem>>, vector<16xf32>,
            %broadcast_in_dim3A_597 = arith.constant 0.000000e+00 : f32
            %broadcast_in_dim3A_598 = vector.broadcast %broadcast_in_dim3A_597 : f32 to vector<16xf32>
            %swap3A_599 = arith.index_cast %while3A_497 : i32 to index
            %swap3A_600 = arith.constant 320 : index
            %swap3A_601 = tpu.vector_load %arg8[%swap3A_599, %swap3A_600] {strides = array<i32>} : memref<32x768xf32, #tpu.memory_space<vmem>>, vector<16xf32>,
            tpu.vector_store %arg8[%swap3A_599, %swap3A_600], %broadcast_in_dim3A_598 {strides = array<i32>} : memref<32x768xf32, #tpu.memory_space<vmem>>, vector<16xf32>,
            %broadcast_in_dim3A_602 = arith.constant 0.000000e+00 : f32
            %broadcast_in_dim3A_603 = vector.broadcast %broadcast_in_dim3A_602 : f32 to vector<16xf32>
            %swap3A_604 = arith.index_cast %while3A_497 : i32 to index
            %swap3A_605 = arith.constant 336 : index
            %swap3A_606 = tpu.vector_load %arg8[%swap3A_604, %swap3A_605] {strides = array<i32>} : memref<32x768xf32, #tpu.memory_space<vmem>>, vector<16xf32>,
            tpu.vector_store %arg8[%swap3A_604, %swap3A_605], %broadcast_in_dim3A_603 {strides = array<i32>} : memref<32x768xf32, #tpu.memory_space<vmem>>, vector<16xf32>,
            %broadcast_in_dim3A_607 = arith.constant 0.000000e+00 : f32
            %broadcast_in_dim3A_608 = vector.broadcast %broadcast_in_dim3A_607 : f32 to vector<16xf32>
            %swap3A_609 = arith.index_cast %while3A_497 : i32 to index
            %swap3A_610 = arith.constant 352 : index
            %swap3A_611 = tpu.vector_load %arg8[%swap3A_609, %swap3A_610] {strides = array<i32>} : memref<32x768xf32, #tpu.memory_space<vmem>>, vector<16xf32>,
            tpu.vector_store %arg8[%swap3A_609, %swap3A_610], %broadcast_in_dim3A_608 {strides = array<i32>} : memref<32x768xf32, #tpu.memory_space<vmem>>, vector<16xf32>,
            %broadcast_in_dim3A_612 = arith.constant 0.000000e+00 : f32
            %broadcast_in_dim3A_613 = vector.broadcast %broadcast_in_dim3A_612 : f32 to vector<16xf32>
            %swap3A_614 = arith.index_cast %while3A_497 : i32 to index
            %swap3A_615 = arith.constant 368 : index
            %swap3A_616 = tpu.vector_load %arg8[%swap3A_614, %swap3A_615] {strides = array<i32>} : memref<32x768xf32, #tpu.memory_space<vmem>>, vector<16xf32>,
            tpu.vector_store %arg8[%swap3A_614, %swap3A_615], %broadcast_in_dim3A_613 {strides = array<i32>} : memref<32x768xf32, #tpu.memory_space<vmem>>, vector<16xf32>,
            %broadcast_in_dim3A_617 = arith.constant 0.000000e+00 : f32
            %broadcast_in_dim3A_618 = vector.broadcast %broadcast_in_dim3A_617 : f32 to vector<16xf32>
            %swap3A_619 = arith.index_cast %while3A_497 : i32 to index
            %swap3A_620 = arith.constant 384 : index
            %swap3A_621 = tpu.vector_load %arg8[%swap3A_619, %swap3A_620] {strides = array<i32>} : memref<32x768xf32, #tpu.memory_space<vmem>>, vector<16xf32>,
            tpu.vector_store %arg8[%swap3A_619, %swap3A_620], %broadcast_in_dim3A_618 {strides = array<i32>} : memref<32x768xf32, #tpu.memory_space<vmem>>, vector<16xf32>,
            %broadcast_in_dim3A_622 = arith.constant 0.000000e+00 : f32
            %broadcast_in_dim3A_623 = vector.broadcast %broadcast_in_dim3A_622 : f32 to vector<16xf32>
            %swap3A_624 = arith.index_cast %while3A_497 : i32 to index
            %swap3A_625 = arith.constant 400 : index
            %swap3A_626 = tpu.vector_load %arg8[%swap3A_624, %swap3A_625] {strides = array<i32>} : memref<32x768xf32, #tpu.memory_space<vmem>>, vector<16xf32>,
            tpu.vector_store %arg8[%swap3A_624, %swap3A_625], %broadcast_in_dim3A_623 {strides = array<i32>} : memref<32x768xf32, #tpu.memory_space<vmem>>, vector<16xf32>,
            %broadcast_in_dim3A_627 = arith.constant 0.000000e+00 : f32
            %broadcast_in_dim3A_628 = vector.broadcast %broadcast_in_dim3A_627 : f32 to vector<16xf32>
            %swap3A_629 = arith.index_cast %while3A_497 : i32 to index
            %swap3A_630 = arith.constant 416 : index
            %swap3A_631 = tpu.vector_load %arg8[%swap3A_629, %swap3A_630] {strides = array<i32>} : memref<32x768xf32, #tpu.memory_space<vmem>>, vector<16xf32>,
            tpu.vector_store %arg8[%swap3A_629, %swap3A_630], %broadcast_in_dim3A_628 {strides = array<i32>} : memref<32x768xf32, #tpu.memory_space<vmem>>, vector<16xf32>,
            %broadcast_in_dim3A_632 = arith.constant 0.000000e+00 : f32
            %broadcast_in_dim3A_633 = vector.broadcast %broadcast_in_dim3A_632 : f32 to vector<16xf32>
            %swap3A_634 = arith.index_cast %while3A_497 : i32 to index
            %swap3A_635 = arith.constant 432 : index
            %swap3A_636 = tpu.vector_load %arg8[%swap3A_634, %swap3A_635] {strides = array<i32>} : memref<32x768xf32, #tpu.memory_space<vmem>>, vector<16xf32>,
            tpu.vector_store %arg8[%swap3A_634, %swap3A_635], %broadcast_in_dim3A_633 {strides = array<i32>} : memref<32x768xf32, #tpu.memory_space<vmem>>, vector<16xf32>,
            %broadcast_in_dim3A_637 = arith.constant 0.000000e+00 : f32
            %broadcast_in_dim3A_638 = vector.broadcast %broadcast_in_dim3A_637 : f32 to vector<16xf32>
            %swap3A_639 = arith.index_cast %while3A_497 : i32 to index
            %swap3A_640 = arith.constant 448 : index
            %swap3A_641 = tpu.vector_load %arg8[%swap3A_639, %swap3A_640] {strides = array<i32>} : memref<32x768xf32, #tpu.memory_space<vmem>>, vector<16xf32>,
            tpu.vector_store %arg8[%swap3A_639, %swap3A_640], %broadcast_in_dim3A_638 {strides = array<i32>} : memref<32x768xf32, #tpu.memory_space<vmem>>, vector<16xf32>,
            %broadcast_in_dim3A_642 = arith.constant 0.000000e+00 : f32
            %broadcast_in_dim3A_643 = vector.broadcast %broadcast_in_dim3A_642 : f32 to vector<16xf32>
            %swap3A_644 = arith.index_cast %while3A_497 : i32 to index
            %swap3A_645 = arith.constant 464 : index
            %swap3A_646 = tpu.vector_load %arg8[%swap3A_644, %swap3A_645] {strides = array<i32>} : memref<32x768xf32, #tpu.memory_space<vmem>>, vector<16xf32>,
            tpu.vector_store %arg8[%swap3A_644, %swap3A_645], %broadcast_in_dim3A_643 {strides = array<i32>} : memref<32x768xf32, #tpu.memory_space<vmem>>, vector<16xf32>,
            %broadcast_in_dim3A_647 = arith.constant 0.000000e+00 : f32
            %broadcast_in_dim3A_648 = vector.broadcast %broadcast_in_dim3A_647 : f32 to vector<16xf32>
            %swap3A_649 = arith.index_cast %while3A_497 : i32 to index
            %swap3A_650 = arith.constant 480 : index
            %swap3A_651 = tpu.vector_load %arg8[%swap3A_649, %swap3A_650] {strides = array<i32>} : memref<32x768xf32, #tpu.memory_space<vmem>>, vector<16xf32>,
            tpu.vector_store %arg8[%swap3A_649, %swap3A_650], %broadcast_in_dim3A_648 {strides = array<i32>} : memref<32x768xf32, #tpu.memory_space<vmem>>, vector<16xf32>,
            %broadcast_in_dim3A_652 = arith.constant 0.000000e+00 : f32
            %broadcast_in_dim3A_653 = vector.broadcast %broadcast_in_dim3A_652 : f32 to vector<16xf32>
            %swap3A_654 = arith.index_cast %while3A_497 : i32 to index
            %swap3A_655 = arith.constant 496 : index
            %swap3A_656 = tpu.vector_load %arg8[%swap3A_654, %swap3A_655] {strides = array<i32>} : memref<32x768xf32, #tpu.memory_space<vmem>>, vector<16xf32>,
            tpu.vector_store %arg8[%swap3A_654, %swap3A_655], %broadcast_in_dim3A_653 {strides = array<i32>} : memref<32x768xf32, #tpu.memory_space<vmem>>, vector<16xf32>,
            %broadcast_in_dim3A_657 = arith.constant 0.000000e+00 : f32
            %broadcast_in_dim3A_658 = vector.broadcast %broadcast_in_dim3A_657 : f32 to vector<16xf32>
            %swap3A_659 = arith.index_cast %while3A_497 : i32 to index
            %swap3A_660 = arith.constant 512 : index
            %swap3A_661 = tpu.vector_load %arg8[%swap3A_659, %swap3A_660] {strides = array<i32>} : memref<32x768xf32, #tpu.memory_space<vmem>>, vector<16xf32>,
            tpu.vector_store %arg8[%swap3A_659, %swap3A_660], %broadcast_in_dim3A_658 {strides = array<i32>} : memref<32x768xf32, #tpu.memory_space<vmem>>, vector<16xf32>,
            %broadcast_in_dim3A_662 = arith.constant 0.000000e+00 : f32
            %broadcast_in_dim3A_663 = vector.broadcast %broadcast_in_dim3A_662 : f32 to vector<16xf32>
            %swap3A_664 = arith.index_cast %while3A_497 : i32 to index
            %swap3A_665 = arith.constant 528 : index
            %swap3A_666 = tpu.vector_load %arg8[%swap3A_664, %swap3A_665] {strides = array<i32>} : memref<32x768xf32, #tpu.memory_space<vmem>>, vector<16xf32>,
            tpu.vector_store %arg8[%swap3A_664, %swap3A_665], %broadcast_in_dim3A_663 {strides = array<i32>} : memref<32x768xf32, #tpu.memory_space<vmem>>, vector<16xf32>,
            %broadcast_in_dim3A_667 = arith.constant 0.000000e+00 : f32
            %broadcast_in_dim3A_668 = vector.broadcast %broadcast_in_dim3A_667 : f32 to vector<16xf32>
            %swap3A_669 = arith.index_cast %while3A_497 : i32 to index
            %swap3A_670 = arith.constant 544 : index
            %swap3A_671 = tpu.vector_load %arg8[%swap3A_669, %swap3A_670] {strides = array<i32>} : memref<32x768xf32, #tpu.memory_space<vmem>>, vector<16xf32>,
            tpu.vector_store %arg8[%swap3A_669, %swap3A_670], %broadcast_in_dim3A_668 {strides = array<i32>} : memref<32x768xf32, #tpu.memory_space<vmem>>, vector<16xf32>,
            %broadcast_in_dim3A_672 = arith.constant 0.000000e+00 : f32
            %broadcast_in_dim3A_673 = vector.broadcast %broadcast_in_dim3A_672 : f32 to vector<16xf32>
            %swap3A_674 = arith.index_cast %while3A_497 : i32 to index
            %swap3A_675 = arith.constant 560 : index
            %swap3A_676 = tpu.vector_load %arg8[%swap3A_674, %swap3A_675] {strides = array<i32>} : memref<32x768xf32, #tpu.memory_space<vmem>>, vector<16xf32>,
            tpu.vector_store %arg8[%swap3A_674, %swap3A_675], %broadcast_in_dim3A_673 {strides = array<i32>} : memref<32x768xf32, #tpu.memory_space<vmem>>, vector<16xf32>,
            %broadcast_in_dim3A_677 = arith.constant 0.000000e+00 : f32
            %broadcast_in_dim3A_678 = vector.broadcast %broadcast_in_dim3A_677 : f32 to vector<16xf32>
            %swap3A_679 = arith.index_cast %while3A_497 : i32 to index
            %swap3A_680 = arith.constant 576 : index
            %swap3A_681 = tpu.vector_load %arg8[%swap3A_679, %swap3A_680] {strides = array<i32>} : memref<32x768xf32, #tpu.memory_space<vmem>>, vector<16xf32>,
            tpu.vector_store %arg8[%swap3A_679, %swap3A_680], %broadcast_in_dim3A_678 {strides = array<i32>} : memref<32x768xf32, #tpu.memory_space<vmem>>, vector<16xf32>,
            %broadcast_in_dim3A_682 = arith.constant 0.000000e+00 : f32
            %broadcast_in_dim3A_683 = vector.broadcast %broadcast_in_dim3A_682 : f32 to vector<16xf32>
            %swap3A_684 = arith.index_cast %while3A_497 : i32 to index
            %swap3A_685 = arith.constant 592 : index
            %swap3A_686 = tpu.vector_load %arg8[%swap3A_684, %swap3A_685] {strides = array<i32>} : memref<32x768xf32, #tpu.memory_space<vmem>>, vector<16xf32>,
            tpu.vector_store %arg8[%swap3A_684, %swap3A_685], %broadcast_in_dim3A_683 {strides = array<i32>} : memref<32x768xf32, #tpu.memory_space<vmem>>, vector<16xf32>,
            %broadcast_in_dim3A_687 = arith.constant 0.000000e+00 : f32
            %broadcast_in_dim3A_688 = vector.broadcast %broadcast_in_dim3A_687 : f32 to vector<16xf32>
            %swap3A_689 = arith.index_cast %while3A_497 : i32 to index
            %swap3A_690 = arith.constant 608 : index
            %swap3A_691 = tpu.vector_load %arg8[%swap3A_689, %swap3A_690] {strides = array<i32>} : memref<32x768xf32, #tpu.memory_space<vmem>>, vector<16xf32>,
            tpu.vector_store %arg8[%swap3A_689, %swap3A_690], %broadcast_in_dim3A_688 {strides = array<i32>} : memref<32x768xf32, #tpu.memory_space<vmem>>, vector<16xf32>,
            %broadcast_in_dim3A_692 = arith.constant 0.000000e+00 : f32
            %broadcast_in_dim3A_693 = vector.broadcast %broadcast_in_dim3A_692 : f32 to vector<16xf32>
            %swap3A_694 = arith.index_cast %while3A_497 : i32 to index
            %swap3A_695 = arith.constant 624 : index
            %swap3A_696 = tpu.vector_load %arg8[%swap3A_694, %swap3A_695] {strides = array<i32>} : memref<32x768xf32, #tpu.memory_space<vmem>>, vector<16xf32>,
            tpu.vector_store %arg8[%swap3A_694, %swap3A_695], %broadcast_in_dim3A_693 {strides = array<i32>} : memref<32x768xf32, #tpu.memory_space<vmem>>, vector<16xf32>,
            %broadcast_in_dim3A_697 = arith.constant 0.000000e+00 : f32
            %broadcast_in_dim3A_698 = vector.broadcast %broadcast_in_dim3A_697 : f32 to vector<16xf32>
            %swap3A_699 = arith.index_cast %while3A_497 : i32 to index
            %swap3A_700 = arith.constant 640 : index
            %swap3A_701 = tpu.vector_load %arg8[%swap3A_699, %swap3A_700] {strides = array<i32>} : memref<32x768xf32, #tpu.memory_space<vmem>>, vector<16xf32>,
            tpu.vector_store %arg8[%swap3A_699, %swap3A_700], %broadcast_in_dim3A_698 {strides = array<i32>} : memref<32x768xf32, #tpu.memory_space<vmem>>, vector<16xf32>,
            %broadcast_in_dim3A_702 = arith.constant 0.000000e+00 : f32
            %broadcast_in_dim3A_703 = vector.broadcast %broadcast_in_dim3A_702 : f32 to vector<16xf32>
            %swap3A_704 = arith.index_cast %while3A_497 : i32 to index
            %swap3A_705 = arith.constant 656 : index
            %swap3A_706 = tpu.vector_load %arg8[%swap3A_704, %swap3A_705] {strides = array<i32>} : memref<32x768xf32, #tpu.memory_space<vmem>>, vector<16xf32>,
            tpu.vector_store %arg8[%swap3A_704, %swap3A_705], %broadcast_in_dim3A_703 {strides = array<i32>} : memref<32x768xf32, #tpu.memory_space<vmem>>, vector<16xf32>,
            %broadcast_in_dim3A_707 = arith.constant 0.000000e+00 : f32
            %broadcast_in_dim3A_708 = vector.broadcast %broadcast_in_dim3A_707 : f32 to vector<16xf32>
            %swap3A_709 = arith.index_cast %while3A_497 : i32 to index
            %swap3A_710 = arith.constant 672 : index
            %swap3A_711 = tpu.vector_load %arg8[%swap3A_709, %swap3A_710] {strides = array<i32>} : memref<32x768xf32, #tpu.memory_space<vmem>>, vector<16xf32>,
            tpu.vector_store %arg8[%swap3A_709, %swap3A_710], %broadcast_in_dim3A_708 {strides = array<i32>} : memref<32x768xf32, #tpu.memory_space<vmem>>, vector<16xf32>,
            %broadcast_in_dim3A_712 = arith.constant 0.000000e+00 : f32
            %broadcast_in_dim3A_713 = vector.broadcast %broadcast_in_dim3A_712 : f32 to vector<16xf32>
            %swap3A_714 = arith.index_cast %while3A_497 : i32 to index
            %swap3A_715 = arith.constant 688 : index
            %swap3A_716 = tpu.vector_load %arg8[%swap3A_714, %swap3A_715] {strides = array<i32>} : memref<32x768xf32, #tpu.memory_space<vmem>>, vector<16xf32>,
            tpu.vector_store %arg8[%swap3A_714, %swap3A_715], %broadcast_in_dim3A_713 {strides = array<i32>} : memref<32x768xf32, #tpu.memory_space<vmem>>, vector<16xf32>,
            %broadcast_in_dim3A_717 = arith.constant 0.000000e+00 : f32
            %broadcast_in_dim3A_718 = vector.broadcast %broadcast_in_dim3A_717 : f32 to vector<16xf32>
            %swap3A_719 = arith.index_cast %while3A_497 : i32 to index
            %swap3A_720 = arith.constant 704 : index
            %swap3A_721 = tpu.vector_load %arg8[%swap3A_719, %swap3A_720] {strides = array<i32>} : memref<32x768xf32, #tpu.memory_space<vmem>>, vector<16xf32>,
            tpu.vector_store %arg8[%swap3A_719, %swap3A_720], %broadcast_in_dim3A_718 {strides = array<i32>} : memref<32x768xf32, #tpu.memory_space<vmem>>, vector<16xf32>,
            %broadcast_in_dim3A_722 = arith.constant 0.000000e+00 : f32
            %broadcast_in_dim3A_723 = vector.broadcast %broadcast_in_dim3A_722 : f32 to vector<16xf32>
            %swap3A_724 = arith.index_cast %while3A_497 : i32 to index
            %swap3A_725 = arith.constant 720 : index
            %swap3A_726 = tpu.vector_load %arg8[%swap3A_724, %swap3A_725] {strides = array<i32>} : memref<32x768xf32, #tpu.memory_space<vmem>>, vector<16xf32>,
            tpu.vector_store %arg8[%swap3A_724, %swap3A_725], %broadcast_in_dim3A_723 {strides = array<i32>} : memref<32x768xf32, #tpu.memory_space<vmem>>, vector<16xf32>,
            %broadcast_in_dim3A_727 = arith.constant 0.000000e+00 : f32
            %broadcast_in_dim3A_728 = vector.broadcast %broadcast_in_dim3A_727 : f32 to vector<16xf32>
            %swap3A_729 = arith.index_cast %while3A_497 : i32 to index
            %swap3A_730 = arith.constant 736 : index
            %swap3A_731 = tpu.vector_load %arg8[%swap3A_729, %swap3A_730] {strides = array<i32>} : memref<32x768xf32, #tpu.memory_space<vmem>>, vector<16xf32>,
            tpu.vector_store %arg8[%swap3A_729, %swap3A_730], %broadcast_in_dim3A_728 {strides = array<i32>} : memref<32x768xf32, #tpu.memory_space<vmem>>, vector<16xf32>,
            %broadcast_in_dim3A_732 = arith.constant 0.000000e+00 : f32
            %broadcast_in_dim3A_733 = vector.broadcast %broadcast_in_dim3A_732 : f32 to vector<16xf32>
            %swap3A_734 = arith.index_cast %while3A_497 : i32 to index
            %swap3A_735 = arith.constant 752 : index
            %swap3A_736 = tpu.vector_load %arg8[%swap3A_734, %swap3A_735] {strides = array<i32>} : memref<32x768xf32, #tpu.memory_space<vmem>>, vector<16xf32>,
            tpu.vector_store %arg8[%swap3A_734, %swap3A_735], %broadcast_in_dim3A_733 {strides = array<i32>} : memref<32x768xf32, #tpu.memory_space<vmem>>, vector<16xf32>,
          }
        } else {
        }
        %mul3A_481 = arith.constant 32 : i32
        %mul3A_482 = arith.muli %add3A_473, %mul3A_481 : i32
        %add3A_483 = arith.addi %mul3A_9, %mul3A_482 : i32
        %dma_start3A = arith.constant 0 : i32
        %dma_start3A_484 = tpu.memref_slice %arg4[%add3A_483, %dma_start3A] : memref<32768x768xf32, #tpu.memory_space<hbm>> -> memref<32x768xf32, #tpu.memory_space<hbm>>
        %dma_start3A_485 = arith.constant 0 : i32
        %dma_start3A_486 = tpu.memref_slice %arg4[%add3A_483, %dma_start3A_485] : memref<32768x768xf32, #tpu.memory_space<hbm>> -> memref<32x768xf32, #tpu.memory_space<hbm>>
        tpu.enqueue_dma source(%arg8 : memref<32x768xf32, #tpu.memory_space<vmem>>) target(%dma_start3A_486 : memref<32x768xf32, #tpu.memory_space<hbm>>) target_semaphore(%arg17 : memref<!tpu.dma_semaphore, #tpu.memory_space<semaphore_mem>>)
      } else {
      }
      %add3A_448 = arith.constant 2 : i32
      %add3A_449 = arith.addi %mul3A_435, %add3A_448 : i32
      %lt3A_450 = arith.cmpi slt, %add3A_449, %max3A_98 : i32
      %convert_element_type3A_451 = arith.extui %lt3A_450 : i1 to i32
      %cond3A_452 = arith.constant 0 : i32
      %cond3A_453 = arith.cmpi ne, %convert_element_type3A_451, %cond3A_452 : i32
      scf.if %cond3A_453 {
        %add3A_460 = arith.constant 2 : i32
        %add3A_461 = arith.addi %add3A_449, %add3A_460 : i32
        %lt3A_462 = arith.cmpi slt, %add3A_461, %max3A_98 : i32
        %convert_element_type3A_463 = arith.extui %lt3A_462 : i1 to i32
        %cond3A_464 = arith.constant 0 : i32
        %cond3A_465 = arith.cmpi ne, %convert_element_type3A_463, %cond3A_464 : i32
        scf.if %cond3A_465 {
          %ge3A = arith.constant 2 : i32
          %ge3A_487 = arith.cmpi sge, %add3A_449, %ge3A : i32
          %convert_element_type3A_488 = arith.extui %ge3A_487 : i1 to i32
          %cond3A_489 = arith.constant 0 : i32
          %cond3A_490 = arith.cmpi ne, %convert_element_type3A_488, %cond3A_489 : i32
          scf.if %cond3A_490 {
            %dma_wait3A_502 = arith.constant 0 : i32
            %dma_wait3A_503 = arith.constant 0 : i32
            %dma_wait3A_504 = tpu.memref_slice %arg2[%dma_wait3A_502, %dma_wait3A_503] : memref<32768x768xf32, #tpu.memory_space<hbm>> -> memref<32x768xf32, #tpu.memory_space<hbm>>
            %dma_wait3A_505 = arith.constant 0 : i32
            %dma_wait3A_506 = arith.constant 0 : i32
            %dma_wait3A_507 = tpu.memref_slice %arg2[%dma_wait3A_505, %dma_wait3A_506] : memref<32768x768xf32, #tpu.memory_space<hbm>> -> memref<32x768xf32, #tpu.memory_space<hbm>>
            tpu.wait_dma2 semaphore(%arg16 : memref<!tpu.dma_semaphore, #tpu.memory_space<semaphore_mem>>) src(%dma_wait3A_507 : memref<32x768xf32, #tpu.memory_space<hbm>>) dst(%arg7 : memref<32x768xf32, #tpu.memory_space<vmem>>)
          } else {
          }
          %add3A_491 = arith.constant 2 : i32
          %add3A_492 = arith.addi %add3A_449, %add3A_491 : i32
          %mul3A_493 = arith.constant 2 : i32
          %mul3A_494 = arith.muli %mul3A_493, %add3A_492 : i32
          %add3A_495 = arith.addi %select_n3A_8, %mul3A_494 : i32
          %mul3A_496 = arith.constant 32 : i32
          %mul3A_497 = arith.muli %add3A_495, %mul3A_496 : i32
          %dma_start3A_498 = tpu.memref_slice %arg6[%mul3A_497] : memref<2048xi32, #tpu.memory_space<vmem>> -> memref<32xi32, #tpu.memory_space<vmem>>
          %dma_start3A_499 = arith.constant 0 : i32
          %dma_start3A_500 = arith.constant 0 : i32
          %dma_start3A_501 = tpu.memref_slice %arg2[%dma_start3A_499, %dma_start3A_500] : memref<32768x768xf32, #tpu.memory_space<hbm>> -> memref<32768x768xf32, #tpu.memory_space<hbm>>
          tpu.enqueue_indirect_dma source(%dma_start3A_501 : memref<32768x768xf32, #tpu.memory_space<hbm>>) target(%arg7 : memref<32x768xf32, #tpu.memory_space<vmem>>) offsets(%dma_start3A_498 : memref<32xi32, #tpu.memory_space<vmem>>) semaphore(%arg12 : memref<!tpu.dma_semaphore, #tpu.memory_space<semaphore_mem>>)
        } else {
        }
        %dma_wait3A = arith.constant 0 : i32
        %dma_wait3A_466 = arith.constant 0 : i32
        %dma_wait3A_467 = tpu.memref_slice %arg2[%dma_wait3A, %dma_wait3A_466] : memref<32768x768xf32, #tpu.memory_space<hbm>> -> memref<32x768xf32, #tpu.memory_space<hbm>>
        %dma_wait3A_468 = arith.constant 0 : i32
        %dma_wait3A_469 = arith.constant 0 : i32
        %dma_wait3A_470 = tpu.memref_slice %arg2[%dma_wait3A_468, %dma_wait3A_469] : memref<32768x768xf32, #tpu.memory_space<hbm>> -> memref<32x768xf32, #tpu.memory_space<hbm>>
        tpu.wait_dma2 semaphore(%arg14 : memref<!tpu.dma_semaphore, #tpu.memory_space<semaphore_mem>>) src(%dma_wait3A_470 : memref<32x768xf32, #tpu.memory_space<hbm>>) dst(%arg9 : memref<32x768xf32, #tpu.memory_space<vmem>>)
        %mul3A_471 = arith.constant 2 : i32
        %mul3A_472 = arith.muli %mul3A_471, %add3A_449 : i32
        %add3A_473 = arith.addi %select_n3A_8, %mul3A_472 : i32
        %eq3A_474 = arith.cmpi eq, %add3A_473, %select_n3A_39 : i32
        %gt3A_475 = arith.constant 0 : i32
        %gt3A_476 = arith.cmpi sgt, %sub3A_42, %gt3A_475 : i32
        %and3A_477 = arith.andi %eq3A_474, %gt3A_476 : i1
        %convert_element_type3A_478 = arith.extui %and3A_477 : i1 to i32
        %cond3A_479 = arith.constant 0 : i32
        %cond3A_480 = arith.cmpi ne, %convert_element_type3A_478, %cond3A_479 : i32
        scf.if %cond3A_480 {
          %while3A_487 = arith.constant 0 : i32
          %while3A_488 = arith.constant 32 : i32
          %while3A_489 = arith.subi %while3A_488, %sub3A_42 : i32
          %while3A_490 = arith.addi %sub3A_42, %while3A_489 : i32
          %while3A_491 = arith.constant 1 : i32
          %while3A_492 = arith.divsi %while3A_489, %while3A_491 : i32
          %while3A_493 = arith.muli %while3A_492, %while3A_491 : i32
          %while3A_494 = arith.addi %sub3A_42, %while3A_493 : i32
          %while3A_495 = arith.constant 1 : i32
          scf.for %while3A_497 = %sub3A_42 to %while3A_494 step %while3A_495  : i32 {
            %broadcast_in_dim3A_498 = arith.constant 0.000000e+00 : f32
            %broadcast_in_dim3A_499 = vector.broadcast %broadcast_in_dim3A_498 : f32 to vector<16xf32>
            %swap3A = arith.index_cast %while3A_497 : i32 to index
            %swap3A_500 = arith.constant 0 : index
            %swap3A_501 = tpu.vector_load %arg9[%swap3A, %swap3A_500] {strides = array<i32>} : memref<32x768xf32, #tpu.memory_space<vmem>>, vector<16xf32>,
            tpu.vector_store %arg9[%swap3A, %swap3A_500], %broadcast_in_dim3A_499 {strides = array<i32>} : memref<32x768xf32, #tpu.memory_space<vmem>>, vector<16xf32>,
            %broadcast_in_dim3A_502 = arith.constant 0.000000e+00 : f32
            %broadcast_in_dim3A_503 = vector.broadcast %broadcast_in_dim3A_502 : f32 to vector<16xf32>
            %swap3A_504 = arith.index_cast %while3A_497 : i32 to index
            %swap3A_505 = arith.constant 16 : index
            %swap3A_506 = tpu.vector_load %arg9[%swap3A_504, %swap3A_505] {strides = array<i32>} : memref<32x768xf32, #tpu.memory_space<vmem>>, vector<16xf32>,
            tpu.vector_store %arg9[%swap3A_504, %swap3A_505], %broadcast_in_dim3A_503 {strides = array<i32>} : memref<32x768xf32, #tpu.memory_space<vmem>>, vector<16xf32>,
            %broadcast_in_dim3A_507 = arith.constant 0.000000e+00 : f32
            %broadcast_in_dim3A_508 = vector.broadcast %broadcast_in_dim3A_507 : f32 to vector<16xf32>
            %swap3A_509 = arith.index_cast %while3A_497 : i32 to index
            %swap3A_510 = arith.constant 32 : index
            %swap3A_511 = tpu.vector_load %arg9[%swap3A_509, %swap3A_510] {strides = array<i32>} : memref<32x768xf32, #tpu.memory_space<vmem>>, vector<16xf32>,
            tpu.vector_store %arg9[%swap3A_509, %swap3A_510], %broadcast_in_dim3A_508 {strides = array<i32>} : memref<32x768xf32, #tpu.memory_space<vmem>>, vector<16xf32>,
            %broadcast_in_dim3A_512 = arith.constant 0.000000e+00 : f32
            %broadcast_in_dim3A_513 = vector.broadcast %broadcast_in_dim3A_512 : f32 to vector<16xf32>
            %swap3A_514 = arith.index_cast %while3A_497 : i32 to index
            %swap3A_515 = arith.constant 48 : index
            %swap3A_516 = tpu.vector_load %arg9[%swap3A_514, %swap3A_515] {strides = array<i32>} : memref<32x768xf32, #tpu.memory_space<vmem>>, vector<16xf32>,
            tpu.vector_store %arg9[%swap3A_514, %swap3A_515], %broadcast_in_dim3A_513 {strides = array<i32>} : memref<32x768xf32, #tpu.memory_space<vmem>>, vector<16xf32>,
            %broadcast_in_dim3A_517 = arith.constant 0.000000e+00 : f32
            %broadcast_in_dim3A_518 = vector.broadcast %broadcast_in_dim3A_517 : f32 to vector<16xf32>
            %swap3A_519 = arith.index_cast %while3A_497 : i32 to index
            %swap3A_520 = arith.constant 64 : index
            %swap3A_521 = tpu.vector_load %arg9[%swap3A_519, %swap3A_520] {strides = array<i32>} : memref<32x768xf32, #tpu.memory_space<vmem>>, vector<16xf32>,
            tpu.vector_store %arg9[%swap3A_519, %swap3A_520], %broadcast_in_dim3A_518 {strides = array<i32>} : memref<32x768xf32, #tpu.memory_space<vmem>>, vector<16xf32>,
            %broadcast_in_dim3A_522 = arith.constant 0.000000e+00 : f32
            %broadcast_in_dim3A_523 = vector.broadcast %broadcast_in_dim3A_522 : f32 to vector<16xf32>
            %swap3A_524 = arith.index_cast %while3A_497 : i32 to index
            %swap3A_525 = arith.constant 80 : index
            %swap3A_526 = tpu.vector_load %arg9[%swap3A_524, %swap3A_525] {strides = array<i32>} : memref<32x768xf32, #tpu.memory_space<vmem>>, vector<16xf32>,
            tpu.vector_store %arg9[%swap3A_524, %swap3A_525], %broadcast_in_dim3A_523 {strides = array<i32>} : memref<32x768xf32, #tpu.memory_space<vmem>>, vector<16xf32>,
            %broadcast_in_dim3A_527 = arith.constant 0.000000e+00 : f32
            %broadcast_in_dim3A_528 = vector.broadcast %broadcast_in_dim3A_527 : f32 to vector<16xf32>
            %swap3A_529 = arith.index_cast %while3A_497 : i32 to index
            %swap3A_530 = arith.constant 96 : index
            %swap3A_531 = tpu.vector_load %arg9[%swap3A_529, %swap3A_530] {strides = array<i32>} : memref<32x768xf32, #tpu.memory_space<vmem>>, vector<16xf32>,
            tpu.vector_store %arg9[%swap3A_529, %swap3A_530], %broadcast_in_dim3A_528 {strides = array<i32>} : memref<32x768xf32, #tpu.memory_space<vmem>>, vector<16xf32>,
            %broadcast_in_dim3A_532 = arith.constant 0.000000e+00 : f32
            %broadcast_in_dim3A_533 = vector.broadcast %broadcast_in_dim3A_532 : f32 to vector<16xf32>
            %swap3A_534 = arith.index_cast %while3A_497 : i32 to index
            %swap3A_535 = arith.constant 112 : index
            %swap3A_536 = tpu.vector_load %arg9[%swap3A_534, %swap3A_535] {strides = array<i32>} : memref<32x768xf32, #tpu.memory_space<vmem>>, vector<16xf32>,
            tpu.vector_store %arg9[%swap3A_534, %swap3A_535], %broadcast_in_dim3A_533 {strides = array<i32>} : memref<32x768xf32, #tpu.memory_space<vmem>>, vector<16xf32>,
            %broadcast_in_dim3A_537 = arith.constant 0.000000e+00 : f32
            %broadcast_in_dim3A_538 = vector.broadcast %broadcast_in_dim3A_537 : f32 to vector<16xf32>
            %swap3A_539 = arith.index_cast %while3A_497 : i32 to index
            %swap3A_540 = arith.constant 128 : index
            %swap3A_541 = tpu.vector_load %arg9[%swap3A_539, %swap3A_540] {strides = array<i32>} : memref<32x768xf32, #tpu.memory_space<vmem>>, vector<16xf32>,
            tpu.vector_store %arg9[%swap3A_539, %swap3A_540], %broadcast_in_dim3A_538 {strides = array<i32>} : memref<32x768xf32, #tpu.memory_space<vmem>>, vector<16xf32>,
            %broadcast_in_dim3A_542 = arith.constant 0.000000e+00 : f32
            %broadcast_in_dim3A_543 = vector.broadcast %broadcast_in_dim3A_542 : f32 to vector<16xf32>
            %swap3A_544 = arith.index_cast %while3A_497 : i32 to index
            %swap3A_545 = arith.constant 144 : index
            %swap3A_546 = tpu.vector_load %arg9[%swap3A_544, %swap3A_545] {strides = array<i32>} : memref<32x768xf32, #tpu.memory_space<vmem>>, vector<16xf32>,
            tpu.vector_store %arg9[%swap3A_544, %swap3A_545], %broadcast_in_dim3A_543 {strides = array<i32>} : memref<32x768xf32, #tpu.memory_space<vmem>>, vector<16xf32>,
            %broadcast_in_dim3A_547 = arith.constant 0.000000e+00 : f32
            %broadcast_in_dim3A_548 = vector.broadcast %broadcast_in_dim3A_547 : f32 to vector<16xf32>
            %swap3A_549 = arith.index_cast %while3A_497 : i32 to index
            %swap3A_550 = arith.constant 160 : index
            %swap3A_551 = tpu.vector_load %arg9[%swap3A_549, %swap3A_550] {strides = array<i32>} : memref<32x768xf32, #tpu.memory_space<vmem>>, vector<16xf32>,
            tpu.vector_store %arg9[%swap3A_549, %swap3A_550], %broadcast_in_dim3A_548 {strides = array<i32>} : memref<32x768xf32, #tpu.memory_space<vmem>>, vector<16xf32>,
            %broadcast_in_dim3A_552 = arith.constant 0.000000e+00 : f32
            %broadcast_in_dim3A_553 = vector.broadcast %broadcast_in_dim3A_552 : f32 to vector<16xf32>
            %swap3A_554 = arith.index_cast %while3A_497 : i32 to index
            %swap3A_555 = arith.constant 176 : index
            %swap3A_556 = tpu.vector_load %arg9[%swap3A_554, %swap3A_555] {strides = array<i32>} : memref<32x768xf32, #tpu.memory_space<vmem>>, vector<16xf32>,
            tpu.vector_store %arg9[%swap3A_554, %swap3A_555], %broadcast_in_dim3A_553 {strides = array<i32>} : memref<32x768xf32, #tpu.memory_space<vmem>>, vector<16xf32>,
            %broadcast_in_dim3A_557 = arith.constant 0.000000e+00 : f32
            %broadcast_in_dim3A_558 = vector.broadcast %broadcast_in_dim3A_557 : f32 to vector<16xf32>
            %swap3A_559 = arith.index_cast %while3A_497 : i32 to index
            %swap3A_560 = arith.constant 192 : index
            %swap3A_561 = tpu.vector_load %arg9[%swap3A_559, %swap3A_560] {strides = array<i32>} : memref<32x768xf32, #tpu.memory_space<vmem>>, vector<16xf32>,
            tpu.vector_store %arg9[%swap3A_559, %swap3A_560], %broadcast_in_dim3A_558 {strides = array<i32>} : memref<32x768xf32, #tpu.memory_space<vmem>>, vector<16xf32>,
            %broadcast_in_dim3A_562 = arith.constant 0.000000e+00 : f32
            %broadcast_in_dim3A_563 = vector.broadcast %broadcast_in_dim3A_562 : f32 to vector<16xf32>
            %swap3A_564 = arith.index_cast %while3A_497 : i32 to index
            %swap3A_565 = arith.constant 208 : index
            %swap3A_566 = tpu.vector_load %arg9[%swap3A_564, %swap3A_565] {strides = array<i32>} : memref<32x768xf32, #tpu.memory_space<vmem>>, vector<16xf32>,
            tpu.vector_store %arg9[%swap3A_564, %swap3A_565], %broadcast_in_dim3A_563 {strides = array<i32>} : memref<32x768xf32, #tpu.memory_space<vmem>>, vector<16xf32>,
            %broadcast_in_dim3A_567 = arith.constant 0.000000e+00 : f32
            %broadcast_in_dim3A_568 = vector.broadcast %broadcast_in_dim3A_567 : f32 to vector<16xf32>
            %swap3A_569 = arith.index_cast %while3A_497 : i32 to index
            %swap3A_570 = arith.constant 224 : index
            %swap3A_571 = tpu.vector_load %arg9[%swap3A_569, %swap3A_570] {strides = array<i32>} : memref<32x768xf32, #tpu.memory_space<vmem>>, vector<16xf32>,
            tpu.vector_store %arg9[%swap3A_569, %swap3A_570], %broadcast_in_dim3A_568 {strides = array<i32>} : memref<32x768xf32, #tpu.memory_space<vmem>>, vector<16xf32>,
            %broadcast_in_dim3A_572 = arith.constant 0.000000e+00 : f32
            %broadcast_in_dim3A_573 = vector.broadcast %broadcast_in_dim3A_572 : f32 to vector<16xf32>
            %swap3A_574 = arith.index_cast %while3A_497 : i32 to index
            %swap3A_575 = arith.constant 240 : index
            %swap3A_576 = tpu.vector_load %arg9[%swap3A_574, %swap3A_575] {strides = array<i32>} : memref<32x768xf32, #tpu.memory_space<vmem>>, vector<16xf32>,
            tpu.vector_store %arg9[%swap3A_574, %swap3A_575], %broadcast_in_dim3A_573 {strides = array<i32>} : memref<32x768xf32, #tpu.memory_space<vmem>>, vector<16xf32>,
            %broadcast_in_dim3A_577 = arith.constant 0.000000e+00 : f32
            %broadcast_in_dim3A_578 = vector.broadcast %broadcast_in_dim3A_577 : f32 to vector<16xf32>
            %swap3A_579 = arith.index_cast %while3A_497 : i32 to index
            %swap3A_580 = arith.constant 256 : index
            %swap3A_581 = tpu.vector_load %arg9[%swap3A_579, %swap3A_580] {strides = array<i32>} : memref<32x768xf32, #tpu.memory_space<vmem>>, vector<16xf32>,
            tpu.vector_store %arg9[%swap3A_579, %swap3A_580], %broadcast_in_dim3A_578 {strides = array<i32>} : memref<32x768xf32, #tpu.memory_space<vmem>>, vector<16xf32>,
            %broadcast_in_dim3A_582 = arith.constant 0.000000e+00 : f32
            %broadcast_in_dim3A_583 = vector.broadcast %broadcast_in_dim3A_582 : f32 to vector<16xf32>
            %swap3A_584 = arith.index_cast %while3A_497 : i32 to index
            %swap3A_585 = arith.constant 272 : index
            %swap3A_586 = tpu.vector_load %arg9[%swap3A_584, %swap3A_585] {strides = array<i32>} : memref<32x768xf32, #tpu.memory_space<vmem>>, vector<16xf32>,
            tpu.vector_store %arg9[%swap3A_584, %swap3A_585], %broadcast_in_dim3A_583 {strides = array<i32>} : memref<32x768xf32, #tpu.memory_space<vmem>>, vector<16xf32>,
            %broadcast_in_dim3A_587 = arith.constant 0.000000e+00 : f32
            %broadcast_in_dim3A_588 = vector.broadcast %broadcast_in_dim3A_587 : f32 to vector<16xf32>
            %swap3A_589 = arith.index_cast %while3A_497 : i32 to index
            %swap3A_590 = arith.constant 288 : index
            %swap3A_591 = tpu.vector_load %arg9[%swap3A_589, %swap3A_590] {strides = array<i32>} : memref<32x768xf32, #tpu.memory_space<vmem>>, vector<16xf32>,
            tpu.vector_store %arg9[%swap3A_589, %swap3A_590], %broadcast_in_dim3A_588 {strides = array<i32>} : memref<32x768xf32, #tpu.memory_space<vmem>>, vector<16xf32>,
            %broadcast_in_dim3A_592 = arith.constant 0.000000e+00 : f32
            %broadcast_in_dim3A_593 = vector.broadcast %broadcast_in_dim3A_592 : f32 to vector<16xf32>
            %swap3A_594 = arith.index_cast %while3A_497 : i32 to index
            %swap3A_595 = arith.constant 304 : index
            %swap3A_596 = tpu.vector_load %arg9[%swap3A_594, %swap3A_595] {strides = array<i32>} : memref<32x768xf32, #tpu.memory_space<vmem>>, vector<16xf32>,
            tpu.vector_store %arg9[%swap3A_594, %swap3A_595], %broadcast_in_dim3A_593 {strides = array<i32>} : memref<32x768xf32, #tpu.memory_space<vmem>>, vector<16xf32>,
            %broadcast_in_dim3A_597 = arith.constant 0.000000e+00 : f32
            %broadcast_in_dim3A_598 = vector.broadcast %broadcast_in_dim3A_597 : f32 to vector<16xf32>
            %swap3A_599 = arith.index_cast %while3A_497 : i32 to index
            %swap3A_600 = arith.constant 320 : index
            %swap3A_601 = tpu.vector_load %arg9[%swap3A_599, %swap3A_600] {strides = array<i32>} : memref<32x768xf32, #tpu.memory_space<vmem>>, vector<16xf32>,
            tpu.vector_store %arg9[%swap3A_599, %swap3A_600], %broadcast_in_dim3A_598 {strides = array<i32>} : memref<32x768xf32, #tpu.memory_space<vmem>>, vector<16xf32>,
            %broadcast_in_dim3A_602 = arith.constant 0.000000e+00 : f32
            %broadcast_in_dim3A_603 = vector.broadcast %broadcast_in_dim3A_602 : f32 to vector<16xf32>
            %swap3A_604 = arith.index_cast %while3A_497 : i32 to index
            %swap3A_605 = arith.constant 336 : index
            %swap3A_606 = tpu.vector_load %arg9[%swap3A_604, %swap3A_605] {strides = array<i32>} : memref<32x768xf32, #tpu.memory_space<vmem>>, vector<16xf32>,
            tpu.vector_store %arg9[%swap3A_604, %swap3A_605], %broadcast_in_dim3A_603 {strides = array<i32>} : memref<32x768xf32, #tpu.memory_space<vmem>>, vector<16xf32>,
            %broadcast_in_dim3A_607 = arith.constant 0.000000e+00 : f32
            %broadcast_in_dim3A_608 = vector.broadcast %broadcast_in_dim3A_607 : f32 to vector<16xf32>
            %swap3A_609 = arith.index_cast %while3A_497 : i32 to index
            %swap3A_610 = arith.constant 352 : index
            %swap3A_611 = tpu.vector_load %arg9[%swap3A_609, %swap3A_610] {strides = array<i32>} : memref<32x768xf32, #tpu.memory_space<vmem>>, vector<16xf32>,
            tpu.vector_store %arg9[%swap3A_609, %swap3A_610], %broadcast_in_dim3A_608 {strides = array<i32>} : memref<32x768xf32, #tpu.memory_space<vmem>>, vector<16xf32>,
            %broadcast_in_dim3A_612 = arith.constant 0.000000e+00 : f32
            %broadcast_in_dim3A_613 = vector.broadcast %broadcast_in_dim3A_612 : f32 to vector<16xf32>
            %swap3A_614 = arith.index_cast %while3A_497 : i32 to index
            %swap3A_615 = arith.constant 368 : index
            %swap3A_616 = tpu.vector_load %arg9[%swap3A_614, %swap3A_615] {strides = array<i32>} : memref<32x768xf32, #tpu.memory_space<vmem>>, vector<16xf32>,
            tpu.vector_store %arg9[%swap3A_614, %swap3A_615], %broadcast_in_dim3A_613 {strides = array<i32>} : memref<32x768xf32, #tpu.memory_space<vmem>>, vector<16xf32>,
            %broadcast_in_dim3A_617 = arith.constant 0.000000e+00 : f32
            %broadcast_in_dim3A_618 = vector.broadcast %broadcast_in_dim3A_617 : f32 to vector<16xf32>
            %swap3A_619 = arith.index_cast %while3A_497 : i32 to index
            %swap3A_620 = arith.constant 384 : index
            %swap3A_621 = tpu.vector_load %arg9[%swap3A_619, %swap3A_620] {strides = array<i32>} : memref<32x768xf32, #tpu.memory_space<vmem>>, vector<16xf32>,
            tpu.vector_store %arg9[%swap3A_619, %swap3A_620], %broadcast_in_dim3A_618 {strides = array<i32>} : memref<32x768xf32, #tpu.memory_space<vmem>>, vector<16xf32>,
            %broadcast_in_dim3A_622 = arith.constant 0.000000e+00 : f32
            %broadcast_in_dim3A_623 = vector.broadcast %broadcast_in_dim3A_622 : f32 to vector<16xf32>
            %swap3A_624 = arith.index_cast %while3A_497 : i32 to index
            %swap3A_625 = arith.constant 400 : index
            %swap3A_626 = tpu.vector_load %arg9[%swap3A_624, %swap3A_625] {strides = array<i32>} : memref<32x768xf32, #tpu.memory_space<vmem>>, vector<16xf32>,
            tpu.vector_store %arg9[%swap3A_624, %swap3A_625], %broadcast_in_dim3A_623 {strides = array<i32>} : memref<32x768xf32, #tpu.memory_space<vmem>>, vector<16xf32>,
            %broadcast_in_dim3A_627 = arith.constant 0.000000e+00 : f32
            %broadcast_in_dim3A_628 = vector.broadcast %broadcast_in_dim3A_627 : f32 to vector<16xf32>
            %swap3A_629 = arith.index_cast %while3A_497 : i32 to index
            %swap3A_630 = arith.constant 416 : index
            %swap3A_631 = tpu.vector_load %arg9[%swap3A_629, %swap3A_630] {strides = array<i32>} : memref<32x768xf32, #tpu.memory_space<vmem>>, vector<16xf32>,
            tpu.vector_store %arg9[%swap3A_629, %swap3A_630], %broadcast_in_dim3A_628 {strides = array<i32>} : memref<32x768xf32, #tpu.memory_space<vmem>>, vector<16xf32>,
            %broadcast_in_dim3A_632 = arith.constant 0.000000e+00 : f32
            %broadcast_in_dim3A_633 = vector.broadcast %broadcast_in_dim3A_632 : f32 to vector<16xf32>
            %swap3A_634 = arith.index_cast %while3A_497 : i32 to index
            %swap3A_635 = arith.constant 432 : index
            %swap3A_636 = tpu.vector_load %arg9[%swap3A_634, %swap3A_635] {strides = array<i32>} : memref<32x768xf32, #tpu.memory_space<vmem>>, vector<16xf32>,
            tpu.vector_store %arg9[%swap3A_634, %swap3A_635], %broadcast_in_dim3A_633 {strides = array<i32>} : memref<32x768xf32, #tpu.memory_space<vmem>>, vector<16xf32>,
            %broadcast_in_dim3A_637 = arith.constant 0.000000e+00 : f32
            %broadcast_in_dim3A_638 = vector.broadcast %broadcast_in_dim3A_637 : f32 to vector<16xf32>
            %swap3A_639 = arith.index_cast %while3A_497 : i32 to index
            %swap3A_640 = arith.constant 448 : index
            %swap3A_641 = tpu.vector_load %arg9[%swap3A_639, %swap3A_640] {strides = array<i32>} : memref<32x768xf32, #tpu.memory_space<vmem>>, vector<16xf32>,
            tpu.vector_store %arg9[%swap3A_639, %swap3A_640], %broadcast_in_dim3A_638 {strides = array<i32>} : memref<32x768xf32, #tpu.memory_space<vmem>>, vector<16xf32>,
            %broadcast_in_dim3A_642 = arith.constant 0.000000e+00 : f32
            %broadcast_in_dim3A_643 = vector.broadcast %broadcast_in_dim3A_642 : f32 to vector<16xf32>
            %swap3A_644 = arith.index_cast %while3A_497 : i32 to index
            %swap3A_645 = arith.constant 464 : index
            %swap3A_646 = tpu.vector_load %arg9[%swap3A_644, %swap3A_645] {strides = array<i32>} : memref<32x768xf32, #tpu.memory_space<vmem>>, vector<16xf32>,
            tpu.vector_store %arg9[%swap3A_644, %swap3A_645], %broadcast_in_dim3A_643 {strides = array<i32>} : memref<32x768xf32, #tpu.memory_space<vmem>>, vector<16xf32>,
            %broadcast_in_dim3A_647 = arith.constant 0.000000e+00 : f32
            %broadcast_in_dim3A_648 = vector.broadcast %broadcast_in_dim3A_647 : f32 to vector<16xf32>
            %swap3A_649 = arith.index_cast %while3A_497 : i32 to index
            %swap3A_650 = arith.constant 480 : index
            %swap3A_651 = tpu.vector_load %arg9[%swap3A_649, %swap3A_650] {strides = array<i32>} : memref<32x768xf32, #tpu.memory_space<vmem>>, vector<16xf32>,
            tpu.vector_store %arg9[%swap3A_649, %swap3A_650], %broadcast_in_dim3A_648 {strides = array<i32>} : memref<32x768xf32, #tpu.memory_space<vmem>>, vector<16xf32>,
            %broadcast_in_dim3A_652 = arith.constant 0.000000e+00 : f32
            %broadcast_in_dim3A_653 = vector.broadcast %broadcast_in_dim3A_652 : f32 to vector<16xf32>
            %swap3A_654 = arith.index_cast %while3A_497 : i32 to index
            %swap3A_655 = arith.constant 496 : index
            %swap3A_656 = tpu.vector_load %arg9[%swap3A_654, %swap3A_655] {strides = array<i32>} : memref<32x768xf32, #tpu.memory_space<vmem>>, vector<16xf32>,
            tpu.vector_store %arg9[%swap3A_654, %swap3A_655], %broadcast_in_dim3A_653 {strides = array<i32>} : memref<32x768xf32, #tpu.memory_space<vmem>>, vector<16xf32>,
            %broadcast_in_dim3A_657 = arith.constant 0.000000e+00 : f32
            %broadcast_in_dim3A_658 = vector.broadcast %broadcast_in_dim3A_657 : f32 to vector<16xf32>
            %swap3A_659 = arith.index_cast %while3A_497 : i32 to index
            %swap3A_660 = arith.constant 512 : index
            %swap3A_661 = tpu.vector_load %arg9[%swap3A_659, %swap3A_660] {strides = array<i32>} : memref<32x768xf32, #tpu.memory_space<vmem>>, vector<16xf32>,
            tpu.vector_store %arg9[%swap3A_659, %swap3A_660], %broadcast_in_dim3A_658 {strides = array<i32>} : memref<32x768xf32, #tpu.memory_space<vmem>>, vector<16xf32>,
            %broadcast_in_dim3A_662 = arith.constant 0.000000e+00 : f32
            %broadcast_in_dim3A_663 = vector.broadcast %broadcast_in_dim3A_662 : f32 to vector<16xf32>
            %swap3A_664 = arith.index_cast %while3A_497 : i32 to index
            %swap3A_665 = arith.constant 528 : index
            %swap3A_666 = tpu.vector_load %arg9[%swap3A_664, %swap3A_665] {strides = array<i32>} : memref<32x768xf32, #tpu.memory_space<vmem>>, vector<16xf32>,
            tpu.vector_store %arg9[%swap3A_664, %swap3A_665], %broadcast_in_dim3A_663 {strides = array<i32>} : memref<32x768xf32, #tpu.memory_space<vmem>>, vector<16xf32>,
            %broadcast_in_dim3A_667 = arith.constant 0.000000e+00 : f32
            %broadcast_in_dim3A_668 = vector.broadcast %broadcast_in_dim3A_667 : f32 to vector<16xf32>
            %swap3A_669 = arith.index_cast %while3A_497 : i32 to index
            %swap3A_670 = arith.constant 544 : index
            %swap3A_671 = tpu.vector_load %arg9[%swap3A_669, %swap3A_670] {strides = array<i32>} : memref<32x768xf32, #tpu.memory_space<vmem>>, vector<16xf32>,
            tpu.vector_store %arg9[%swap3A_669, %swap3A_670], %broadcast_in_dim3A_668 {strides = array<i32>} : memref<32x768xf32, #tpu.memory_space<vmem>>, vector<16xf32>,
            %broadcast_in_dim3A_672 = arith.constant 0.000000e+00 : f32
            %broadcast_in_dim3A_673 = vector.broadcast %broadcast_in_dim3A_672 : f32 to vector<16xf32>
            %swap3A_674 = arith.index_cast %while3A_497 : i32 to index
            %swap3A_675 = arith.constant 560 : index
            %swap3A_676 = tpu.vector_load %arg9[%swap3A_674, %swap3A_675] {strides = array<i32>} : memref<32x768xf32, #tpu.memory_space<vmem>>, vector<16xf32>,
            tpu.vector_store %arg9[%swap3A_674, %swap3A_675], %broadcast_in_dim3A_673 {strides = array<i32>} : memref<32x768xf32, #tpu.memory_space<vmem>>, vector<16xf32>,
            %broadcast_in_dim3A_677 = arith.constant 0.000000e+00 : f32
            %broadcast_in_dim3A_678 = vector.broadcast %broadcast_in_dim3A_677 : f32 to vector<16xf32>
            %swap3A_679 = arith.index_cast %while3A_497 : i32 to index
            %swap3A_680 = arith.constant 576 : index
            %swap3A_681 = tpu.vector_load %arg9[%swap3A_679, %swap3A_680] {strides = array<i32>} : memref<32x768xf32, #tpu.memory_space<vmem>>, vector<16xf32>,
            tpu.vector_store %arg9[%swap3A_679, %swap3A_680], %broadcast_in_dim3A_678 {strides = array<i32>} : memref<32x768xf32, #tpu.memory_space<vmem>>, vector<16xf32>,
            %broadcast_in_dim3A_682 = arith.constant 0.000000e+00 : f32
            %broadcast_in_dim3A_683 = vector.broadcast %broadcast_in_dim3A_682 : f32 to vector<16xf32>
            %swap3A_684 = arith.index_cast %while3A_497 : i32 to index
            %swap3A_685 = arith.constant 592 : index
            %swap3A_686 = tpu.vector_load %arg9[%swap3A_684, %swap3A_685] {strides = array<i32>} : memref<32x768xf32, #tpu.memory_space<vmem>>, vector<16xf32>,
            tpu.vector_store %arg9[%swap3A_684, %swap3A_685], %broadcast_in_dim3A_683 {strides = array<i32>} : memref<32x768xf32, #tpu.memory_space<vmem>>, vector<16xf32>,
            %broadcast_in_dim3A_687 = arith.constant 0.000000e+00 : f32
            %broadcast_in_dim3A_688 = vector.broadcast %broadcast_in_dim3A_687 : f32 to vector<16xf32>
            %swap3A_689 = arith.index_cast %while3A_497 : i32 to index
            %swap3A_690 = arith.constant 608 : index
            %swap3A_691 = tpu.vector_load %arg9[%swap3A_689, %swap3A_690] {strides = array<i32>} : memref<32x768xf32, #tpu.memory_space<vmem>>, vector<16xf32>,
            tpu.vector_store %arg9[%swap3A_689, %swap3A_690], %broadcast_in_dim3A_688 {strides = array<i32>} : memref<32x768xf32, #tpu.memory_space<vmem>>, vector<16xf32>,
            %broadcast_in_dim3A_692 = arith.constant 0.000000e+00 : f32
            %broadcast_in_dim3A_693 = vector.broadcast %broadcast_in_dim3A_692 : f32 to vector<16xf32>
            %swap3A_694 = arith.index_cast %while3A_497 : i32 to index
            %swap3A_695 = arith.constant 624 : index
            %swap3A_696 = tpu.vector_load %arg9[%swap3A_694, %swap3A_695] {strides = array<i32>} : memref<32x768xf32, #tpu.memory_space<vmem>>, vector<16xf32>,
            tpu.vector_store %arg9[%swap3A_694, %swap3A_695], %broadcast_in_dim3A_693 {strides = array<i32>} : memref<32x768xf32, #tpu.memory_space<vmem>>, vector<16xf32>,
            %broadcast_in_dim3A_697 = arith.constant 0.000000e+00 : f32
            %broadcast_in_dim3A_698 = vector.broadcast %broadcast_in_dim3A_697 : f32 to vector<16xf32>
            %swap3A_699 = arith.index_cast %while3A_497 : i32 to index
            %swap3A_700 = arith.constant 640 : index
            %swap3A_701 = tpu.vector_load %arg9[%swap3A_699, %swap3A_700] {strides = array<i32>} : memref<32x768xf32, #tpu.memory_space<vmem>>, vector<16xf32>,
            tpu.vector_store %arg9[%swap3A_699, %swap3A_700], %broadcast_in_dim3A_698 {strides = array<i32>} : memref<32x768xf32, #tpu.memory_space<vmem>>, vector<16xf32>,
            %broadcast_in_dim3A_702 = arith.constant 0.000000e+00 : f32
            %broadcast_in_dim3A_703 = vector.broadcast %broadcast_in_dim3A_702 : f32 to vector<16xf32>
            %swap3A_704 = arith.index_cast %while3A_497 : i32 to index
            %swap3A_705 = arith.constant 656 : index
            %swap3A_706 = tpu.vector_load %arg9[%swap3A_704, %swap3A_705] {strides = array<i32>} : memref<32x768xf32, #tpu.memory_space<vmem>>, vector<16xf32>,
            tpu.vector_store %arg9[%swap3A_704, %swap3A_705], %broadcast_in_dim3A_703 {strides = array<i32>} : memref<32x768xf32, #tpu.memory_space<vmem>>, vector<16xf32>,
            %broadcast_in_dim3A_707 = arith.constant 0.000000e+00 : f32
            %broadcast_in_dim3A_708 = vector.broadcast %broadcast_in_dim3A_707 : f32 to vector<16xf32>
            %swap3A_709 = arith.index_cast %while3A_497 : i32 to index
            %swap3A_710 = arith.constant 672 : index
            %swap3A_711 = tpu.vector_load %arg9[%swap3A_709, %swap3A_710] {strides = array<i32>} : memref<32x768xf32, #tpu.memory_space<vmem>>, vector<16xf32>,
            tpu.vector_store %arg9[%swap3A_709, %swap3A_710], %broadcast_in_dim3A_708 {strides = array<i32>} : memref<32x768xf32, #tpu.memory_space<vmem>>, vector<16xf32>,
            %broadcast_in_dim3A_712 = arith.constant 0.000000e+00 : f32
            %broadcast_in_dim3A_713 = vector.broadcast %broadcast_in_dim3A_712 : f32 to vector<16xf32>
            %swap3A_714 = arith.index_cast %while3A_497 : i32 to index
            %swap3A_715 = arith.constant 688 : index
            %swap3A_716 = tpu.vector_load %arg9[%swap3A_714, %swap3A_715] {strides = array<i32>} : memref<32x768xf32, #tpu.memory_space<vmem>>, vector<16xf32>,
            tpu.vector_store %arg9[%swap3A_714, %swap3A_715], %broadcast_in_dim3A_713 {strides = array<i32>} : memref<32x768xf32, #tpu.memory_space<vmem>>, vector<16xf32>,
            %broadcast_in_dim3A_717 = arith.constant 0.000000e+00 : f32
            %broadcast_in_dim3A_718 = vector.broadcast %broadcast_in_dim3A_717 : f32 to vector<16xf32>
            %swap3A_719 = arith.index_cast %while3A_497 : i32 to index
            %swap3A_720 = arith.constant 704 : index
            %swap3A_721 = tpu.vector_load %arg9[%swap3A_719, %swap3A_720] {strides = array<i32>} : memref<32x768xf32, #tpu.memory_space<vmem>>, vector<16xf32>,
            tpu.vector_store %arg9[%swap3A_719, %swap3A_720], %broadcast_in_dim3A_718 {strides = array<i32>} : memref<32x768xf32, #tpu.memory_space<vmem>>, vector<16xf32>,
            %broadcast_in_dim3A_722 = arith.constant 0.000000e+00 : f32
            %broadcast_in_dim3A_723 = vector.broadcast %broadcast_in_dim3A_722 : f32 to vector<16xf32>
            %swap3A_724 = arith.index_cast %while3A_497 : i32 to index
            %swap3A_725 = arith.constant 720 : index
            %swap3A_726 = tpu.vector_load %arg9[%swap3A_724, %swap3A_725] {strides = array<i32>} : memref<32x768xf32, #tpu.memory_space<vmem>>, vector<16xf32>,
            tpu.vector_store %arg9[%swap3A_724, %swap3A_725], %broadcast_in_dim3A_723 {strides = array<i32>} : memref<32x768xf32, #tpu.memory_space<vmem>>, vector<16xf32>,
            %broadcast_in_dim3A_727 = arith.constant 0.000000e+00 : f32
            %broadcast_in_dim3A_728 = vector.broadcast %broadcast_in_dim3A_727 : f32 to vector<16xf32>
            %swap3A_729 = arith.index_cast %while3A_497 : i32 to index
            %swap3A_730 = arith.constant 736 : index
            %swap3A_731 = tpu.vector_load %arg9[%swap3A_729, %swap3A_730] {strides = array<i32>} : memref<32x768xf32, #tpu.memory_space<vmem>>, vector<16xf32>,
            tpu.vector_store %arg9[%swap3A_729, %swap3A_730], %broadcast_in_dim3A_728 {strides = array<i32>} : memref<32x768xf32, #tpu.memory_space<vmem>>, vector<16xf32>,
            %broadcast_in_dim3A_732 = arith.constant 0.000000e+00 : f32
            %broadcast_in_dim3A_733 = vector.broadcast %broadcast_in_dim3A_732 : f32 to vector<16xf32>
            %swap3A_734 = arith.index_cast %while3A_497 : i32 to index
            %swap3A_735 = arith.constant 752 : index
            %swap3A_736 = tpu.vector_load %arg9[%swap3A_734, %swap3A_735] {strides = array<i32>} : memref<32x768xf32, #tpu.memory_space<vmem>>, vector<16xf32>,
            tpu.vector_store %arg9[%swap3A_734, %swap3A_735], %broadcast_in_dim3A_733 {strides = array<i32>} : memref<32x768xf32, #tpu.memory_space<vmem>>, vector<16xf32>,
          }
          %while3A_496 = arith.constant 1 : i32
          scf.for %while3A_497 = %while3A_494 to %while3A_490 step %while3A_496  : i32 {
            %broadcast_in_dim3A_498 = arith.constant 0.000000e+00 : f32
            %broadcast_in_dim3A_499 = vector.broadcast %broadcast_in_dim3A_498 : f32 to vector<16xf32>
            %swap3A = arith.index_cast %while3A_497 : i32 to index
            %swap3A_500 = arith.constant 0 : index
            %swap3A_501 = tpu.vector_load %arg9[%swap3A, %swap3A_500] {strides = array<i32>} : memref<32x768xf32, #tpu.memory_space<vmem>>, vector<16xf32>,
            tpu.vector_store %arg9[%swap3A, %swap3A_500], %broadcast_in_dim3A_499 {strides = array<i32>} : memref<32x768xf32, #tpu.memory_space<vmem>>, vector<16xf32>,
            %broadcast_in_dim3A_502 = arith.constant 0.000000e+00 : f32
            %broadcast_in_dim3A_503 = vector.broadcast %broadcast_in_dim3A_502 : f32 to vector<16xf32>
            %swap3A_504 = arith.index_cast %while3A_497 : i32 to index
            %swap3A_505 = arith.constant 16 : index
            %swap3A_506 = tpu.vector_load %arg9[%swap3A_504, %swap3A_505] {strides = array<i32>} : memref<32x768xf32, #tpu.memory_space<vmem>>, vector<16xf32>,
            tpu.vector_store %arg9[%swap3A_504, %swap3A_505], %broadcast_in_dim3A_503 {strides = array<i32>} : memref<32x768xf32, #tpu.memory_space<vmem>>, vector<16xf32>,
            %broadcast_in_dim3A_507 = arith.constant 0.000000e+00 : f32
            %broadcast_in_dim3A_508 = vector.broadcast %broadcast_in_dim3A_507 : f32 to vector<16xf32>
            %swap3A_509 = arith.index_cast %while3A_497 : i32 to index
            %swap3A_510 = arith.constant 32 : index
            %swap3A_511 = tpu.vector_load %arg9[%swap3A_509, %swap3A_510] {strides = array<i32>} : memref<32x768xf32, #tpu.memory_space<vmem>>, vector<16xf32>,
            tpu.vector_store %arg9[%swap3A_509, %swap3A_510], %broadcast_in_dim3A_508 {strides = array<i32>} : memref<32x768xf32, #tpu.memory_space<vmem>>, vector<16xf32>,
            %broadcast_in_dim3A_512 = arith.constant 0.000000e+00 : f32
            %broadcast_in_dim3A_513 = vector.broadcast %broadcast_in_dim3A_512 : f32 to vector<16xf32>
            %swap3A_514 = arith.index_cast %while3A_497 : i32 to index
            %swap3A_515 = arith.constant 48 : index
            %swap3A_516 = tpu.vector_load %arg9[%swap3A_514, %swap3A_515] {strides = array<i32>} : memref<32x768xf32, #tpu.memory_space<vmem>>, vector<16xf32>,
            tpu.vector_store %arg9[%swap3A_514, %swap3A_515], %broadcast_in_dim3A_513 {strides = array<i32>} : memref<32x768xf32, #tpu.memory_space<vmem>>, vector<16xf32>,
            %broadcast_in_dim3A_517 = arith.constant 0.000000e+00 : f32
            %broadcast_in_dim3A_518 = vector.broadcast %broadcast_in_dim3A_517 : f32 to vector<16xf32>
            %swap3A_519 = arith.index_cast %while3A_497 : i32 to index
            %swap3A_520 = arith.constant 64 : index
            %swap3A_521 = tpu.vector_load %arg9[%swap3A_519, %swap3A_520] {strides = array<i32>} : memref<32x768xf32, #tpu.memory_space<vmem>>, vector<16xf32>,
            tpu.vector_store %arg9[%swap3A_519, %swap3A_520], %broadcast_in_dim3A_518 {strides = array<i32>} : memref<32x768xf32, #tpu.memory_space<vmem>>, vector<16xf32>,
            %broadcast_in_dim3A_522 = arith.constant 0.000000e+00 : f32
            %broadcast_in_dim3A_523 = vector.broadcast %broadcast_in_dim3A_522 : f32 to vector<16xf32>
            %swap3A_524 = arith.index_cast %while3A_497 : i32 to index
            %swap3A_525 = arith.constant 80 : index
            %swap3A_526 = tpu.vector_load %arg9[%swap3A_524, %swap3A_525] {strides = array<i32>} : memref<32x768xf32, #tpu.memory_space<vmem>>, vector<16xf32>,
            tpu.vector_store %arg9[%swap3A_524, %swap3A_525], %broadcast_in_dim3A_523 {strides = array<i32>} : memref<32x768xf32, #tpu.memory_space<vmem>>, vector<16xf32>,
            %broadcast_in_dim3A_527 = arith.constant 0.000000e+00 : f32
            %broadcast_in_dim3A_528 = vector.broadcast %broadcast_in_dim3A_527 : f32 to vector<16xf32>
            %swap3A_529 = arith.index_cast %while3A_497 : i32 to index
            %swap3A_530 = arith.constant 96 : index
            %swap3A_531 = tpu.vector_load %arg9[%swap3A_529, %swap3A_530] {strides = array<i32>} : memref<32x768xf32, #tpu.memory_space<vmem>>, vector<16xf32>,
            tpu.vector_store %arg9[%swap3A_529, %swap3A_530], %broadcast_in_dim3A_528 {strides = array<i32>} : memref<32x768xf32, #tpu.memory_space<vmem>>, vector<16xf32>,
            %broadcast_in_dim3A_532 = arith.constant 0.000000e+00 : f32
            %broadcast_in_dim3A_533 = vector.broadcast %broadcast_in_dim3A_532 : f32 to vector<16xf32>
            %swap3A_534 = arith.index_cast %while3A_497 : i32 to index
            %swap3A_535 = arith.constant 112 : index
            %swap3A_536 = tpu.vector_load %arg9[%swap3A_534, %swap3A_535] {strides = array<i32>} : memref<32x768xf32, #tpu.memory_space<vmem>>, vector<16xf32>,
            tpu.vector_store %arg9[%swap3A_534, %swap3A_535], %broadcast_in_dim3A_533 {strides = array<i32>} : memref<32x768xf32, #tpu.memory_space<vmem>>, vector<16xf32>,
            %broadcast_in_dim3A_537 = arith.constant 0.000000e+00 : f32
            %broadcast_in_dim3A_538 = vector.broadcast %broadcast_in_dim3A_537 : f32 to vector<16xf32>
            %swap3A_539 = arith.index_cast %while3A_497 : i32 to index
            %swap3A_540 = arith.constant 128 : index
            %swap3A_541 = tpu.vector_load %arg9[%swap3A_539, %swap3A_540] {strides = array<i32>} : memref<32x768xf32, #tpu.memory_space<vmem>>, vector<16xf32>,
            tpu.vector_store %arg9[%swap3A_539, %swap3A_540], %broadcast_in_dim3A_538 {strides = array<i32>} : memref<32x768xf32, #tpu.memory_space<vmem>>, vector<16xf32>,
            %broadcast_in_dim3A_542 = arith.constant 0.000000e+00 : f32
            %broadcast_in_dim3A_543 = vector.broadcast %broadcast_in_dim3A_542 : f32 to vector<16xf32>
            %swap3A_544 = arith.index_cast %while3A_497 : i32 to index
            %swap3A_545 = arith.constant 144 : index
            %swap3A_546 = tpu.vector_load %arg9[%swap3A_544, %swap3A_545] {strides = array<i32>} : memref<32x768xf32, #tpu.memory_space<vmem>>, vector<16xf32>,
            tpu.vector_store %arg9[%swap3A_544, %swap3A_545], %broadcast_in_dim3A_543 {strides = array<i32>} : memref<32x768xf32, #tpu.memory_space<vmem>>, vector<16xf32>,
            %broadcast_in_dim3A_547 = arith.constant 0.000000e+00 : f32
            %broadcast_in_dim3A_548 = vector.broadcast %broadcast_in_dim3A_547 : f32 to vector<16xf32>
            %swap3A_549 = arith.index_cast %while3A_497 : i32 to index
            %swap3A_550 = arith.constant 160 : index
            %swap3A_551 = tpu.vector_load %arg9[%swap3A_549, %swap3A_550] {strides = array<i32>} : memref<32x768xf32, #tpu.memory_space<vmem>>, vector<16xf32>,
            tpu.vector_store %arg9[%swap3A_549, %swap3A_550], %broadcast_in_dim3A_548 {strides = array<i32>} : memref<32x768xf32, #tpu.memory_space<vmem>>, vector<16xf32>,
            %broadcast_in_dim3A_552 = arith.constant 0.000000e+00 : f32
            %broadcast_in_dim3A_553 = vector.broadcast %broadcast_in_dim3A_552 : f32 to vector<16xf32>
            %swap3A_554 = arith.index_cast %while3A_497 : i32 to index
            %swap3A_555 = arith.constant 176 : index
            %swap3A_556 = tpu.vector_load %arg9[%swap3A_554, %swap3A_555] {strides = array<i32>} : memref<32x768xf32, #tpu.memory_space<vmem>>, vector<16xf32>,
            tpu.vector_store %arg9[%swap3A_554, %swap3A_555], %broadcast_in_dim3A_553 {strides = array<i32>} : memref<32x768xf32, #tpu.memory_space<vmem>>, vector<16xf32>,
            %broadcast_in_dim3A_557 = arith.constant 0.000000e+00 : f32
            %broadcast_in_dim3A_558 = vector.broadcast %broadcast_in_dim3A_557 : f32 to vector<16xf32>
            %swap3A_559 = arith.index_cast %while3A_497 : i32 to index
            %swap3A_560 = arith.constant 192 : index
            %swap3A_561 = tpu.vector_load %arg9[%swap3A_559, %swap3A_560] {strides = array<i32>} : memref<32x768xf32, #tpu.memory_space<vmem>>, vector<16xf32>,
            tpu.vector_store %arg9[%swap3A_559, %swap3A_560], %broadcast_in_dim3A_558 {strides = array<i32>} : memref<32x768xf32, #tpu.memory_space<vmem>>, vector<16xf32>,
            %broadcast_in_dim3A_562 = arith.constant 0.000000e+00 : f32
            %broadcast_in_dim3A_563 = vector.broadcast %broadcast_in_dim3A_562 : f32 to vector<16xf32>
            %swap3A_564 = arith.index_cast %while3A_497 : i32 to index
            %swap3A_565 = arith.constant 208 : index
            %swap3A_566 = tpu.vector_load %arg9[%swap3A_564, %swap3A_565] {strides = array<i32>} : memref<32x768xf32, #tpu.memory_space<vmem>>, vector<16xf32>,
            tpu.vector_store %arg9[%swap3A_564, %swap3A_565], %broadcast_in_dim3A_563 {strides = array<i32>} : memref<32x768xf32, #tpu.memory_space<vmem>>, vector<16xf32>,
            %broadcast_in_dim3A_567 = arith.constant 0.000000e+00 : f32
            %broadcast_in_dim3A_568 = vector.broadcast %broadcast_in_dim3A_567 : f32 to vector<16xf32>
            %swap3A_569 = arith.index_cast %while3A_497 : i32 to index
            %swap3A_570 = arith.constant 224 : index
            %swap3A_571 = tpu.vector_load %arg9[%swap3A_569, %swap3A_570] {strides = array<i32>} : memref<32x768xf32, #tpu.memory_space<vmem>>, vector<16xf32>,
            tpu.vector_store %arg9[%swap3A_569, %swap3A_570], %broadcast_in_dim3A_568 {strides = array<i32>} : memref<32x768xf32, #tpu.memory_space<vmem>>, vector<16xf32>,
            %broadcast_in_dim3A_572 = arith.constant 0.000000e+00 : f32
            %broadcast_in_dim3A_573 = vector.broadcast %broadcast_in_dim3A_572 : f32 to vector<16xf32>
            %swap3A_574 = arith.index_cast %while3A_497 : i32 to index
            %swap3A_575 = arith.constant 240 : index
            %swap3A_576 = tpu.vector_load %arg9[%swap3A_574, %swap3A_575] {strides = array<i32>} : memref<32x768xf32, #tpu.memory_space<vmem>>, vector<16xf32>,
            tpu.vector_store %arg9[%swap3A_574, %swap3A_575], %broadcast_in_dim3A_573 {strides = array<i32>} : memref<32x768xf32, #tpu.memory_space<vmem>>, vector<16xf32>,
            %broadcast_in_dim3A_577 = arith.constant 0.000000e+00 : f32
            %broadcast_in_dim3A_578 = vector.broadcast %broadcast_in_dim3A_577 : f32 to vector<16xf32>
            %swap3A_579 = arith.index_cast %while3A_497 : i32 to index
            %swap3A_580 = arith.constant 256 : index
            %swap3A_581 = tpu.vector_load %arg9[%swap3A_579, %swap3A_580] {strides = array<i32>} : memref<32x768xf32, #tpu.memory_space<vmem>>, vector<16xf32>,
            tpu.vector_store %arg9[%swap3A_579, %swap3A_580], %broadcast_in_dim3A_578 {strides = array<i32>} : memref<32x768xf32, #tpu.memory_space<vmem>>, vector<16xf32>,
            %broadcast_in_dim3A_582 = arith.constant 0.000000e+00 : f32
            %broadcast_in_dim3A_583 = vector.broadcast %broadcast_in_dim3A_582 : f32 to vector<16xf32>
            %swap3A_584 = arith.index_cast %while3A_497 : i32 to index
            %swap3A_585 = arith.constant 272 : index
            %swap3A_586 = tpu.vector_load %arg9[%swap3A_584, %swap3A_585] {strides = array<i32>} : memref<32x768xf32, #tpu.memory_space<vmem>>, vector<16xf32>,
            tpu.vector_store %arg9[%swap3A_584, %swap3A_585], %broadcast_in_dim3A_583 {strides = array<i32>} : memref<32x768xf32, #tpu.memory_space<vmem>>, vector<16xf32>,
            %broadcast_in_dim3A_587 = arith.constant 0.000000e+00 : f32
            %broadcast_in_dim3A_588 = vector.broadcast %broadcast_in_dim3A_587 : f32 to vector<16xf32>
            %swap3A_589 = arith.index_cast %while3A_497 : i32 to index
            %swap3A_590 = arith.constant 288 : index
            %swap3A_591 = tpu.vector_load %arg9[%swap3A_589, %swap3A_590] {strides = array<i32>} : memref<32x768xf32, #tpu.memory_space<vmem>>, vector<16xf32>,
            tpu.vector_store %arg9[%swap3A_589, %swap3A_590], %broadcast_in_dim3A_588 {strides = array<i32>} : memref<32x768xf32, #tpu.memory_space<vmem>>, vector<16xf32>,
            %broadcast_in_dim3A_592 = arith.constant 0.000000e+00 : f32
            %broadcast_in_dim3A_593 = vector.broadcast %broadcast_in_dim3A_592 : f32 to vector<16xf32>
            %swap3A_594 = arith.index_cast %while3A_497 : i32 to index
            %swap3A_595 = arith.constant 304 : index
            %swap3A_596 = tpu.vector_load %arg9[%swap3A_594, %swap3A_595] {strides = array<i32>} : memref<32x768xf32, #tpu.memory_space<vmem>>, vector<16xf32>,
            tpu.vector_store %arg9[%swap3A_594, %swap3A_595], %broadcast_in_dim3A_593 {strides = array<i32>} : memref<32x768xf32, #tpu.memory_space<vmem>>, vector<16xf32>,
            %broadcast_in_dim3A_597 = arith.constant 0.000000e+00 : f32
            %broadcast_in_dim3A_598 = vector.broadcast %broadcast_in_dim3A_597 : f32 to vector<16xf32>
            %swap3A_599 = arith.index_cast %while3A_497 : i32 to index
            %swap3A_600 = arith.constant 320 : index
            %swap3A_601 = tpu.vector_load %arg9[%swap3A_599, %swap3A_600] {strides = array<i32>} : memref<32x768xf32, #tpu.memory_space<vmem>>, vector<16xf32>,
            tpu.vector_store %arg9[%swap3A_599, %swap3A_600], %broadcast_in_dim3A_598 {strides = array<i32>} : memref<32x768xf32, #tpu.memory_space<vmem>>, vector<16xf32>,
            %broadcast_in_dim3A_602 = arith.constant 0.000000e+00 : f32
            %broadcast_in_dim3A_603 = vector.broadcast %broadcast_in_dim3A_602 : f32 to vector<16xf32>
            %swap3A_604 = arith.index_cast %while3A_497 : i32 to index
            %swap3A_605 = arith.constant 336 : index
            %swap3A_606 = tpu.vector_load %arg9[%swap3A_604, %swap3A_605] {strides = array<i32>} : memref<32x768xf32, #tpu.memory_space<vmem>>, vector<16xf32>,
            tpu.vector_store %arg9[%swap3A_604, %swap3A_605], %broadcast_in_dim3A_603 {strides = array<i32>} : memref<32x768xf32, #tpu.memory_space<vmem>>, vector<16xf32>,
            %broadcast_in_dim3A_607 = arith.constant 0.000000e+00 : f32
            %broadcast_in_dim3A_608 = vector.broadcast %broadcast_in_dim3A_607 : f32 to vector<16xf32>
            %swap3A_609 = arith.index_cast %while3A_497 : i32 to index
            %swap3A_610 = arith.constant 352 : index
            %swap3A_611 = tpu.vector_load %arg9[%swap3A_609, %swap3A_610] {strides = array<i32>} : memref<32x768xf32, #tpu.memory_space<vmem>>, vector<16xf32>,
            tpu.vector_store %arg9[%swap3A_609, %swap3A_610], %broadcast_in_dim3A_608 {strides = array<i32>} : memref<32x768xf32, #tpu.memory_space<vmem>>, vector<16xf32>,
            %broadcast_in_dim3A_612 = arith.constant 0.000000e+00 : f32
            %broadcast_in_dim3A_613 = vector.broadcast %broadcast_in_dim3A_612 : f32 to vector<16xf32>
            %swap3A_614 = arith.index_cast %while3A_497 : i32 to index
            %swap3A_615 = arith.constant 368 : index
            %swap3A_616 = tpu.vector_load %arg9[%swap3A_614, %swap3A_615] {strides = array<i32>} : memref<32x768xf32, #tpu.memory_space<vmem>>, vector<16xf32>,
            tpu.vector_store %arg9[%swap3A_614, %swap3A_615], %broadcast_in_dim3A_613 {strides = array<i32>} : memref<32x768xf32, #tpu.memory_space<vmem>>, vector<16xf32>,
            %broadcast_in_dim3A_617 = arith.constant 0.000000e+00 : f32
            %broadcast_in_dim3A_618 = vector.broadcast %broadcast_in_dim3A_617 : f32 to vector<16xf32>
            %swap3A_619 = arith.index_cast %while3A_497 : i32 to index
            %swap3A_620 = arith.constant 384 : index
            %swap3A_621 = tpu.vector_load %arg9[%swap3A_619, %swap3A_620] {strides = array<i32>} : memref<32x768xf32, #tpu.memory_space<vmem>>, vector<16xf32>,
            tpu.vector_store %arg9[%swap3A_619, %swap3A_620], %broadcast_in_dim3A_618 {strides = array<i32>} : memref<32x768xf32, #tpu.memory_space<vmem>>, vector<16xf32>,
            %broadcast_in_dim3A_622 = arith.constant 0.000000e+00 : f32
            %broadcast_in_dim3A_623 = vector.broadcast %broadcast_in_dim3A_622 : f32 to vector<16xf32>
            %swap3A_624 = arith.index_cast %while3A_497 : i32 to index
            %swap3A_625 = arith.constant 400 : index
            %swap3A_626 = tpu.vector_load %arg9[%swap3A_624, %swap3A_625] {strides = array<i32>} : memref<32x768xf32, #tpu.memory_space<vmem>>, vector<16xf32>,
            tpu.vector_store %arg9[%swap3A_624, %swap3A_625], %broadcast_in_dim3A_623 {strides = array<i32>} : memref<32x768xf32, #tpu.memory_space<vmem>>, vector<16xf32>,
            %broadcast_in_dim3A_627 = arith.constant 0.000000e+00 : f32
            %broadcast_in_dim3A_628 = vector.broadcast %broadcast_in_dim3A_627 : f32 to vector<16xf32>
            %swap3A_629 = arith.index_cast %while3A_497 : i32 to index
            %swap3A_630 = arith.constant 416 : index
            %swap3A_631 = tpu.vector_load %arg9[%swap3A_629, %swap3A_630] {strides = array<i32>} : memref<32x768xf32, #tpu.memory_space<vmem>>, vector<16xf32>,
            tpu.vector_store %arg9[%swap3A_629, %swap3A_630], %broadcast_in_dim3A_628 {strides = array<i32>} : memref<32x768xf32, #tpu.memory_space<vmem>>, vector<16xf32>,
            %broadcast_in_dim3A_632 = arith.constant 0.000000e+00 : f32
            %broadcast_in_dim3A_633 = vector.broadcast %broadcast_in_dim3A_632 : f32 to vector<16xf32>
            %swap3A_634 = arith.index_cast %while3A_497 : i32 to index
            %swap3A_635 = arith.constant 432 : index
            %swap3A_636 = tpu.vector_load %arg9[%swap3A_634, %swap3A_635] {strides = array<i32>} : memref<32x768xf32, #tpu.memory_space<vmem>>, vector<16xf32>,
            tpu.vector_store %arg9[%swap3A_634, %swap3A_635], %broadcast_in_dim3A_633 {strides = array<i32>} : memref<32x768xf32, #tpu.memory_space<vmem>>, vector<16xf32>,
            %broadcast_in_dim3A_637 = arith.constant 0.000000e+00 : f32
            %broadcast_in_dim3A_638 = vector.broadcast %broadcast_in_dim3A_637 : f32 to vector<16xf32>
            %swap3A_639 = arith.index_cast %while3A_497 : i32 to index
            %swap3A_640 = arith.constant 448 : index
            %swap3A_641 = tpu.vector_load %arg9[%swap3A_639, %swap3A_640] {strides = array<i32>} : memref<32x768xf32, #tpu.memory_space<vmem>>, vector<16xf32>,
            tpu.vector_store %arg9[%swap3A_639, %swap3A_640], %broadcast_in_dim3A_638 {strides = array<i32>} : memref<32x768xf32, #tpu.memory_space<vmem>>, vector<16xf32>,
            %broadcast_in_dim3A_642 = arith.constant 0.000000e+00 : f32
            %broadcast_in_dim3A_643 = vector.broadcast %broadcast_in_dim3A_642 : f32 to vector<16xf32>
            %swap3A_644 = arith.index_cast %while3A_497 : i32 to index
            %swap3A_645 = arith.constant 464 : index
            %swap3A_646 = tpu.vector_load %arg9[%swap3A_644, %swap3A_645] {strides = array<i32>} : memref<32x768xf32, #tpu.memory_space<vmem>>, vector<16xf32>,
            tpu.vector_store %arg9[%swap3A_644, %swap3A_645], %broadcast_in_dim3A_643 {strides = array<i32>} : memref<32x768xf32, #tpu.memory_space<vmem>>, vector<16xf32>,
            %broadcast_in_dim3A_647 = arith.constant 0.000000e+00 : f32
            %broadcast_in_dim3A_648 = vector.broadcast %broadcast_in_dim3A_647 : f32 to vector<16xf32>
            %swap3A_649 = arith.index_cast %while3A_497 : i32 to index
            %swap3A_650 = arith.constant 480 : index
            %swap3A_651 = tpu.vector_load %arg9[%swap3A_649, %swap3A_650] {strides = array<i32>} : memref<32x768xf32, #tpu.memory_space<vmem>>, vector<16xf32>,
            tpu.vector_store %arg9[%swap3A_649, %swap3A_650], %broadcast_in_dim3A_648 {strides = array<i32>} : memref<32x768xf32, #tpu.memory_space<vmem>>, vector<16xf32>,
            %broadcast_in_dim3A_652 = arith.constant 0.000000e+00 : f32
            %broadcast_in_dim3A_653 = vector.broadcast %broadcast_in_dim3A_652 : f32 to vector<16xf32>
            %swap3A_654 = arith.index_cast %while3A_497 : i32 to index
            %swap3A_655 = arith.constant 496 : index
            %swap3A_656 = tpu.vector_load %arg9[%swap3A_654, %swap3A_655] {strides = array<i32>} : memref<32x768xf32, #tpu.memory_space<vmem>>, vector<16xf32>,
            tpu.vector_store %arg9[%swap3A_654, %swap3A_655], %broadcast_in_dim3A_653 {strides = array<i32>} : memref<32x768xf32, #tpu.memory_space<vmem>>, vector<16xf32>,
            %broadcast_in_dim3A_657 = arith.constant 0.000000e+00 : f32
            %broadcast_in_dim3A_658 = vector.broadcast %broadcast_in_dim3A_657 : f32 to vector<16xf32>
            %swap3A_659 = arith.index_cast %while3A_497 : i32 to index
            %swap3A_660 = arith.constant 512 : index
            %swap3A_661 = tpu.vector_load %arg9[%swap3A_659, %swap3A_660] {strides = array<i32>} : memref<32x768xf32, #tpu.memory_space<vmem>>, vector<16xf32>,
            tpu.vector_store %arg9[%swap3A_659, %swap3A_660], %broadcast_in_dim3A_658 {strides = array<i32>} : memref<32x768xf32, #tpu.memory_space<vmem>>, vector<16xf32>,
            %broadcast_in_dim3A_662 = arith.constant 0.000000e+00 : f32
            %broadcast_in_dim3A_663 = vector.broadcast %broadcast_in_dim3A_662 : f32 to vector<16xf32>
            %swap3A_664 = arith.index_cast %while3A_497 : i32 to index
            %swap3A_665 = arith.constant 528 : index
            %swap3A_666 = tpu.vector_load %arg9[%swap3A_664, %swap3A_665] {strides = array<i32>} : memref<32x768xf32, #tpu.memory_space<vmem>>, vector<16xf32>,
            tpu.vector_store %arg9[%swap3A_664, %swap3A_665], %broadcast_in_dim3A_663 {strides = array<i32>} : memref<32x768xf32, #tpu.memory_space<vmem>>, vector<16xf32>,
            %broadcast_in_dim3A_667 = arith.constant 0.000000e+00 : f32
            %broadcast_in_dim3A_668 = vector.broadcast %broadcast_in_dim3A_667 : f32 to vector<16xf32>
            %swap3A_669 = arith.index_cast %while3A_497 : i32 to index
            %swap3A_670 = arith.constant 544 : index
            %swap3A_671 = tpu.vector_load %arg9[%swap3A_669, %swap3A_670] {strides = array<i32>} : memref<32x768xf32, #tpu.memory_space<vmem>>, vector<16xf32>,
            tpu.vector_store %arg9[%swap3A_669, %swap3A_670], %broadcast_in_dim3A_668 {strides = array<i32>} : memref<32x768xf32, #tpu.memory_space<vmem>>, vector<16xf32>,
            %broadcast_in_dim3A_672 = arith.constant 0.000000e+00 : f32
            %broadcast_in_dim3A_673 = vector.broadcast %broadcast_in_dim3A_672 : f32 to vector<16xf32>
            %swap3A_674 = arith.index_cast %while3A_497 : i32 to index
            %swap3A_675 = arith.constant 560 : index
            %swap3A_676 = tpu.vector_load %arg9[%swap3A_674, %swap3A_675] {strides = array<i32>} : memref<32x768xf32, #tpu.memory_space<vmem>>, vector<16xf32>,
            tpu.vector_store %arg9[%swap3A_674, %swap3A_675], %broadcast_in_dim3A_673 {strides = array<i32>} : memref<32x768xf32, #tpu.memory_space<vmem>>, vector<16xf32>,
            %broadcast_in_dim3A_677 = arith.constant 0.000000e+00 : f32
            %broadcast_in_dim3A_678 = vector.broadcast %broadcast_in_dim3A_677 : f32 to vector<16xf32>
            %swap3A_679 = arith.index_cast %while3A_497 : i32 to index
            %swap3A_680 = arith.constant 576 : index
            %swap3A_681 = tpu.vector_load %arg9[%swap3A_679, %swap3A_680] {strides = array<i32>} : memref<32x768xf32, #tpu.memory_space<vmem>>, vector<16xf32>,
            tpu.vector_store %arg9[%swap3A_679, %swap3A_680], %broadcast_in_dim3A_678 {strides = array<i32>} : memref<32x768xf32, #tpu.memory_space<vmem>>, vector<16xf32>,
            %broadcast_in_dim3A_682 = arith.constant 0.000000e+00 : f32
            %broadcast_in_dim3A_683 = vector.broadcast %broadcast_in_dim3A_682 : f32 to vector<16xf32>
            %swap3A_684 = arith.index_cast %while3A_497 : i32 to index
            %swap3A_685 = arith.constant 592 : index
            %swap3A_686 = tpu.vector_load %arg9[%swap3A_684, %swap3A_685] {strides = array<i32>} : memref<32x768xf32, #tpu.memory_space<vmem>>, vector<16xf32>,
            tpu.vector_store %arg9[%swap3A_684, %swap3A_685], %broadcast_in_dim3A_683 {strides = array<i32>} : memref<32x768xf32, #tpu.memory_space<vmem>>, vector<16xf32>,
            %broadcast_in_dim3A_687 = arith.constant 0.000000e+00 : f32
            %broadcast_in_dim3A_688 = vector.broadcast %broadcast_in_dim3A_687 : f32 to vector<16xf32>
            %swap3A_689 = arith.index_cast %while3A_497 : i32 to index
            %swap3A_690 = arith.constant 608 : index
            %swap3A_691 = tpu.vector_load %arg9[%swap3A_689, %swap3A_690] {strides = array<i32>} : memref<32x768xf32, #tpu.memory_space<vmem>>, vector<16xf32>,
            tpu.vector_store %arg9[%swap3A_689, %swap3A_690], %broadcast_in_dim3A_688 {strides = array<i32>} : memref<32x768xf32, #tpu.memory_space<vmem>>, vector<16xf32>,
            %broadcast_in_dim3A_692 = arith.constant 0.000000e+00 : f32
            %broadcast_in_dim3A_693 = vector.broadcast %broadcast_in_dim3A_692 : f32 to vector<16xf32>
            %swap3A_694 = arith.index_cast %while3A_497 : i32 to index
            %swap3A_695 = arith.constant 624 : index
            %swap3A_696 = tpu.vector_load %arg9[%swap3A_694, %swap3A_695] {strides = array<i32>} : memref<32x768xf32, #tpu.memory_space<vmem>>, vector<16xf32>,
            tpu.vector_store %arg9[%swap3A_694, %swap3A_695], %broadcast_in_dim3A_693 {strides = array<i32>} : memref<32x768xf32, #tpu.memory_space<vmem>>, vector<16xf32>,
            %broadcast_in_dim3A_697 = arith.constant 0.000000e+00 : f32
            %broadcast_in_dim3A_698 = vector.broadcast %broadcast_in_dim3A_697 : f32 to vector<16xf32>
            %swap3A_699 = arith.index_cast %while3A_497 : i32 to index
            %swap3A_700 = arith.constant 640 : index
            %swap3A_701 = tpu.vector_load %arg9[%swap3A_699, %swap3A_700] {strides = array<i32>} : memref<32x768xf32, #tpu.memory_space<vmem>>, vector<16xf32>,
            tpu.vector_store %arg9[%swap3A_699, %swap3A_700], %broadcast_in_dim3A_698 {strides = array<i32>} : memref<32x768xf32, #tpu.memory_space<vmem>>, vector<16xf32>,
            %broadcast_in_dim3A_702 = arith.constant 0.000000e+00 : f32
            %broadcast_in_dim3A_703 = vector.broadcast %broadcast_in_dim3A_702 : f32 to vector<16xf32>
            %swap3A_704 = arith.index_cast %while3A_497 : i32 to index
            %swap3A_705 = arith.constant 656 : index
            %swap3A_706 = tpu.vector_load %arg9[%swap3A_704, %swap3A_705] {strides = array<i32>} : memref<32x768xf32, #tpu.memory_space<vmem>>, vector<16xf32>,
            tpu.vector_store %arg9[%swap3A_704, %swap3A_705], %broadcast_in_dim3A_703 {strides = array<i32>} : memref<32x768xf32, #tpu.memory_space<vmem>>, vector<16xf32>,
            %broadcast_in_dim3A_707 = arith.constant 0.000000e+00 : f32
            %broadcast_in_dim3A_708 = vector.broadcast %broadcast_in_dim3A_707 : f32 to vector<16xf32>
            %swap3A_709 = arith.index_cast %while3A_497 : i32 to index
            %swap3A_710 = arith.constant 672 : index
            %swap3A_711 = tpu.vector_load %arg9[%swap3A_709, %swap3A_710] {strides = array<i32>} : memref<32x768xf32, #tpu.memory_space<vmem>>, vector<16xf32>,
            tpu.vector_store %arg9[%swap3A_709, %swap3A_710], %broadcast_in_dim3A_708 {strides = array<i32>} : memref<32x768xf32, #tpu.memory_space<vmem>>, vector<16xf32>,
            %broadcast_in_dim3A_712 = arith.constant 0.000000e+00 : f32
            %broadcast_in_dim3A_713 = vector.broadcast %broadcast_in_dim3A_712 : f32 to vector<16xf32>
            %swap3A_714 = arith.index_cast %while3A_497 : i32 to index
            %swap3A_715 = arith.constant 688 : index
            %swap3A_716 = tpu.vector_load %arg9[%swap3A_714, %swap3A_715] {strides = array<i32>} : memref<32x768xf32, #tpu.memory_space<vmem>>, vector<16xf32>,
            tpu.vector_store %arg9[%swap3A_714, %swap3A_715], %broadcast_in_dim3A_713 {strides = array<i32>} : memref<32x768xf32, #tpu.memory_space<vmem>>, vector<16xf32>,
            %broadcast_in_dim3A_717 = arith.constant 0.000000e+00 : f32
            %broadcast_in_dim3A_718 = vector.broadcast %broadcast_in_dim3A_717 : f32 to vector<16xf32>
            %swap3A_719 = arith.index_cast %while3A_497 : i32 to index
            %swap3A_720 = arith.constant 704 : index
            %swap3A_721 = tpu.vector_load %arg9[%swap3A_719, %swap3A_720] {strides = array<i32>} : memref<32x768xf32, #tpu.memory_space<vmem>>, vector<16xf32>,
            tpu.vector_store %arg9[%swap3A_719, %swap3A_720], %broadcast_in_dim3A_718 {strides = array<i32>} : memref<32x768xf32, #tpu.memory_space<vmem>>, vector<16xf32>,
            %broadcast_in_dim3A_722 = arith.constant 0.000000e+00 : f32
            %broadcast_in_dim3A_723 = vector.broadcast %broadcast_in_dim3A_722 : f32 to vector<16xf32>
            %swap3A_724 = arith.index_cast %while3A_497 : i32 to index
            %swap3A_725 = arith.constant 720 : index
            %swap3A_726 = tpu.vector_load %arg9[%swap3A_724, %swap3A_725] {strides = array<i32>} : memref<32x768xf32, #tpu.memory_space<vmem>>, vector<16xf32>,
            tpu.vector_store %arg9[%swap3A_724, %swap3A_725], %broadcast_in_dim3A_723 {strides = array<i32>} : memref<32x768xf32, #tpu.memory_space<vmem>>, vector<16xf32>,
            %broadcast_in_dim3A_727 = arith.constant 0.000000e+00 : f32
            %broadcast_in_dim3A_728 = vector.broadcast %broadcast_in_dim3A_727 : f32 to vector<16xf32>
            %swap3A_729 = arith.index_cast %while3A_497 : i32 to index
            %swap3A_730 = arith.constant 736 : index
            %swap3A_731 = tpu.vector_load %arg9[%swap3A_729, %swap3A_730] {strides = array<i32>} : memref<32x768xf32, #tpu.memory_space<vmem>>, vector<16xf32>,
            tpu.vector_store %arg9[%swap3A_729, %swap3A_730], %broadcast_in_dim3A_728 {strides = array<i32>} : memref<32x768xf32, #tpu.memory_space<vmem>>, vector<16xf32>,
            %broadcast_in_dim3A_732 = arith.constant 0.000000e+00 : f32
            %broadcast_in_dim3A_733 = vector.broadcast %broadcast_in_dim3A_732 : f32 to vector<16xf32>
            %swap3A_734 = arith.index_cast %while3A_497 : i32 to index
            %swap3A_735 = arith.constant 752 : index
            %swap3A_736 = tpu.vector_load %arg9[%swap3A_734, %swap3A_735] {strides = array<i32>} : memref<32x768xf32, #tpu.memory_space<vmem>>, vector<16xf32>,
            tpu.vector_store %arg9[%swap3A_734, %swap3A_735], %broadcast_in_dim3A_733 {strides = array<i32>} : memref<32x768xf32, #tpu.memory_space<vmem>>, vector<16xf32>,
          }
        } else {
        }
        %mul3A_481 = arith.constant 32 : i32
        %mul3A_482 = arith.muli %add3A_473, %mul3A_481 : i32
        %add3A_483 = arith.addi %mul3A_9, %mul3A_482 : i32
        %dma_start3A = arith.constant 0 : i32
        %dma_start3A_484 = tpu.memref_slice %arg4[%add3A_483, %dma_start3A] : memref<32768x768xf32, #tpu.memory_space<hbm>> -> memref<32x768xf32, #tpu.memory_space<hbm>>
        %dma_start3A_485 = arith.constant 0 : i32
        %dma_start3A_486 = tpu.memref_slice %arg4[%add3A_483, %dma_start3A_485] : memref<32768x768xf32, #tpu.memory_space<hbm>> -> memref<32x768xf32, #tpu.memory_space<hbm>>
        tpu.enqueue_dma source(%arg9 : memref<32x768xf32, #tpu.memory_space<vmem>>) target(%dma_start3A_486 : memref<32x768xf32, #tpu.memory_space<hbm>>) target_semaphore(%arg18 : memref<!tpu.dma_semaphore, #tpu.memory_space<semaphore_mem>>)
      } else {
      }
      %add3A_454 = arith.constant 3 : i32
      %add3A_455 = arith.addi %mul3A_435, %add3A_454 : i32
      %lt3A_456 = arith.cmpi slt, %add3A_455, %max3A_98 : i32
      %convert_element_type3A_457 = arith.extui %lt3A_456 : i1 to i32
      %cond3A_458 = arith.constant 0 : i32
      %cond3A_459 = arith.cmpi ne, %convert_element_type3A_457, %cond3A_458 : i32
      scf.if %cond3A_459 {
        %add3A_460 = arith.constant 2 : i32
        %add3A_461 = arith.addi %add3A_455, %add3A_460 : i32
        %lt3A_462 = arith.cmpi slt, %add3A_461, %max3A_98 : i32
        %convert_element_type3A_463 = arith.extui %lt3A_462 : i1 to i32
        %cond3A_464 = arith.constant 0 : i32
        %cond3A_465 = arith.cmpi ne, %convert_element_type3A_463, %cond3A_464 : i32
        scf.if %cond3A_465 {
          %ge3A = arith.constant 2 : i32
          %ge3A_487 = arith.cmpi sge, %add3A_455, %ge3A : i32
          %convert_element_type3A_488 = arith.extui %ge3A_487 : i1 to i32
          %cond3A_489 = arith.constant 0 : i32
          %cond3A_490 = arith.cmpi ne, %convert_element_type3A_488, %cond3A_489 : i32
          scf.if %cond3A_490 {
            %dma_wait3A_502 = arith.constant 0 : i32
            %dma_wait3A_503 = arith.constant 0 : i32
            %dma_wait3A_504 = tpu.memref_slice %arg2[%dma_wait3A_502, %dma_wait3A_503] : memref<32768x768xf32, #tpu.memory_space<hbm>> -> memref<32x768xf32, #tpu.memory_space<hbm>>
            %dma_wait3A_505 = arith.constant 0 : i32
            %dma_wait3A_506 = arith.constant 0 : i32
            %dma_wait3A_507 = tpu.memref_slice %arg2[%dma_wait3A_505, %dma_wait3A_506] : memref<32768x768xf32, #tpu.memory_space<hbm>> -> memref<32x768xf32, #tpu.memory_space<hbm>>
            tpu.wait_dma2 semaphore(%arg17 : memref<!tpu.dma_semaphore, #tpu.memory_space<semaphore_mem>>) src(%dma_wait3A_507 : memref<32x768xf32, #tpu.memory_space<hbm>>) dst(%arg8 : memref<32x768xf32, #tpu.memory_space<vmem>>)
          } else {
          }
          %add3A_491 = arith.constant 2 : i32
          %add3A_492 = arith.addi %add3A_455, %add3A_491 : i32
          %mul3A_493 = arith.constant 2 : i32
          %mul3A_494 = arith.muli %mul3A_493, %add3A_492 : i32
          %add3A_495 = arith.addi %select_n3A_8, %mul3A_494 : i32
          %mul3A_496 = arith.constant 32 : i32
          %mul3A_497 = arith.muli %add3A_495, %mul3A_496 : i32
          %dma_start3A_498 = tpu.memref_slice %arg6[%mul3A_497] : memref<2048xi32, #tpu.memory_space<vmem>> -> memref<32xi32, #tpu.memory_space<vmem>>
          %dma_start3A_499 = arith.constant 0 : i32
          %dma_start3A_500 = arith.constant 0 : i32
          %dma_start3A_501 = tpu.memref_slice %arg2[%dma_start3A_499, %dma_start3A_500] : memref<32768x768xf32, #tpu.memory_space<hbm>> -> memref<32768x768xf32, #tpu.memory_space<hbm>>
          tpu.enqueue_indirect_dma source(%dma_start3A_501 : memref<32768x768xf32, #tpu.memory_space<hbm>>) target(%arg8 : memref<32x768xf32, #tpu.memory_space<vmem>>) offsets(%dma_start3A_498 : memref<32xi32, #tpu.memory_space<vmem>>) semaphore(%arg13 : memref<!tpu.dma_semaphore, #tpu.memory_space<semaphore_mem>>)
        } else {
        }
        %dma_wait3A = arith.constant 0 : i32
        %dma_wait3A_466 = arith.constant 0 : i32
        %dma_wait3A_467 = tpu.memref_slice %arg2[%dma_wait3A, %dma_wait3A_466] : memref<32768x768xf32, #tpu.memory_space<hbm>> -> memref<32x768xf32, #tpu.memory_space<hbm>>
        %dma_wait3A_468 = arith.constant 0 : i32
        %dma_wait3A_469 = arith.constant 0 : i32
        %dma_wait3A_470 = tpu.memref_slice %arg2[%dma_wait3A_468, %dma_wait3A_469] : memref<32768x768xf32, #tpu.memory_space<hbm>> -> memref<32x768xf32, #tpu.memory_space<hbm>>
        tpu.wait_dma2 semaphore(%arg15 : memref<!tpu.dma_semaphore, #tpu.memory_space<semaphore_mem>>) src(%dma_wait3A_470 : memref<32x768xf32, #tpu.memory_space<hbm>>) dst(%arg10 : memref<32x768xf32, #tpu.memory_space<vmem>>)
        %mul3A_471 = arith.constant 2 : i32
        %mul3A_472 = arith.muli %mul3A_471, %add3A_455 : i32
        %add3A_473 = arith.addi %select_n3A_8, %mul3A_472 : i32
        %eq3A_474 = arith.cmpi eq, %add3A_473, %select_n3A_39 : i32
        %gt3A_475 = arith.constant 0 : i32
        %gt3A_476 = arith.cmpi sgt, %sub3A_42, %gt3A_475 : i32
        %and3A_477 = arith.andi %eq3A_474, %gt3A_476 : i1
        %convert_element_type3A_478 = arith.extui %and3A_477 : i1 to i32
        %cond3A_479 = arith.constant 0 : i32
        %cond3A_480 = arith.cmpi ne, %convert_element_type3A_478, %cond3A_479 : i32
        scf.if %cond3A_480 {
          %while3A_487 = arith.constant 0 : i32
          %while3A_488 = arith.constant 32 : i32
          %while3A_489 = arith.subi %while3A_488, %sub3A_42 : i32
          %while3A_490 = arith.addi %sub3A_42, %while3A_489 : i32
          %while3A_491 = arith.constant 1 : i32
          %while3A_492 = arith.divsi %while3A_489, %while3A_491 : i32
          %while3A_493 = arith.muli %while3A_492, %while3A_491 : i32
          %while3A_494 = arith.addi %sub3A_42, %while3A_493 : i32
          %while3A_495 = arith.constant 1 : i32
          scf.for %while3A_497 = %sub3A_42 to %while3A_494 step %while3A_495  : i32 {
            %broadcast_in_dim3A_498 = arith.constant 0.000000e+00 : f32
            %broadcast_in_dim3A_499 = vector.broadcast %broadcast_in_dim3A_498 : f32 to vector<16xf32>
            %swap3A = arith.index_cast %while3A_497 : i32 to index
            %swap3A_500 = arith.constant 0 : index
            %swap3A_501 = tpu.vector_load %arg10[%swap3A, %swap3A_500] {strides = array<i32>} : memref<32x768xf32, #tpu.memory_space<vmem>>, vector<16xf32>,
            tpu.vector_store %arg10[%swap3A, %swap3A_500], %broadcast_in_dim3A_499 {strides = array<i32>} : memref<32x768xf32, #tpu.memory_space<vmem>>, vector<16xf32>,
            %broadcast_in_dim3A_502 = arith.constant 0.000000e+00 : f32
            %broadcast_in_dim3A_503 = vector.broadcast %broadcast_in_dim3A_502 : f32 to vector<16xf32>
            %swap3A_504 = arith.index_cast %while3A_497 : i32 to index
            %swap3A_505 = arith.constant 16 : index
            %swap3A_506 = tpu.vector_load %arg10[%swap3A_504, %swap3A_505] {strides = array<i32>} : memref<32x768xf32, #tpu.memory_space<vmem>>, vector<16xf32>,
            tpu.vector_store %arg10[%swap3A_504, %swap3A_505], %broadcast_in_dim3A_503 {strides = array<i32>} : memref<32x768xf32, #tpu.memory_space<vmem>>, vector<16xf32>,
            %broadcast_in_dim3A_507 = arith.constant 0.000000e+00 : f32
            %broadcast_in_dim3A_508 = vector.broadcast %broadcast_in_dim3A_507 : f32 to vector<16xf32>
            %swap3A_509 = arith.index_cast %while3A_497 : i32 to index
            %swap3A_510 = arith.constant 32 : index
            %swap3A_511 = tpu.vector_load %arg10[%swap3A_509, %swap3A_510] {strides = array<i32>} : memref<32x768xf32, #tpu.memory_space<vmem>>, vector<16xf32>,
            tpu.vector_store %arg10[%swap3A_509, %swap3A_510], %broadcast_in_dim3A_508 {strides = array<i32>} : memref<32x768xf32, #tpu.memory_space<vmem>>, vector<16xf32>,
            %broadcast_in_dim3A_512 = arith.constant 0.000000e+00 : f32
            %broadcast_in_dim3A_513 = vector.broadcast %broadcast_in_dim3A_512 : f32 to vector<16xf32>
            %swap3A_514 = arith.index_cast %while3A_497 : i32 to index
            %swap3A_515 = arith.constant 48 : index
            %swap3A_516 = tpu.vector_load %arg10[%swap3A_514, %swap3A_515] {strides = array<i32>} : memref<32x768xf32, #tpu.memory_space<vmem>>, vector<16xf32>,
            tpu.vector_store %arg10[%swap3A_514, %swap3A_515], %broadcast_in_dim3A_513 {strides = array<i32>} : memref<32x768xf32, #tpu.memory_space<vmem>>, vector<16xf32>,
            %broadcast_in_dim3A_517 = arith.constant 0.000000e+00 : f32
            %broadcast_in_dim3A_518 = vector.broadcast %broadcast_in_dim3A_517 : f32 to vector<16xf32>
            %swap3A_519 = arith.index_cast %while3A_497 : i32 to index
            %swap3A_520 = arith.constant 64 : index
            %swap3A_521 = tpu.vector_load %arg10[%swap3A_519, %swap3A_520] {strides = array<i32>} : memref<32x768xf32, #tpu.memory_space<vmem>>, vector<16xf32>,
            tpu.vector_store %arg10[%swap3A_519, %swap3A_520], %broadcast_in_dim3A_518 {strides = array<i32>} : memref<32x768xf32, #tpu.memory_space<vmem>>, vector<16xf32>,
            %broadcast_in_dim3A_522 = arith.constant 0.000000e+00 : f32
            %broadcast_in_dim3A_523 = vector.broadcast %broadcast_in_dim3A_522 : f32 to vector<16xf32>
            %swap3A_524 = arith.index_cast %while3A_497 : i32 to index
            %swap3A_525 = arith.constant 80 : index
            %swap3A_526 = tpu.vector_load %arg10[%swap3A_524, %swap3A_525] {strides = array<i32>} : memref<32x768xf32, #tpu.memory_space<vmem>>, vector<16xf32>,
            tpu.vector_store %arg10[%swap3A_524, %swap3A_525], %broadcast_in_dim3A_523 {strides = array<i32>} : memref<32x768xf32, #tpu.memory_space<vmem>>, vector<16xf32>,
            %broadcast_in_dim3A_527 = arith.constant 0.000000e+00 : f32
            %broadcast_in_dim3A_528 = vector.broadcast %broadcast_in_dim3A_527 : f32 to vector<16xf32>
            %swap3A_529 = arith.index_cast %while3A_497 : i32 to index
            %swap3A_530 = arith.constant 96 : index
            %swap3A_531 = tpu.vector_load %arg10[%swap3A_529, %swap3A_530] {strides = array<i32>} : memref<32x768xf32, #tpu.memory_space<vmem>>, vector<16xf32>,
            tpu.vector_store %arg10[%swap3A_529, %swap3A_530], %broadcast_in_dim3A_528 {strides = array<i32>} : memref<32x768xf32, #tpu.memory_space<vmem>>, vector<16xf32>,
            %broadcast_in_dim3A_532 = arith.constant 0.000000e+00 : f32
            %broadcast_in_dim3A_533 = vector.broadcast %broadcast_in_dim3A_532 : f32 to vector<16xf32>
            %swap3A_534 = arith.index_cast %while3A_497 : i32 to index
            %swap3A_535 = arith.constant 112 : index
            %swap3A_536 = tpu.vector_load %arg10[%swap3A_534, %swap3A_535] {strides = array<i32>} : memref<32x768xf32, #tpu.memory_space<vmem>>, vector<16xf32>,
            tpu.vector_store %arg10[%swap3A_534, %swap3A_535], %broadcast_in_dim3A_533 {strides = array<i32>} : memref<32x768xf32, #tpu.memory_space<vmem>>, vector<16xf32>,
            %broadcast_in_dim3A_537 = arith.constant 0.000000e+00 : f32
            %broadcast_in_dim3A_538 = vector.broadcast %broadcast_in_dim3A_537 : f32 to vector<16xf32>
            %swap3A_539 = arith.index_cast %while3A_497 : i32 to index
            %swap3A_540 = arith.constant 128 : index
            %swap3A_541 = tpu.vector_load %arg10[%swap3A_539, %swap3A_540] {strides = array<i32>} : memref<32x768xf32, #tpu.memory_space<vmem>>, vector<16xf32>,
            tpu.vector_store %arg10[%swap3A_539, %swap3A_540], %broadcast_in_dim3A_538 {strides = array<i32>} : memref<32x768xf32, #tpu.memory_space<vmem>>, vector<16xf32>,
            %broadcast_in_dim3A_542 = arith.constant 0.000000e+00 : f32
            %broadcast_in_dim3A_543 = vector.broadcast %broadcast_in_dim3A_542 : f32 to vector<16xf32>
            %swap3A_544 = arith.index_cast %while3A_497 : i32 to index
            %swap3A_545 = arith.constant 144 : index
            %swap3A_546 = tpu.vector_load %arg10[%swap3A_544, %swap3A_545] {strides = array<i32>} : memref<32x768xf32, #tpu.memory_space<vmem>>, vector<16xf32>,
            tpu.vector_store %arg10[%swap3A_544, %swap3A_545], %broadcast_in_dim3A_543 {strides = array<i32>} : memref<32x768xf32, #tpu.memory_space<vmem>>, vector<16xf32>,
            %broadcast_in_dim3A_547 = arith.constant 0.000000e+00 : f32
            %broadcast_in_dim3A_548 = vector.broadcast %broadcast_in_dim3A_547 : f32 to vector<16xf32>
            %swap3A_549 = arith.index_cast %while3A_497 : i32 to index
            %swap3A_550 = arith.constant 160 : index
            %swap3A_551 = tpu.vector_load %arg10[%swap3A_549, %swap3A_550] {strides = array<i32>} : memref<32x768xf32, #tpu.memory_space<vmem>>, vector<16xf32>,
            tpu.vector_store %arg10[%swap3A_549, %swap3A_550], %broadcast_in_dim3A_548 {strides = array<i32>} : memref<32x768xf32, #tpu.memory_space<vmem>>, vector<16xf32>,
            %broadcast_in_dim3A_552 = arith.constant 0.000000e+00 : f32
            %broadcast_in_dim3A_553 = vector.broadcast %broadcast_in_dim3A_552 : f32 to vector<16xf32>
            %swap3A_554 = arith.index_cast %while3A_497 : i32 to index
            %swap3A_555 = arith.constant 176 : index
            %swap3A_556 = tpu.vector_load %arg10[%swap3A_554, %swap3A_555] {strides = array<i32>} : memref<32x768xf32, #tpu.memory_space<vmem>>, vector<16xf32>,
            tpu.vector_store %arg10[%swap3A_554, %swap3A_555], %broadcast_in_dim3A_553 {strides = array<i32>} : memref<32x768xf32, #tpu.memory_space<vmem>>, vector<16xf32>,
            %broadcast_in_dim3A_557 = arith.constant 0.000000e+00 : f32
            %broadcast_in_dim3A_558 = vector.broadcast %broadcast_in_dim3A_557 : f32 to vector<16xf32>
            %swap3A_559 = arith.index_cast %while3A_497 : i32 to index
            %swap3A_560 = arith.constant 192 : index
            %swap3A_561 = tpu.vector_load %arg10[%swap3A_559, %swap3A_560] {strides = array<i32>} : memref<32x768xf32, #tpu.memory_space<vmem>>, vector<16xf32>,
            tpu.vector_store %arg10[%swap3A_559, %swap3A_560], %broadcast_in_dim3A_558 {strides = array<i32>} : memref<32x768xf32, #tpu.memory_space<vmem>>, vector<16xf32>,
            %broadcast_in_dim3A_562 = arith.constant 0.000000e+00 : f32
            %broadcast_in_dim3A_563 = vector.broadcast %broadcast_in_dim3A_562 : f32 to vector<16xf32>
            %swap3A_564 = arith.index_cast %while3A_497 : i32 to index
            %swap3A_565 = arith.constant 208 : index
            %swap3A_566 = tpu.vector_load %arg10[%swap3A_564, %swap3A_565] {strides = array<i32>} : memref<32x768xf32, #tpu.memory_space<vmem>>, vector<16xf32>,
            tpu.vector_store %arg10[%swap3A_564, %swap3A_565], %broadcast_in_dim3A_563 {strides = array<i32>} : memref<32x768xf32, #tpu.memory_space<vmem>>, vector<16xf32>,
            %broadcast_in_dim3A_567 = arith.constant 0.000000e+00 : f32
            %broadcast_in_dim3A_568 = vector.broadcast %broadcast_in_dim3A_567 : f32 to vector<16xf32>
            %swap3A_569 = arith.index_cast %while3A_497 : i32 to index
            %swap3A_570 = arith.constant 224 : index
            %swap3A_571 = tpu.vector_load %arg10[%swap3A_569, %swap3A_570] {strides = array<i32>} : memref<32x768xf32, #tpu.memory_space<vmem>>, vector<16xf32>,
            tpu.vector_store %arg10[%swap3A_569, %swap3A_570], %broadcast_in_dim3A_568 {strides = array<i32>} : memref<32x768xf32, #tpu.memory_space<vmem>>, vector<16xf32>,
            %broadcast_in_dim3A_572 = arith.constant 0.000000e+00 : f32
            %broadcast_in_dim3A_573 = vector.broadcast %broadcast_in_dim3A_572 : f32 to vector<16xf32>
            %swap3A_574 = arith.index_cast %while3A_497 : i32 to index
            %swap3A_575 = arith.constant 240 : index
            %swap3A_576 = tpu.vector_load %arg10[%swap3A_574, %swap3A_575] {strides = array<i32>} : memref<32x768xf32, #tpu.memory_space<vmem>>, vector<16xf32>,
            tpu.vector_store %arg10[%swap3A_574, %swap3A_575], %broadcast_in_dim3A_573 {strides = array<i32>} : memref<32x768xf32, #tpu.memory_space<vmem>>, vector<16xf32>,
            %broadcast_in_dim3A_577 = arith.constant 0.000000e+00 : f32
            %broadcast_in_dim3A_578 = vector.broadcast %broadcast_in_dim3A_577 : f32 to vector<16xf32>
            %swap3A_579 = arith.index_cast %while3A_497 : i32 to index
            %swap3A_580 = arith.constant 256 : index
            %swap3A_581 = tpu.vector_load %arg10[%swap3A_579, %swap3A_580] {strides = array<i32>} : memref<32x768xf32, #tpu.memory_space<vmem>>, vector<16xf32>,
            tpu.vector_store %arg10[%swap3A_579, %swap3A_580], %broadcast_in_dim3A_578 {strides = array<i32>} : memref<32x768xf32, #tpu.memory_space<vmem>>, vector<16xf32>,
            %broadcast_in_dim3A_582 = arith.constant 0.000000e+00 : f32
            %broadcast_in_dim3A_583 = vector.broadcast %broadcast_in_dim3A_582 : f32 to vector<16xf32>
            %swap3A_584 = arith.index_cast %while3A_497 : i32 to index
            %swap3A_585 = arith.constant 272 : index
            %swap3A_586 = tpu.vector_load %arg10[%swap3A_584, %swap3A_585] {strides = array<i32>} : memref<32x768xf32, #tpu.memory_space<vmem>>, vector<16xf32>,
            tpu.vector_store %arg10[%swap3A_584, %swap3A_585], %broadcast_in_dim3A_583 {strides = array<i32>} : memref<32x768xf32, #tpu.memory_space<vmem>>, vector<16xf32>,
            %broadcast_in_dim3A_587 = arith.constant 0.000000e+00 : f32
            %broadcast_in_dim3A_588 = vector.broadcast %broadcast_in_dim3A_587 : f32 to vector<16xf32>
            %swap3A_589 = arith.index_cast %while3A_497 : i32 to index
            %swap3A_590 = arith.constant 288 : index
            %swap3A_591 = tpu.vector_load %arg10[%swap3A_589, %swap3A_590] {strides = array<i32>} : memref<32x768xf32, #tpu.memory_space<vmem>>, vector<16xf32>,
            tpu.vector_store %arg10[%swap3A_589, %swap3A_590], %broadcast_in_dim3A_588 {strides = array<i32>} : memref<32x768xf32, #tpu.memory_space<vmem>>, vector<16xf32>,
            %broadcast_in_dim3A_592 = arith.constant 0.000000e+00 : f32
            %broadcast_in_dim3A_593 = vector.broadcast %broadcast_in_dim3A_592 : f32 to vector<16xf32>
            %swap3A_594 = arith.index_cast %while3A_497 : i32 to index
            %swap3A_595 = arith.constant 304 : index
            %swap3A_596 = tpu.vector_load %arg10[%swap3A_594, %swap3A_595] {strides = array<i32>} : memref<32x768xf32, #tpu.memory_space<vmem>>, vector<16xf32>,
            tpu.vector_store %arg10[%swap3A_594, %swap3A_595], %broadcast_in_dim3A_593 {strides = array<i32>} : memref<32x768xf32, #tpu.memory_space<vmem>>, vector<16xf32>,
            %broadcast_in_dim3A_597 = arith.constant 0.000000e+00 : f32
            %broadcast_in_dim3A_598 = vector.broadcast %broadcast_in_dim3A_597 : f32 to vector<16xf32>
            %swap3A_599 = arith.index_cast %while3A_497 : i32 to index
            %swap3A_600 = arith.constant 320 : index
            %swap3A_601 = tpu.vector_load %arg10[%swap3A_599, %swap3A_600] {strides = array<i32>} : memref<32x768xf32, #tpu.memory_space<vmem>>, vector<16xf32>,
            tpu.vector_store %arg10[%swap3A_599, %swap3A_600], %broadcast_in_dim3A_598 {strides = array<i32>} : memref<32x768xf32, #tpu.memory_space<vmem>>, vector<16xf32>,
            %broadcast_in_dim3A_602 = arith.constant 0.000000e+00 : f32
            %broadcast_in_dim3A_603 = vector.broadcast %broadcast_in_dim3A_602 : f32 to vector<16xf32>
            %swap3A_604 = arith.index_cast %while3A_497 : i32 to index
            %swap3A_605 = arith.constant 336 : index
            %swap3A_606 = tpu.vector_load %arg10[%swap3A_604, %swap3A_605] {strides = array<i32>} : memref<32x768xf32, #tpu.memory_space<vmem>>, vector<16xf32>,
            tpu.vector_store %arg10[%swap3A_604, %swap3A_605], %broadcast_in_dim3A_603 {strides = array<i32>} : memref<32x768xf32, #tpu.memory_space<vmem>>, vector<16xf32>,
            %broadcast_in_dim3A_607 = arith.constant 0.000000e+00 : f32
            %broadcast_in_dim3A_608 = vector.broadcast %broadcast_in_dim3A_607 : f32 to vector<16xf32>
            %swap3A_609 = arith.index_cast %while3A_497 : i32 to index
            %swap3A_610 = arith.constant 352 : index
            %swap3A_611 = tpu.vector_load %arg10[%swap3A_609, %swap3A_610] {strides = array<i32>} : memref<32x768xf32, #tpu.memory_space<vmem>>, vector<16xf32>,
            tpu.vector_store %arg10[%swap3A_609, %swap3A_610], %broadcast_in_dim3A_608 {strides = array<i32>} : memref<32x768xf32, #tpu.memory_space<vmem>>, vector<16xf32>,
            %broadcast_in_dim3A_612 = arith.constant 0.000000e+00 : f32
            %broadcast_in_dim3A_613 = vector.broadcast %broadcast_in_dim3A_612 : f32 to vector<16xf32>
            %swap3A_614 = arith.index_cast %while3A_497 : i32 to index
            %swap3A_615 = arith.constant 368 : index
            %swap3A_616 = tpu.vector_load %arg10[%swap3A_614, %swap3A_615] {strides = array<i32>} : memref<32x768xf32, #tpu.memory_space<vmem>>, vector<16xf32>,
            tpu.vector_store %arg10[%swap3A_614, %swap3A_615], %broadcast_in_dim3A_613 {strides = array<i32>} : memref<32x768xf32, #tpu.memory_space<vmem>>, vector<16xf32>,
            %broadcast_in_dim3A_617 = arith.constant 0.000000e+00 : f32
            %broadcast_in_dim3A_618 = vector.broadcast %broadcast_in_dim3A_617 : f32 to vector<16xf32>
            %swap3A_619 = arith.index_cast %while3A_497 : i32 to index
            %swap3A_620 = arith.constant 384 : index
            %swap3A_621 = tpu.vector_load %arg10[%swap3A_619, %swap3A_620] {strides = array<i32>} : memref<32x768xf32, #tpu.memory_space<vmem>>, vector<16xf32>,
            tpu.vector_store %arg10[%swap3A_619, %swap3A_620], %broadcast_in_dim3A_618 {strides = array<i32>} : memref<32x768xf32, #tpu.memory_space<vmem>>, vector<16xf32>,
            %broadcast_in_dim3A_622 = arith.constant 0.000000e+00 : f32
            %broadcast_in_dim3A_623 = vector.broadcast %broadcast_in_dim3A_622 : f32 to vector<16xf32>
            %swap3A_624 = arith.index_cast %while3A_497 : i32 to index
            %swap3A_625 = arith.constant 400 : index
            %swap3A_626 = tpu.vector_load %arg10[%swap3A_624, %swap3A_625] {strides = array<i32>} : memref<32x768xf32, #tpu.memory_space<vmem>>, vector<16xf32>,
            tpu.vector_store %arg10[%swap3A_624, %swap3A_625], %broadcast_in_dim3A_623 {strides = array<i32>} : memref<32x768xf32, #tpu.memory_space<vmem>>, vector<16xf32>,
            %broadcast_in_dim3A_627 = arith.constant 0.000000e+00 : f32
            %broadcast_in_dim3A_628 = vector.broadcast %broadcast_in_dim3A_627 : f32 to vector<16xf32>
            %swap3A_629 = arith.index_cast %while3A_497 : i32 to index
            %swap3A_630 = arith.constant 416 : index
            %swap3A_631 = tpu.vector_load %arg10[%swap3A_629, %swap3A_630] {strides = array<i32>} : memref<32x768xf32, #tpu.memory_space<vmem>>, vector<16xf32>,
            tpu.vector_store %arg10[%swap3A_629, %swap3A_630], %broadcast_in_dim3A_628 {strides = array<i32>} : memref<32x768xf32, #tpu.memory_space<vmem>>, vector<16xf32>,
            %broadcast_in_dim3A_632 = arith.constant 0.000000e+00 : f32
            %broadcast_in_dim3A_633 = vector.broadcast %broadcast_in_dim3A_632 : f32 to vector<16xf32>
            %swap3A_634 = arith.index_cast %while3A_497 : i32 to index
            %swap3A_635 = arith.constant 432 : index
            %swap3A_636 = tpu.vector_load %arg10[%swap3A_634, %swap3A_635] {strides = array<i32>} : memref<32x768xf32, #tpu.memory_space<vmem>>, vector<16xf32>,
            tpu.vector_store %arg10[%swap3A_634, %swap3A_635], %broadcast_in_dim3A_633 {strides = array<i32>} : memref<32x768xf32, #tpu.memory_space<vmem>>, vector<16xf32>,
            %broadcast_in_dim3A_637 = arith.constant 0.000000e+00 : f32
            %broadcast_in_dim3A_638 = vector.broadcast %broadcast_in_dim3A_637 : f32 to vector<16xf32>
            %swap3A_639 = arith.index_cast %while3A_497 : i32 to index
            %swap3A_640 = arith.constant 448 : index
            %swap3A_641 = tpu.vector_load %arg10[%swap3A_639, %swap3A_640] {strides = array<i32>} : memref<32x768xf32, #tpu.memory_space<vmem>>, vector<16xf32>,
            tpu.vector_store %arg10[%swap3A_639, %swap3A_640], %broadcast_in_dim3A_638 {strides = array<i32>} : memref<32x768xf32, #tpu.memory_space<vmem>>, vector<16xf32>,
            %broadcast_in_dim3A_642 = arith.constant 0.000000e+00 : f32
            %broadcast_in_dim3A_643 = vector.broadcast %broadcast_in_dim3A_642 : f32 to vector<16xf32>
            %swap3A_644 = arith.index_cast %while3A_497 : i32 to index
            %swap3A_645 = arith.constant 464 : index
            %swap3A_646 = tpu.vector_load %arg10[%swap3A_644, %swap3A_645] {strides = array<i32>} : memref<32x768xf32, #tpu.memory_space<vmem>>, vector<16xf32>,
            tpu.vector_store %arg10[%swap3A_644, %swap3A_645], %broadcast_in_dim3A_643 {strides = array<i32>} : memref<32x768xf32, #tpu.memory_space<vmem>>, vector<16xf32>,
            %broadcast_in_dim3A_647 = arith.constant 0.000000e+00 : f32
            %broadcast_in_dim3A_648 = vector.broadcast %broadcast_in_dim3A_647 : f32 to vector<16xf32>
            %swap3A_649 = arith.index_cast %while3A_497 : i32 to index
            %swap3A_650 = arith.constant 480 : index
            %swap3A_651 = tpu.vector_load %arg10[%swap3A_649, %swap3A_650] {strides = array<i32>} : memref<32x768xf32, #tpu.memory_space<vmem>>, vector<16xf32>,
            tpu.vector_store %arg10[%swap3A_649, %swap3A_650], %broadcast_in_dim3A_648 {strides = array<i32>} : memref<32x768xf32, #tpu.memory_space<vmem>>, vector<16xf32>,
            %broadcast_in_dim3A_652 = arith.constant 0.000000e+00 : f32
            %broadcast_in_dim3A_653 = vector.broadcast %broadcast_in_dim3A_652 : f32 to vector<16xf32>
            %swap3A_654 = arith.index_cast %while3A_497 : i32 to index
            %swap3A_655 = arith.constant 496 : index
            %swap3A_656 = tpu.vector_load %arg10[%swap3A_654, %swap3A_655] {strides = array<i32>} : memref<32x768xf32, #tpu.memory_space<vmem>>, vector<16xf32>,
            tpu.vector_store %arg10[%swap3A_654, %swap3A_655], %broadcast_in_dim3A_653 {strides = array<i32>} : memref<32x768xf32, #tpu.memory_space<vmem>>, vector<16xf32>,
            %broadcast_in_dim3A_657 = arith.constant 0.000000e+00 : f32
            %broadcast_in_dim3A_658 = vector.broadcast %broadcast_in_dim3A_657 : f32 to vector<16xf32>
            %swap3A_659 = arith.index_cast %while3A_497 : i32 to index
            %swap3A_660 = arith.constant 512 : index
            %swap3A_661 = tpu.vector_load %arg10[%swap3A_659, %swap3A_660] {strides = array<i32>} : memref<32x768xf32, #tpu.memory_space<vmem>>, vector<16xf32>,
            tpu.vector_store %arg10[%swap3A_659, %swap3A_660], %broadcast_in_dim3A_658 {strides = array<i32>} : memref<32x768xf32, #tpu.memory_space<vmem>>, vector<16xf32>,
            %broadcast_in_dim3A_662 = arith.constant 0.000000e+00 : f32
            %broadcast_in_dim3A_663 = vector.broadcast %broadcast_in_dim3A_662 : f32 to vector<16xf32>
            %swap3A_664 = arith.index_cast %while3A_497 : i32 to index
            %swap3A_665 = arith.constant 528 : index
            %swap3A_666 = tpu.vector_load %arg10[%swap3A_664, %swap3A_665] {strides = array<i32>} : memref<32x768xf32, #tpu.memory_space<vmem>>, vector<16xf32>,
            tpu.vector_store %arg10[%swap3A_664, %swap3A_665], %broadcast_in_dim3A_663 {strides = array<i32>} : memref<32x768xf32, #tpu.memory_space<vmem>>, vector<16xf32>,
            %broadcast_in_dim3A_667 = arith.constant 0.000000e+00 : f32
            %broadcast_in_dim3A_668 = vector.broadcast %broadcast_in_dim3A_667 : f32 to vector<16xf32>
            %swap3A_669 = arith.index_cast %while3A_497 : i32 to index
            %swap3A_670 = arith.constant 544 : index
            %swap3A_671 = tpu.vector_load %arg10[%swap3A_669, %swap3A_670] {strides = array<i32>} : memref<32x768xf32, #tpu.memory_space<vmem>>, vector<16xf32>,
            tpu.vector_store %arg10[%swap3A_669, %swap3A_670], %broadcast_in_dim3A_668 {strides = array<i32>} : memref<32x768xf32, #tpu.memory_space<vmem>>, vector<16xf32>,
            %broadcast_in_dim3A_672 = arith.constant 0.000000e+00 : f32
            %broadcast_in_dim3A_673 = vector.broadcast %broadcast_in_dim3A_672 : f32 to vector<16xf32>
            %swap3A_674 = arith.index_cast %while3A_497 : i32 to index
            %swap3A_675 = arith.constant 560 : index
            %swap3A_676 = tpu.vector_load %arg10[%swap3A_674, %swap3A_675] {strides = array<i32>} : memref<32x768xf32, #tpu.memory_space<vmem>>, vector<16xf32>,
            tpu.vector_store %arg10[%swap3A_674, %swap3A_675], %broadcast_in_dim3A_673 {strides = array<i32>} : memref<32x768xf32, #tpu.memory_space<vmem>>, vector<16xf32>,
            %broadcast_in_dim3A_677 = arith.constant 0.000000e+00 : f32
            %broadcast_in_dim3A_678 = vector.broadcast %broadcast_in_dim3A_677 : f32 to vector<16xf32>
            %swap3A_679 = arith.index_cast %while3A_497 : i32 to index
            %swap3A_680 = arith.constant 576 : index
            %swap3A_681 = tpu.vector_load %arg10[%swap3A_679, %swap3A_680] {strides = array<i32>} : memref<32x768xf32, #tpu.memory_space<vmem>>, vector<16xf32>,
            tpu.vector_store %arg10[%swap3A_679, %swap3A_680], %broadcast_in_dim3A_678 {strides = array<i32>} : memref<32x768xf32, #tpu.memory_space<vmem>>, vector<16xf32>,
            %broadcast_in_dim3A_682 = arith.constant 0.000000e+00 : f32
            %broadcast_in_dim3A_683 = vector.broadcast %broadcast_in_dim3A_682 : f32 to vector<16xf32>
            %swap3A_684 = arith.index_cast %while3A_497 : i32 to index
            %swap3A_685 = arith.constant 592 : index
            %swap3A_686 = tpu.vector_load %arg10[%swap3A_684, %swap3A_685] {strides = array<i32>} : memref<32x768xf32, #tpu.memory_space<vmem>>, vector<16xf32>,
            tpu.vector_store %arg10[%swap3A_684, %swap3A_685], %broadcast_in_dim3A_683 {strides = array<i32>} : memref<32x768xf32, #tpu.memory_space<vmem>>, vector<16xf32>,
            %broadcast_in_dim3A_687 = arith.constant 0.000000e+00 : f32
            %broadcast_in_dim3A_688 = vector.broadcast %broadcast_in_dim3A_687 : f32 to vector<16xf32>
            %swap3A_689 = arith.index_cast %while3A_497 : i32 to index
            %swap3A_690 = arith.constant 608 : index
            %swap3A_691 = tpu.vector_load %arg10[%swap3A_689, %swap3A_690] {strides = array<i32>} : memref<32x768xf32, #tpu.memory_space<vmem>>, vector<16xf32>,
            tpu.vector_store %arg10[%swap3A_689, %swap3A_690], %broadcast_in_dim3A_688 {strides = array<i32>} : memref<32x768xf32, #tpu.memory_space<vmem>>, vector<16xf32>,
            %broadcast_in_dim3A_692 = arith.constant 0.000000e+00 : f32
            %broadcast_in_dim3A_693 = vector.broadcast %broadcast_in_dim3A_692 : f32 to vector<16xf32>
            %swap3A_694 = arith.index_cast %while3A_497 : i32 to index
            %swap3A_695 = arith.constant 624 : index
            %swap3A_696 = tpu.vector_load %arg10[%swap3A_694, %swap3A_695] {strides = array<i32>} : memref<32x768xf32, #tpu.memory_space<vmem>>, vector<16xf32>,
            tpu.vector_store %arg10[%swap3A_694, %swap3A_695], %broadcast_in_dim3A_693 {strides = array<i32>} : memref<32x768xf32, #tpu.memory_space<vmem>>, vector<16xf32>,
            %broadcast_in_dim3A_697 = arith.constant 0.000000e+00 : f32
            %broadcast_in_dim3A_698 = vector.broadcast %broadcast_in_dim3A_697 : f32 to vector<16xf32>
            %swap3A_699 = arith.index_cast %while3A_497 : i32 to index
            %swap3A_700 = arith.constant 640 : index
            %swap3A_701 = tpu.vector_load %arg10[%swap3A_699, %swap3A_700] {strides = array<i32>} : memref<32x768xf32, #tpu.memory_space<vmem>>, vector<16xf32>,
            tpu.vector_store %arg10[%swap3A_699, %swap3A_700], %broadcast_in_dim3A_698 {strides = array<i32>} : memref<32x768xf32, #tpu.memory_space<vmem>>, vector<16xf32>,
            %broadcast_in_dim3A_702 = arith.constant 0.000000e+00 : f32
            %broadcast_in_dim3A_703 = vector.broadcast %broadcast_in_dim3A_702 : f32 to vector<16xf32>
            %swap3A_704 = arith.index_cast %while3A_497 : i32 to index
            %swap3A_705 = arith.constant 656 : index
            %swap3A_706 = tpu.vector_load %arg10[%swap3A_704, %swap3A_705] {strides = array<i32>} : memref<32x768xf32, #tpu.memory_space<vmem>>, vector<16xf32>,
            tpu.vector_store %arg10[%swap3A_704, %swap3A_705], %broadcast_in_dim3A_703 {strides = array<i32>} : memref<32x768xf32, #tpu.memory_space<vmem>>, vector<16xf32>,
            %broadcast_in_dim3A_707 = arith.constant 0.000000e+00 : f32
            %broadcast_in_dim3A_708 = vector.broadcast %broadcast_in_dim3A_707 : f32 to vector<16xf32>
            %swap3A_709 = arith.index_cast %while3A_497 : i32 to index
            %swap3A_710 = arith.constant 672 : index
            %swap3A_711 = tpu.vector_load %arg10[%swap3A_709, %swap3A_710] {strides = array<i32>} : memref<32x768xf32, #tpu.memory_space<vmem>>, vector<16xf32>,
            tpu.vector_store %arg10[%swap3A_709, %swap3A_710], %broadcast_in_dim3A_708 {strides = array<i32>} : memref<32x768xf32, #tpu.memory_space<vmem>>, vector<16xf32>,
            %broadcast_in_dim3A_712 = arith.constant 0.000000e+00 : f32
            %broadcast_in_dim3A_713 = vector.broadcast %broadcast_in_dim3A_712 : f32 to vector<16xf32>
            %swap3A_714 = arith.index_cast %while3A_497 : i32 to index
            %swap3A_715 = arith.constant 688 : index
            %swap3A_716 = tpu.vector_load %arg10[%swap3A_714, %swap3A_715] {strides = array<i32>} : memref<32x768xf32, #tpu.memory_space<vmem>>, vector<16xf32>,
            tpu.vector_store %arg10[%swap3A_714, %swap3A_715], %broadcast_in_dim3A_713 {strides = array<i32>} : memref<32x768xf32, #tpu.memory_space<vmem>>, vector<16xf32>,
            %broadcast_in_dim3A_717 = arith.constant 0.000000e+00 : f32
            %broadcast_in_dim3A_718 = vector.broadcast %broadcast_in_dim3A_717 : f32 to vector<16xf32>
            %swap3A_719 = arith.index_cast %while3A_497 : i32 to index
            %swap3A_720 = arith.constant 704 : index
            %swap3A_721 = tpu.vector_load %arg10[%swap3A_719, %swap3A_720] {strides = array<i32>} : memref<32x768xf32, #tpu.memory_space<vmem>>, vector<16xf32>,
            tpu.vector_store %arg10[%swap3A_719, %swap3A_720], %broadcast_in_dim3A_718 {strides = array<i32>} : memref<32x768xf32, #tpu.memory_space<vmem>>, vector<16xf32>,
            %broadcast_in_dim3A_722 = arith.constant 0.000000e+00 : f32
            %broadcast_in_dim3A_723 = vector.broadcast %broadcast_in_dim3A_722 : f32 to vector<16xf32>
            %swap3A_724 = arith.index_cast %while3A_497 : i32 to index
            %swap3A_725 = arith.constant 720 : index
            %swap3A_726 = tpu.vector_load %arg10[%swap3A_724, %swap3A_725] {strides = array<i32>} : memref<32x768xf32, #tpu.memory_space<vmem>>, vector<16xf32>,
            tpu.vector_store %arg10[%swap3A_724, %swap3A_725], %broadcast_in_dim3A_723 {strides = array<i32>} : memref<32x768xf32, #tpu.memory_space<vmem>>, vector<16xf32>,
            %broadcast_in_dim3A_727 = arith.constant 0.000000e+00 : f32
            %broadcast_in_dim3A_728 = vector.broadcast %broadcast_in_dim3A_727 : f32 to vector<16xf32>
            %swap3A_729 = arith.index_cast %while3A_497 : i32 to index
            %swap3A_730 = arith.constant 736 : index
            %swap3A_731 = tpu.vector_load %arg10[%swap3A_729, %swap3A_730] {strides = array<i32>} : memref<32x768xf32, #tpu.memory_space<vmem>>, vector<16xf32>,
            tpu.vector_store %arg10[%swap3A_729, %swap3A_730], %broadcast_in_dim3A_728 {strides = array<i32>} : memref<32x768xf32, #tpu.memory_space<vmem>>, vector<16xf32>,
            %broadcast_in_dim3A_732 = arith.constant 0.000000e+00 : f32
            %broadcast_in_dim3A_733 = vector.broadcast %broadcast_in_dim3A_732 : f32 to vector<16xf32>
            %swap3A_734 = arith.index_cast %while3A_497 : i32 to index
            %swap3A_735 = arith.constant 752 : index
            %swap3A_736 = tpu.vector_load %arg10[%swap3A_734, %swap3A_735] {strides = array<i32>} : memref<32x768xf32, #tpu.memory_space<vmem>>, vector<16xf32>,
            tpu.vector_store %arg10[%swap3A_734, %swap3A_735], %broadcast_in_dim3A_733 {strides = array<i32>} : memref<32x768xf32, #tpu.memory_space<vmem>>, vector<16xf32>,
          }
          %while3A_496 = arith.constant 1 : i32
          scf.for %while3A_497 = %while3A_494 to %while3A_490 step %while3A_496  : i32 {
            %broadcast_in_dim3A_498 = arith.constant 0.000000e+00 : f32
            %broadcast_in_dim3A_499 = vector.broadcast %broadcast_in_dim3A_498 : f32 to vector<16xf32>
            %swap3A = arith.index_cast %while3A_497 : i32 to index
            %swap3A_500 = arith.constant 0 : index
            %swap3A_501 = tpu.vector_load %arg10[%swap3A, %swap3A_500] {strides = array<i32>} : memref<32x768xf32, #tpu.memory_space<vmem>>, vector<16xf32>,
            tpu.vector_store %arg10[%swap3A, %swap3A_500], %broadcast_in_dim3A_499 {strides = array<i32>} : memref<32x768xf32, #tpu.memory_space<vmem>>, vector<16xf32>,
            %broadcast_in_dim3A_502 = arith.constant 0.000000e+00 : f32
            %broadcast_in_dim3A_503 = vector.broadcast %broadcast_in_dim3A_502 : f32 to vector<16xf32>
            %swap3A_504 = arith.index_cast %while3A_497 : i32 to index
            %swap3A_505 = arith.constant 16 : index
            %swap3A_506 = tpu.vector_load %arg10[%swap3A_504, %swap3A_505] {strides = array<i32>} : memref<32x768xf32, #tpu.memory_space<vmem>>, vector<16xf32>,
            tpu.vector_store %arg10[%swap3A_504, %swap3A_505], %broadcast_in_dim3A_503 {strides = array<i32>} : memref<32x768xf32, #tpu.memory_space<vmem>>, vector<16xf32>,
            %broadcast_in_dim3A_507 = arith.constant 0.000000e+00 : f32
            %broadcast_in_dim3A_508 = vector.broadcast %broadcast_in_dim3A_507 : f32 to vector<16xf32>
            %swap3A_509 = arith.index_cast %while3A_497 : i32 to index
            %swap3A_510 = arith.constant 32 : index
            %swap3A_511 = tpu.vector_load %arg10[%swap3A_509, %swap3A_510] {strides = array<i32>} : memref<32x768xf32, #tpu.memory_space<vmem>>, vector<16xf32>,
            tpu.vector_store %arg10[%swap3A_509, %swap3A_510], %broadcast_in_dim3A_508 {strides = array<i32>} : memref<32x768xf32, #tpu.memory_space<vmem>>, vector<16xf32>,
            %broadcast_in_dim3A_512 = arith.constant 0.000000e+00 : f32
            %broadcast_in_dim3A_513 = vector.broadcast %broadcast_in_dim3A_512 : f32 to vector<16xf32>
            %swap3A_514 = arith.index_cast %while3A_497 : i32 to index
            %swap3A_515 = arith.constant 48 : index
            %swap3A_516 = tpu.vector_load %arg10[%swap3A_514, %swap3A_515] {strides = array<i32>} : memref<32x768xf32, #tpu.memory_space<vmem>>, vector<16xf32>,
            tpu.vector_store %arg10[%swap3A_514, %swap3A_515], %broadcast_in_dim3A_513 {strides = array<i32>} : memref<32x768xf32, #tpu.memory_space<vmem>>, vector<16xf32>,
            %broadcast_in_dim3A_517 = arith.constant 0.000000e+00 : f32
            %broadcast_in_dim3A_518 = vector.broadcast %broadcast_in_dim3A_517 : f32 to vector<16xf32>
            %swap3A_519 = arith.index_cast %while3A_497 : i32 to index
            %swap3A_520 = arith.constant 64 : index
            %swap3A_521 = tpu.vector_load %arg10[%swap3A_519, %swap3A_520] {strides = array<i32>} : memref<32x768xf32, #tpu.memory_space<vmem>>, vector<16xf32>,
            tpu.vector_store %arg10[%swap3A_519, %swap3A_520], %broadcast_in_dim3A_518 {strides = array<i32>} : memref<32x768xf32, #tpu.memory_space<vmem>>, vector<16xf32>,
            %broadcast_in_dim3A_522 = arith.constant 0.000000e+00 : f32
            %broadcast_in_dim3A_523 = vector.broadcast %broadcast_in_dim3A_522 : f32 to vector<16xf32>
            %swap3A_524 = arith.index_cast %while3A_497 : i32 to index
            %swap3A_525 = arith.constant 80 : index
            %swap3A_526 = tpu.vector_load %arg10[%swap3A_524, %swap3A_525] {strides = array<i32>} : memref<32x768xf32, #tpu.memory_space<vmem>>, vector<16xf32>,
            tpu.vector_store %arg10[%swap3A_524, %swap3A_525], %broadcast_in_dim3A_523 {strides = array<i32>} : memref<32x768xf32, #tpu.memory_space<vmem>>, vector<16xf32>,
            %broadcast_in_dim3A_527 = arith.constant 0.000000e+00 : f32
            %broadcast_in_dim3A_528 = vector.broadcast %broadcast_in_dim3A_527 : f32 to vector<16xf32>
            %swap3A_529 = arith.index_cast %while3A_497 : i32 to index
            %swap3A_530 = arith.constant 96 : index
            %swap3A_531 = tpu.vector_load %arg10[%swap3A_529, %swap3A_530] {strides = array<i32>} : memref<32x768xf32, #tpu.memory_space<vmem>>, vector<16xf32>,
            tpu.vector_store %arg10[%swap3A_529, %swap3A_530], %broadcast_in_dim3A_528 {strides = array<i32>} : memref<32x768xf32, #tpu.memory_space<vmem>>, vector<16xf32>,
            %broadcast_in_dim3A_532 = arith.constant 0.000000e+00 : f32
            %broadcast_in_dim3A_533 = vector.broadcast %broadcast_in_dim3A_532 : f32 to vector<16xf32>
            %swap3A_534 = arith.index_cast %while3A_497 : i32 to index
            %swap3A_535 = arith.constant 112 : index
            %swap3A_536 = tpu.vector_load %arg10[%swap3A_534, %swap3A_535] {strides = array<i32>} : memref<32x768xf32, #tpu.memory_space<vmem>>, vector<16xf32>,
            tpu.vector_store %arg10[%swap3A_534, %swap3A_535], %broadcast_in_dim3A_533 {strides = array<i32>} : memref<32x768xf32, #tpu.memory_space<vmem>>, vector<16xf32>,
            %broadcast_in_dim3A_537 = arith.constant 0.000000e+00 : f32
            %broadcast_in_dim3A_538 = vector.broadcast %broadcast_in_dim3A_537 : f32 to vector<16xf32>
            %swap3A_539 = arith.index_cast %while3A_497 : i32 to index
            %swap3A_540 = arith.constant 128 : index
            %swap3A_541 = tpu.vector_load %arg10[%swap3A_539, %swap3A_540] {strides = array<i32>} : memref<32x768xf32, #tpu.memory_space<vmem>>, vector<16xf32>,
            tpu.vector_store %arg10[%swap3A_539, %swap3A_540], %broadcast_in_dim3A_538 {strides = array<i32>} : memref<32x768xf32, #tpu.memory_space<vmem>>, vector<16xf32>,
            %broadcast_in_dim3A_542 = arith.constant 0.000000e+00 : f32
            %broadcast_in_dim3A_543 = vector.broadcast %broadcast_in_dim3A_542 : f32 to vector<16xf32>
            %swap3A_544 = arith.index_cast %while3A_497 : i32 to index
            %swap3A_545 = arith.constant 144 : index
            %swap3A_546 = tpu.vector_load %arg10[%swap3A_544, %swap3A_545] {strides = array<i32>} : memref<32x768xf32, #tpu.memory_space<vmem>>, vector<16xf32>,
            tpu.vector_store %arg10[%swap3A_544, %swap3A_545], %broadcast_in_dim3A_543 {strides = array<i32>} : memref<32x768xf32, #tpu.memory_space<vmem>>, vector<16xf32>,
            %broadcast_in_dim3A_547 = arith.constant 0.000000e+00 : f32
            %broadcast_in_dim3A_548 = vector.broadcast %broadcast_in_dim3A_547 : f32 to vector<16xf32>
            %swap3A_549 = arith.index_cast %while3A_497 : i32 to index
            %swap3A_550 = arith.constant 160 : index
            %swap3A_551 = tpu.vector_load %arg10[%swap3A_549, %swap3A_550] {strides = array<i32>} : memref<32x768xf32, #tpu.memory_space<vmem>>, vector<16xf32>,
            tpu.vector_store %arg10[%swap3A_549, %swap3A_550], %broadcast_in_dim3A_548 {strides = array<i32>} : memref<32x768xf32, #tpu.memory_space<vmem>>, vector<16xf32>,
            %broadcast_in_dim3A_552 = arith.constant 0.000000e+00 : f32
            %broadcast_in_dim3A_553 = vector.broadcast %broadcast_in_dim3A_552 : f32 to vector<16xf32>
            %swap3A_554 = arith.index_cast %while3A_497 : i32 to index
            %swap3A_555 = arith.constant 176 : index
            %swap3A_556 = tpu.vector_load %arg10[%swap3A_554, %swap3A_555] {strides = array<i32>} : memref<32x768xf32, #tpu.memory_space<vmem>>, vector<16xf32>,
            tpu.vector_store %arg10[%swap3A_554, %swap3A_555], %broadcast_in_dim3A_553 {strides = array<i32>} : memref<32x768xf32, #tpu.memory_space<vmem>>, vector<16xf32>,
            %broadcast_in_dim3A_557 = arith.constant 0.000000e+00 : f32
            %broadcast_in_dim3A_558 = vector.broadcast %broadcast_in_dim3A_557 : f32 to vector<16xf32>
            %swap3A_559 = arith.index_cast %while3A_497 : i32 to index
            %swap3A_560 = arith.constant 192 : index
            %swap3A_561 = tpu.vector_load %arg10[%swap3A_559, %swap3A_560] {strides = array<i32>} : memref<32x768xf32, #tpu.memory_space<vmem>>, vector<16xf32>,
            tpu.vector_store %arg10[%swap3A_559, %swap3A_560], %broadcast_in_dim3A_558 {strides = array<i32>} : memref<32x768xf32, #tpu.memory_space<vmem>>, vector<16xf32>,
            %broadcast_in_dim3A_562 = arith.constant 0.000000e+00 : f32
            %broadcast_in_dim3A_563 = vector.broadcast %broadcast_in_dim3A_562 : f32 to vector<16xf32>
            %swap3A_564 = arith.index_cast %while3A_497 : i32 to index
            %swap3A_565 = arith.constant 208 : index
            %swap3A_566 = tpu.vector_load %arg10[%swap3A_564, %swap3A_565] {strides = array<i32>} : memref<32x768xf32, #tpu.memory_space<vmem>>, vector<16xf32>,
            tpu.vector_store %arg10[%swap3A_564, %swap3A_565], %broadcast_in_dim3A_563 {strides = array<i32>} : memref<32x768xf32, #tpu.memory_space<vmem>>, vector<16xf32>,
            %broadcast_in_dim3A_567 = arith.constant 0.000000e+00 : f32
            %broadcast_in_dim3A_568 = vector.broadcast %broadcast_in_dim3A_567 : f32 to vector<16xf32>
            %swap3A_569 = arith.index_cast %while3A_497 : i32 to index
            %swap3A_570 = arith.constant 224 : index
            %swap3A_571 = tpu.vector_load %arg10[%swap3A_569, %swap3A_570] {strides = array<i32>} : memref<32x768xf32, #tpu.memory_space<vmem>>, vector<16xf32>,
            tpu.vector_store %arg10[%swap3A_569, %swap3A_570], %broadcast_in_dim3A_568 {strides = array<i32>} : memref<32x768xf32, #tpu.memory_space<vmem>>, vector<16xf32>,
            %broadcast_in_dim3A_572 = arith.constant 0.000000e+00 : f32
            %broadcast_in_dim3A_573 = vector.broadcast %broadcast_in_dim3A_572 : f32 to vector<16xf32>
            %swap3A_574 = arith.index_cast %while3A_497 : i32 to index
            %swap3A_575 = arith.constant 240 : index
            %swap3A_576 = tpu.vector_load %arg10[%swap3A_574, %swap3A_575] {strides = array<i32>} : memref<32x768xf32, #tpu.memory_space<vmem>>, vector<16xf32>,
            tpu.vector_store %arg10[%swap3A_574, %swap3A_575], %broadcast_in_dim3A_573 {strides = array<i32>} : memref<32x768xf32, #tpu.memory_space<vmem>>, vector<16xf32>,
            %broadcast_in_dim3A_577 = arith.constant 0.000000e+00 : f32
            %broadcast_in_dim3A_578 = vector.broadcast %broadcast_in_dim3A_577 : f32 to vector<16xf32>
            %swap3A_579 = arith.index_cast %while3A_497 : i32 to index
            %swap3A_580 = arith.constant 256 : index
            %swap3A_581 = tpu.vector_load %arg10[%swap3A_579, %swap3A_580] {strides = array<i32>} : memref<32x768xf32, #tpu.memory_space<vmem>>, vector<16xf32>,
            tpu.vector_store %arg10[%swap3A_579, %swap3A_580], %broadcast_in_dim3A_578 {strides = array<i32>} : memref<32x768xf32, #tpu.memory_space<vmem>>, vector<16xf32>,
            %broadcast_in_dim3A_582 = arith.constant 0.000000e+00 : f32
            %broadcast_in_dim3A_583 = vector.broadcast %broadcast_in_dim3A_582 : f32 to vector<16xf32>
            %swap3A_584 = arith.index_cast %while3A_497 : i32 to index
            %swap3A_585 = arith.constant 272 : index
            %swap3A_586 = tpu.vector_load %arg10[%swap3A_584, %swap3A_585] {strides = array<i32>} : memref<32x768xf32, #tpu.memory_space<vmem>>, vector<16xf32>,
            tpu.vector_store %arg10[%swap3A_584, %swap3A_585], %broadcast_in_dim3A_583 {strides = array<i32>} : memref<32x768xf32, #tpu.memory_space<vmem>>, vector<16xf32>,
            %broadcast_in_dim3A_587 = arith.constant 0.000000e+00 : f32
            %broadcast_in_dim3A_588 = vector.broadcast %broadcast_in_dim3A_587 : f32 to vector<16xf32>
            %swap3A_589 = arith.index_cast %while3A_497 : i32 to index
            %swap3A_590 = arith.constant 288 : index
            %swap3A_591 = tpu.vector_load %arg10[%swap3A_589, %swap3A_590] {strides = array<i32>} : memref<32x768xf32, #tpu.memory_space<vmem>>, vector<16xf32>,
            tpu.vector_store %arg10[%swap3A_589, %swap3A_590], %broadcast_in_dim3A_588 {strides = array<i32>} : memref<32x768xf32, #tpu.memory_space<vmem>>, vector<16xf32>,
            %broadcast_in_dim3A_592 = arith.constant 0.000000e+00 : f32
            %broadcast_in_dim3A_593 = vector.broadcast %broadcast_in_dim3A_592 : f32 to vector<16xf32>
            %swap3A_594 = arith.index_cast %while3A_497 : i32 to index
            %swap3A_595 = arith.constant 304 : index
            %swap3A_596 = tpu.vector_load %arg10[%swap3A_594, %swap3A_595] {strides = array<i32>} : memref<32x768xf32, #tpu.memory_space<vmem>>, vector<16xf32>,
            tpu.vector_store %arg10[%swap3A_594, %swap3A_595], %broadcast_in_dim3A_593 {strides = array<i32>} : memref<32x768xf32, #tpu.memory_space<vmem>>, vector<16xf32>,
            %broadcast_in_dim3A_597 = arith.constant 0.000000e+00 : f32
            %broadcast_in_dim3A_598 = vector.broadcast %broadcast_in_dim3A_597 : f32 to vector<16xf32>
            %swap3A_599 = arith.index_cast %while3A_497 : i32 to index
            %swap3A_600 = arith.constant 320 : index
            %swap3A_601 = tpu.vector_load %arg10[%swap3A_599, %swap3A_600] {strides = array<i32>} : memref<32x768xf32, #tpu.memory_space<vmem>>, vector<16xf32>,
            tpu.vector_store %arg10[%swap3A_599, %swap3A_600], %broadcast_in_dim3A_598 {strides = array<i32>} : memref<32x768xf32, #tpu.memory_space<vmem>>, vector<16xf32>,
            %broadcast_in_dim3A_602 = arith.constant 0.000000e+00 : f32
            %broadcast_in_dim3A_603 = vector.broadcast %broadcast_in_dim3A_602 : f32 to vector<16xf32>
            %swap3A_604 = arith.index_cast %while3A_497 : i32 to index
            %swap3A_605 = arith.constant 336 : index
            %swap3A_606 = tpu.vector_load %arg10[%swap3A_604, %swap3A_605] {strides = array<i32>} : memref<32x768xf32, #tpu.memory_space<vmem>>, vector<16xf32>,
            tpu.vector_store %arg10[%swap3A_604, %swap3A_605], %broadcast_in_dim3A_603 {strides = array<i32>} : memref<32x768xf32, #tpu.memory_space<vmem>>, vector<16xf32>,
            %broadcast_in_dim3A_607 = arith.constant 0.000000e+00 : f32
            %broadcast_in_dim3A_608 = vector.broadcast %broadcast_in_dim3A_607 : f32 to vector<16xf32>
            %swap3A_609 = arith.index_cast %while3A_497 : i32 to index
            %swap3A_610 = arith.constant 352 : index
            %swap3A_611 = tpu.vector_load %arg10[%swap3A_609, %swap3A_610] {strides = array<i32>} : memref<32x768xf32, #tpu.memory_space<vmem>>, vector<16xf32>,
            tpu.vector_store %arg10[%swap3A_609, %swap3A_610], %broadcast_in_dim3A_608 {strides = array<i32>} : memref<32x768xf32, #tpu.memory_space<vmem>>, vector<16xf32>,
            %broadcast_in_dim3A_612 = arith.constant 0.000000e+00 : f32
            %broadcast_in_dim3A_613 = vector.broadcast %broadcast_in_dim3A_612 : f32 to vector<16xf32>
            %swap3A_614 = arith.index_cast %while3A_497 : i32 to index
            %swap3A_615 = arith.constant 368 : index
            %swap3A_616 = tpu.vector_load %arg10[%swap3A_614, %swap3A_615] {strides = array<i32>} : memref<32x768xf32, #tpu.memory_space<vmem>>, vector<16xf32>,
            tpu.vector_store %arg10[%swap3A_614, %swap3A_615], %broadcast_in_dim3A_613 {strides = array<i32>} : memref<32x768xf32, #tpu.memory_space<vmem>>, vector<16xf32>,
            %broadcast_in_dim3A_617 = arith.constant 0.000000e+00 : f32
            %broadcast_in_dim3A_618 = vector.broadcast %broadcast_in_dim3A_617 : f32 to vector<16xf32>
            %swap3A_619 = arith.index_cast %while3A_497 : i32 to index
            %swap3A_620 = arith.constant 384 : index
            %swap3A_621 = tpu.vector_load %arg10[%swap3A_619, %swap3A_620] {strides = array<i32>} : memref<32x768xf32, #tpu.memory_space<vmem>>, vector<16xf32>,
            tpu.vector_store %arg10[%swap3A_619, %swap3A_620], %broadcast_in_dim3A_618 {strides = array<i32>} : memref<32x768xf32, #tpu.memory_space<vmem>>, vector<16xf32>,
            %broadcast_in_dim3A_622 = arith.constant 0.000000e+00 : f32
            %broadcast_in_dim3A_623 = vector.broadcast %broadcast_in_dim3A_622 : f32 to vector<16xf32>
            %swap3A_624 = arith.index_cast %while3A_497 : i32 to index
            %swap3A_625 = arith.constant 400 : index
            %swap3A_626 = tpu.vector_load %arg10[%swap3A_624, %swap3A_625] {strides = array<i32>} : memref<32x768xf32, #tpu.memory_space<vmem>>, vector<16xf32>,
            tpu.vector_store %arg10[%swap3A_624, %swap3A_625], %broadcast_in_dim3A_623 {strides = array<i32>} : memref<32x768xf32, #tpu.memory_space<vmem>>, vector<16xf32>,
            %broadcast_in_dim3A_627 = arith.constant 0.000000e+00 : f32
            %broadcast_in_dim3A_628 = vector.broadcast %broadcast_in_dim3A_627 : f32 to vector<16xf32>
            %swap3A_629 = arith.index_cast %while3A_497 : i32 to index
            %swap3A_630 = arith.constant 416 : index
            %swap3A_631 = tpu.vector_load %arg10[%swap3A_629, %swap3A_630] {strides = array<i32>} : memref<32x768xf32, #tpu.memory_space<vmem>>, vector<16xf32>,
            tpu.vector_store %arg10[%swap3A_629, %swap3A_630], %broadcast_in_dim3A_628 {strides = array<i32>} : memref<32x768xf32, #tpu.memory_space<vmem>>, vector<16xf32>,
            %broadcast_in_dim3A_632 = arith.constant 0.000000e+00 : f32
            %broadcast_in_dim3A_633 = vector.broadcast %broadcast_in_dim3A_632 : f32 to vector<16xf32>
            %swap3A_634 = arith.index_cast %while3A_497 : i32 to index
            %swap3A_635 = arith.constant 432 : index
            %swap3A_636 = tpu.vector_load %arg10[%swap3A_634, %swap3A_635] {strides = array<i32>} : memref<32x768xf32, #tpu.memory_space<vmem>>, vector<16xf32>,
            tpu.vector_store %arg10[%swap3A_634, %swap3A_635], %broadcast_in_dim3A_633 {strides = array<i32>} : memref<32x768xf32, #tpu.memory_space<vmem>>, vector<16xf32>,
            %broadcast_in_dim3A_637 = arith.constant 0.000000e+00 : f32
            %broadcast_in_dim3A_638 = vector.broadcast %broadcast_in_dim3A_637 : f32 to vector<16xf32>
            %swap3A_639 = arith.index_cast %while3A_497 : i32 to index
            %swap3A_640 = arith.constant 448 : index
            %swap3A_641 = tpu.vector_load %arg10[%swap3A_639, %swap3A_640] {strides = array<i32>} : memref<32x768xf32, #tpu.memory_space<vmem>>, vector<16xf32>,
            tpu.vector_store %arg10[%swap3A_639, %swap3A_640], %broadcast_in_dim3A_638 {strides = array<i32>} : memref<32x768xf32, #tpu.memory_space<vmem>>, vector<16xf32>,
            %broadcast_in_dim3A_642 = arith.constant 0.000000e+00 : f32
            %broadcast_in_dim3A_643 = vector.broadcast %broadcast_in_dim3A_642 : f32 to vector<16xf32>
            %swap3A_644 = arith.index_cast %while3A_497 : i32 to index
            %swap3A_645 = arith.constant 464 : index
            %swap3A_646 = tpu.vector_load %arg10[%swap3A_644, %swap3A_645] {strides = array<i32>} : memref<32x768xf32, #tpu.memory_space<vmem>>, vector<16xf32>,
            tpu.vector_store %arg10[%swap3A_644, %swap3A_645], %broadcast_in_dim3A_643 {strides = array<i32>} : memref<32x768xf32, #tpu.memory_space<vmem>>, vector<16xf32>,
            %broadcast_in_dim3A_647 = arith.constant 0.000000e+00 : f32
            %broadcast_in_dim3A_648 = vector.broadcast %broadcast_in_dim3A_647 : f32 to vector<16xf32>
            %swap3A_649 = arith.index_cast %while3A_497 : i32 to index
            %swap3A_650 = arith.constant 480 : index
            %swap3A_651 = tpu.vector_load %arg10[%swap3A_649, %swap3A_650] {strides = array<i32>} : memref<32x768xf32, #tpu.memory_space<vmem>>, vector<16xf32>,
            tpu.vector_store %arg10[%swap3A_649, %swap3A_650], %broadcast_in_dim3A_648 {strides = array<i32>} : memref<32x768xf32, #tpu.memory_space<vmem>>, vector<16xf32>,
            %broadcast_in_dim3A_652 = arith.constant 0.000000e+00 : f32
            %broadcast_in_dim3A_653 = vector.broadcast %broadcast_in_dim3A_652 : f32 to vector<16xf32>
            %swap3A_654 = arith.index_cast %while3A_497 : i32 to index
            %swap3A_655 = arith.constant 496 : index
            %swap3A_656 = tpu.vector_load %arg10[%swap3A_654, %swap3A_655] {strides = array<i32>} : memref<32x768xf32, #tpu.memory_space<vmem>>, vector<16xf32>,
            tpu.vector_store %arg10[%swap3A_654, %swap3A_655], %broadcast_in_dim3A_653 {strides = array<i32>} : memref<32x768xf32, #tpu.memory_space<vmem>>, vector<16xf32>,
            %broadcast_in_dim3A_657 = arith.constant 0.000000e+00 : f32
            %broadcast_in_dim3A_658 = vector.broadcast %broadcast_in_dim3A_657 : f32 to vector<16xf32>
            %swap3A_659 = arith.index_cast %while3A_497 : i32 to index
            %swap3A_660 = arith.constant 512 : index
            %swap3A_661 = tpu.vector_load %arg10[%swap3A_659, %swap3A_660] {strides = array<i32>} : memref<32x768xf32, #tpu.memory_space<vmem>>, vector<16xf32>,
            tpu.vector_store %arg10[%swap3A_659, %swap3A_660], %broadcast_in_dim3A_658 {strides = array<i32>} : memref<32x768xf32, #tpu.memory_space<vmem>>, vector<16xf32>,
            %broadcast_in_dim3A_662 = arith.constant 0.000000e+00 : f32
            %broadcast_in_dim3A_663 = vector.broadcast %broadcast_in_dim3A_662 : f32 to vector<16xf32>
            %swap3A_664 = arith.index_cast %while3A_497 : i32 to index
            %swap3A_665 = arith.constant 528 : index
            %swap3A_666 = tpu.vector_load %arg10[%swap3A_664, %swap3A_665] {strides = array<i32>} : memref<32x768xf32, #tpu.memory_space<vmem>>, vector<16xf32>,
            tpu.vector_store %arg10[%swap3A_664, %swap3A_665], %broadcast_in_dim3A_663 {strides = array<i32>} : memref<32x768xf32, #tpu.memory_space<vmem>>, vector<16xf32>,
            %broadcast_in_dim3A_667 = arith.constant 0.000000e+00 : f32
            %broadcast_in_dim3A_668 = vector.broadcast %broadcast_in_dim3A_667 : f32 to vector<16xf32>
            %swap3A_669 = arith.index_cast %while3A_497 : i32 to index
            %swap3A_670 = arith.constant 544 : index
            %swap3A_671 = tpu.vector_load %arg10[%swap3A_669, %swap3A_670] {strides = array<i32>} : memref<32x768xf32, #tpu.memory_space<vmem>>, vector<16xf32>,
            tpu.vector_store %arg10[%swap3A_669, %swap3A_670], %broadcast_in_dim3A_668 {strides = array<i32>} : memref<32x768xf32, #tpu.memory_space<vmem>>, vector<16xf32>,
            %broadcast_in_dim3A_672 = arith.constant 0.000000e+00 : f32
            %broadcast_in_dim3A_673 = vector.broadcast %broadcast_in_dim3A_672 : f32 to vector<16xf32>
            %swap3A_674 = arith.index_cast %while3A_497 : i32 to index
            %swap3A_675 = arith.constant 560 : index
            %swap3A_676 = tpu.vector_load %arg10[%swap3A_674, %swap3A_675] {strides = array<i32>} : memref<32x768xf32, #tpu.memory_space<vmem>>, vector<16xf32>,
            tpu.vector_store %arg10[%swap3A_674, %swap3A_675], %broadcast_in_dim3A_673 {strides = array<i32>} : memref<32x768xf32, #tpu.memory_space<vmem>>, vector<16xf32>,
            %broadcast_in_dim3A_677 = arith.constant 0.000000e+00 : f32
            %broadcast_in_dim3A_678 = vector.broadcast %broadcast_in_dim3A_677 : f32 to vector<16xf32>
            %swap3A_679 = arith.index_cast %while3A_497 : i32 to index
            %swap3A_680 = arith.constant 576 : index
            %swap3A_681 = tpu.vector_load %arg10[%swap3A_679, %swap3A_680] {strides = array<i32>} : memref<32x768xf32, #tpu.memory_space<vmem>>, vector<16xf32>,
            tpu.vector_store %arg10[%swap3A_679, %swap3A_680], %broadcast_in_dim3A_678 {strides = array<i32>} : memref<32x768xf32, #tpu.memory_space<vmem>>, vector<16xf32>,
            %broadcast_in_dim3A_682 = arith.constant 0.000000e+00 : f32
            %broadcast_in_dim3A_683 = vector.broadcast %broadcast_in_dim3A_682 : f32 to vector<16xf32>
            %swap3A_684 = arith.index_cast %while3A_497 : i32 to index
            %swap3A_685 = arith.constant 592 : index
            %swap3A_686 = tpu.vector_load %arg10[%swap3A_684, %swap3A_685] {strides = array<i32>} : memref<32x768xf32, #tpu.memory_space<vmem>>, vector<16xf32>,
            tpu.vector_store %arg10[%swap3A_684, %swap3A_685], %broadcast_in_dim3A_683 {strides = array<i32>} : memref<32x768xf32, #tpu.memory_space<vmem>>, vector<16xf32>,
            %broadcast_in_dim3A_687 = arith.constant 0.000000e+00 : f32
            %broadcast_in_dim3A_688 = vector.broadcast %broadcast_in_dim3A_687 : f32 to vector<16xf32>
            %swap3A_689 = arith.index_cast %while3A_497 : i32 to index
            %swap3A_690 = arith.constant 608 : index
            %swap3A_691 = tpu.vector_load %arg10[%swap3A_689, %swap3A_690] {strides = array<i32>} : memref<32x768xf32, #tpu.memory_space<vmem>>, vector<16xf32>,
            tpu.vector_store %arg10[%swap3A_689, %swap3A_690], %broadcast_in_dim3A_688 {strides = array<i32>} : memref<32x768xf32, #tpu.memory_space<vmem>>, vector<16xf32>,
            %broadcast_in_dim3A_692 = arith.constant 0.000000e+00 : f32
            %broadcast_in_dim3A_693 = vector.broadcast %broadcast_in_dim3A_692 : f32 to vector<16xf32>
            %swap3A_694 = arith.index_cast %while3A_497 : i32 to index
            %swap3A_695 = arith.constant 624 : index
            %swap3A_696 = tpu.vector_load %arg10[%swap3A_694, %swap3A_695] {strides = array<i32>} : memref<32x768xf32, #tpu.memory_space<vmem>>, vector<16xf32>,
            tpu.vector_store %arg10[%swap3A_694, %swap3A_695], %broadcast_in_dim3A_693 {strides = array<i32>} : memref<32x768xf32, #tpu.memory_space<vmem>>, vector<16xf32>,
            %broadcast_in_dim3A_697 = arith.constant 0.000000e+00 : f32
            %broadcast_in_dim3A_698 = vector.broadcast %broadcast_in_dim3A_697 : f32 to vector<16xf32>
            %swap3A_699 = arith.index_cast %while3A_497 : i32 to index
            %swap3A_700 = arith.constant 640 : index
            %swap3A_701 = tpu.vector_load %arg10[%swap3A_699, %swap3A_700] {strides = array<i32>} : memref<32x768xf32, #tpu.memory_space<vmem>>, vector<16xf32>,
            tpu.vector_store %arg10[%swap3A_699, %swap3A_700], %broadcast_in_dim3A_698 {strides = array<i32>} : memref<32x768xf32, #tpu.memory_space<vmem>>, vector<16xf32>,
            %broadcast_in_dim3A_702 = arith.constant 0.000000e+00 : f32
            %broadcast_in_dim3A_703 = vector.broadcast %broadcast_in_dim3A_702 : f32 to vector<16xf32>
            %swap3A_704 = arith.index_cast %while3A_497 : i32 to index
            %swap3A_705 = arith.constant 656 : index
            %swap3A_706 = tpu.vector_load %arg10[%swap3A_704, %swap3A_705] {strides = array<i32>} : memref<32x768xf32, #tpu.memory_space<vmem>>, vector<16xf32>,
            tpu.vector_store %arg10[%swap3A_704, %swap3A_705], %broadcast_in_dim3A_703 {strides = array<i32>} : memref<32x768xf32, #tpu.memory_space<vmem>>, vector<16xf32>,
            %broadcast_in_dim3A_707 = arith.constant 0.000000e+00 : f32
            %broadcast_in_dim3A_708 = vector.broadcast %broadcast_in_dim3A_707 : f32 to vector<16xf32>
            %swap3A_709 = arith.index_cast %while3A_497 : i32 to index
            %swap3A_710 = arith.constant 672 : index
            %swap3A_711 = tpu.vector_load %arg10[%swap3A_709, %swap3A_710] {strides = array<i32>} : memref<32x768xf32, #tpu.memory_space<vmem>>, vector<16xf32>,
            tpu.vector_store %arg10[%swap3A_709, %swap3A_710], %broadcast_in_dim3A_708 {strides = array<i32>} : memref<32x768xf32, #tpu.memory_space<vmem>>, vector<16xf32>,
            %broadcast_in_dim3A_712 = arith.constant 0.000000e+00 : f32
            %broadcast_in_dim3A_713 = vector.broadcast %broadcast_in_dim3A_712 : f32 to vector<16xf32>
            %swap3A_714 = arith.index_cast %while3A_497 : i32 to index
            %swap3A_715 = arith.constant 688 : index
            %swap3A_716 = tpu.vector_load %arg10[%swap3A_714, %swap3A_715] {strides = array<i32>} : memref<32x768xf32, #tpu.memory_space<vmem>>, vector<16xf32>,
            tpu.vector_store %arg10[%swap3A_714, %swap3A_715], %broadcast_in_dim3A_713 {strides = array<i32>} : memref<32x768xf32, #tpu.memory_space<vmem>>, vector<16xf32>,
            %broadcast_in_dim3A_717 = arith.constant 0.000000e+00 : f32
            %broadcast_in_dim3A_718 = vector.broadcast %broadcast_in_dim3A_717 : f32 to vector<16xf32>
            %swap3A_719 = arith.index_cast %while3A_497 : i32 to index
            %swap3A_720 = arith.constant 704 : index
            %swap3A_721 = tpu.vector_load %arg10[%swap3A_719, %swap3A_720] {strides = array<i32>} : memref<32x768xf32, #tpu.memory_space<vmem>>, vector<16xf32>,
            tpu.vector_store %arg10[%swap3A_719, %swap3A_720], %broadcast_in_dim3A_718 {strides = array<i32>} : memref<32x768xf32, #tpu.memory_space<vmem>>, vector<16xf32>,
            %broadcast_in_dim3A_722 = arith.constant 0.000000e+00 : f32
            %broadcast_in_dim3A_723 = vector.broadcast %broadcast_in_dim3A_722 : f32 to vector<16xf32>
            %swap3A_724 = arith.index_cast %while3A_497 : i32 to index
            %swap3A_725 = arith.constant 720 : index
            %swap3A_726 = tpu.vector_load %arg10[%swap3A_724, %swap3A_725] {strides = array<i32>} : memref<32x768xf32, #tpu.memory_space<vmem>>, vector<16xf32>,
            tpu.vector_store %arg10[%swap3A_724, %swap3A_725], %broadcast_in_dim3A_723 {strides = array<i32>} : memref<32x768xf32, #tpu.memory_space<vmem>>, vector<16xf32>,
            %broadcast_in_dim3A_727 = arith.constant 0.000000e+00 : f32
            %broadcast_in_dim3A_728 = vector.broadcast %broadcast_in_dim3A_727 : f32 to vector<16xf32>
            %swap3A_729 = arith.index_cast %while3A_497 : i32 to index
            %swap3A_730 = arith.constant 736 : index
            %swap3A_731 = tpu.vector_load %arg10[%swap3A_729, %swap3A_730] {strides = array<i32>} : memref<32x768xf32, #tpu.memory_space<vmem>>, vector<16xf32>,
            tpu.vector_store %arg10[%swap3A_729, %swap3A_730], %broadcast_in_dim3A_728 {strides = array<i32>} : memref<32x768xf32, #tpu.memory_space<vmem>>, vector<16xf32>,
            %broadcast_in_dim3A_732 = arith.constant 0.000000e+00 : f32
            %broadcast_in_dim3A_733 = vector.broadcast %broadcast_in_dim3A_732 : f32 to vector<16xf32>
            %swap3A_734 = arith.index_cast %while3A_497 : i32 to index
            %swap3A_735 = arith.constant 752 : index
            %swap3A_736 = tpu.vector_load %arg10[%swap3A_734, %swap3A_735] {strides = array<i32>} : memref<32x768xf32, #tpu.memory_space<vmem>>, vector<16xf32>,
            tpu.vector_store %arg10[%swap3A_734, %swap3A_735], %broadcast_in_dim3A_733 {strides = array<i32>} : memref<32x768xf32, #tpu.memory_space<vmem>>, vector<16xf32>,
          }
        } else {
        }
        %mul3A_481 = arith.constant 32 : i32
        %mul3A_482 = arith.muli %add3A_473, %mul3A_481 : i32
        %add3A_483 = arith.addi %mul3A_9, %mul3A_482 : i32
        %dma_start3A = arith.constant 0 : i32
        %dma_start3A_484 = tpu.memref_slice %arg4[%add3A_483, %dma_start3A] : memref<32768x768xf32, #tpu.memory_space<hbm>> -> memref<32x768xf32, #tpu.memory_space<hbm>>
        %dma_start3A_485 = arith.constant 0 : i32
        %dma_start3A_486 = tpu.memref_slice %arg4[%add3A_483, %dma_start3A_485] : memref<32768x768xf32, #tpu.memory_space<hbm>> -> memref<32x768xf32, #tpu.memory_space<hbm>>
        tpu.enqueue_dma source(%arg10 : memref<32x768xf32, #tpu.memory_space<vmem>>) target(%dma_start3A_486 : memref<32x768xf32, #tpu.memory_space<hbm>>) target_semaphore(%arg19 : memref<!tpu.dma_semaphore, #tpu.memory_space<semaphore_mem>>)
      } else {
      }
    }
    %scan3A_136 = arith.constant 8 : i32
    %add3A_137 = arith.constant 3 : i32
    %add3A_138 = arith.addi %max3A_98, %add3A_137 : i32
    %sub3A_139 = arith.constant 0 : i32
    %sub3A_140 = arith.subi %add3A_138, %sub3A_139 : i32
    %jit3A_141 = arith.constant 4 : i32
    %div3A_142 = arith.divsi %sub3A_140, %jit3A_141 : i32
    %sign3A_143 = arith.constant 0 : i32
    %sign3A_144 = arith.cmpi sgt, %sub3A_140, %sign3A_143 : i32
    %sign3A_145 = arith.extui %sign3A_144 : i1 to i32
    %sign3A_146 = arith.constant 0 : i32
    %sign3A_147 = arith.cmpi slt, %sub3A_140, %sign3A_146 : i32
    %sign3A_148 = arith.extui %sign3A_147 : i1 to i32
    %sign3A_149 = arith.subi %sign3A_145, %sign3A_148 : i32
    %sign3A_150 = arith.constant 0 : i32
    %sign3A_151 = arith.cmpi sgt, %jit3A_141, %sign3A_150 : i32
    %sign3A_152 = arith.extui %sign3A_151 : i1 to i32
    %sign3A_153 = arith.constant 0 : i32
    %sign3A_154 = arith.cmpi slt, %jit3A_141, %sign3A_153 : i32
    %sign3A_155 = arith.extui %sign3A_154 : i1 to i32
    %sign3A_156 = arith.subi %sign3A_152, %sign3A_155 : i32
    %ne3A_157 = arith.cmpi ne, %sign3A_149, %sign3A_156 : i32
    %rem3A_158 = arith.remsi %sub3A_140, %jit3A_141 : i32
    %ne3A_159 = arith.constant 0 : i32
    %ne3A_160 = arith.cmpi ne, %rem3A_158, %ne3A_159 : i32
    %and3A_161 = arith.andi %ne3A_157, %ne3A_160 : i1
    %sub3A_162 = arith.constant 1 : i32
    %sub3A_163 = arith.subi %div3A_142, %sub3A_162 : i32
    %select_n3A_164 = arith.select %and3A_161, %sub3A_163, %div3A_142 : i32
    %max3A_165 = arith.constant 0 : i32
    %max3A_166 = arith.maxsi %max3A_165, %select_n3A_164 : i32
    %sub3A_167 = arith.constant 1 : i32
    %sub3A_168 = arith.subi %max3A_98, %sub3A_167 : i32
    %sub3A_169 = arith.constant 0 : i32
    %sub3A_170 = arith.subi %sub3A_168, %sub3A_169 : i32
    %jit3A_171 = arith.constant 4 : i32
    %div3A_172 = arith.divsi %sub3A_170, %jit3A_171 : i32
    %sign3A_173 = arith.constant 0 : i32
    %sign3A_174 = arith.cmpi sgt, %sub3A_170, %sign3A_173 : i32
    %sign3A_175 = arith.extui %sign3A_174 : i1 to i32
    %sign3A_176 = arith.constant 0 : i32
    %sign3A_177 = arith.cmpi slt, %sub3A_170, %sign3A_176 : i32
    %sign3A_178 = arith.extui %sign3A_177 : i1 to i32
    %sign3A_179 = arith.subi %sign3A_175, %sign3A_178 : i32
    %sign3A_180 = arith.constant 0 : i32
    %sign3A_181 = arith.cmpi sgt, %jit3A_171, %sign3A_180 : i32
    %sign3A_182 = arith.extui %sign3A_181 : i1 to i32
    %sign3A_183 = arith.constant 0 : i32
    %sign3A_184 = arith.cmpi slt, %jit3A_171, %sign3A_183 : i32
    %sign3A_185 = arith.extui %sign3A_184 : i1 to i32
    %sign3A_186 = arith.subi %sign3A_182, %sign3A_185 : i32
    %ne3A_187 = arith.cmpi ne, %sign3A_179, %sign3A_186 : i32
    %rem3A_188 = arith.remsi %sub3A_170, %jit3A_171 : i32
    %ne3A_189 = arith.constant 0 : i32
    %ne3A_190 = arith.cmpi ne, %rem3A_188, %ne3A_189 : i32
    %and3A_191 = arith.andi %ne3A_187, %ne3A_190 : i1
    %sub3A_192 = arith.constant 1 : i32
    %sub3A_193 = arith.subi %div3A_172, %sub3A_192 : i32
    %select_n3A_194 = arith.select %and3A_191, %sub3A_193, %div3A_172 : i32
    %max3A_195 = arith.constant 0 : i32
    %max3A_196 = arith.maxsi %max3A_195, %select_n3A_194 : i32
    %sub3A_197 = arith.subi %max3A_166, %max3A_196 : i32
    %while3A_198 = arith.constant 0 : i32
    %while3A_199 = arith.constant 0 : i32
    %while3A_200 = arith.subi %sub3A_197, %while3A_199 : i32
    %while3A_201 = arith.addi %while3A_199, %while3A_200 : i32
    %while3A_202 = arith.constant 1 : i32
    %while3A_203 = arith.divsi %while3A_200, %while3A_202 : i32
    %while3A_204 = arith.muli %while3A_203, %while3A_202 : i32
    %while3A_205 = arith.addi %while3A_199, %while3A_204 : i32
    %while3A_206 = arith.constant 1 : i32
    scf.for %while3A_433 = %while3A_199 to %while3A_205 step %while3A_206  : i32 {
      %dma_wait3A = arith.constant 0 : i32
      %dma_wait3A_434 = arith.constant 0 : i32
      %dma_wait3A_435 = tpu.memref_slice %arg2[%dma_wait3A, %dma_wait3A_434] : memref<32768x768xf32, #tpu.memory_space<hbm>> -> memref<32x768xf32, #tpu.memory_space<hbm>>
      %dma_wait3A_436 = arith.constant 0 : i32
      %dma_wait3A_437 = arith.constant 0 : i32
      %dma_wait3A_438 = tpu.memref_slice %arg2[%dma_wait3A_436, %dma_wait3A_437] : memref<32768x768xf32, #tpu.memory_space<hbm>> -> memref<32x768xf32, #tpu.memory_space<hbm>>
      tpu.wait_dma2 semaphore(%arg16 : memref<!tpu.dma_semaphore, #tpu.memory_space<semaphore_mem>>) src(%dma_wait3A_438 : memref<32x768xf32, #tpu.memory_space<hbm>>) dst(%arg7 : memref<32x768xf32, #tpu.memory_space<vmem>>)
    }
    %while3A_207 = arith.constant 1 : i32
    scf.for %while3A_433 = %while3A_205 to %while3A_201 step %while3A_207  : i32 {
      %dma_wait3A = arith.constant 0 : i32
      %dma_wait3A_434 = arith.constant 0 : i32
      %dma_wait3A_435 = tpu.memref_slice %arg2[%dma_wait3A, %dma_wait3A_434] : memref<32768x768xf32, #tpu.memory_space<hbm>> -> memref<32x768xf32, #tpu.memory_space<hbm>>
      %dma_wait3A_436 = arith.constant 0 : i32
      %dma_wait3A_437 = arith.constant 0 : i32
      %dma_wait3A_438 = tpu.memref_slice %arg2[%dma_wait3A_436, %dma_wait3A_437] : memref<32768x768xf32, #tpu.memory_space<hbm>> -> memref<32x768xf32, #tpu.memory_space<hbm>>
      tpu.wait_dma2 semaphore(%arg16 : memref<!tpu.dma_semaphore, #tpu.memory_space<semaphore_mem>>) src(%dma_wait3A_438 : memref<32x768xf32, #tpu.memory_space<hbm>>) dst(%arg7 : memref<32x768xf32, #tpu.memory_space<vmem>>)
    }
    %add3A_208 = arith.constant 3 : i32
    %add3A_209 = arith.addi %max3A_98, %add3A_208 : i32
    %sub3A_210 = arith.constant 1 : i32
    %sub3A_211 = arith.subi %add3A_209, %sub3A_210 : i32
    %jit3A_212 = arith.constant 4 : i32
    %div3A_213 = arith.divsi %sub3A_211, %jit3A_212 : i32
    %sign3A_214 = arith.constant 0 : i32
    %sign3A_215 = arith.cmpi sgt, %sub3A_211, %sign3A_214 : i32
    %sign3A_216 = arith.extui %sign3A_215 : i1 to i32
    %sign3A_217 = arith.constant 0 : i32
    %sign3A_218 = arith.cmpi slt, %sub3A_211, %sign3A_217 : i32
    %sign3A_219 = arith.extui %sign3A_218 : i1 to i32
    %sign3A_220 = arith.subi %sign3A_216, %sign3A_219 : i32
    %sign3A_221 = arith.constant 0 : i32
    %sign3A_222 = arith.cmpi sgt, %jit3A_212, %sign3A_221 : i32
    %sign3A_223 = arith.extui %sign3A_222 : i1 to i32
    %sign3A_224 = arith.constant 0 : i32
    %sign3A_225 = arith.cmpi slt, %jit3A_212, %sign3A_224 : i32
    %sign3A_226 = arith.extui %sign3A_225 : i1 to i32
    %sign3A_227 = arith.subi %sign3A_223, %sign3A_226 : i32
    %ne3A_228 = arith.cmpi ne, %sign3A_220, %sign3A_227 : i32
    %rem3A_229 = arith.remsi %sub3A_211, %jit3A_212 : i32
    %ne3A_230 = arith.constant 0 : i32
    %ne3A_231 = arith.cmpi ne, %rem3A_229, %ne3A_230 : i32
    %and3A_232 = arith.andi %ne3A_228, %ne3A_231 : i1
    %sub3A_233 = arith.constant 1 : i32
    %sub3A_234 = arith.subi %div3A_213, %sub3A_233 : i32
    %select_n3A_235 = arith.select %and3A_232, %sub3A_234, %div3A_213 : i32
    %max3A_236 = arith.constant 0 : i32
    %max3A_237 = arith.maxsi %max3A_236, %select_n3A_235 : i32
    %sub3A_238 = arith.constant 1 : i32
    %sub3A_239 = arith.subi %max3A_98, %sub3A_238 : i32
    %sub3A_240 = arith.constant 1 : i32
    %sub3A_241 = arith.subi %sub3A_239, %sub3A_240 : i32
    %jit3A_242 = arith.constant 4 : i32
    %div3A_243 = arith.divsi %sub3A_241, %jit3A_242 : i32
    %sign3A_244 = arith.constant 0 : i32
    %sign3A_245 = arith.cmpi sgt, %sub3A_241, %sign3A_244 : i32
    %sign3A_246 = arith.extui %sign3A_245 : i1 to i32
    %sign3A_247 = arith.constant 0 : i32
    %sign3A_248 = arith.cmpi slt, %sub3A_241, %sign3A_247 : i32
    %sign3A_249 = arith.extui %sign3A_248 : i1 to i32
    %sign3A_250 = arith.subi %sign3A_246, %sign3A_249 : i32
    %sign3A_251 = arith.constant 0 : i32
    %sign3A_252 = arith.cmpi sgt, %jit3A_242, %sign3A_251 : i32
    %sign3A_253 = arith.extui %sign3A_252 : i1 to i32
    %sign3A_254 = arith.constant 0 : i32
    %sign3A_255 = arith.cmpi slt, %jit3A_242, %sign3A_254 : i32
    %sign3A_256 = arith.extui %sign3A_255 : i1 to i32
    %sign3A_257 = arith.subi %sign3A_253, %sign3A_256 : i32
    %ne3A_258 = arith.cmpi ne, %sign3A_250, %sign3A_257 : i32
    %rem3A_259 = arith.remsi %sub3A_241, %jit3A_242 : i32
    %ne3A_260 = arith.constant 0 : i32
    %ne3A_261 = arith.cmpi ne, %rem3A_259, %ne3A_260 : i32
    %and3A_262 = arith.andi %ne3A_258, %ne3A_261 : i1
    %sub3A_263 = arith.constant 1 : i32
    %sub3A_264 = arith.subi %div3A_243, %sub3A_263 : i32
    %select_n3A_265 = arith.select %and3A_262, %sub3A_264, %div3A_243 : i32
    %max3A_266 = arith.constant 0 : i32
    %max3A_267 = arith.maxsi %max3A_266, %select_n3A_265 : i32
    %sub3A_268 = arith.subi %max3A_237, %max3A_267 : i32
    %while3A_269 = arith.constant 0 : i32
    %while3A_270 = arith.constant 0 : i32
    %while3A_271 = arith.subi %sub3A_268, %while3A_270 : i32
    %while3A_272 = arith.addi %while3A_270, %while3A_271 : i32
    %while3A_273 = arith.constant 1 : i32
    %while3A_274 = arith.divsi %while3A_271, %while3A_273 : i32
    %while3A_275 = arith.muli %while3A_274, %while3A_273 : i32
    %while3A_276 = arith.addi %while3A_270, %while3A_275 : i32
    %while3A_277 = arith.constant 1 : i32
    scf.for %while3A_433 = %while3A_270 to %while3A_276 step %while3A_277  : i32 {
      %dma_wait3A = arith.constant 0 : i32
      %dma_wait3A_434 = arith.constant 0 : i32
      %dma_wait3A_435 = tpu.memref_slice %arg2[%dma_wait3A, %dma_wait3A_434] : memref<32768x768xf32, #tpu.memory_space<hbm>> -> memref<32x768xf32, #tpu.memory_space<hbm>>
      %dma_wait3A_436 = arith.constant 0 : i32
      %dma_wait3A_437 = arith.constant 0 : i32
      %dma_wait3A_438 = tpu.memref_slice %arg2[%dma_wait3A_436, %dma_wait3A_437] : memref<32768x768xf32, #tpu.memory_space<hbm>> -> memref<32x768xf32, #tpu.memory_space<hbm>>
      tpu.wait_dma2 semaphore(%arg17 : memref<!tpu.dma_semaphore, #tpu.memory_space<semaphore_mem>>) src(%dma_wait3A_438 : memref<32x768xf32, #tpu.memory_space<hbm>>) dst(%arg8 : memref<32x768xf32, #tpu.memory_space<vmem>>)
    }
    %while3A_278 = arith.constant 1 : i32
    scf.for %while3A_433 = %while3A_276 to %while3A_272 step %while3A_278  : i32 {
      %dma_wait3A = arith.constant 0 : i32
      %dma_wait3A_434 = arith.constant 0 : i32
      %dma_wait3A_435 = tpu.memref_slice %arg2[%dma_wait3A, %dma_wait3A_434] : memref<32768x768xf32, #tpu.memory_space<hbm>> -> memref<32x768xf32, #tpu.memory_space<hbm>>
      %dma_wait3A_436 = arith.constant 0 : i32
      %dma_wait3A_437 = arith.constant 0 : i32
      %dma_wait3A_438 = tpu.memref_slice %arg2[%dma_wait3A_436, %dma_wait3A_437] : memref<32768x768xf32, #tpu.memory_space<hbm>> -> memref<32x768xf32, #tpu.memory_space<hbm>>
      tpu.wait_dma2 semaphore(%arg17 : memref<!tpu.dma_semaphore, #tpu.memory_space<semaphore_mem>>) src(%dma_wait3A_438 : memref<32x768xf32, #tpu.memory_space<hbm>>) dst(%arg8 : memref<32x768xf32, #tpu.memory_space<vmem>>)
    }
    %add3A_279 = arith.constant 3 : i32
    %add3A_280 = arith.addi %max3A_98, %add3A_279 : i32
    %sub3A_281 = arith.constant 2 : i32
    %sub3A_282 = arith.subi %add3A_280, %sub3A_281 : i32
    %jit3A_283 = arith.constant 4 : i32
    %div3A_284 = arith.divsi %sub3A_282, %jit3A_283 : i32
    %sign3A_285 = arith.constant 0 : i32
    %sign3A_286 = arith.cmpi sgt, %sub3A_282, %sign3A_285 : i32
    %sign3A_287 = arith.extui %sign3A_286 : i1 to i32
    %sign3A_288 = arith.constant 0 : i32
    %sign3A_289 = arith.cmpi slt, %sub3A_282, %sign3A_288 : i32
    %sign3A_290 = arith.extui %sign3A_289 : i1 to i32
    %sign3A_291 = arith.subi %sign3A_287, %sign3A_290 : i32
    %sign3A_292 = arith.constant 0 : i32
    %sign3A_293 = arith.cmpi sgt, %jit3A_283, %sign3A_292 : i32
    %sign3A_294 = arith.extui %sign3A_293 : i1 to i32
    %sign3A_295 = arith.constant 0 : i32
    %sign3A_296 = arith.cmpi slt, %jit3A_283, %sign3A_295 : i32
    %sign3A_297 = arith.extui %sign3A_296 : i1 to i32
    %sign3A_298 = arith.subi %sign3A_294, %sign3A_297 : i32
    %ne3A_299 = arith.cmpi ne, %sign3A_291, %sign3A_298 : i32
    %rem3A_300 = arith.remsi %sub3A_282, %jit3A_283 : i32
    %ne3A_301 = arith.constant 0 : i32
    %ne3A_302 = arith.cmpi ne, %rem3A_300, %ne3A_301 : i32
    %and3A_303 = arith.andi %ne3A_299, %ne3A_302 : i1
    %sub3A_304 = arith.constant 1 : i32
    %sub3A_305 = arith.subi %div3A_284, %sub3A_304 : i32
    %select_n3A_306 = arith.select %and3A_303, %sub3A_305, %div3A_284 : i32
    %max3A_307 = arith.constant 0 : i32
    %max3A_308 = arith.maxsi %max3A_307, %select_n3A_306 : i32
    %sub3A_309 = arith.constant 1 : i32
    %sub3A_310 = arith.subi %max3A_98, %sub3A_309 : i32
    %sub3A_311 = arith.constant 2 : i32
    %sub3A_312 = arith.subi %sub3A_310, %sub3A_311 : i32
    %jit3A_313 = arith.constant 4 : i32
    %div3A_314 = arith.divsi %sub3A_312, %jit3A_313 : i32
    %sign3A_315 = arith.constant 0 : i32
    %sign3A_316 = arith.cmpi sgt, %sub3A_312, %sign3A_315 : i32
    %sign3A_317 = arith.extui %sign3A_316 : i1 to i32
    %sign3A_318 = arith.constant 0 : i32
    %sign3A_319 = arith.cmpi slt, %sub3A_312, %sign3A_318 : i32
    %sign3A_320 = arith.extui %sign3A_319 : i1 to i32
    %sign3A_321 = arith.subi %sign3A_317, %sign3A_320 : i32
    %sign3A_322 = arith.constant 0 : i32
    %sign3A_323 = arith.cmpi sgt, %jit3A_313, %sign3A_322 : i32
    %sign3A_324 = arith.extui %sign3A_323 : i1 to i32
    %sign3A_325 = arith.constant 0 : i32
    %sign3A_326 = arith.cmpi slt, %jit3A_313, %sign3A_325 : i32
    %sign3A_327 = arith.extui %sign3A_326 : i1 to i32
    %sign3A_328 = arith.subi %sign3A_324, %sign3A_327 : i32
    %ne3A_329 = arith.cmpi ne, %sign3A_321, %sign3A_328 : i32
    %rem3A_330 = arith.remsi %sub3A_312, %jit3A_313 : i32
    %ne3A_331 = arith.constant 0 : i32
    %ne3A_332 = arith.cmpi ne, %rem3A_330, %ne3A_331 : i32
    %and3A_333 = arith.andi %ne3A_329, %ne3A_332 : i1
    %sub3A_334 = arith.constant 1 : i32
    %sub3A_335 = arith.subi %div3A_314, %sub3A_334 : i32
    %select_n3A_336 = arith.select %and3A_333, %sub3A_335, %div3A_314 : i32
    %max3A_337 = arith.constant 0 : i32
    %max3A_338 = arith.maxsi %max3A_337, %select_n3A_336 : i32
    %sub3A_339 = arith.subi %max3A_308, %max3A_338 : i32
    %while3A_340 = arith.constant 0 : i32
    %while3A_341 = arith.constant 0 : i32
    %while3A_342 = arith.subi %sub3A_339, %while3A_341 : i32
    %while3A_343 = arith.addi %while3A_341, %while3A_342 : i32
    %while3A_344 = arith.constant 1 : i32
    %while3A_345 = arith.divsi %while3A_342, %while3A_344 : i32
    %while3A_346 = arith.muli %while3A_345, %while3A_344 : i32
    %while3A_347 = arith.addi %while3A_341, %while3A_346 : i32
    %while3A_348 = arith.constant 1 : i32
    scf.for %while3A_433 = %while3A_341 to %while3A_347 step %while3A_348  : i32 {
      %dma_wait3A = arith.constant 0 : i32
      %dma_wait3A_434 = arith.constant 0 : i32
      %dma_wait3A_435 = tpu.memref_slice %arg2[%dma_wait3A, %dma_wait3A_434] : memref<32768x768xf32, #tpu.memory_space<hbm>> -> memref<32x768xf32, #tpu.memory_space<hbm>>
      %dma_wait3A_436 = arith.constant 0 : i32
      %dma_wait3A_437 = arith.constant 0 : i32
      %dma_wait3A_438 = tpu.memref_slice %arg2[%dma_wait3A_436, %dma_wait3A_437] : memref<32768x768xf32, #tpu.memory_space<hbm>> -> memref<32x768xf32, #tpu.memory_space<hbm>>
      tpu.wait_dma2 semaphore(%arg18 : memref<!tpu.dma_semaphore, #tpu.memory_space<semaphore_mem>>) src(%dma_wait3A_438 : memref<32x768xf32, #tpu.memory_space<hbm>>) dst(%arg9 : memref<32x768xf32, #tpu.memory_space<vmem>>)
    }
    %while3A_349 = arith.constant 1 : i32
    scf.for %while3A_433 = %while3A_347 to %while3A_343 step %while3A_349  : i32 {
      %dma_wait3A = arith.constant 0 : i32
      %dma_wait3A_434 = arith.constant 0 : i32
      %dma_wait3A_435 = tpu.memref_slice %arg2[%dma_wait3A, %dma_wait3A_434] : memref<32768x768xf32, #tpu.memory_space<hbm>> -> memref<32x768xf32, #tpu.memory_space<hbm>>
      %dma_wait3A_436 = arith.constant 0 : i32
      %dma_wait3A_437 = arith.constant 0 : i32
      %dma_wait3A_438 = tpu.memref_slice %arg2[%dma_wait3A_436, %dma_wait3A_437] : memref<32768x768xf32, #tpu.memory_space<hbm>> -> memref<32x768xf32, #tpu.memory_space<hbm>>
      tpu.wait_dma2 semaphore(%arg18 : memref<!tpu.dma_semaphore, #tpu.memory_space<semaphore_mem>>) src(%dma_wait3A_438 : memref<32x768xf32, #tpu.memory_space<hbm>>) dst(%arg9 : memref<32x768xf32, #tpu.memory_space<vmem>>)
    }
    %add3A_350 = arith.constant 3 : i32
    %add3A_351 = arith.addi %max3A_98, %add3A_350 : i32
    %sub3A_352 = arith.constant 3 : i32
    %sub3A_353 = arith.subi %add3A_351, %sub3A_352 : i32
    %jit3A_354 = arith.constant 4 : i32
    %div3A_355 = arith.divsi %sub3A_353, %jit3A_354 : i32
    %sign3A_356 = arith.constant 0 : i32
    %sign3A_357 = arith.cmpi sgt, %sub3A_353, %sign3A_356 : i32
    %sign3A_358 = arith.extui %sign3A_357 : i1 to i32
    %sign3A_359 = arith.constant 0 : i32
    %sign3A_360 = arith.cmpi slt, %sub3A_353, %sign3A_359 : i32
    %sign3A_361 = arith.extui %sign3A_360 : i1 to i32
    %sign3A_362 = arith.subi %sign3A_358, %sign3A_361 : i32
    %sign3A_363 = arith.constant 0 : i32
    %sign3A_364 = arith.cmpi sgt, %jit3A_354, %sign3A_363 : i32
    %sign3A_365 = arith.extui %sign3A_364 : i1 to i32
    %sign3A_366 = arith.constant 0 : i32
    %sign3A_367 = arith.cmpi slt, %jit3A_354, %sign3A_366 : i32
    %sign3A_368 = arith.extui %sign3A_367 : i1 to i32
    %sign3A_369 = arith.subi %sign3A_365, %sign3A_368 : i32
    %ne3A_370 = arith.cmpi ne, %sign3A_362, %sign3A_369 : i32
    %rem3A_371 = arith.remsi %sub3A_353, %jit3A_354 : i32
    %ne3A_372 = arith.constant 0 : i32
    %ne3A_373 = arith.cmpi ne, %rem3A_371, %ne3A_372 : i32
    %and3A_374 = arith.andi %ne3A_370, %ne3A_373 : i1
    %sub3A_375 = arith.constant 1 : i32
    %sub3A_376 = arith.subi %div3A_355, %sub3A_375 : i32
    %select_n3A_377 = arith.select %and3A_374, %sub3A_376, %div3A_355 : i32
    %max3A_378 = arith.constant 0 : i32
    %max3A_379 = arith.maxsi %max3A_378, %select_n3A_377 : i32
    %sub3A_380 = arith.constant 1 : i32
    %sub3A_381 = arith.subi %max3A_98, %sub3A_380 : i32
    %sub3A_382 = arith.constant 3 : i32
    %sub3A_383 = arith.subi %sub3A_381, %sub3A_382 : i32
    %jit3A_384 = arith.constant 4 : i32
    %div3A_385 = arith.divsi %sub3A_383, %jit3A_384 : i32
    %sign3A_386 = arith.constant 0 : i32
    %sign3A_387 = arith.cmpi sgt, %sub3A_383, %sign3A_386 : i32
    %sign3A_388 = arith.extui %sign3A_387 : i1 to i32
    %sign3A_389 = arith.constant 0 : i32
    %sign3A_390 = arith.cmpi slt, %sub3A_383, %sign3A_389 : i32
    %sign3A_391 = arith.extui %sign3A_390 : i1 to i32
    %sign3A_392 = arith.subi %sign3A_388, %sign3A_391 : i32
    %sign3A_393 = arith.constant 0 : i32
    %sign3A_394 = arith.cmpi sgt, %jit3A_384, %sign3A_393 : i32
    %sign3A_395 = arith.extui %sign3A_394 : i1 to i32
    %sign3A_396 = arith.constant 0 : i32
    %sign3A_397 = arith.cmpi slt, %jit3A_384, %sign3A_396 : i32
    %sign3A_398 = arith.extui %sign3A_397 : i1 to i32
    %sign3A_399 = arith.subi %sign3A_395, %sign3A_398 : i32
    %ne3A_400 = arith.cmpi ne, %sign3A_392, %sign3A_399 : i32
    %rem3A_401 = arith.remsi %sub3A_383, %jit3A_384 : i32
    %ne3A_402 = arith.constant 0 : i32
    %ne3A_403 = arith.cmpi ne, %rem3A_401, %ne3A_402 : i32
    %and3A_404 = arith.andi %ne3A_400, %ne3A_403 : i1
    %sub3A_405 = arith.constant 1 : i32
    %sub3A_406 = arith.subi %div3A_385, %sub3A_405 : i32
    %select_n3A_407 = arith.select %and3A_404, %sub3A_406, %div3A_385 : i32
    %max3A_408 = arith.constant 0 : i32
    %max3A_409 = arith.maxsi %max3A_408, %select_n3A_407 : i32
    %sub3A_410 = arith.subi %max3A_379, %max3A_409 : i32
    %while3A_411 = arith.constant 0 : i32
    %while3A_412 = arith.constant 0 : i32
    %while3A_413 = arith.subi %sub3A_410, %while3A_412 : i32
    %while3A_414 = arith.addi %while3A_412, %while3A_413 : i32
    %while3A_415 = arith.constant 1 : i32
    %while3A_416 = arith.divsi %while3A_413, %while3A_415 : i32
    %while3A_417 = arith.muli %while3A_416, %while3A_415 : i32
    %while3A_418 = arith.addi %while3A_412, %while3A_417 : i32
    %while3A_419 = arith.constant 1 : i32
    scf.for %while3A_433 = %while3A_412 to %while3A_418 step %while3A_419  : i32 {
      %dma_wait3A = arith.constant 0 : i32
      %dma_wait3A_434 = arith.constant 0 : i32
      %dma_wait3A_435 = tpu.memref_slice %arg2[%dma_wait3A, %dma_wait3A_434] : memref<32768x768xf32, #tpu.memory_space<hbm>> -> memref<32x768xf32, #tpu.memory_space<hbm>>
      %dma_wait3A_436 = arith.constant 0 : i32
      %dma_wait3A_437 = arith.constant 0 : i32
      %dma_wait3A_438 = tpu.memref_slice %arg2[%dma_wait3A_436, %dma_wait3A_437] : memref<32768x768xf32, #tpu.memory_space<hbm>> -> memref<32x768xf32, #tpu.memory_space<hbm>>
      tpu.wait_dma2 semaphore(%arg19 : memref<!tpu.dma_semaphore, #tpu.memory_space<semaphore_mem>>) src(%dma_wait3A_438 : memref<32x768xf32, #tpu.memory_space<hbm>>) dst(%arg10 : memref<32x768xf32, #tpu.memory_space<vmem>>)
    }
    %while3A_420 = arith.constant 1 : i32
    scf.for %while3A_433 = %while3A_418 to %while3A_414 step %while3A_420  : i32 {
      %dma_wait3A = arith.constant 0 : i32
      %dma_wait3A_434 = arith.constant 0 : i32
      %dma_wait3A_435 = tpu.memref_slice %arg2[%dma_wait3A, %dma_wait3A_434] : memref<32768x768xf32, #tpu.memory_space<hbm>> -> memref<32x768xf32, #tpu.memory_space<hbm>>
      %dma_wait3A_436 = arith.constant 0 : i32
      %dma_wait3A_437 = arith.constant 0 : i32
      %dma_wait3A_438 = tpu.memref_slice %arg2[%dma_wait3A_436, %dma_wait3A_437] : memref<32768x768xf32, #tpu.memory_space<hbm>> -> memref<32x768xf32, #tpu.memory_space<hbm>>
      tpu.wait_dma2 semaphore(%arg19 : memref<!tpu.dma_semaphore, #tpu.memory_space<semaphore_mem>>) src(%dma_wait3A_438 : memref<32x768xf32, #tpu.memory_space<hbm>>) dst(%arg10 : memref<32x768xf32, #tpu.memory_space<vmem>>)
    }
    %sub3A_421 = arith.constant 32 : i32
    %sub3A_422 = arith.subi %sub3A_421, %max3A_98 : i32
    %while3A_423 = arith.constant 0 : i32
    %while3A_424 = arith.constant 0 : i32
    %while3A_425 = arith.subi %sub3A_422, %while3A_424 : i32
    %while3A_426 = arith.addi %while3A_424, %while3A_425 : i32
    %while3A_427 = arith.constant 1 : i32
    %while3A_428 = arith.divsi %while3A_425, %while3A_427 : i32
    %while3A_429 = arith.muli %while3A_428, %while3A_427 : i32
    %while3A_430 = arith.addi %while3A_424, %while3A_429 : i32
    %while3A_431 = arith.constant 1 : i32
    scf.for %while3A_433 = %while3A_424 to %while3A_430 step %while3A_431  : i32 {
      %dma_wait3A = arith.constant 0 : i32
      %dma_wait3A_434 = arith.constant 0 : i32
      %dma_wait3A_435 = tpu.memref_slice %arg2[%dma_wait3A, %dma_wait3A_434] : memref<32768x768xf32, #tpu.memory_space<hbm>> -> memref<32x768xf32, #tpu.memory_space<hbm>>
      tpu.wait_dma2 semaphore(%arg20 : memref<!tpu.dma_semaphore, #tpu.memory_space<semaphore_mem>>) src(%dma_wait3A_435 : memref<32x768xf32, #tpu.memory_space<hbm>>) dst(%arg11 : memref<32x768xf32, #tpu.memory_space<vmem_shared>>)
    }
    %while3A_432 = arith.constant 1 : i32
    scf.for %while3A_433 = %while3A_430 to %while3A_426 step %while3A_432  : i32 {
      %dma_wait3A = arith.constant 0 : i32
      %dma_wait3A_434 = arith.constant 0 : i32
      %dma_wait3A_435 = tpu.memref_slice %arg2[%dma_wait3A, %dma_wait3A_434] : memref<32768x768xf32, #tpu.memory_space<hbm>> -> memref<32x768xf32, #tpu.memory_space<hbm>>
      tpu.wait_dma2 semaphore(%arg20 : memref<!tpu.dma_semaphore, #tpu.memory_space<semaphore_mem>>) src(%dma_wait3A_435 : memref<32x768xf32, #tpu.memory_space<hbm>>) dst(%arg11 : memref<32x768xf32, #tpu.memory_space<vmem_shared>>)
    }
    return
  }
}

</mosaic_0001>

<sc_bundles>
// kernel: _compact.3.cloned.1.call-start
scs
__scs_entry_jumppad:
0x0: {  	(pc) =	sbr.rel $0x88, $3  }
0x1: {  	(tag) =	ssettag $0x0;
	lr =	simm.s32 $0x1  }
0x2: {  	[smem:$0x3F9F] =	sst lr;
	_ =	strace $0xD0000000  }
0x3: {  	_ = 	snop  }
0x4: {  	_ = 	snop  }
0x5: {  	_ = 	snop  }
0x6: {  	_ = 	snop  }
0x7: {  	_ = 	snop  }
__scs_overlays_trampoline_lowered:
0x8: {  	[smem:$0x3FAE] =	sst s0  }
0x9: {  	[smem:$0x3FAF] =	sst s1  }
0xa: {  	[smem:$0x3FB0] =	sst s2  }
0xb: {  	[smem:$0x3FB1] =	sst s3  }
0xc: {  	[smem:$0x3FB2] =	sst s4  }
0xd: {  	[smem:$0x3FB3] =	sst s5  }
0xe: {  	[smem:$0x3FB4] =	sst s6  }
0xf: {  	[smem:$0x3FB5] =	sst s7  }
0x10: {  	[smem:$0x3FB6] =	sst s8  }
0x11: {  	[smem:$0x3FB7] =	sst s9;
	s0 =	simm.s32 @!p0 $0x0  }
0x12: {  	s1 =	sld [smem:$0x3F9D];
	s0 =	simm.s32 @p0 $0x1  }
0x13: {  	[smem:$0x3FB8] =	sst s0;
	s0 =	simm.s32 @!p1 $0x0  }
0x14: {  	s2 =	sld [smem:$0x3F9C];
	s0 =	simm.s32 @p1 $0x1  }
0x15: {  	[smem:$0x3FB9] =	sst s0;
	s0 =	simm.s32 @!p2 $0x0  }
0x16: {  	s3 =	sld [smem:$0x3FDB];
	s0 =	simm.s32 @p2 $0x1  }
0x17: {  	s4 =	simm.s32 $0x1BF5;
	[smem:$0x3FBB] =	sst s0  }
0x18: {  	s0 =	sld [smem:$0x3F9E];
	_ =	swait.ge [sflag:s4], $0x0  }
0x19: {  	s7 =	sld [smem:$0x3F9F]  }
0x1a: {  	s8 =	sadd.s32 $0xFFFFE003, lr  }
0x1b: {  	s9 =	sadd.s32 $0xFFFFFEF7, lr;
	s5 =	simm.s32 $0xFFFFFFFF;
	p2 =	slt.u32 s8, $0xFFFFF086  }
0x1c: {  	p1 =	slt.u32 s9, $0xF7A;
	s5 =	simm.s32 @!p2 $0x0  }
0x1d: {  	s5 =	simm.s32 @p1 $0x1;
	p0 =	seq.s32 s7, s2  }
0x1e: {  	s7 =	smul.u32 @!p0 $0xF7A, s2;
	p2 =	seq.s32 @!p0 s5, $0x0  }
0x1f: {  	s9 =	smul.u32 $0xF7A, s1;
	s8 =	simm.s32 @!p0 $0x1BF5;
	p2 =	por !p2, p0  }
0x20: {  	[sflag:s8] =	ssyncset.s32 @!p0 $0xFFFFF086;
	s6 =	sadd.s32 @!p0 s3, s7;
	s7 =	simm.s32 @!p0 $0x108  }
0x21: {  	s3 =	sadd.s32 s3, s9;
	s6 =	sadd.s32 @!p0 $0x88, s6;
	s7 =	simm.s32 @p2 $0x1082  }
0x22: {  	[simem:s7], [sflag:s8] =	dma.local @!p0 [hbm:s6], $0xF7A  }
0x23: {  	s9 =	sor.u32 $0xD0000000, s2;
	s6 =	simm.s32 $0x108;
	_ =	swait.ge @!p0 [sflag:s8], $0x0  }
0x24: {  	s3 =	sadd.s32 $0x88, s3;
	s6 =	simm.s32 @!p1 $0x1082;
	[sflag:s4] =	ssyncset.s32 $0xFFFFF086  }
0x25: {  	[simem:s6], [sflag:s4] =	dma.local [hbm:s3], $0xF7A  }
0x26: {  	[smem:$0x3F9F] =	sst s1;
	(tag) =	ssettag s2;
	_ =	strace s9  }
0x27: {  	s1 =	sld [smem:$0x3FAF]  }
0x28: {  	s2 =	sld [smem:$0x3FB0]  }
0x29: {  	s4 =	sld [smem:$0x3FB2]  }
0x2a: {  	p0 =	seq.s32 s5, $0x0;
	s5 =	sld [smem:$0x3FB3]  }
0x2b: {  	s6 =	sld [smem:$0x3FB4]  }
0x2c: {  	s7 =	sld [smem:$0x3FB5]  }
0x2d: {  	s3 =	simm.s32 $0x108;
	s8 =	sld [smem:$0x3FB6]  }
0x2e: {  	s3 =	simm.s32 @!p0 $0x1082;
	s9 =	sld [smem:$0x3FB7]  }
0x2f: {  	lr =	sadd.s32 s0, s3;
	s0 =	sld [smem:$0x3FAE]  }
0x30: {  	s3 =	sld [smem:$0x3FB1]  }
0x31: {  	[smem:$0x3FBA] =	sst s10  }
0x32: {  	s10 =	sld [smem:$0x3FB8];
	_ =	sdelay $0x3  }
0x33: {  	p0 =	seq.s32 s10, $0x1;
	s10 =	sld [smem:$0x3FBA];
	_ =	sdelay $0x3  }
0x34: {  	[smem:$0x3FBA] =	sst s10  }
0x35: {  	s10 =	sld [smem:$0x3FB9];
	_ =	sdelay $0x3  }
0x36: {  	p1 =	seq.s32 s10, $0x1;
	s10 =	sld [smem:$0x3FBA];
	_ =	sdelay $0x3  }
0x37: {  	[smem:$0x3FBA] =	sst s10  }
0x38: {  	s10 =	sld [smem:$0x3FBB]  }
0x39: {  	_ = 	snop;
	(pc) =	sbr.ind lr, $3  }
0x3a: {  	_ = 	snop  }
0x3b: {  	_ = 	snop  }
0x3c: {  	p2 =	seq.s32 s10, $0x1;
	s10 =	sld [smem:$0x3FBA]  }
0x3d: {  	_ =	shalt  }
0x3e: {  	_ =	shalt  }
0x3f: {  	_ =	shalt  }
0x40: {  	_ =	shalt  }
0x41: {  	_ =	shalt  }
0x42: {  	_ =	shalt  }
0x43: {  	_ =	shalt  }
0x44: {  	_ =	shalt  }
0x45: {  	_ =	shalt  }
0x46: {  	_ =	shalt  }
0x47: {  	_ =	shalt  }
0x48: {  	_ =	shalt  }
0x49: {  	_ =	shalt  }
0x4a: {  	_ =	shalt  }
0x4b: {  	_ =	shalt  }
0x4c: {  	_ =	shalt  }
0x4d: {  	_ =	shalt  }
0x4e: {  	_ =	shalt  }
0x4f: {  	_ =	shalt  }
0x50: {  	_ =	shalt  }
0x51: {  	_ =	shalt  }
0x52: {  	_ =	shalt  }
0x53: {  	_ =	shalt  }
0x54: {  	_ =	shalt  }
0x55: {  	_ =	shalt  }
0x56: {  	_ =	shalt  }
0x57: {  	_ =	shalt  }
0x58: {  	_ =	shalt  }
0x59: {  	_ =	shalt  }
0x5a: {  	_ =	shalt  }
0x5b: {  	_ =	shalt  }
0x5c: {  	_ =	shalt  }
0x5d: {  	_ =	shalt  }
0x5e: {  	_ =	shalt  }
0x5f: {  	_ =	shalt  }
0x60: {  	_ =	shalt  }
0x61: {  	_ =	shalt  }
0x62: {  	_ =	shalt  }
0x63: {  	_ =	shalt  }
0x64: {  	_ =	shalt  }
0x65: {  	_ =	shalt  }
0x66: {  	_ =	shalt  }
0x67: {  	_ =	shalt  }
0x68: {  	_ =	shalt  }
0x69: {  	_ =	shalt  }
0x6a: {  	_ =	shalt  }
0x6b: {  	_ =	shalt  }
0x6c: {  	_ =	shalt  }
0x6d: {  	_ =	shalt  }
0x6e: {  	_ =	shalt  }
0x6f: {  	_ =	shalt  }
0x70: {  	_ =	shalt  }
0x71: {  	_ =	shalt  }
0x72: {  	_ =	shalt  }
0x73: {  	_ =	shalt  }
0x74: {  	_ =	shalt  }
0x75: {  	_ =	shalt  }
0x76: {  	_ =	shalt  }
0x77: {  	_ =	shalt  }
0x78: {  	_ =	shalt  }
0x79: {  	_ =	shalt  }
0x7a: {  	_ =	shalt  }
0x7b: {  	_ =	shalt  }
0x7c: {  	_ =	shalt  }
0x7d: {  	_ =	shalt  }
0x7e: {  	_ =	shalt  }
0x7f: {  	_ =	shalt  }
0x80: {  	_ =	shalt  }
0x81: {  	_ =	shalt  }
0x82: {  	_ =	shalt  }
0x83: {  	_ =	shalt  }
0x84: {  	_ =	shalt  }
0x85: {  	_ =	shalt  }
0x86: {  	_ =	shalt  }
0x87: {  	_ =	shalt  }
.Lfunc_end0:
.L_simem_size_0:
called_computation_lowered:
.L_overlay_start_0:
0x88: {  	s2 =	sld [smem:$0x3FD9]  }
0x89: {  	s3 =	sld [smem:$0x3FFE];
	_ =	sdelay $0x1  }
0x8a: {  	s1 =	srdreg.scid  }
0x8b: {  	s0 =	sand.u32 $0x1, s1  }
0x8c: {  	s18 =	sshll.u32 s0, $0xA;
	s2 =	sadd.s32 s3, s2  }
0x8d: {  	s2 =	sadd.s32 s2, s18  }
0x8e: {  	[smem:$0x3FC6] =	sst s2  }
0x8f: {  	_ = 	snop  }
0x90: {  	s2 =	sld [smem:$0x3FC9]  }
0x91: {  	s19 =	sld [smem:$0x3FC8]  }
0x92: {  	s4 =	sld [smem:$0x3FD0];
	(tm) =	ssettm $0x1  }
0x93: {  	s5 =	sld [smem:$0x3FFB];
	_ =	sdelay $0x3  }
0x94: {  	_ =	strace s5  }
0x95: {  	s5 =	sld [smem:$0x3FFC];
	_ =	sdelay $0x3  }
0x96: {  	_ =	strace s5  }
0x97: {  	s5 =	sld [smem:$0x3FFD];
	_ =	sdelay $0x3  }
0x98: {  	_ =	strace s5  }
0x99: {  	_ =	strace $0x8FFFFFFF  }
0x9a: {  	s20 =	sld [smem:$0x3FDB];
	_ =	sdelay $0x1  }
0x9b: {  	s6 =	simm.s32 $_scs_section_size  }
0x9c: {  	s7 =	simm.s32 $_size__tile_overlayer_lowered;
	s8 =	simm.s32 $_tile_overlayer_lowered  }
0x9d: {  	s23 =	simm.s32 $0x1BFF;
	s22 =	sshll.u32 s8, $0x1;
	s5 =	sadd.s32 s6, s20  }
0x9e: {  	s9 =	simm.s32 $0x0;
	s21 =	sshll.u32 s7, $0x1;
	s7 =	sadd.s32 s22, s5  }
0x9f: {  	[timem:s9], [sflag:s23] =	dma.local [hbm:s7], s21  }
0xa0: {  	_ =	swait.ge [sflag:s23], s21  }
0xa1: {  	s6 =	ssub.s32 $0x0, s21;
	[sflag:s23] =	ssyncset.done $0x0  }
0xa2: {  	[sflag:s23] =	ssyncadd.s32 s6;
	_ =	sdelay $0x1  }
0xa3: {  	s24 =	simm.s32 $0x1B8B  }
0xa4: {  	_ =	swait.ge [sflag:s24], $0x1  }
0xa5: {  	[sflag:s24] =	ssyncset.done $0x0  }
0xa6: {  	s25 =	simm.s32 $0x1B8E;
	[sflag:s24] =	ssyncadd.s32 $0xFFFFFFFF  }
0xa7: {  	s26 =	simm.s32 $execute0_lowered;
	[smem:$0x3FD2] =	sst s25  }
0xa8: {  	s6 =	sshll.u32 s26, $0x1;
	_ =	strace $0x80000046;
	[dreg:$0x1] =	wrdreg $0xFFFFFFFF  }
0xa9: {  	s28 =	simm.s32 $_size_execute0_lowered;
	s5 =	sadd.s32 s5, s6;
	[dreg:$0x0] =	wrdreg $0x0  }
0xaa: {  	s6 =	sshll.u32 s28, $0x1;
	[dreg:$0x2] =	wrdreg s5  }
0xab: {  	[dreg:$0x3] =	wrdreg s6  }
0xac: {  	[dreg:$0x4] =	wrdreg $0xC0  }
0xad: {  	_ =	task [dreg:s9], $0x5FFFF  }
0xae: {  	[dreg:$0x1] =	wrdreg $0xFFFFFFFF  }
0xaf: {  	[dreg:$0x0] =	wrdreg $0x60  }
0xb0: {  	[dreg:$0x2] =	wrdreg s2  }
0xb1: {  	[dreg:$0x3] =	wrdreg s19  }
0xb2: {  	[dreg:$0x4] =	wrdreg s4  }
0xb3: {  	[dreg:$0x5] =	wrdreg $0x190000  }
0xb4: {  	[dreg:$0x6] =	wrdreg $0x9  }
0xb5: {  	_ =	task.clear_ibuf [dreg:s9], $0x7FFFF;
	_ =	strace $0x90000046  }
0xb6: {  	s29 =	simm.s32 $0x9;
	_ =	strace $0x80000048  }
0xb7: {  	_ =	swait.ge [sflag:s29], $0x1  }
0xb8: {  	[sflag:s29] =	ssyncadd.s32 $0xFFFFFFFF  }
0xb9: {  	_ =	strace $0x90000048  }
0xba: {  	_ =	sfence  }
0xbb: {  	s30 =	sld [smem:$0x0];
	_ =	sdelay $0x2  }
0xbc: {  	s31 =	sshll.u32 s1, $0xD;
	s1 =	sshrl.u32 s1, $0x2  }
0xbd: {  	s3 =	sand.u32 $0x4000, s31;
	s1 =	sadd.s32 s1, s30  }
0xbe: {  	s0 =	sor.u32 s3, s0;
	s1 =	sshll.u32 s1, $0x11  }
0xbf: {  	s0 =	sor.u32 s1, s0  }
0xc0: {  	s0 =	sadd.s32 $0x8F2B, s0  }
0xc1: {  	[sflag:s0] =	ssyncadd.remote.s32 $0x1  }
0xc2: {  	_ =	sfence.sel $0xFFFF  }
0xc3: {  	[dreg:$0x0] =	wrdreg $0xFFFFFFFF;
	(pc) =	sbr.abs _section_cstart, $3  }
0xc4: {  	[dreg:$0x1] =	wrdreg $0xFFFFFFFF  }
0xc5: {  	_ =	task.clear_ibuf [dreg:s9], $0x2FFFF;
	_ =	strace $0x9FFFFFFF  }
0xc6: {  	(tm) =	ssettm $0x7FFFFFFF  }
0xc7: {  	_ =	shalt  }
tec
execute0_lowered:
.L_overlay_start_1:
0x0: {  	(tag) =	ssettag $0x1  }
0x1: {  	s1 =	rddreg [dreg:$0x0]  }
0x2: {  	s0 =	rddreg [dreg:$0x1]  }
0x3: {  	s2 =	rddreg [dreg:$0x2]  }
0x4: {  	s4 =	simm.s32 $0x0;
	s12 =	stileid.u32;
	s3 =	srdreg.scid  }
0x5: {  	s19 =	simm.s32 $0x1;
	s20 =	simm.s32 $0x800;
	s25 =	simm.s32 $0x4  }
0x6: {  	s28 =	simm.s32 $0x5;
	s29 =	simm.s32 $0x6;
	s30 =	simm.s32 $0x7  }
0x7: {  	s31 =	simm.s32 $0x8;
	[smem:$0x7FF] =	sst s4;
	s6 =	sshll.u32 s12, $0xB  }
0x8: {  	s5 =	sshll.u32 s12, $0x7;
	s7 =	sand.u32 $0x1, s3;
	s3 =	sadd.s32 s3, s12  }
0x9: {  	s10 =	sadd.s32 $0x100, s1;
	s11 =	sadd.s32 $0x200, s1;
	p0 =	sne.s32 s12, $0x0  }
0xa: {  	_ =	strace $0x80000047;
	s5 =	sor.u32 s5, s6;
	s8 =	ssub.s32 $0x2, s7  }
0xb: {  	s7 =	sand.u32 $0x1, s3;
	s26 =	sor.u32 $0x10, s6;
	s5 =	sand.u32 $0x4380, s5  }
0xc: {  	s9 =	sshrl.u32 s8, $0x1;
	s23 =	sshll.u32 s7, $0x5;
	[dreg:$0x9] =	wrdreg s26  }
.Ltmp0:
0xd: {  	s21 =	sshrl.u32 s5, $0x3;
	s22 =	ssub.s32 s8, s9;
	(pc) =	sbr.rel .LBB2_1-.Ltmp0, $4  }
0xe: {  	s24 =	sor.u32 $0x800, s23;
	[dreg:$0x6] =	wrdreg s23;
	s0 =	sadd.s32 s0, s21  }
0xf: {  	v2 =	vlaneseq.u32;
	v3 =	vimm.f32 $0.0e+00;
	vm0 =	vmmov $0xffff;
	s5 =	smax.u32 s22, $0x1;
	s21 =	simm.s32 $0x2;
	[dreg:$0x5] =	wrdreg s0  }
0x10: {  	v4 =	vand.u32 $0x7, v2;
	v5 =	vshrl.u32 v2, $0x3;
	v6 =	vor.u32 $0x8, v2;
	[dreg:$0x7] =	wrdreg s5;
	s0 =	sor.u32 s23, s6;
	s23 =	simm.s32 $0x3  }
0x11: {  	v1 =	vmov s6;
	v5 =	vmul.u32 $0x8, v5;
	v0 =	vmov s24;
	s5 =	simm.s32 $0x0;
	[dreg:$0x8] =	wrdreg s0;
	s0 =	simm.s32 $0x9  }
.LBB2_71:
0x12: {  	[sflag:s0] =	ssyncadd.s32 $0xFFFFF400  }
.LBB2_72:
0x13: {  	s5 =	sadd.s32 $0x1, s5;
	s3 =	rddreg [dreg:$0x7]  }
0x14: {  	p1 =	sne.s32 s5, s3  }
.Ltmp1:
0x15: {  	_ = 	snop;
	(pc) =	sbr.rel @!p1 .LBB2_73-.Ltmp1, $1  }
0x16: {  	_ =	sdelay $0x3  }
.LBB2_1:
0x17: {  	[dreg:$0xa] =	wrdreg s5  }
0x18: {  	s3 =	rddreg [dreg:$0x5];
	s24 =	simm.s32 $0x80  }
.Ltmp2:
0x19: {  	s8 =	simm.s32 $0x400;
	s26 =	simm.s32 $0xA;
	(pc) =	sbr.rel @p0 .LBB2_5-.Ltmp2, $4  }
0x1a: {  	[tilespmem:s4], [sflag:$0xA] =	stream.strided.gather [hbm4b:s3+s24], $0x800, s8, s24, $0x38;
	[tilespmem:$0x19600] =	vst v63  }
0x1b: {  	_ =	swait.ge [sflag:s26], $0x800  }
0x1c: {  	[sflag:s26] =	ssyncset.done $0x0  }
0x1d: {  	[sflag:s26] =	ssyncadd.s32 $0xFFFFF800  }
0x1e: {  	s3 =	sshrl.u32 s4, $0x3  }
0x1f: {  	s3 =	smul.u32 $0x6000, s3;
	_ =	sdelay $0x1  }
0x20: {  	s5 =	sand.u32 $0x380, s4;
	s3 =	sshra.s32 s3, $0x2  }
0x21: {  	s3 =	sor.u32 s5, s3  }
0x22: {  	[tilespmem:s3+$0x2470] =	vst v3  }
0x23: {  	[tilespmem:s3+$0x1000] =	vst v3  }
0x24: {  	[tilespmem:s3+$0x1010] =	vst v3  }
0x25: {  	[tilespmem:s3+$0x1020] =	vst v3  }
0x26: {  	[tilespmem:s3+$0x1030] =	vst v3  }
0x27: {  	[tilespmem:s3+$0x1040] =	vst v3  }
0x28: {  	[tilespmem:s3+$0x1050] =	vst v3  }
0x29: {  	[tilespmem:s3+$0x1060] =	vst v3  }
0x2a: {  	[tilespmem:s3+$0x1070] =	vst v3  }
0x2b: {  	[tilespmem:s3+$0x1400] =	vst v3  }
0x2c: {  	[tilespmem:s3+$0x1410] =	vst v3  }
0x2d: {  	[tilespmem:s3+$0x1420] =	vst v3  }
0x2e: {  	[tilespmem:s3+$0x1430] =	vst v3  }
0x2f: {  	[tilespmem:s3+$0x1440] =	vst v3  }
0x30: {  	[tilespmem:s3+$0x1450] =	vst v3  }
0x31: {  	[tilespmem:s3+$0x1460] =	vst v3  }
0x32: {  	[tilespmem:s3+$0x1470] =	vst v3  }
0x33: {  	[tilespmem:s3+$0x1800] =	vst v3  }
0x34: {  	[tilespmem:s3+$0x1810] =	vst v3  }
0x35: {  	[tilespmem:s3+$0x1820] =	vst v3  }
0x36: {  	[tilespmem:s3+$0x1830] =	vst v3  }
0x37: {  	[tilespmem:s3+$0x1840] =	vst v3  }
0x38: {  	[tilespmem:s3+$0x1850] =	vst v3  }
0x39: {  	[tilespmem:s3+$0x1860] =	vst v3  }
0x3a: {  	[tilespmem:s3+$0x1870] =	vst v3  }
0x3b: {  	[tilespmem:s3+$0x1C00] =	vst v3  }
0x3c: {  	[tilespmem:s3+$0x1C10] =	vst v3  }
0x3d: {  	[tilespmem:s3+$0x1C20] =	vst v3  }
0x3e: {  	[tilespmem:s3+$0x1C30] =	vst v3  }
0x3f: {  	[tilespmem:s3+$0x1C40] =	vst v3  }
0x40: {  	[tilespmem:s3+$0x1C50] =	vst v3  }
0x41: {  	[tilespmem:s3+$0x1C60] =	vst v3  }
0x42: {  	[tilespmem:s3+$0x1C70] =	vst v3  }
0x43: {  	[tilespmem:s3+$0x2000] =	vst v3  }
0x44: {  	[tilespmem:s3+$0x2010] =	vst v3  }
0x45: {  	[tilespmem:s3+$0x2020] =	vst v3  }
0x46: {  	[tilespmem:s3+$0x2030] =	vst v3  }
0x47: {  	[tilespmem:s3+$0x2040] =	vst v3  }
0x48: {  	[tilespmem:s3+$0x2050] =	vst v3  }
0x49: {  	[tilespmem:s3+$0x2060] =	vst v3  }
0x4a: {  	[tilespmem:s3+$0x2070] =	vst v3  }
0x4b: {  	[tilespmem:s3+$0x2400] =	vst v3  }
0x4c: {  	s26 =	sadd.s32 $0x1, s4;
	[tilespmem:s3+$0x2410] =	vst v3  }
0x4d: {  	s9 =	sshrl.u32 s26, $0x3;
	s8 =	sadd.s32 $0x1, s26;
	s5 =	simm.s32 $0x0;
	[tilespmem:s3+$0x2420] =	vst v3  }
.LBB2_3:
0x4e: {  	p1 =	sne.s32 s8, $0x1F;
	s9 =	smul.u32 $0x6000, s9;
	[tilespmem:s3+$0x2430] =	vst v3  }
0x4f: {  	s5 =	sadd.s32 $0x80, s5;
	[tilespmem:s3+$0x2440] =	vst v3  }
0x50: {  	s12 =	sand.u32 $0x380, s5;
	s9 =	sshra.s32 s9, $0x2;
	[tilespmem:s3+$0x2450] =	vst v3  }
0x51: {  	[tilespmem:s3+$0x2460] =	vst v3;
	s3 =	sor.u32 s12, s9  }
0x52: {  	[tilespmem:s3+$0x2470] =	vst v3  }
0x53: {  	[tilespmem:s3+$0x1000] =	vst v3  }
0x54: {  	[tilespmem:s3+$0x1010] =	vst v3  }
0x55: {  	[tilespmem:s3+$0x1020] =	vst v3  }
0x56: {  	[tilespmem:s3+$0x1030] =	vst v3  }
0x57: {  	[tilespmem:s3+$0x1040] =	vst v3  }
0x58: {  	[tilespmem:s3+$0x1050] =	vst v3  }
0x59: {  	[tilespmem:s3+$0x1060] =	vst v3  }
0x5a: {  	[tilespmem:s3+$0x1070] =	vst v3  }
0x5b: {  	[tilespmem:s3+$0x1400] =	vst v3  }
0x5c: {  	[tilespmem:s3+$0x1410] =	vst v3  }
0x5d: {  	[tilespmem:s3+$0x1420] =	vst v3  }
0x5e: {  	[tilespmem:s3+$0x1430] =	vst v3  }
0x5f: {  	[tilespmem:s3+$0x1440] =	vst v3  }
0x60: {  	[tilespmem:s3+$0x1450] =	vst v3  }
0x61: {  	[tilespmem:s3+$0x1460] =	vst v3  }
0x62: {  	[tilespmem:s3+$0x1470] =	vst v3  }
0x63: {  	[tilespmem:s3+$0x1800] =	vst v3  }
0x64: {  	[tilespmem:s3+$0x1810] =	vst v3  }
0x65: {  	[tilespmem:s3+$0x1820] =	vst v3  }
0x66: {  	[tilespmem:s3+$0x1830] =	vst v3  }
0x67: {  	[tilespmem:s3+$0x1840] =	vst v3  }
0x68: {  	[tilespmem:s3+$0x1850] =	vst v3  }
0x69: {  	[tilespmem:s3+$0x1860] =	vst v3  }
0x6a: {  	[tilespmem:s3+$0x1870] =	vst v3  }
0x6b: {  	[tilespmem:s3+$0x1C00] =	vst v3  }
0x6c: {  	[tilespmem:s3+$0x1C10] =	vst v3  }
0x6d: {  	[tilespmem:s3+$0x1C20] =	vst v3  }
0x6e: {  	[tilespmem:s3+$0x1C30] =	vst v3  }
0x6f: {  	[tilespmem:s3+$0x1C40] =	vst v3  }
0x70: {  	[tilespmem:s3+$0x1C50] =	vst v3  }
0x71: {  	[tilespmem:s3+$0x1C60] =	vst v3  }
0x72: {  	[tilespmem:s3+$0x1C70] =	vst v3  }
0x73: {  	[tilespmem:s3+$0x2000] =	vst v3  }
0x74: {  	[tilespmem:s3+$0x2010] =	vst v3  }
0x75: {  	[tilespmem:s3+$0x2020] =	vst v3  }
0x76: {  	[tilespmem:s3+$0x2030] =	vst v3  }
0x77: {  	[tilespmem:s3+$0x2040] =	vst v3  }
0x78: {  	[tilespmem:s3+$0x2050] =	vst v3  }
.Ltmp3:
0x79: {  	[tilespmem:s3+$0x2060] =	vst v3;
	(pc) =	sbr.rel @p1 .LBB2_3-.Ltmp3, $4  }
0x7a: {  	[tilespmem:s3+$0x2070] =	vst v3  }
0x7b: {  	[tilespmem:s3+$0x2400] =	vst v3  }
0x7c: {  	[tilespmem:s3+$0x2410] =	vst v3  }
0x7d: {  	s9 =	sshrl.u32 s8, $0x3;
	s8 =	sadd.s32 $0x1, s8;
	[tilespmem:s3+$0x2420] =	vst v3  }
0x7e: {  	s8 =	smul.u32 $0x6000, s9;
	[tilespmem:s3+$0x2430] =	vst v3  }
0x7f: {  	[tilespmem:s3+$0x2440] =	vst v3;
	s5 =	sadd.s32 $0x80, s5  }
0x80: {  	[tilespmem:s3+$0x2450] =	vst v3;
	s5 =	sand.u32 $0x380, s5;
	s8 =	sshra.s32 s8, $0x2  }
0x81: {  	[tilespmem:s3+$0x2460] =	vst v3;
	s5 =	sor.u32 s5, s8  }
0x82: {  	[tilespmem:s5+$0x2470] =	vst v3  }
0x83: {  	[tilespmem:s5+$0x1000] =	vst v3  }
0x84: {  	[tilespmem:s5+$0x1010] =	vst v3  }
0x85: {  	[tilespmem:s5+$0x1020] =	vst v3  }
0x86: {  	[tilespmem:s5+$0x1030] =	vst v3  }
0x87: {  	[tilespmem:s5+$0x1040] =	vst v3  }
0x88: {  	[tilespmem:s5+$0x1050] =	vst v3  }
0x89: {  	[tilespmem:s5+$0x1060] =	vst v3  }
0x8a: {  	[tilespmem:s5+$0x1070] =	vst v3  }
0x8b: {  	[tilespmem:s5+$0x1400] =	vst v3  }
0x8c: {  	[tilespmem:s5+$0x1410] =	vst v3  }
0x8d: {  	[tilespmem:s5+$0x1420] =	vst v3  }
0x8e: {  	[tilespmem:s5+$0x1430] =	vst v3  }
0x8f: {  	[tilespmem:s5+$0x1440] =	vst v3  }
0x90: {  	[tilespmem:s5+$0x1450] =	vst v3  }
0x91: {  	[tilespmem:s5+$0x1460] =	vst v3  }
0x92: {  	[tilespmem:s5+$0x1470] =	vst v3  }
0x93: {  	[tilespmem:s5+$0x1800] =	vst v3  }
0x94: {  	[tilespmem:s5+$0x1810] =	vst v3  }
0x95: {  	[tilespmem:s5+$0x1820] =	vst v3  }
0x96: {  	[tilespmem:s5+$0x1830] =	vst v3  }
0x97: {  	[tilespmem:s5+$0x1840] =	vst v3  }
0x98: {  	[tilespmem:s5+$0x1850] =	vst v3  }
0x99: {  	[tilespmem:s5+$0x1860] =	vst v3  }
0x9a: {  	[tilespmem:s5+$0x1870] =	vst v3  }
0x9b: {  	[tilespmem:s5+$0x1C00] =	vst v3  }
0x9c: {  	[tilespmem:s5+$0x1C10] =	vst v3  }
0x9d: {  	[tilespmem:s5+$0x1C20] =	vst v3  }
0x9e: {  	[tilespmem:s5+$0x1C30] =	vst v3  }
0x9f: {  	[tilespmem:s5+$0x1C40] =	vst v3  }
0xa0: {  	[tilespmem:s5+$0x1C50] =	vst v3  }
0xa1: {  	[tilespmem:s5+$0x1C60] =	vst v3  }
0xa2: {  	[tilespmem:s5+$0x1C70] =	vst v3  }
0xa3: {  	[tilespmem:s5+$0x2000] =	vst v3  }
0xa4: {  	[tilespmem:s5+$0x2010] =	vst v3  }
0xa5: {  	[tilespmem:s5+$0x2020] =	vst v3  }
0xa6: {  	[tilespmem:s5+$0x2030] =	vst v3  }
0xa7: {  	[tilespmem:s5+$0x2040] =	vst v3  }
0xa8: {  	[tilespmem:s5+$0x2050] =	vst v3  }
0xa9: {  	[tilespmem:s5+$0x2060] =	vst v3  }
0xaa: {  	[tilespmem:s5+$0x2070] =	vst v3  }
0xab: {  	[tilespmem:s5+$0x2400] =	vst v3  }
0xac: {  	[tilespmem:s5+$0x2410] =	vst v3  }
0xad: {  	[tilespmem:s5+$0x2420] =	vst v3  }
0xae: {  	[tilespmem:s5+$0x2430] =	vst v3  }
0xaf: {  	[tilespmem:s5+$0x2440] =	vst v3  }
0xb0: {  	[tilespmem:s5+$0x2450] =	vst v3  }
0xb1: {  	s22 =	rddreg [dreg:$0x3];
	s24 =	simm.s32 $0x1000;
	s26 =	simm.s32 $0xA;
	[tilespmem:s5+$0x2460] =	vst v3  }
0xb2: {  	[spmem:s22] =	stream.linear.scatter [tilespmem:s24], [sflag:$0xA], $0x6000, $0x38;
	[tilespmem:$0x19600] =	vst v63  }
0xb3: {  	_ =	swait.ge [sflag:s26], $0x6000  }
0xb4: {  	[sflag:s26] =	ssyncset.done $0x0  }
0xb5: {  	[sflag:s26] =	ssyncadd.s32 $0xFFFFA000  }
.LBB2_5:
0xb6: {  	s5 =	simm.s32 $0x0  }
0xb7: {  	v8 =	vld [tilespmem:s5+$0x0]  }
0xb8: {  	v9 =	vld [tilespmem:s5+$0x10];
	_ =	sdelay $0x1  }
0xb9: {  	v7 =	vimm.s32 $0x0;
	s3 =	simm.s32 $0x80  }
.LBB2_6:
0xba: {  	p1 =	sne.s32 s3, $0x1F80  }
.Ltmp4:
0xbb: {  	s5 =	sshra.s32 s3, $0x2;
	s3 =	sadd.s32 $0x80, s3;
	vm1 =	veq.s32 v8, $0x1;
	(pc) =	sbr.rel @p1 .LBB2_6-.Ltmp4, $4  }
0xbc: {  	v8 =	vld [tilespmem:s5+$0x0];
	vm2 =	veq.s32 v9, $0x1;
	v10 =	vmpcnt.ones.xlane vm1  }
0xbd: {  	v9 =	vld [tilespmem:s5+$0x10];
	v11 =	vmpcnt.ones.xlane vm2  }
0xbe: {  	v7 =	vadd.s32 v7, v10  }
0xbf: {  	v7 =	vadd.s32 v11, v7  }
0xc0: {  	_ = 	snop  }
0xc1: {  	vm1 =	veq.s32 v8, $0x1  }
0xc2: {  	vm2 =	veq.s32 v9, $0x1;
	v8 =	vmpcnt.ones.xlane vm1  }
0xc3: {  	v9 =	vmpcnt.ones.xlane vm2  }
0xc4: {  	v7 =	vadd.s32 v7, v8  }
0xc5: {  	v7 =	vadd.s32 v9, v7  }
0xc6: {  	(v2sf) =	vpush v7, $0x0;
	_ =	sdelay $0xe  }
0xc7: {  	s9 =	spop (v2sf)  }
0xc8: {  	s3 =	sadd.s32 $0x1F, s9  }
0xc9: {  	s5 =	sshra.s32 s3, $0x1F;
	s8 =	sand.u32 $0x1F, s3  }
0xca: {  	p1 =	slt.s32 s3, $0x1;
	s5 =	sshrl.u32 s5, $0x1B;
	p2 =	sne.s32 s8, $0x0  }
0xcb: {  	s3 =	sadd.s32 s5, s3;
	p1 =	por !p1, !p2  }
0xcc: {  	s5 =	simm.s32 $0x1;
	s3 =	sshra.s32 s3, $0x5;
	p1 =	por !p1, !p1  }
0xcd: {  	s3 =	ssub.s32 s3, s7;
	s5 =	simm.s32 @!p1 $0x0  }
0xce: {  	s3 =	ssub.s32 s3, s5  }
0xcf: {  	s5 =	sadd.s32 $0x1, s3  }
0xd0: {  	s24 =	sand.u32 $0x1, s5  }
0xd1: {  	p5 =	slt.s32 s3, $0x0;
	p6 =	seq.s32 s24, $0x1  }
0xd2: {  	s26 =	sshrl.u32 s5, $0x1F;
	p1 =	por !p5, !p6  }
0xd3: {  	s3 =	sadd.s32 s26, s5;
	s5 =	simm.s32 $0x1;
	p1 =	por !p1, !p1  }
0xd4: {  	s3 =	sshra.s32 s3, $0x1;
	s5 =	simm.s32 @!p1 $0x0  }
0xd5: {  	s3 =	ssub.s32 s3, s5  }
0xd6: {  	p1 =	sgt.s32 s3, $0x0;
	s15 =	smov.u32 s3  }
0xd7: {  	s15 =	simm.s32 @!p1 $0x0;
	p1 =	sgt.s32 s3, $0x1F  }
.Ltmp5:
0xd8: {  	_ = 	snop;
	(pc) =	sbr.rel @p1 .LBB2_11-.Ltmp5, $3  }
0xd9: {  	_ =	sdelay $0x1  }
0xda: {  	[bflag:$0x0] =	sbarrier.arrive $0xFFFF  }
0xdb: {  	s17 =	sadd.s32 $0xFFFFFFFF, s15  }
0xdc: {  	s5 =	sshll.u32 s15, $0x6;
	s8 =	rddreg [dreg:$0x8]  }
0xdd: {  	s8 =	sadd.s32 s5, s8;
	s5 =	sadd.s32 $0x1, s17  }
0xde: {  	p2 =	slt.u32 s5, $0x1F  }
.Ltmp6:
0xdf: {  	_ = 	snop;
	(pc) =	sbr.rel @!p2 .LBB2_10-.Ltmp6, $4  }
0xe0: {  	s12 =	sshrl.u32 s8, $0x3  }
0xe1: {  	s13 =	stileid.u32;
	s12 =	smul.u32 $0x300, s12  }
0xe2: {  	s26 =	rddreg [dreg:$0x3];
	s16 =	sshll.u32 s13, $0x6;
	s13 =	sadd.s32 $0x40, s8  }
0xe3: {  	s8 =	sor.u32 $0x1C09, s16;
	s14 =	sadd.s32 s2, s12;
	s12 =	sshrl.u32 s26, $0x3  }
.LBB2_9:
0xe4: {  	[hbm:s14], [sflag:s8] =	dma.local [spmem:s12], $0xC00  }
0xe5: {  	s5 =	sadd.s32 $0x1, s5  }
0xe6: {  	p2 =	slt.u32 s5, $0x1F  }
.Ltmp7:
0xe7: {  	(pc) =	sbr.rel @p2 .LBB2_9-.Ltmp7, $4  }
0xe8: {  	s14 =	sshrl.u32 s13, $0x3  }
0xe9: {  	s14 =	smul.u32 $0x300, s14  }
0xea: {  	s13 =	sadd.s32 $0x40, s13  }
0xeb: {  	s14 =	sadd.s32 s2, s14  }
.LBB2_10:
0xec: {  	[hbm:s14], [sflag:s8] =	dma.local [spmem:s12], $0xC00  }
.LBB2_11:
0xed: {  	s5 =	sand.u32 $0x1F, s9  }
0xee: {  	s8 =	sshra.s32 s9, $0x1F;
	p2 =	slt.s32 s9, $0x1;
	p3 =	sne.s32 s5, $0x0  }
0xef: {  	s26 =	sshrl.u32 s8, $0x1B;
	p2 =	por !p2, !p3  }
0xf0: {  	s8 =	simm.s32 $0x1;
	s5 =	sadd.s32 s26, s9;
	p2 =	por !p2, !p2  }
0xf1: {  	s5 =	sshra.s32 s5, $0x5;
	s8 =	simm.s32 @!p2 $0x0  }
0xf2: {  	s13 =	ssub.s32 s5, s8  }
0xf3: {  	s5 =	sshll.u32 s13, $0x5  }
0xf4: {  	s8 =	ssub.s32 s9, s5;
	s5 =	simm.s32 $0x0  }
.LBB2_12:
0xf5: {  	p2 =	sne.s32 s5, $0x1FC0  }
.Ltmp8:
0xf6: {  	_ = 	snop;
	(pc) =	sbr.rel @p2 .LBB2_12-.Ltmp8, $3  }
0xf7: {  	_ =	sdelay $0x1  }
0xf8: {  	s12 =	sshra.s32 s5, $0x2  }
0xf9: {  	s5 =	sadd.s32 $0x40, s5;
	[tilespmem:s12+$0x800] =	vst v1  }
0xfa: {  	s5 =	simm.s32 $0x0  }
0xfb: {  	v7 =	vld [tilespmem:s5+$0x0];
	_ =	sdelay $0x1  }
0xfc: {  	v8 =	vld [tilespmem:s5+$0x10];
	_ =	sdelay $0x2  }
0xfd: {  	(xrf0) =	vadd.scan.msk.s32 $0xffff, v7;
	_ =	sdelay $0x1  }
0xfe: {  	(xrf0) =	vadd.scan.msk.s32 $0xffff, v8;
	_ =	sdelay $0x2  }
0xff: {  	v9 =	vimm.s32 $0x0  }
0x100: {  	vm2 =	veq.s32 v7, $0x1;
	v7 =	vsub.s32 v9, v7;
	v10, _, _ =	vpop (xrf0)  }
0x101: {  	v10 =	vadd.s32 v10, v7;
	v7 =	vmpcnt.ones.xlane vm2  }
0x102: {  	v11, _, _ =	vpop (xrf0)  }
0x103: {  	s12 =	rddreg [dreg:$0x9];
	vm1 =	veq.s32 v8, $0x1;
	v8 =	vsub.s32 v11, v8;
	v7 =	vadd.s32 v9, v7  }
0x104: {  	s26 =	sadd.s32 $0xFFFFFFF0, s12;
	v12 =	vmpcnt.ones.xlane vm1;
	v8 =	vadd.s32 v7, v8  }
0x105: {  	v9 =	vor.u32 s26, v2  }
0x106: {  	s5 =	simm.s32 $0x80;
	v7 =	vadd.s32 v7, v12;
	[tilespmem:v10+s20+$0x0] =	vst.idx.msk vm2, v9;
	v9 =	vor.u32 s12, v2  }
.LBB2_14:
0x107: {  	p2 =	sne.s32 s5, $0x1F80  }
0x108: {  	s12 =	sadd.s32 $0x20, s12;
	s14 =	smov.u32 s5;
	s5 =	sadd.s32 $0x80, s5  }
0x109: {  	s14 =	sshra.s32 s14, $0x2;
	[tilespmem:v8+s20+$0x0] =	vst.idx.msk vm1, v9  }
0x10a: {  	v8 =	vld [tilespmem:s14+$0x0]  }
0x10b: {  	v9 =	vld [tilespmem:s14+$0x10];
	_ =	sdelay $0x3  }
0x10c: {  	(xrf0) =	vadd.scan.msk.s32 $0xffff, v8  }
0x10d: {  	(xrf0) =	vadd.scan.msk.s32 $0xffff, v9;
	_ =	sdelay $0x2  }
0x10e: {  	vm2 =	veq.s32 v8, $0x1  }
0x10f: {  	v10 =	vmpcnt.ones.xlane vm2  }
0x110: {  	v12 =	vsub.s32 v7, v8;
	v11, _, _ =	vpop (xrf0)  }
0x111: {  	vm1 =	veq.s32 v9, $0x1;
	v7 =	vadd.s32 v7, v10;
	v11 =	vadd.s32 v11, v12;
	v8, _, _ =	vpop (xrf0)  }
.Ltmp9:
0x112: {  	v8 =	vsub.s32 v8, v9;
	v9 =	vmpcnt.ones.xlane vm1;
	(pc) =	sbr.rel @p2 .LBB2_14-.Ltmp9, $4  }
0x113: {  	v8 =	vadd.s32 v7, v8  }
0x114: {  	s14 =	sadd.s32 $0xFFFFFFF0, s12;
	v7 =	vadd.s32 v7, v9  }
0x115: {  	v9 =	vor.u32 s14, v2  }
0x116: {  	[tilespmem:v11+s20+$0x0] =	vst.idx.msk vm2, v9;
	v9 =	vor.u32 s12, v2  }
0x117: {  	p2 =	slt.s32 s3, $0x1  }
.Ltmp10:
0x118: {  	_ = 	snop;
	(pc) =	sbr.rel @p2 .LBB2_17-.Ltmp10, $3  }
0x119: {  	_ =	sdelay $0x1  }
0x11a: {  	[dreg:$0xc] =	wrdreg s17  }
0x11b: {  	[dreg:$0xb] =	wrdreg s15;
	[tilespmem:v8+s20+$0x0] =	vst.idx.msk vm1, v9  }
0x11c: {  	s14 =	rddreg [dreg:$0x6]  }
0x11d: {  	v7 =	vld [tilespmem:s14+$0x800];
	_ =	sdelay $0x4  }
0x11e: {  	v8 =	vshrl.u32 v7, $0x3  }
0x11f: {  	v8 =	vmul.u32 $0x30, v8  }
0x120: {  	v7 =	vand.u32 $0x7, v7  }
0x121: {  	v7 =	vor.u32 v7, v8  }
0x122: {  	v8 =	vperm.xlane v7, v4;
	_ =	sdelay $0x1  }
0x123: {  	v8 =	vadd.s32 v5, v8;
	_ =	sdelay $0x3  }
0x124: {  	s5 =	simm.s32 $0x1000;
	v7 =	vperm.xlane v7, v6  }
0x125: {  	[tilespmem:s5], [sflag:$0x1] =	stream.indirect_vreg.gather [hbm4b:s1+s4], $0x80, v8, vm0, $0xb8;
	[tilespmem:$0x19600] =	vst v63  }
0x126: {  	s22 =	simm.s32 $0x1800;
	v7 =	vadd.s32 v5, v7  }
0x127: {  	[tilespmem:s22], [sflag:$0x1] =	stream.indirect_vreg.gather [hbm4b:s10+s4], $0x80, v8, vm0, $0xb8;
	[tilespmem:$0x19600] =	vst v63  }
0x128: {  	s24 =	simm.s32 $0x2000  }
0x129: {  	[tilespmem:s24], [sflag:$0x1] =	stream.indirect_vreg.gather [hbm4b:s11+s4], $0x80, v8, vm0, $0xb8;
	[tilespmem:$0x19600] =	vst v63  }
0x12a: {  	s26 =	simm.s32 $0x2800  }
0x12b: {  	[tilespmem:s26], [sflag:$0x1] =	stream.indirect_vreg.gather [hbm4b:s1+s4], $0x80, v7, vm0, $0xb8;
	[tilespmem:$0x19600] =	vst v63  }
0x12c: {  	s12 =	simm.s32 $0x3000  }
0x12d: {  	[tilespmem:s12], [sflag:$0x1] =	stream.indirect_vreg.gather [hbm4b:s10+s4], $0x80, v7, vm0, $0xb8;
	[tilespmem:$0x19600] =	vst v63  }
0x12e: {  	s15 =	simm.s32 $0x3800  }
0x12f: {  	[tilespmem:s15], [sflag:$0x1] =	stream.indirect_vreg.gather [hbm4b:s11+s4], $0x80, v7, vm0, $0xb8;
	[tilespmem:$0x19600] =	vst v63  }
0x130: {  	v7 =	vld [tilespmem:s14+$0x810];
	_ =	sdelay $0x4  }
0x131: {  	v8 =	vshrl.u32 v7, $0x3  }
0x132: {  	v8 =	vmul.u32 $0x30, v8  }
0x133: {  	v7 =	vand.u32 $0x7, v7  }
0x134: {  	v7 =	vor.u32 v7, v8  }
0x135: {  	v8 =	vperm.xlane v7, v4;
	_ =	sdelay $0x1  }
0x136: {  	v8 =	vadd.s32 v5, v8;
	_ =	sdelay $0x3  }
0x137: {  	s16 =	simm.s32 $0x4000;
	v7 =	vperm.xlane v7, v6  }
0x138: {  	[tilespmem:s16], [sflag:$0x1] =	stream.indirect_vreg.gather [hbm4b:s1+s4], $0x80, v8, vm0, $0xb8;
	[tilespmem:$0x19600] =	vst v63  }
0x139: {  	s17 =	simm.s32 $0x4800;
	v7 =	vadd.s32 v5, v7  }
0x13a: {  	[tilespmem:s17], [sflag:$0x1] =	stream.indirect_vreg.gather [hbm4b:s10+s4], $0x80, v8, vm0, $0xb8;
	[tilespmem:$0x19600] =	vst v63  }
0x13b: {  	s18 =	simm.s32 $0x5000  }
0x13c: {  	[tilespmem:s18], [sflag:$0x1] =	stream.indirect_vreg.gather [hbm4b:s11+s4], $0x80, v8, vm0, $0xb8;
	[tilespmem:$0x19600] =	vst v63  }
0x13d: {  	s22 =	simm.s32 $0x5800  }
0x13e: {  	[tilespmem:s22], [sflag:$0x1] =	stream.indirect_vreg.gather [hbm4b:s1+s4], $0x80, v7, vm0, $0xb8;
	[tilespmem:$0x19600] =	vst v63  }
0x13f: {  	s24 =	simm.s32 $0x6000  }
0x140: {  	[tilespmem:s24], [sflag:$0x1] =	stream.indirect_vreg.gather [hbm4b:s10+s4], $0x80, v7, vm0, $0xb8;
	[tilespmem:$0x19600] =	vst v63  }
0x141: {  	p3 =	seq.s32 s3, $0x1;
	s26 =	simm.s32 $0x6800  }
0x142: {  	[tilespmem:s26], [sflag:$0x1] =	stream.indirect_vreg.gather [hbm4b:s11+s4], $0x80, v7, vm0, $0xb8;
	[tilespmem:$0x19600] =	vst v63  }
0x143: {  	v7 =	vld @!p3 [tilespmem:s14+$0x840];
	_ =	sdelay $0x4  }
0x144: {  	v8 =	vshrl.u32 @!p3 v7, $0x3  }
0x145: {  	v8 =	vmul.u32 @!p3 $0x30, v8  }
0x146: {  	v9 =	vlaneseq.u32 @!p3;
	v7 =	vand.u32 @!p3 $0x7, v7  }
0x147: {  	v10 =	vshrl.u32 @!p3 v9, $0x3;
	v7 =	vor.u32 @!p3 v7, v8;
	v8 =	vand.u32 @!p3 $0x7, v9  }
0x148: {  	v10 =	vmul.u32 @!p3 $0x8, v10;
	v11 =	vperm.xlane @!p3 v7, v8;
	_ =	sdelay $0x1  }
0x149: {  	v11 =	vadd.s32 @!p3 v10, v11;
	_ =	sdelay $0x2  }
0x14a: {  	v9 =	vor.u32 @!p3 $0x8, v9  }
0x14b: {  	vm1 =	vmmov @!p3 $0xffff;
	s5 =	simm.s32 @!p3 $0x0;
	s12 =	simm.s32 @!p3 $0x7000;
	v7 =	vperm.xlane @!p3 v7, v9  }
0x14c: {  	[tilespmem:s12], [sflag:$0x2] =	stream.indirect_vreg.gather @!p3 [hbm4b:s1+s5], $0x80, v11, vm1, $0xb8;
	[tilespmem:$0x19600] =	vst v63  }
0x14d: {  	v7 =	vadd.s32 @!p3 v10, v7;
	s12 =	simm.s32 @!p3 $0x7800  }
0x14e: {  	[tilespmem:s12], [sflag:$0x2] =	stream.indirect_vreg.gather @!p3 [hbm4b:s10+s5], $0x80, v11, vm1, $0xb8;
	[tilespmem:$0x19600] =	vst v63  }
0x14f: {  	s12 =	simm.s32 @!p3 $0x8000  }
0x150: {  	[tilespmem:s12], [sflag:$0x2] =	stream.indirect_vreg.gather @!p3 [hbm4b:s11+s5], $0x80, v11, vm1, $0xb8;
	[tilespmem:$0x19600] =	vst v63  }
0x151: {  	s12 =	simm.s32 @!p3 $0x8800  }
0x152: {  	[tilespmem:s12], [sflag:$0x2] =	stream.indirect_vreg.gather @!p3 [hbm4b:s1+s5], $0x80, v7, vm1, $0xb8;
	[tilespmem:$0x19600] =	vst v63  }
0x153: {  	s12 =	simm.s32 @!p3 $0x9000  }
0x154: {  	[tilespmem:s12], [sflag:$0x2] =	stream.indirect_vreg.gather @!p3 [hbm4b:s10+s5], $0x80, v7, vm1, $0xb8;
	[tilespmem:$0x19600] =	vst v63  }
0x155: {  	s12 =	simm.s32 @!p3 $0x9800  }
0x156: {  	[tilespmem:s12], [sflag:$0x2] =	stream.indirect_vreg.gather @!p3 [hbm4b:s11+s5], $0x80, v7, vm1, $0xb8;
	[tilespmem:$0x19600] =	vst v63  }
0x157: {  	v7 =	vld @!p3 [tilespmem:s14+$0x850];
	_ =	sdelay $0x4  }
0x158: {  	v11 =	vshrl.u32 @!p3 v7, $0x3  }
0x159: {  	v11 =	vmul.u32 @!p3 $0x30, v11  }
0x15a: {  	v7 =	vand.u32 @!p3 $0x7, v7  }
0x15b: {  	v7 =	vor.u32 @!p3 v7, v11  }
0x15c: {  	v8 =	vperm.xlane @!p3 v7, v8;
	_ =	sdelay $0x1  }
0x15d: {  	v8 =	vadd.s32 @!p3 v10, v8;
	_ =	sdelay $0x3  }
0x15e: {  	s12 =	simm.s32 @!p3 $0xA000;
	v7 =	vperm.xlane @!p3 v7, v9  }
0x15f: {  	[tilespmem:s12], [sflag:$0x2] =	stream.indirect_vreg.gather @!p3 [hbm4b:s1+s5], $0x80, v8, vm1, $0xb8;
	[tilespmem:$0x19600] =	vst v63  }
0x160: {  	v7 =	vadd.s32 @!p3 v10, v7;
	s12 =	simm.s32 @!p3 $0xA800  }
0x161: {  	[tilespmem:s12], [sflag:$0x2] =	stream.indirect_vreg.gather @!p3 [hbm4b:s10+s5], $0x80, v8, vm1, $0xb8;
	[tilespmem:$0x19600] =	vst v63  }
0x162: {  	s12 =	simm.s32 @!p3 $0xB000  }
0x163: {  	[tilespmem:s12], [sflag:$0x2] =	stream.indirect_vreg.gather @!p3 [hbm4b:s11+s5], $0x80, v8, vm1, $0xb8;
	[tilespmem:$0x19600] =	vst v63  }
0x164: {  	s12 =	simm.s32 @!p3 $0xB800  }
0x165: {  	[tilespmem:s12], [sflag:$0x2] =	stream.indirect_vreg.gather @!p3 [hbm4b:s1+s5], $0x80, v7, vm1, $0xb8;
	[tilespmem:$0x19600] =	vst v63  }
0x166: {  	s12 =	simm.s32 @!p3 $0xC000  }
0x167: {  	[tilespmem:s12], [sflag:$0x2] =	stream.indirect_vreg.gather @!p3 [hbm4b:s10+s5], $0x80, v7, vm1, $0xb8;
	[tilespmem:$0x19600] =	vst v63  }
0x168: {  	s12 =	simm.s32 @!p3 $0xC800  }
0x169: {  	[tilespmem:s12], [sflag:$0x2] =	stream.indirect_vreg.gather @!p3 [hbm4b:s11+s5], $0x80, v7, vm1, $0xb8;
	[tilespmem:$0x19600] =	vst v63  }
.LBB2_17:
.Ltmp11:
0x16a: {  	(pc) =	sbr.rel .LBB2_18-.Ltmp11, $3  }
0x16b: {  	_ =	sdelay $0x1  }
0x16c: {  	s5 =	sadd.s32 $0xFFFFFFE0, s8;
	s9 =	sshll.u32 s9, $0x7;
	s12 =	sshll.u32 s13, $0xC  }
0x16d: {  	s17 =	simm.s32 $0x0;
	s24 =	ssub.s32 s9, s12;
	p3 =	slt.u32 s5, $0xFFFFFFE1  }
.LBB2_49:
0x16e: {  	[tilespmem:s9+$0x14400] =	vst v3  }
0x16f: {  	[tilespmem:s16+$0x50] =	vst v3  }
0x170: {  	[tilespmem:s16+$0x20] =	vst v3  }
0x171: {  	[tilespmem:s16+$0x30] =	vst v3  }
0x172: {  	[tilespmem:s16+$0x10] =	vst v3  }
.LBB2_50:
0x173: {  	s5 =	sshll.u32 s5, $0x5  }
0x174: {  	s5 =	sadd.s32 s6, s5  }
0x175: {  	s5 =	sshrl.u32 s5, $0x3  }
0x176: {  	s5 =	smul.u32 $0x300, s5;
	_ =	sdelay $0x1  }
0x177: {  	s9 =	simm.s32 $0x13000;
	s5 =	sadd.s32 s2, s5  }
0x178: {  	[hbm4b:s5+s4] =	stream.linear.scatter [tilespmem:s9], [sflag:$0x8], $0x6000, $0x38;
	[tilespmem:$0x19600] =	vst v63  }
.LBB2_51:
0x179: {  	s17 =	sadd.s32 $0x1, s17  }
0x17a: {  	p4 =	sne.s32 s17, $0x8  }
.Ltmp12:
0x17b: {  	_ = 	snop;
	(pc) =	sbr.rel @!p4 .LBB2_52-.Ltmp12, $1  }
0x17c: {  	_ =	sdelay $0x3  }
.LBB2_18:
0x17d: {  	s9 =	sshll.u32 s17, $0x2  }
0x17e: {  	p4 =	sle.s32 s3, s9  }
.Ltmp13:
0x17f: {  	_ = 	snop;
	(pc) =	sbr.rel @p4 .LBB2_27-.Ltmp13, $2  }
0x180: {  	_ =	sdelay $0x2  }
0x181: {  	s14 =	sor.u32 $0x2, s9  }
0x182: {  	p4 =	sle.u32 s3, s14  }
0x183: {  	p5 =	seq.s32 @!p4 s17, $0x0  }
0x184: {  	p5 =	por p5, p4  }
0x185: {  	s5 =	simm.s32 @!p5 $0x7  }
0x186: {  	_ =	swait.ge @!p5 [sflag:s5], $0x6000  }
0x187: {  	s12 =	sshll.u32 @!p4 s14, $0x6;
	[sflag:s5] =	ssyncset.done @!p5 $0x0  }
0x188: {  	[sflag:s5] =	ssyncadd.s32 @!p5 $0xFFFFA000;
	s5 =	sand.u32 @!p4 $0x3FFFFFC0, s12  }
0x189: {  	v7 =	vld.idx.msk @!p4 [tilespmem:v0+s5+$0x0 ss:$0x1], $0xffff;
	_ =	sdelay $0x4  }
0x18a: {  	v8 =	vshrl.u32 @!p4 v7, $0x3  }
0x18b: {  	v8 =	vmul.u32 @!p4 $0x30, v8  }
0x18c: {  	v9 =	vlaneseq.u32 @!p4;
	v7 =	vand.u32 @!p4 $0x7, v7  }
0x18d: {  	v10 =	vshrl.u32 @!p4 v9, $0x3;
	v7 =	vor.u32 @!p4 v7, v8;
	v8 =	vand.u32 @!p4 $0x7, v9  }
0x18e: {  	v10 =	vmul.u32 @!p4 $0x8, v10;
	v11 =	vperm.xlane @!p4 v7, v8;
	_ =	sdelay $0x1  }
0x18f: {  	v11 =	vadd.s32 @!p4 v10, v11;
	_ =	sdelay $0x2  }
0x190: {  	v9 =	vor.u32 @!p4 $0x8, v9  }
0x191: {  	vm1 =	vmmov @!p4 $0xffff;
	s16 =	simm.s32 @!p4 $0xD000;
	s12 =	simm.s32 @!p4 $0x0;
	v7 =	vperm.xlane @!p4 v7, v9  }
0x192: {  	[tilespmem:s16], [sflag:$0x3] =	stream.indirect_vreg.gather @!p4 [hbm4b:s1+s12], $0x80, v11, vm1, $0xb8;
	[tilespmem:$0x19600] =	vst v63  }
0x193: {  	v7 =	vadd.s32 @!p4 v10, v7;
	s16 =	simm.s32 @!p4 $0xD800  }
0x194: {  	[tilespmem:s16], [sflag:$0x3] =	stream.indirect_vreg.gather @!p4 [hbm4b:s10+s12], $0x80, v11, vm1, $0xb8;
	[tilespmem:$0x19600] =	vst v63  }
0x195: {  	s16 =	simm.s32 @!p4 $0xE000  }
0x196: {  	[tilespmem:s16], [sflag:$0x3] =	stream.indirect_vreg.gather @!p4 [hbm4b:s11+s12], $0x80, v11, vm1, $0xb8;
	[tilespmem:$0x19600] =	vst v63  }
0x197: {  	s16 =	simm.s32 @!p4 $0xE800  }
0x198: {  	[tilespmem:s16], [sflag:$0x3] =	stream.indirect_vreg.gather @!p4 [hbm4b:s1+s12], $0x80, v7, vm1, $0xb8;
	[tilespmem:$0x19600] =	vst v63  }
0x199: {  	s16 =	simm.s32 @!p4 $0xF000  }
0x19a: {  	[tilespmem:s16], [sflag:$0x3] =	stream.indirect_vreg.gather @!p4 [hbm4b:s10+s12], $0x80, v7, vm1, $0xb8;
	[tilespmem:$0x19600] =	vst v63  }
0x19b: {  	s16 =	simm.s32 @!p4 $0xF800  }
0x19c: {  	[tilespmem:s16], [sflag:$0x3] =	stream.indirect_vreg.gather @!p4 [hbm4b:s11+s12], $0x80, v7, vm1, $0xb8;
	[tilespmem:$0x19600] =	vst v63  }
0x19d: {  	v7 =	vld.idx.msk @!p4 [tilespmem:v0+s5+$0x10 ss:$0x1], $0xffff;
	_ =	sdelay $0x4  }
0x19e: {  	v11 =	vshrl.u32 @!p4 v7, $0x3  }
0x19f: {  	v11 =	vmul.u32 @!p4 $0x30, v11  }
0x1a0: {  	v7 =	vand.u32 @!p4 $0x7, v7  }
0x1a1: {  	v7 =	vor.u32 @!p4 v7, v11  }
0x1a2: {  	v8 =	vperm.xlane @!p4 v7, v8;
	_ =	sdelay $0x1  }
0x1a3: {  	v8 =	vadd.s32 @!p4 v10, v8;
	_ =	sdelay $0x3  }
0x1a4: {  	s5 =	simm.s32 @!p4 $0x10000;
	v7 =	vperm.xlane @!p4 v7, v9  }
0x1a5: {  	[tilespmem:s5], [sflag:$0x3] =	stream.indirect_vreg.gather @!p4 [hbm4b:s1+s12], $0x80, v8, vm1, $0xb8;
	[tilespmem:$0x19600] =	vst v63  }
0x1a6: {  	v7 =	vadd.s32 @!p4 v10, v7;
	s5 =	simm.s32 @!p4 $0x10800  }
0x1a7: {  	[tilespmem:s5], [sflag:$0x3] =	stream.indirect_vreg.gather @!p4 [hbm4b:s10+s12], $0x80, v8, vm1, $0xb8;
	[tilespmem:$0x19600] =	vst v63  }
0x1a8: {  	s5 =	simm.s32 @!p4 $0x11000  }
0x1a9: {  	[tilespmem:s5], [sflag:$0x3] =	stream.indirect_vreg.gather @!p4 [hbm4b:s11+s12], $0x80, v8, vm1, $0xb8;
	[tilespmem:$0x19600] =	vst v63  }
0x1aa: {  	s5 =	simm.s32 @!p4 $0x11800  }
0x1ab: {  	[tilespmem:s5], [sflag:$0x3] =	stream.indirect_vreg.gather @!p4 [hbm4b:s1+s12], $0x80, v7, vm1, $0xb8;
	[tilespmem:$0x19600] =	vst v63  }
0x1ac: {  	s26 =	sshll.u32 s17, $0x3;
	s5 =	simm.s32 @!p4 $0x12000  }
0x1ad: {  	[tilespmem:s5], [sflag:$0x3] =	stream.indirect_vreg.gather @!p4 [hbm4b:s10+s12], $0x80, v7, vm1, $0xb8;
	[tilespmem:$0x19600] =	vst v63  }
0x1ae: {  	s16 =	sor.u32 s7, s26;
	s5 =	simm.s32 @!p4 $0x12800  }
0x1af: {  	[tilespmem:s5], [sflag:$0x3] =	stream.indirect_vreg.gather @!p4 [hbm4b:s11+s12], $0x80, v7, vm1, $0xb8;
	[tilespmem:$0x19600] =	vst v63  }
0x1b0: {  	p4 =	sne.s32 @!p3 s16, s13  }
0x1b1: {  	p4 =	por p3, p4  }
.Ltmp14:
0x1b2: {  	_ = 	snop;
	(pc) =	sbr.rel @p4 .LBB2_26-.Ltmp14, $4  }
0x1b3: {  	_ = 	snop  }
0x1b4: {  	_ =	swait.ge [sflag:s19], $0x6000  }
0x1b5: {  	[sflag:s19] =	ssyncset.done $0x0  }
0x1b6: {  	[sflag:s19] =	ssyncadd.s32 $0xFFFFA000  }
0x1b7: {  	p5 =	sne.s32 s8, $0x1F  }
.Ltmp15:
0x1b8: {  	_ = 	snop;
	(pc) =	sbr.rel @!p5 .LBB2_21-.Ltmp15, $2  }
0x1b9: {  	_ =	sdelay $0x2  }
0x1ba: {  	s26 =	sshrl.u32 s8, $0x3;
	s12 =	sadd.s32 $0x1, s8;
	p4 =	por $0x0, $0x0  }
0x1bb: {  	s5 =	smul.u32 $0x6000, s26;
	_ =	sdelay $0x1  }
0x1bc: {  	s18 =	sand.u32 $0x380, s24;
	s5 =	sshra.s32 s5, $0x2  }
0x1bd: {  	s5 =	sor.u32 s18, s5  }
0x1be: {  	[tilespmem:s5+$0x2470] =	vst v3  }
0x1bf: {  	[tilespmem:s5+$0x1000] =	vst v3  }
0x1c0: {  	[tilespmem:s5+$0x1010] =	vst v3  }
0x1c1: {  	[tilespmem:s5+$0x1020] =	vst v3  }
0x1c2: {  	[tilespmem:s5+$0x1030] =	vst v3  }
0x1c3: {  	[tilespmem:s5+$0x1040] =	vst v3  }
0x1c4: {  	[tilespmem:s5+$0x1050] =	vst v3  }
0x1c5: {  	[tilespmem:s5+$0x1060] =	vst v3  }
0x1c6: {  	[tilespmem:s5+$0x1070] =	vst v3  }
0x1c7: {  	[tilespmem:s5+$0x1400] =	vst v3  }
0x1c8: {  	[tilespmem:s5+$0x1410] =	vst v3  }
0x1c9: {  	[tilespmem:s5+$0x1420] =	vst v3  }
0x1ca: {  	[tilespmem:s5+$0x1430] =	vst v3  }
0x1cb: {  	[tilespmem:s5+$0x1440] =	vst v3  }
0x1cc: {  	[tilespmem:s5+$0x1450] =	vst v3  }
0x1cd: {  	[tilespmem:s5+$0x1460] =	vst v3  }
0x1ce: {  	[tilespmem:s5+$0x1470] =	vst v3  }
0x1cf: {  	[tilespmem:s5+$0x1800] =	vst v3  }
0x1d0: {  	[tilespmem:s5+$0x1810] =	vst v3  }
0x1d1: {  	[tilespmem:s5+$0x1820] =	vst v3  }
0x1d2: {  	[tilespmem:s5+$0x1830] =	vst v3  }
0x1d3: {  	[tilespmem:s5+$0x1840] =	vst v3  }
0x1d4: {  	[tilespmem:s5+$0x1850] =	vst v3  }
0x1d5: {  	[tilespmem:s5+$0x1860] =	vst v3  }
0x1d6: {  	[tilespmem:s5+$0x1870] =	vst v3  }
0x1d7: {  	[tilespmem:s5+$0x1C00] =	vst v3  }
0x1d8: {  	[tilespmem:s5+$0x1C10] =	vst v3  }
0x1d9: {  	[tilespmem:s5+$0x1C20] =	vst v3  }
0x1da: {  	[tilespmem:s5+$0x1C30] =	vst v3  }
0x1db: {  	[tilespmem:s5+$0x1C40] =	vst v3  }
0x1dc: {  	[tilespmem:s5+$0x1C50] =	vst v3  }
0x1dd: {  	[tilespmem:s5+$0x1C60] =	vst v3  }
0x1de: {  	[tilespmem:s5+$0x1C70] =	vst v3  }
0x1df: {  	[tilespmem:s5+$0x2000] =	vst v3  }
0x1e0: {  	[tilespmem:s5+$0x2010] =	vst v3  }
0x1e1: {  	[tilespmem:s5+$0x2020] =	vst v3  }
0x1e2: {  	[tilespmem:s5+$0x2030] =	vst v3  }
0x1e3: {  	[tilespmem:s5+$0x2040] =	vst v3  }
0x1e4: {  	p5 =	sne.s32 s12, $0x1F;
	[tilespmem:s5+$0x2050] =	vst v3  }
.Ltmp16:
0x1e5: {  	[tilespmem:s5+$0x2060] =	vst v3;
	(pc) =	sbr.rel @!p5 .LBB2_23-.Ltmp16, $4  }
0x1e6: {  	[tilespmem:s5+$0x2070] =	vst v3  }
0x1e7: {  	[tilespmem:s5+$0x2400] =	vst v3  }
0x1e8: {  	s26 =	sshrl.u32 s12, $0x3;
	[tilespmem:s5+$0x2410] =	vst v3  }
0x1e9: {  	s12 =	sadd.s32 $0x1, s12;
	p4 =	por $0x1, $0x1;
	s22 =	smov.u32 s24;
	[tilespmem:s5+$0x2420] =	vst v3  }
.LBB2_24:
0x1ea: {  	p5 =	sne.s32 s12, $0x1F;
	s18 =	smul.u32 $0x6000, s26;
	[tilespmem:s5+$0x2430] =	vst v3  }
0x1eb: {  	s22 =	sadd.s32 $0x80, s22;
	[tilespmem:s5+$0x2440] =	vst v3  }
0x1ec: {  	s26 =	sand.u32 $0x380, s22;
	s18 =	sshra.s32 s18, $0x2;
	[tilespmem:s5+$0x2450] =	vst v3  }
0x1ed: {  	[tilespmem:s5+$0x2460] =	vst v3;
	s5 =	sor.u32 s26, s18  }
0x1ee: {  	[tilespmem:s5+$0x2470] =	vst v3  }
0x1ef: {  	[tilespmem:s5+$0x1000] =	vst v3  }
0x1f0: {  	[tilespmem:s5+$0x1010] =	vst v3  }
0x1f1: {  	[tilespmem:s5+$0x1020] =	vst v3  }
0x1f2: {  	[tilespmem:s5+$0x1030] =	vst v3  }
0x1f3: {  	[tilespmem:s5+$0x1040] =	vst v3  }
0x1f4: {  	[tilespmem:s5+$0x1050] =	vst v3  }
0x1f5: {  	[tilespmem:s5+$0x1060] =	vst v3  }
0x1f6: {  	[tilespmem:s5+$0x1070] =	vst v3  }
0x1f7: {  	[tilespmem:s5+$0x1400] =	vst v3  }
0x1f8: {  	[tilespmem:s5+$0x1410] =	vst v3  }
0x1f9: {  	[tilespmem:s5+$0x1420] =	vst v3  }
0x1fa: {  	[tilespmem:s5+$0x1430] =	vst v3  }
0x1fb: {  	[tilespmem:s5+$0x1440] =	vst v3  }
0x1fc: {  	[tilespmem:s5+$0x1450] =	vst v3  }
0x1fd: {  	[tilespmem:s5+$0x1460] =	vst v3  }
0x1fe: {  	[tilespmem:s5+$0x1470] =	vst v3  }
0x1ff: {  	[tilespmem:s5+$0x1800] =	vst v3  }
0x200: {  	[tilespmem:s5+$0x1810] =	vst v3  }
0x201: {  	[tilespmem:s5+$0x1820] =	vst v3  }
0x202: {  	[tilespmem:s5+$0x1830] =	vst v3  }
0x203: {  	[tilespmem:s5+$0x1840] =	vst v3  }
0x204: {  	[tilespmem:s5+$0x1850] =	vst v3  }
0x205: {  	[tilespmem:s5+$0x1860] =	vst v3  }
0x206: {  	[tilespmem:s5+$0x1870] =	vst v3  }
0x207: {  	[tilespmem:s5+$0x1C00] =	vst v3  }
0x208: {  	[tilespmem:s5+$0x1C10] =	vst v3  }
0x209: {  	[tilespmem:s5+$0x1C20] =	vst v3  }
0x20a: {  	[tilespmem:s5+$0x1C30] =	vst v3  }
0x20b: {  	[tilespmem:s5+$0x1C40] =	vst v3  }
0x20c: {  	[tilespmem:s5+$0x1C50] =	vst v3  }
0x20d: {  	[tilespmem:s5+$0x1C60] =	vst v3  }
0x20e: {  	[tilespmem:s5+$0x1C70] =	vst v3  }
0x20f: {  	[tilespmem:s5+$0x2000] =	vst v3  }
0x210: {  	[tilespmem:s5+$0x2010] =	vst v3  }
0x211: {  	[tilespmem:s5+$0x2020] =	vst v3  }
0x212: {  	[tilespmem:s5+$0x2030] =	vst v3  }
0x213: {  	[tilespmem:s5+$0x2040] =	vst v3  }
0x214: {  	[tilespmem:s5+$0x2050] =	vst v3  }
.Ltmp17:
0x215: {  	[tilespmem:s5+$0x2060] =	vst v3;
	(pc) =	sbr.rel @p5 .LBB2_24-.Ltmp17, $4  }
0x216: {  	[tilespmem:s5+$0x2070] =	vst v3  }
0x217: {  	[tilespmem:s5+$0x2400] =	vst v3  }
0x218: {  	[tilespmem:s5+$0x2410] =	vst v3  }
0x219: {  	s26 =	sshrl.u32 s12, $0x3;
	s12 =	sadd.s32 $0x1, s12;
	[tilespmem:s5+$0x2420] =	vst v3  }
.LBB2_25:
0x21a: {  	s12 =	smul.u32 $0x6000, s26;
	[tilespmem:s5+$0x2430] =	vst @p4 v3;
	s18 =	sadd.s32 @p4 $0x80, s22;
	s22 =	smov.u32 s24  }
0x21b: {  	[tilespmem:s5+$0x2440] =	vst @p4 v3;
	s22 =	smov.u32 @p4 s18  }
0x21c: {  	[tilespmem:s5+$0x2450] =	vst @p4 v3;
	s18 =	sand.u32 $0x380, s22;
	s12 =	sshra.s32 s12, $0x2  }
0x21d: {  	[tilespmem:s5+$0x2460] =	vst @p4 v3;
	s12 =	sor.u32 s18, s12  }
0x21e: {  	[tilespmem:s12+$0x2470] =	vst v3  }
0x21f: {  	[tilespmem:s12+$0x1000] =	vst v3  }
0x220: {  	[tilespmem:s12+$0x1010] =	vst v3  }
0x221: {  	[tilespmem:s12+$0x1020] =	vst v3  }
0x222: {  	[tilespmem:s12+$0x1030] =	vst v3  }
0x223: {  	[tilespmem:s12+$0x1040] =	vst v3  }
0x224: {  	[tilespmem:s12+$0x1050] =	vst v3  }
0x225: {  	[tilespmem:s12+$0x1060] =	vst v3  }
0x226: {  	[tilespmem:s12+$0x1070] =	vst v3  }
0x227: {  	[tilespmem:s12+$0x1400] =	vst v3  }
0x228: {  	[tilespmem:s12+$0x1410] =	vst v3  }
0x229: {  	[tilespmem:s12+$0x1420] =	vst v3  }
0x22a: {  	[tilespmem:s12+$0x1430] =	vst v3  }
0x22b: {  	[tilespmem:s12+$0x1440] =	vst v3  }
0x22c: {  	[tilespmem:s12+$0x1450] =	vst v3  }
0x22d: {  	[tilespmem:s12+$0x1460] =	vst v3  }
0x22e: {  	[tilespmem:s12+$0x1470] =	vst v3  }
0x22f: {  	[tilespmem:s12+$0x1800] =	vst v3  }
0x230: {  	[tilespmem:s12+$0x1810] =	vst v3  }
0x231: {  	[tilespmem:s12+$0x1820] =	vst v3  }
0x232: {  	[tilespmem:s12+$0x1830] =	vst v3  }
0x233: {  	[tilespmem:s12+$0x1840] =	vst v3  }
0x234: {  	[tilespmem:s12+$0x1850] =	vst v3  }
0x235: {  	[tilespmem:s12+$0x1860] =	vst v3  }
0x236: {  	[tilespmem:s12+$0x1870] =	vst v3  }
0x237: {  	[tilespmem:s12+$0x1C00] =	vst v3  }
0x238: {  	[tilespmem:s12+$0x1C10] =	vst v3  }
0x239: {  	[tilespmem:s12+$0x1C20] =	vst v3  }
0x23a: {  	[tilespmem:s12+$0x1C30] =	vst v3  }
0x23b: {  	[tilespmem:s12+$0x1C40] =	vst v3  }
0x23c: {  	[tilespmem:s12+$0x1C50] =	vst v3  }
0x23d: {  	[tilespmem:s12+$0x1C60] =	vst v3  }
0x23e: {  	[tilespmem:s12+$0x1C70] =	vst v3  }
0x23f: {  	[tilespmem:s12+$0x2000] =	vst v3  }
0x240: {  	[tilespmem:s12+$0x2010] =	vst v3  }
0x241: {  	[tilespmem:s12+$0x2020] =	vst v3  }
0x242: {  	[tilespmem:s12+$0x2030] =	vst v3  }
0x243: {  	[tilespmem:s12+$0x2040] =	vst v3  }
0x244: {  	[tilespmem:s12+$0x2050] =	vst v3  }
0x245: {  	[tilespmem:s12+$0x2060] =	vst v3  }
0x246: {  	[tilespmem:s12+$0x2070] =	vst v3  }
0x247: {  	[tilespmem:s12+$0x2400] =	vst v3  }
0x248: {  	[tilespmem:s12+$0x2410] =	vst v3  }
0x249: {  	[tilespmem:s12+$0x2420] =	vst v3  }
0x24a: {  	[tilespmem:s12+$0x2430] =	vst v3  }
0x24b: {  	[tilespmem:s12+$0x2440] =	vst v3  }
0x24c: {  	[tilespmem:s12+$0x2450] =	vst v3  }
0x24d: {  	[tilespmem:s12+$0x2460] =	vst v3  }
.LBB2_26:
0x24e: {  	s5 =	sshll.u32 s16, $0x5  }
0x24f: {  	s5 =	sadd.s32 s6, s5  }
0x250: {  	s5 =	sshrl.u32 s5, $0x3  }
0x251: {  	s5 =	smul.u32 $0x300, s5;
	_ =	sdelay $0x1  }
0x252: {  	s12 =	simm.s32 $0x1000;
	s5 =	sadd.s32 s2, s5  }
0x253: {  	[hbm4b:s5+s4] =	stream.linear.scatter [tilespmem:s12], [sflag:$0x5], $0x6000, $0x38;
	[tilespmem:$0x19600] =	vst v63  }
.LBB2_27:
0x254: {  	s5 =	sor.u32 $0x1, s9  }
0x255: {  	p5 =	sle.s32 s3, s5  }
.Ltmp18:
0x256: {  	_ = 	snop;
	(pc) =	sbr.rel @p5 .LBB2_36-.Ltmp18, $3  }
0x257: {  	_ =	sdelay $0x1  }
0x258: {  	s16 =	sor.u32 $0x3, s9  }
0x259: {  	p4 =	sle.s32 s3, s16  }
0x25a: {  	p5 =	seq.s32 @!p4 s17, $0x0  }
0x25b: {  	p5 =	por p5, p4  }
0x25c: {  	s12 =	simm.s32 @!p5 $0x8  }
0x25d: {  	_ =	swait.ge @!p5 [sflag:s12], $0x6000  }
0x25e: {  	s18 =	sshll.u32 @!p4 s16, $0x6;
	[sflag:s12] =	ssyncset.done @!p5 $0x0  }
0x25f: {  	[sflag:s12] =	ssyncadd.s32 @!p5 $0xFFFFA000;
	s12 =	sand.u32 @!p4 $0x3FFFFFC0, s18  }
0x260: {  	v7 =	vld.idx.msk @!p4 [tilespmem:v0+s12+$0x0 ss:$0x1], $0xffff;
	_ =	sdelay $0x4  }
0x261: {  	v8 =	vshrl.u32 @!p4 v7, $0x3  }
0x262: {  	v8 =	vmul.u32 @!p4 $0x30, v8  }
0x263: {  	v9 =	vlaneseq.u32 @!p4;
	v7 =	vand.u32 @!p4 $0x7, v7  }
0x264: {  	v10 =	vshrl.u32 @!p4 v9, $0x3;
	v7 =	vor.u32 @!p4 v7, v8;
	v8 =	vand.u32 @!p4 $0x7, v9  }
0x265: {  	v10 =	vmul.u32 @!p4 $0x8, v10;
	v11 =	vperm.xlane @!p4 v7, v8;
	_ =	sdelay $0x1  }
0x266: {  	v11 =	vadd.s32 @!p4 v10, v11;
	_ =	sdelay $0x2  }
0x267: {  	v9 =	vor.u32 @!p4 $0x8, v9  }
0x268: {  	vm1 =	vmmov @!p4 $0xffff;
	s22 =	simm.s32 @!p4 $0x13000;
	s18 =	simm.s32 @!p4 $0x0;
	v7 =	vperm.xlane @!p4 v7, v9  }
0x269: {  	[tilespmem:s22], [sflag:$0x4] =	stream.indirect_vreg.gather @!p4 [hbm4b:s1+s18], $0x80, v11, vm1, $0xb8;
	[tilespmem:$0x19600] =	vst v63  }
0x26a: {  	v7 =	vadd.s32 @!p4 v10, v7;
	s22 =	simm.s32 @!p4 $0x13800  }
0x26b: {  	[tilespmem:s22], [sflag:$0x4] =	stream.indirect_vreg.gather @!p4 [hbm4b:s10+s18], $0x80, v11, vm1, $0xb8;
	[tilespmem:$0x19600] =	vst v63  }
0x26c: {  	s22 =	simm.s32 @!p4 $0x14000  }
0x26d: {  	[tilespmem:s22], [sflag:$0x4] =	stream.indirect_vreg.gather @!p4 [hbm4b:s11+s18], $0x80, v11, vm1, $0xb8;
	[tilespmem:$0x19600] =	vst v63  }
0x26e: {  	s22 =	simm.s32 @!p4 $0x14800  }
0x26f: {  	[tilespmem:s22], [sflag:$0x4] =	stream.indirect_vreg.gather @!p4 [hbm4b:s1+s18], $0x80, v7, vm1, $0xb8;
	[tilespmem:$0x19600] =	vst v63  }
0x270: {  	s22 =	simm.s32 @!p4 $0x15000  }
0x271: {  	[tilespmem:s22], [sflag:$0x4] =	stream.indirect_vreg.gather @!p4 [hbm4b:s10+s18], $0x80, v7, vm1, $0xb8;
	[tilespmem:$0x19600] =	vst v63  }
0x272: {  	s22 =	simm.s32 @!p4 $0x15800  }
0x273: {  	[tilespmem:s22], [sflag:$0x4] =	stream.indirect_vreg.gather @!p4 [hbm4b:s11+s18], $0x80, v7, vm1, $0xb8;
	[tilespmem:$0x19600] =	vst v63  }
0x274: {  	v7 =	vld.idx.msk @!p4 [tilespmem:v0+s12+$0x10 ss:$0x1], $0xffff;
	_ =	sdelay $0x4  }
0x275: {  	v11 =	vshrl.u32 @!p4 v7, $0x3  }
0x276: {  	v11 =	vmul.u32 @!p4 $0x30, v11  }
0x277: {  	v7 =	vand.u32 @!p4 $0x7, v7  }
0x278: {  	v7 =	vor.u32 @!p4 v7, v11  }
0x279: {  	v8 =	vperm.xlane @!p4 v7, v8;
	_ =	sdelay $0x1  }
0x27a: {  	v8 =	vadd.s32 @!p4 v10, v8;
	_ =	sdelay $0x3  }
0x27b: {  	s12 =	simm.s32 @!p4 $0x16000;
	v7 =	vperm.xlane @!p4 v7, v9  }
0x27c: {  	[tilespmem:s12], [sflag:$0x4] =	stream.indirect_vreg.gather @!p4 [hbm4b:s1+s18], $0x80, v8, vm1, $0xb8;
	[tilespmem:$0x19600] =	vst v63  }
0x27d: {  	s5 =	sshll.u32 s5, $0x1;
	v7 =	vadd.s32 @!p4 v10, v7;
	s12 =	simm.s32 @!p4 $0x16800  }
0x27e: {  	[tilespmem:s12], [sflag:$0x4] =	stream.indirect_vreg.gather @!p4 [hbm4b:s10+s18], $0x80, v8, vm1, $0xb8;
	[tilespmem:$0x19600] =	vst v63  }
0x27f: {  	s5 =	sor.u32 s7, s5;
	s12 =	simm.s32 @!p4 $0x17000  }
0x280: {  	[tilespmem:s12], [sflag:$0x4] =	stream.indirect_vreg.gather @!p4 [hbm4b:s11+s18], $0x80, v8, vm1, $0xb8;
	[tilespmem:$0x19600] =	vst v63  }
0x281: {  	p5 =	sne.s32 @!p3 s5, s13;
	s12 =	simm.s32 @!p4 $0x17800  }
0x282: {  	[tilespmem:s12], [sflag:$0x4] =	stream.indirect_vreg.gather @!p4 [hbm4b:s1+s18], $0x80, v7, vm1, $0xb8;
	[tilespmem:$0x19600] =	vst v63  }
0x283: {  	p5 =	por p3, p5;
	s12 =	simm.s32 @!p4 $0x18000  }
0x284: {  	[tilespmem:s12], [sflag:$0x4] =	stream.indirect_vreg.gather @!p4 [hbm4b:s10+s18], $0x80, v7, vm1, $0xb8;
	[tilespmem:$0x19600] =	vst v63  }
.Ltmp19:
0x285: {  	s12 =	simm.s32 @!p4 $0x18800;
	(pc) =	sbr.rel @p5 .LBB2_35-.Ltmp19, $4  }
0x286: {  	[tilespmem:s12], [sflag:$0x4] =	stream.indirect_vreg.gather @!p4 [hbm4b:s11+s18], $0x80, v7, vm1, $0xb8;
	[tilespmem:$0x19600] =	vst v63  }
0x287: {  	_ =	swait.ge [sflag:s21], $0x6000  }
0x288: {  	[sflag:s21] =	ssyncset.done $0x0  }
0x289: {  	[sflag:s21] =	ssyncadd.s32 $0xFFFFA000  }
0x28a: {  	p6 =	sne.s32 s8, $0x1F  }
.Ltmp20:
0x28b: {  	_ = 	snop;
	(pc) =	sbr.rel @!p6 .LBB2_30-.Ltmp20, $2  }
0x28c: {  	_ =	sdelay $0x2  }
0x28d: {  	s18 =	sshrl.u32 s8, $0x3;
	s12 =	sadd.s32 $0x1, s8;
	p5 =	por $0x0, $0x0  }
0x28e: {  	s18 =	smul.u32 $0x6000, s18;
	_ =	sdelay $0x1  }
0x28f: {  	s22 =	sand.u32 $0x380, s24;
	s18 =	sshra.s32 s18, $0x2  }
0x290: {  	s22 =	sor.u32 s22, s18  }
0x291: {  	[tilespmem:s22+$0x8470] =	vst v3  }
0x292: {  	[tilespmem:s22+$0x7000] =	vst v3  }
0x293: {  	[tilespmem:s22+$0x7010] =	vst v3  }
0x294: {  	[tilespmem:s22+$0x7020] =	vst v3  }
0x295: {  	[tilespmem:s22+$0x7030] =	vst v3  }
0x296: {  	[tilespmem:s22+$0x7040] =	vst v3  }
0x297: {  	[tilespmem:s22+$0x7050] =	vst v3  }
0x298: {  	[tilespmem:s22+$0x7060] =	vst v3  }
0x299: {  	[tilespmem:s22+$0x7070] =	vst v3  }
0x29a: {  	[tilespmem:s22+$0x7400] =	vst v3  }
0x29b: {  	[tilespmem:s22+$0x7410] =	vst v3  }
0x29c: {  	[tilespmem:s22+$0x7420] =	vst v3  }
0x29d: {  	[tilespmem:s22+$0x7430] =	vst v3  }
0x29e: {  	[tilespmem:s22+$0x7440] =	vst v3  }
0x29f: {  	[tilespmem:s22+$0x7450] =	vst v3  }
0x2a0: {  	[tilespmem:s22+$0x7460] =	vst v3  }
0x2a1: {  	[tilespmem:s22+$0x7470] =	vst v3  }
0x2a2: {  	[tilespmem:s22+$0x7800] =	vst v3  }
0x2a3: {  	[tilespmem:s22+$0x7810] =	vst v3  }
0x2a4: {  	[tilespmem:s22+$0x7820] =	vst v3  }
0x2a5: {  	[tilespmem:s22+$0x7830] =	vst v3  }
0x2a6: {  	[tilespmem:s22+$0x7840] =	vst v3  }
0x2a7: {  	[tilespmem:s22+$0x7850] =	vst v3  }
0x2a8: {  	[tilespmem:s22+$0x7860] =	vst v3  }
0x2a9: {  	[tilespmem:s22+$0x7870] =	vst v3  }
0x2aa: {  	[tilespmem:s22+$0x7C00] =	vst v3  }
0x2ab: {  	[tilespmem:s22+$0x7C10] =	vst v3  }
0x2ac: {  	[tilespmem:s22+$0x7C20] =	vst v3  }
0x2ad: {  	[tilespmem:s22+$0x7C30] =	vst v3  }
0x2ae: {  	[tilespmem:s22+$0x7C40] =	vst v3  }
0x2af: {  	[tilespmem:s22+$0x7C50] =	vst v3  }
0x2b0: {  	[tilespmem:s22+$0x7C60] =	vst v3  }
0x2b1: {  	[tilespmem:s22+$0x7C70] =	vst v3  }
0x2b2: {  	[tilespmem:s22+$0x8000] =	vst v3  }
0x2b3: {  	[tilespmem:s22+$0x8010] =	vst v3  }
0x2b4: {  	[tilespmem:s22+$0x8020] =	vst v3  }
0x2b5: {  	[tilespmem:s22+$0x8030] =	vst v3  }
0x2b6: {  	[tilespmem:s22+$0x8040] =	vst v3  }
0x2b7: {  	p6 =	sne.s32 s12, $0x1F;
	[tilespmem:s22+$0x8050] =	vst v3  }
.Ltmp21:
0x2b8: {  	[tilespmem:s22+$0x8060] =	vst v3;
	(pc) =	sbr.rel @!p6 .LBB2_32-.Ltmp21, $4  }
0x2b9: {  	[tilespmem:s22+$0x8070] =	vst v3  }
0x2ba: {  	[tilespmem:s22+$0x8400] =	vst v3  }
0x2bb: {  	s26 =	sadd.s32 $0x1, s12;
	[tilespmem:s22+$0x8410] =	vst v3  }
0x2bc: {  	p5 =	por $0x1, $0x1;
	s18 =	sshrl.u32 s12, $0x3;
	s12 =	smov.u32 s24;
	[tilespmem:s22+$0x8420] =	vst v3  }
.LBB2_33:
0x2bd: {  	p6 =	sne.s32 s26, $0x1F;
	s18 =	smul.u32 $0x6000, s18;
	[tilespmem:s22+$0x8430] =	vst v3  }
0x2be: {  	s12 =	sadd.s32 $0x80, s12;
	[tilespmem:s22+$0x8440] =	vst v3  }
0x2bf: {  	s15 =	sand.u32 $0x380, s12;
	s18 =	sshra.s32 s18, $0x2;
	[tilespmem:s22+$0x8450] =	vst v3  }
0x2c0: {  	[tilespmem:s22+$0x8460] =	vst v3;
	s22 =	sor.u32 s15, s18  }
0x2c1: {  	[tilespmem:s22+$0x8470] =	vst v3  }
0x2c2: {  	[tilespmem:s22+$0x7000] =	vst v3  }
0x2c3: {  	[tilespmem:s22+$0x7010] =	vst v3  }
0x2c4: {  	[tilespmem:s22+$0x7020] =	vst v3  }
0x2c5: {  	[tilespmem:s22+$0x7030] =	vst v3  }
0x2c6: {  	[tilespmem:s22+$0x7040] =	vst v3  }
0x2c7: {  	[tilespmem:s22+$0x7050] =	vst v3  }
0x2c8: {  	[tilespmem:s22+$0x7060] =	vst v3  }
0x2c9: {  	[tilespmem:s22+$0x7070] =	vst v3  }
0x2ca: {  	[tilespmem:s22+$0x7400] =	vst v3  }
0x2cb: {  	[tilespmem:s22+$0x7410] =	vst v3  }
0x2cc: {  	[tilespmem:s22+$0x7420] =	vst v3  }
0x2cd: {  	[tilespmem:s22+$0x7430] =	vst v3  }
0x2ce: {  	[tilespmem:s22+$0x7440] =	vst v3  }
0x2cf: {  	[tilespmem:s22+$0x7450] =	vst v3  }
0x2d0: {  	[tilespmem:s22+$0x7460] =	vst v3  }
0x2d1: {  	[tilespmem:s22+$0x7470] =	vst v3  }
0x2d2: {  	[tilespmem:s22+$0x7800] =	vst v3  }
0x2d3: {  	[tilespmem:s22+$0x7810] =	vst v3  }
0x2d4: {  	[tilespmem:s22+$0x7820] =	vst v3  }
0x2d5: {  	[tilespmem:s22+$0x7830] =	vst v3  }
0x2d6: {  	[tilespmem:s22+$0x7840] =	vst v3  }
0x2d7: {  	[tilespmem:s22+$0x7850] =	vst v3  }
0x2d8: {  	[tilespmem:s22+$0x7860] =	vst v3  }
0x2d9: {  	[tilespmem:s22+$0x7870] =	vst v3  }
0x2da: {  	[tilespmem:s22+$0x7C00] =	vst v3  }
0x2db: {  	[tilespmem:s22+$0x7C10] =	vst v3  }
0x2dc: {  	[tilespmem:s22+$0x7C20] =	vst v3  }
0x2dd: {  	[tilespmem:s22+$0x7C30] =	vst v3  }
0x2de: {  	[tilespmem:s22+$0x7C40] =	vst v3  }
0x2df: {  	[tilespmem:s22+$0x7C50] =	vst v3  }
0x2e0: {  	[tilespmem:s22+$0x7C60] =	vst v3  }
0x2e1: {  	[tilespmem:s22+$0x7C70] =	vst v3  }
0x2e2: {  	[tilespmem:s22+$0x8000] =	vst v3  }
0x2e3: {  	[tilespmem:s22+$0x8010] =	vst v3  }
0x2e4: {  	[tilespmem:s22+$0x8020] =	vst v3  }
0x2e5: {  	[tilespmem:s22+$0x8030] =	vst v3  }
0x2e6: {  	[tilespmem:s22+$0x8040] =	vst v3  }
0x2e7: {  	[tilespmem:s22+$0x8050] =	vst v3  }
.Ltmp22:
0x2e8: {  	[tilespmem:s22+$0x8060] =	vst v3;
	(pc) =	sbr.rel @p6 .LBB2_33-.Ltmp22, $4  }
0x2e9: {  	[tilespmem:s22+$0x8070] =	vst v3  }
0x2ea: {  	[tilespmem:s22+$0x8400] =	vst v3  }
0x2eb: {  	[tilespmem:s22+$0x8410] =	vst v3  }
0x2ec: {  	s18 =	sshrl.u32 s26, $0x3;
	s26 =	sadd.s32 $0x1, s26;
	[tilespmem:s22+$0x8420] =	vst v3  }
.LBB2_34:
0x2ed: {  	s15 =	smul.u32 $0x6000, s18;
	[tilespmem:s22+$0x8430] =	vst @p5 v3;
	s12 =	sadd.s32 @p5 $0x80, s12;
	s18 =	smov.u32 s24  }
0x2ee: {  	[tilespmem:s22+$0x8440] =	vst @p5 v3;
	s18 =	smov.u32 @p5 s12  }
0x2ef: {  	[tilespmem:s22+$0x8450] =	vst @p5 v3;
	s12 =	sand.u32 $0x380, s18;
	s15 =	sshra.s32 s15, $0x2  }
0x2f0: {  	[tilespmem:s22+$0x8460] =	vst @p5 v3;
	s12 =	sor.u32 s12, s15  }
0x2f1: {  	[tilespmem:s12+$0x8470] =	vst v3  }
0x2f2: {  	[tilespmem:s12+$0x7000] =	vst v3  }
0x2f3: {  	[tilespmem:s12+$0x7010] =	vst v3  }
0x2f4: {  	[tilespmem:s12+$0x7020] =	vst v3  }
0x2f5: {  	[tilespmem:s12+$0x7030] =	vst v3  }
0x2f6: {  	[tilespmem:s12+$0x7040] =	vst v3  }
0x2f7: {  	[tilespmem:s12+$0x7050] =	vst v3  }
0x2f8: {  	[tilespmem:s12+$0x7060] =	vst v3  }
0x2f9: {  	[tilespmem:s12+$0x7070] =	vst v3  }
0x2fa: {  	[tilespmem:s12+$0x7400] =	vst v3  }
0x2fb: {  	[tilespmem:s12+$0x7410] =	vst v3  }
0x2fc: {  	[tilespmem:s12+$0x7420] =	vst v3  }
0x2fd: {  	[tilespmem:s12+$0x7430] =	vst v3  }
0x2fe: {  	[tilespmem:s12+$0x7440] =	vst v3  }
0x2ff: {  	[tilespmem:s12+$0x7450] =	vst v3  }
0x300: {  	[tilespmem:s12+$0x7460] =	vst v3  }
0x301: {  	[tilespmem:s12+$0x7470] =	vst v3  }
0x302: {  	[tilespmem:s12+$0x7800] =	vst v3  }
0x303: {  	[tilespmem:s12+$0x7810] =	vst v3  }
0x304: {  	[tilespmem:s12+$0x7820] =	vst v3  }
0x305: {  	[tilespmem:s12+$0x7830] =	vst v3  }
0x306: {  	[tilespmem:s12+$0x7840] =	vst v3  }
0x307: {  	[tilespmem:s12+$0x7850] =	vst v3  }
0x308: {  	[tilespmem:s12+$0x7860] =	vst v3  }
0x309: {  	[tilespmem:s12+$0x7870] =	vst v3  }
0x30a: {  	[tilespmem:s12+$0x7C00] =	vst v3  }
0x30b: {  	[tilespmem:s12+$0x7C10] =	vst v3  }
0x30c: {  	[tilespmem:s12+$0x7C20] =	vst v3  }
0x30d: {  	[tilespmem:s12+$0x7C30] =	vst v3  }
0x30e: {  	[tilespmem:s12+$0x7C40] =	vst v3  }
0x30f: {  	[tilespmem:s12+$0x7C50] =	vst v3  }
0x310: {  	[tilespmem:s12+$0x7C60] =	vst v3  }
0x311: {  	[tilespmem:s12+$0x7C70] =	vst v3  }
0x312: {  	[tilespmem:s12+$0x8000] =	vst v3  }
0x313: {  	[tilespmem:s12+$0x8010] =	vst v3  }
0x314: {  	[tilespmem:s12+$0x8020] =	vst v3  }
0x315: {  	[tilespmem:s12+$0x8030] =	vst v3  }
0x316: {  	[tilespmem:s12+$0x8040] =	vst v3  }
0x317: {  	[tilespmem:s12+$0x8050] =	vst v3  }
0x318: {  	[tilespmem:s12+$0x8060] =	vst v3  }
0x319: {  	[tilespmem:s12+$0x8070] =	vst v3  }
0x31a: {  	[tilespmem:s12+$0x8400] =	vst v3  }
0x31b: {  	[tilespmem:s12+$0x8410] =	vst v3  }
0x31c: {  	[tilespmem:s12+$0x8420] =	vst v3  }
0x31d: {  	[tilespmem:s12+$0x8430] =	vst v3  }
0x31e: {  	[tilespmem:s12+$0x8440] =	vst v3  }
0x31f: {  	[tilespmem:s12+$0x8450] =	vst v3  }
0x320: {  	[tilespmem:s12+$0x8460] =	vst v3  }
.LBB2_35:
0x321: {  	s5 =	sshll.u32 s5, $0x5  }
0x322: {  	s5 =	sadd.s32 s6, s5  }
0x323: {  	s5 =	sshrl.u32 s5, $0x3  }
0x324: {  	s5 =	smul.u32 $0x300, s5;
	_ =	sdelay $0x1  }
0x325: {  	s12 =	simm.s32 $0x7000;
	s5 =	sadd.s32 s2, s5  }
0x326: {  	[hbm4b:s5+s4] =	stream.linear.scatter [tilespmem:s12], [sflag:$0x6], $0x6000, $0x38;
	[tilespmem:$0x19600] =	vst v63  }
.LBB2_36:
0x327: {  	p5 =	sle.s32 s3, s14  }
.Ltmp23:
0x328: {  	_ = 	snop;
	(pc) =	sbr.rel @p5 .LBB2_45-.Ltmp23, $1  }
0x329: {  	_ =	sdelay $0x3  }
0x32a: {  	s5 =	sadd.s32 $0x4, s9  }
0x32b: {  	p5 =	sle.s32 s3, s5  }
0x32c: {  	s12 =	simm.s32 @!p5 $0x5  }
0x32d: {  	_ =	swait.ge @!p5 [sflag:s12], $0x6000  }
0x32e: {  	s5 =	sshll.u32 @!p5 s5, $0x6;
	[sflag:s12] =	ssyncset.done @!p5 $0x0  }
0x32f: {  	s5 =	sand.u32 @!p5 $0x3FFFFFC0, s5;
	[sflag:s12] =	ssyncadd.s32 @!p5 $0xFFFFA000  }
0x330: {  	v7 =	vld.idx.msk @!p5 [tilespmem:v0+s5+$0x0 ss:$0x1], $0xffff;
	_ =	sdelay $0x4  }
0x331: {  	v8 =	vshrl.u32 @!p5 v7, $0x3  }
0x332: {  	v8 =	vmul.u32 @!p5 $0x30, v8  }
0x333: {  	v9 =	vlaneseq.u32 @!p5;
	v7 =	vand.u32 @!p5 $0x7, v7  }
0x334: {  	v10 =	vshrl.u32 @!p5 v9, $0x3;
	v7 =	vor.u32 @!p5 v7, v8;
	v8 =	vand.u32 @!p5 $0x7, v9  }
0x335: {  	v10 =	vmul.u32 @!p5 $0x8, v10;
	v11 =	vperm.xlane @!p5 v7, v8;
	_ =	sdelay $0x1  }
0x336: {  	v11 =	vadd.s32 @!p5 v10, v11;
	_ =	sdelay $0x2  }
0x337: {  	v9 =	vor.u32 @!p5 $0x8, v9  }
0x338: {  	vm1 =	vmmov @!p5 $0xffff;
	s15 =	simm.s32 @!p5 $0x1000;
	s12 =	simm.s32 @!p5 $0x0;
	v7 =	vperm.xlane @!p5 v7, v9  }
0x339: {  	[tilespmem:s15], [sflag:$0x1] =	stream.indirect_vreg.gather @!p5 [hbm4b:s1+s12], $0x80, v11, vm1, $0xb8;
	[tilespmem:$0x19600] =	vst v63  }
0x33a: {  	v7 =	vadd.s32 @!p5 v10, v7;
	s15 =	simm.s32 @!p5 $0x1800  }
0x33b: {  	[tilespmem:s15], [sflag:$0x1] =	stream.indirect_vreg.gather @!p5 [hbm4b:s10+s12], $0x80, v11, vm1, $0xb8;
	[tilespmem:$0x19600] =	vst v63  }
0x33c: {  	s15 =	simm.s32 @!p5 $0x2000  }
0x33d: {  	[tilespmem:s15], [sflag:$0x1] =	stream.indirect_vreg.gather @!p5 [hbm4b:s11+s12], $0x80, v11, vm1, $0xb8;
	[tilespmem:$0x19600] =	vst v63  }
0x33e: {  	s15 =	simm.s32 @!p5 $0x2800  }
0x33f: {  	[tilespmem:s15], [sflag:$0x1] =	stream.indirect_vreg.gather @!p5 [hbm4b:s1+s12], $0x80, v7, vm1, $0xb8;
	[tilespmem:$0x19600] =	vst v63  }
0x340: {  	s15 =	simm.s32 @!p5 $0x3000  }
0x341: {  	[tilespmem:s15], [sflag:$0x1] =	stream.indirect_vreg.gather @!p5 [hbm4b:s10+s12], $0x80, v7, vm1, $0xb8;
	[tilespmem:$0x19600] =	vst v63  }
0x342: {  	s15 =	simm.s32 @!p5 $0x3800  }
0x343: {  	[tilespmem:s15], [sflag:$0x1] =	stream.indirect_vreg.gather @!p5 [hbm4b:s11+s12], $0x80, v7, vm1, $0xb8;
	[tilespmem:$0x19600] =	vst v63  }
0x344: {  	v7 =	vld.idx.msk @!p5 [tilespmem:v0+s5+$0x10 ss:$0x1], $0xffff;
	_ =	sdelay $0x4  }
0x345: {  	v11 =	vshrl.u32 @!p5 v7, $0x3  }
0x346: {  	v11 =	vmul.u32 @!p5 $0x30, v11  }
0x347: {  	v7 =	vand.u32 @!p5 $0x7, v7  }
0x348: {  	v7 =	vor.u32 @!p5 v7, v11  }
0x349: {  	v8 =	vperm.xlane @!p5 v7, v8;
	_ =	sdelay $0x1  }
0x34a: {  	v8 =	vadd.s32 @!p5 v10, v8;
	_ =	sdelay $0x3  }
0x34b: {  	s5 =	simm.s32 @!p5 $0x4000;
	v7 =	vperm.xlane @!p5 v7, v9  }
0x34c: {  	[tilespmem:s5], [sflag:$0x1] =	stream.indirect_vreg.gather @!p5 [hbm4b:s1+s12], $0x80, v8, vm1, $0xb8;
	[tilespmem:$0x19600] =	vst v63  }
0x34d: {  	v7 =	vadd.s32 @!p5 v10, v7;
	s5 =	simm.s32 @!p5 $0x4800  }
0x34e: {  	[tilespmem:s5], [sflag:$0x1] =	stream.indirect_vreg.gather @!p5 [hbm4b:s10+s12], $0x80, v8, vm1, $0xb8;
	[tilespmem:$0x19600] =	vst v63  }
0x34f: {  	s5 =	simm.s32 @!p5 $0x5000  }
0x350: {  	[tilespmem:s5], [sflag:$0x1] =	stream.indirect_vreg.gather @!p5 [hbm4b:s11+s12], $0x80, v8, vm1, $0xb8;
	[tilespmem:$0x19600] =	vst v63  }
0x351: {  	s5 =	simm.s32 @!p5 $0x5800  }
0x352: {  	[tilespmem:s5], [sflag:$0x1] =	stream.indirect_vreg.gather @!p5 [hbm4b:s1+s12], $0x80, v7, vm1, $0xb8;
	[tilespmem:$0x19600] =	vst v63  }
0x353: {  	s5 =	simm.s32 @!p5 $0x6000  }
0x354: {  	[tilespmem:s5], [sflag:$0x1] =	stream.indirect_vreg.gather @!p5 [hbm4b:s10+s12], $0x80, v7, vm1, $0xb8;
	[tilespmem:$0x19600] =	vst v63  }
0x355: {  	s26 =	sshll.u32 s14, $0x1;
	s5 =	simm.s32 @!p5 $0x6800  }
0x356: {  	[tilespmem:s5], [sflag:$0x1] =	stream.indirect_vreg.gather @!p5 [hbm4b:s11+s12], $0x80, v7, vm1, $0xb8;
	[tilespmem:$0x19600] =	vst v63  }
0x357: {  	s5 =	sor.u32 s7, s26  }
0x358: {  	p5 =	sne.s32 @!p3 s5, s13  }
0x359: {  	p5 =	por p3, p5  }
.Ltmp24:
0x35a: {  	_ = 	snop;
	(pc) =	sbr.rel @p5 .LBB2_44-.Ltmp24, $4  }
0x35b: {  	_ = 	snop  }
0x35c: {  	_ =	swait.ge [sflag:s23], $0x6000  }
0x35d: {  	[sflag:s23] =	ssyncset.done $0x0  }
0x35e: {  	[sflag:s23] =	ssyncadd.s32 $0xFFFFA000  }
0x35f: {  	p6 =	sne.s32 s8, $0x1F  }
.Ltmp25:
0x360: {  	_ = 	snop;
	(pc) =	sbr.rel @!p6 .LBB2_39-.Ltmp25, $2  }
0x361: {  	_ =	sdelay $0x2  }
0x362: {  	s18 =	sshrl.u32 s8, $0x3;
	s12 =	sadd.s32 $0x1, s8;
	p5 =	por $0x0, $0x0  }
0x363: {  	s14 =	smul.u32 $0x6000, s18;
	_ =	sdelay $0x1  }
0x364: {  	s15 =	sand.u32 $0x380, s24;
	s14 =	sshra.s32 s14, $0x2  }
0x365: {  	s14 =	sor.u32 s15, s14  }
0x366: {  	[tilespmem:s14+$0xE470] =	vst v3  }
0x367: {  	[tilespmem:s14+$0xD000] =	vst v3  }
0x368: {  	[tilespmem:s14+$0xD010] =	vst v3  }
0x369: {  	[tilespmem:s14+$0xD020] =	vst v3  }
0x36a: {  	[tilespmem:s14+$0xD030] =	vst v3  }
0x36b: {  	[tilespmem:s14+$0xD040] =	vst v3  }
0x36c: {  	[tilespmem:s14+$0xD050] =	vst v3  }
0x36d: {  	[tilespmem:s14+$0xD060] =	vst v3  }
0x36e: {  	[tilespmem:s14+$0xD070] =	vst v3  }
0x36f: {  	[tilespmem:s14+$0xD400] =	vst v3  }
0x370: {  	[tilespmem:s14+$0xD410] =	vst v3  }
0x371: {  	[tilespmem:s14+$0xD420] =	vst v3  }
0x372: {  	[tilespmem:s14+$0xD430] =	vst v3  }
0x373: {  	[tilespmem:s14+$0xD440] =	vst v3  }
0x374: {  	[tilespmem:s14+$0xD450] =	vst v3  }
0x375: {  	[tilespmem:s14+$0xD460] =	vst v3  }
0x376: {  	[tilespmem:s14+$0xD470] =	vst v3  }
0x377: {  	[tilespmem:s14+$0xD800] =	vst v3  }
0x378: {  	[tilespmem:s14+$0xD810] =	vst v3  }
0x379: {  	[tilespmem:s14+$0xD820] =	vst v3  }
0x37a: {  	[tilespmem:s14+$0xD830] =	vst v3  }
0x37b: {  	[tilespmem:s14+$0xD840] =	vst v3  }
0x37c: {  	[tilespmem:s14+$0xD850] =	vst v3  }
0x37d: {  	[tilespmem:s14+$0xD860] =	vst v3  }
0x37e: {  	[tilespmem:s14+$0xD870] =	vst v3  }
0x37f: {  	[tilespmem:s14+$0xDC00] =	vst v3  }
0x380: {  	[tilespmem:s14+$0xDC10] =	vst v3  }
0x381: {  	[tilespmem:s14+$0xDC20] =	vst v3  }
0x382: {  	[tilespmem:s14+$0xDC30] =	vst v3  }
0x383: {  	[tilespmem:s14+$0xDC40] =	vst v3  }
0x384: {  	[tilespmem:s14+$0xDC50] =	vst v3  }
0x385: {  	[tilespmem:s14+$0xDC60] =	vst v3  }
0x386: {  	[tilespmem:s14+$0xDC70] =	vst v3  }
0x387: {  	[tilespmem:s14+$0xE000] =	vst v3  }
0x388: {  	[tilespmem:s14+$0xE010] =	vst v3  }
0x389: {  	[tilespmem:s14+$0xE020] =	vst v3  }
0x38a: {  	[tilespmem:s14+$0xE030] =	vst v3  }
0x38b: {  	[tilespmem:s14+$0xE040] =	vst v3  }
0x38c: {  	p6 =	sne.s32 s12, $0x1F;
	[tilespmem:s14+$0xE050] =	vst v3  }
.Ltmp26:
0x38d: {  	[tilespmem:s14+$0xE060] =	vst v3;
	(pc) =	sbr.rel @!p6 .LBB2_41-.Ltmp26, $4  }
0x38e: {  	[tilespmem:s14+$0xE070] =	vst v3  }
0x38f: {  	[tilespmem:s14+$0xE400] =	vst v3  }
0x390: {  	s18 =	sshrl.u32 s12, $0x3;
	[tilespmem:s14+$0xE410] =	vst v3  }
0x391: {  	s22 =	sadd.s32 $0x1, s12;
	p5 =	por $0x1, $0x1;
	s12 =	smov.u32 s24;
	[tilespmem:s14+$0xE420] =	vst v3  }
.LBB2_42:
0x392: {  	p6 =	sne.s32 s22, $0x1F;
	s15 =	smul.u32 $0x6000, s18;
	[tilespmem:s14+$0xE430] =	vst v3  }
0x393: {  	s12 =	sadd.s32 $0x80, s12;
	[tilespmem:s14+$0xE440] =	vst v3  }
0x394: {  	s18 =	sand.u32 $0x380, s12;
	s15 =	sshra.s32 s15, $0x2;
	[tilespmem:s14+$0xE450] =	vst v3  }
0x395: {  	[tilespmem:s14+$0xE460] =	vst v3;
	s14 =	sor.u32 s18, s15  }
0x396: {  	[tilespmem:s14+$0xE470] =	vst v3  }
0x397: {  	[tilespmem:s14+$0xD000] =	vst v3  }
0x398: {  	[tilespmem:s14+$0xD010] =	vst v3  }
0x399: {  	[tilespmem:s14+$0xD020] =	vst v3  }
0x39a: {  	[tilespmem:s14+$0xD030] =	vst v3  }
0x39b: {  	[tilespmem:s14+$0xD040] =	vst v3  }
0x39c: {  	[tilespmem:s14+$0xD050] =	vst v3  }
0x39d: {  	[tilespmem:s14+$0xD060] =	vst v3  }
0x39e: {  	[tilespmem:s14+$0xD070] =	vst v3  }
0x39f: {  	[tilespmem:s14+$0xD400] =	vst v3  }
0x3a0: {  	[tilespmem:s14+$0xD410] =	vst v3  }
0x3a1: {  	[tilespmem:s14+$0xD420] =	vst v3  }
0x3a2: {  	[tilespmem:s14+$0xD430] =	vst v3  }
0x3a3: {  	[tilespmem:s14+$0xD440] =	vst v3  }
0x3a4: {  	[tilespmem:s14+$0xD450] =	vst v3  }
0x3a5: {  	[tilespmem:s14+$0xD460] =	vst v3  }
0x3a6: {  	[tilespmem:s14+$0xD470] =	vst v3  }
0x3a7: {  	[tilespmem:s14+$0xD800] =	vst v3  }
0x3a8: {  	[tilespmem:s14+$0xD810] =	vst v3  }
0x3a9: {  	[tilespmem:s14+$0xD820] =	vst v3  }
0x3aa: {  	[tilespmem:s14+$0xD830] =	vst v3  }
0x3ab: {  	[tilespmem:s14+$0xD840] =	vst v3  }
0x3ac: {  	[tilespmem:s14+$0xD850] =	vst v3  }
0x3ad: {  	[tilespmem:s14+$0xD860] =	vst v3  }
0x3ae: {  	[tilespmem:s14+$0xD870] =	vst v3  }
0x3af: {  	[tilespmem:s14+$0xDC00] =	vst v3  }
0x3b0: {  	[tilespmem:s14+$0xDC10] =	vst v3  }
0x3b1: {  	[tilespmem:s14+$0xDC20] =	vst v3  }
0x3b2: {  	[tilespmem:s14+$0xDC30] =	vst v3  }
0x3b3: {  	[tilespmem:s14+$0xDC40] =	vst v3  }
0x3b4: {  	[tilespmem:s14+$0xDC50] =	vst v3  }
0x3b5: {  	[tilespmem:s14+$0xDC60] =	vst v3  }
0x3b6: {  	[tilespmem:s14+$0xDC70] =	vst v3  }
0x3b7: {  	[tilespmem:s14+$0xE000] =	vst v3  }
0x3b8: {  	[tilespmem:s14+$0xE010] =	vst v3  }
0x3b9: {  	[tilespmem:s14+$0xE020] =	vst v3  }
0x3ba: {  	[tilespmem:s14+$0xE030] =	vst v3  }
0x3bb: {  	[tilespmem:s14+$0xE040] =	vst v3  }
0x3bc: {  	[tilespmem:s14+$0xE050] =	vst v3  }
.Ltmp27:
0x3bd: {  	[tilespmem:s14+$0xE060] =	vst v3;
	(pc) =	sbr.rel @p6 .LBB2_42-.Ltmp27, $4  }
0x3be: {  	[tilespmem:s14+$0xE070] =	vst v3  }
0x3bf: {  	[tilespmem:s14+$0xE400] =	vst v3  }
0x3c0: {  	[tilespmem:s14+$0xE410] =	vst v3  }
0x3c1: {  	s18 =	sshrl.u32 s22, $0x3;
	s22 =	sadd.s32 $0x1, s22;
	[tilespmem:s14+$0xE420] =	vst v3  }
.LBB2_43:
0x3c2: {  	s15 =	smul.u32 $0x6000, s18;
	[tilespmem:s14+$0xE430] =	vst @p5 v3;
	s12 =	sadd.s32 @p5 $0x80, s12;
	s18 =	smov.u32 s24  }
0x3c3: {  	[tilespmem:s14+$0xE440] =	vst @p5 v3;
	s18 =	smov.u32 @p5 s12  }
0x3c4: {  	[tilespmem:s14+$0xE450] =	vst @p5 v3;
	s12 =	sand.u32 $0x380, s18;
	s15 =	sshra.s32 s15, $0x2  }
0x3c5: {  	[tilespmem:s14+$0xE460] =	vst @p5 v3;
	s12 =	sor.u32 s12, s15  }
0x3c6: {  	[tilespmem:s12+$0xE470] =	vst v3  }
0x3c7: {  	[tilespmem:s12+$0xD000] =	vst v3  }
0x3c8: {  	[tilespmem:s12+$0xD010] =	vst v3  }
0x3c9: {  	[tilespmem:s12+$0xD020] =	vst v3  }
0x3ca: {  	[tilespmem:s12+$0xD030] =	vst v3  }
0x3cb: {  	[tilespmem:s12+$0xD040] =	vst v3  }
0x3cc: {  	[tilespmem:s12+$0xD050] =	vst v3  }
0x3cd: {  	[tilespmem:s12+$0xD060] =	vst v3  }
0x3ce: {  	[tilespmem:s12+$0xD070] =	vst v3  }
0x3cf: {  	[tilespmem:s12+$0xD400] =	vst v3  }
0x3d0: {  	[tilespmem:s12+$0xD410] =	vst v3  }
0x3d1: {  	[tilespmem:s12+$0xD420] =	vst v3  }
0x3d2: {  	[tilespmem:s12+$0xD430] =	vst v3  }
0x3d3: {  	[tilespmem:s12+$0xD440] =	vst v3  }
0x3d4: {  	[tilespmem:s12+$0xD450] =	vst v3  }
0x3d5: {  	[tilespmem:s12+$0xD460] =	vst v3  }
0x3d6: {  	[tilespmem:s12+$0xD470] =	vst v3  }
0x3d7: {  	[tilespmem:s12+$0xD800] =	vst v3  }
0x3d8: {  	[tilespmem:s12+$0xD810] =	vst v3  }
0x3d9: {  	[tilespmem:s12+$0xD820] =	vst v3  }
0x3da: {  	[tilespmem:s12+$0xD830] =	vst v3  }
0x3db: {  	[tilespmem:s12+$0xD840] =	vst v3  }
0x3dc: {  	[tilespmem:s12+$0xD850] =	vst v3  }
0x3dd: {  	[tilespmem:s12+$0xD860] =	vst v3  }
0x3de: {  	[tilespmem:s12+$0xD870] =	vst v3  }
0x3df: {  	[tilespmem:s12+$0xDC00] =	vst v3  }
0x3e0: {  	[tilespmem:s12+$0xDC10] =	vst v3  }
0x3e1: {  	[tilespmem:s12+$0xDC20] =	vst v3  }
0x3e2: {  	[tilespmem:s12+$0xDC30] =	vst v3  }
0x3e3: {  	[tilespmem:s12+$0xDC40] =	vst v3  }
0x3e4: {  	[tilespmem:s12+$0xDC50] =	vst v3  }
0x3e5: {  	[tilespmem:s12+$0xDC60] =	vst v3  }
0x3e6: {  	[tilespmem:s12+$0xDC70] =	vst v3  }
0x3e7: {  	[tilespmem:s12+$0xE000] =	vst v3  }
0x3e8: {  	[tilespmem:s12+$0xE010] =	vst v3  }
0x3e9: {  	[tilespmem:s12+$0xE020] =	vst v3  }
0x3ea: {  	[tilespmem:s12+$0xE030] =	vst v3  }
0x3eb: {  	[tilespmem:s12+$0xE040] =	vst v3  }
0x3ec: {  	[tilespmem:s12+$0xE050] =	vst v3  }
0x3ed: {  	[tilespmem:s12+$0xE060] =	vst v3  }
0x3ee: {  	[tilespmem:s12+$0xE070] =	vst v3  }
0x3ef: {  	[tilespmem:s12+$0xE400] =	vst v3  }
0x3f0: {  	[tilespmem:s12+$0xE410] =	vst v3  }
0x3f1: {  	[tilespmem:s12+$0xE420] =	vst v3  }
0x3f2: {  	[tilespmem:s12+$0xE430] =	vst v3  }
0x3f3: {  	[tilespmem:s12+$0xE440] =	vst v3  }
0x3f4: {  	[tilespmem:s12+$0xE450] =	vst v3  }
0x3f5: {  	[tilespmem:s12+$0xE460] =	vst v3  }
.LBB2_44:
0x3f6: {  	s5 =	sshll.u32 s5, $0x5  }
0x3f7: {  	s5 =	sadd.s32 s6, s5  }
0x3f8: {  	s5 =	sshrl.u32 s5, $0x3  }
0x3f9: {  	s5 =	smul.u32 $0x300, s5;
	_ =	sdelay $0x1  }
0x3fa: {  	s12 =	simm.s32 $0xD000;
	s5 =	sadd.s32 s2, s5  }
0x3fb: {  	[hbm4b:s5+s4] =	stream.linear.scatter [tilespmem:s12], [sflag:$0x7], $0x6000, $0x38;
	[tilespmem:$0x19600] =	vst v63  }
.LBB2_45:
.Ltmp28:
0x3fc: {  	(pc) =	sbr.rel @p4 .LBB2_51-.Ltmp28, $1  }
0x3fd: {  	_ =	sdelay $0x3  }
0x3fe: {  	s5 =	sadd.s32 $0x5, s9  }
0x3ff: {  	p4 =	sle.s32 s3, s5  }
0x400: {  	s9 =	simm.s32 @!p4 $0x6  }
0x401: {  	_ =	swait.ge @!p4 [sflag:s9], $0x6000  }
0x402: {  	s5 =	sshll.u32 @!p4 s5, $0x6;
	[sflag:s9] =	ssyncset.done @!p4 $0x0  }
0x403: {  	s5 =	sand.u32 @!p4 $0x3FFFFFC0, s5;
	[sflag:s9] =	ssyncadd.s32 @!p4 $0xFFFFA000  }
0x404: {  	v7 =	vld.idx.msk @!p4 [tilespmem:v0+s5+$0x0 ss:$0x1], $0xffff;
	_ =	sdelay $0x4  }
0x405: {  	v8 =	vshrl.u32 @!p4 v7, $0x3  }
0x406: {  	v8 =	vmul.u32 @!p4 $0x30, v8  }
0x407: {  	v9 =	vlaneseq.u32 @!p4;
	v7 =	vand.u32 @!p4 $0x7, v7  }
0x408: {  	v10 =	vshrl.u32 @!p4 v9, $0x3;
	v7 =	vor.u32 @!p4 v7, v8;
	v8 =	vand.u32 @!p4 $0x7, v9  }
0x409: {  	v10 =	vmul.u32 @!p4 $0x8, v10;
	v11 =	vperm.xlane @!p4 v7, v8;
	_ =	sdelay $0x1  }
0x40a: {  	v11 =	vadd.s32 @!p4 v10, v11;
	_ =	sdelay $0x2  }
0x40b: {  	v9 =	vor.u32 @!p4 $0x8, v9  }
0x40c: {  	vm1 =	vmmov @!p4 $0xffff;
	s12 =	simm.s32 @!p4 $0x7000;
	s9 =	simm.s32 @!p4 $0x0;
	v7 =	vperm.xlane @!p4 v7, v9  }
0x40d: {  	[tilespmem:s12], [sflag:$0x2] =	stream.indirect_vreg.gather @!p4 [hbm4b:s1+s9], $0x80, v11, vm1, $0xb8;
	[tilespmem:$0x19600] =	vst v63  }
0x40e: {  	v7 =	vadd.s32 @!p4 v10, v7;
	s12 =	simm.s32 @!p4 $0x7800  }
0x40f: {  	[tilespmem:s12], [sflag:$0x2] =	stream.indirect_vreg.gather @!p4 [hbm4b:s10+s9], $0x80, v11, vm1, $0xb8;
	[tilespmem:$0x19600] =	vst v63  }
0x410: {  	s12 =	simm.s32 @!p4 $0x8000  }
0x411: {  	[tilespmem:s12], [sflag:$0x2] =	stream.indirect_vreg.gather @!p4 [hbm4b:s11+s9], $0x80, v11, vm1, $0xb8;
	[tilespmem:$0x19600] =	vst v63  }
0x412: {  	s12 =	simm.s32 @!p4 $0x8800  }
0x413: {  	[tilespmem:s12], [sflag:$0x2] =	stream.indirect_vreg.gather @!p4 [hbm4b:s1+s9], $0x80, v7, vm1, $0xb8;
	[tilespmem:$0x19600] =	vst v63  }
0x414: {  	s12 =	simm.s32 @!p4 $0x9000  }
0x415: {  	[tilespmem:s12], [sflag:$0x2] =	stream.indirect_vreg.gather @!p4 [hbm4b:s10+s9], $0x80, v7, vm1, $0xb8;
	[tilespmem:$0x19600] =	vst v63  }
0x416: {  	s12 =	simm.s32 @!p4 $0x9800  }
0x417: {  	[tilespmem:s12], [sflag:$0x2] =	stream.indirect_vreg.gather @!p4 [hbm4b:s11+s9], $0x80, v7, vm1, $0xb8;
	[tilespmem:$0x19600] =	vst v63  }
0x418: {  	v7 =	vld.idx.msk @!p4 [tilespmem:v0+s5+$0x10 ss:$0x1], $0xffff;
	_ =	sdelay $0x4  }
0x419: {  	v11 =	vshrl.u32 @!p4 v7, $0x3  }
0x41a: {  	v11 =	vmul.u32 @!p4 $0x30, v11  }
0x41b: {  	v7 =	vand.u32 @!p4 $0x7, v7  }
0x41c: {  	v7 =	vor.u32 @!p4 v7, v11  }
0x41d: {  	v8 =	vperm.xlane @!p4 v7, v8;
	_ =	sdelay $0x1  }
0x41e: {  	v8 =	vadd.s32 @!p4 v10, v8;
	_ =	sdelay $0x3  }
0x41f: {  	s5 =	simm.s32 @!p4 $0xA000;
	v7 =	vperm.xlane @!p4 v7, v9  }
0x420: {  	[tilespmem:s5], [sflag:$0x2] =	stream.indirect_vreg.gather @!p4 [hbm4b:s1+s9], $0x80, v8, vm1, $0xb8;
	[tilespmem:$0x19600] =	vst v63  }
0x421: {  	v7 =	vadd.s32 @!p4 v10, v7;
	s5 =	simm.s32 @!p4 $0xA800  }
0x422: {  	[tilespmem:s5], [sflag:$0x2] =	stream.indirect_vreg.gather @!p4 [hbm4b:s10+s9], $0x80, v8, vm1, $0xb8;
	[tilespmem:$0x19600] =	vst v63  }
0x423: {  	s5 =	simm.s32 @!p4 $0xB000  }
0x424: {  	[tilespmem:s5], [sflag:$0x2] =	stream.indirect_vreg.gather @!p4 [hbm4b:s11+s9], $0x80, v8, vm1, $0xb8;
	[tilespmem:$0x19600] =	vst v63  }
0x425: {  	s5 =	simm.s32 @!p4 $0xB800  }
0x426: {  	[tilespmem:s5], [sflag:$0x2] =	stream.indirect_vreg.gather @!p4 [hbm4b:s1+s9], $0x80, v7, vm1, $0xb8;
	[tilespmem:$0x19600] =	vst v63  }
0x427: {  	s5 =	simm.s32 @!p4 $0xC000  }
0x428: {  	[tilespmem:s5], [sflag:$0x2] =	stream.indirect_vreg.gather @!p4 [hbm4b:s10+s9], $0x80, v7, vm1, $0xb8;
	[tilespmem:$0x19600] =	vst v63  }
0x429: {  	s26 =	sshll.u32 s16, $0x1;
	s5 =	simm.s32 @!p4 $0xC800  }
0x42a: {  	[tilespmem:s5], [sflag:$0x2] =	stream.indirect_vreg.gather @!p4 [hbm4b:s11+s9], $0x80, v7, vm1, $0xb8;
	[tilespmem:$0x19600] =	vst v63  }
0x42b: {  	s5 =	sor.u32 s7, s26  }
0x42c: {  	p4 =	sne.s32 @!p3 s5, s13  }
0x42d: {  	p4 =	por p3, p4  }
.Ltmp29:
0x42e: {  	_ = 	snop;
	(pc) =	sbr.rel @p4 .LBB2_50-.Ltmp29, $4  }
0x42f: {  	_ = 	snop  }
0x430: {  	_ =	swait.ge [sflag:s25], $0x6000  }
0x431: {  	[sflag:s25] =	ssyncset.done $0x0  }
0x432: {  	[sflag:s25] =	ssyncadd.s32 $0xFFFFA000  }
0x433: {  	s9 =	sshrl.u32 s8, $0x3  }
0x434: {  	s9 =	smul.u32 $0x6000, s9;
	_ =	sdelay $0x1  }
0x435: {  	s12 =	sand.u32 $0x380, s24;
	s9 =	sshra.s32 s9, $0x2  }
0x436: {  	s9 =	sor.u32 s12, s9  }
0x437: {  	s12 =	sadd.s32 $0x13000, s9;
	[tilespmem:s9+$0x13000] =	vst v3  }
0x438: {  	[tilespmem:s12+$0x470] =	vst v3  }
0x439: {  	[tilespmem:s12+$0x460] =	vst v3  }
0x43a: {  	[tilespmem:s12+$0x450] =	vst v3  }
0x43b: {  	[tilespmem:s12+$0x440] =	vst v3  }
0x43c: {  	[tilespmem:s12+$0x420] =	vst v3  }
0x43d: {  	[tilespmem:s12+$0x430] =	vst v3  }
0x43e: {  	[tilespmem:s12+$0x400] =	vst v3  }
0x43f: {  	[tilespmem:s12+$0x410] =	vst v3  }
0x440: {  	[tilespmem:s12+$0x60] =	vst v3  }
0x441: {  	[tilespmem:s12+$0x50] =	vst v3  }
0x442: {  	[tilespmem:s12+$0x40] =	vst v3  }
0x443: {  	[tilespmem:s12+$0x30] =	vst v3  }
0x444: {  	[tilespmem:s12+$0x20] =	vst v3  }
0x445: {  	[tilespmem:s12+$0x70] =	vst v3  }
0x446: {  	s18 =	sadd.s32 $0x13800, s9;
	[tilespmem:s12+$0x10] =	vst v3  }
0x447: {  	[tilespmem:s18+$0x70] =	vst v3  }
0x448: {  	[tilespmem:s18+$0x60] =	vst v3  }
0x449: {  	[tilespmem:s9+$0x13800] =	vst v3  }
0x44a: {  	[tilespmem:s18+$0x50] =	vst v3  }
0x44b: {  	[tilespmem:s18+$0x40] =	vst v3  }
0x44c: {  	[tilespmem:s18+$0x30] =	vst v3  }
0x44d: {  	[tilespmem:s18+$0x20] =	vst v3  }
0x44e: {  	s22 =	sadd.s32 $0x13C00, s9;
	[tilespmem:s18+$0x10] =	vst v3  }
0x44f: {  	[tilespmem:s22+$0x70] =	vst v3  }
0x450: {  	[tilespmem:s22+$0x60] =	vst v3  }
0x451: {  	[tilespmem:s22+$0x50] =	vst v3  }
0x452: {  	[tilespmem:s9+$0x13C00] =	vst v3  }
0x453: {  	[tilespmem:s22+$0x40] =	vst v3  }
0x454: {  	[tilespmem:s22+$0x20] =	vst v3  }
0x455: {  	[tilespmem:s22+$0x30] =	vst v3  }
0x456: {  	s26 =	sadd.s32 $0x14000, s9;
	[tilespmem:s22+$0x10] =	vst v3  }
0x457: {  	[tilespmem:s26+$0x70] =	vst v3  }
0x458: {  	[tilespmem:s26+$0x60] =	vst v3  }
0x459: {  	[tilespmem:s26+$0x50] =	vst v3  }
0x45a: {  	[tilespmem:s9+$0x14000] =	vst v3  }
0x45b: {  	[tilespmem:s26+$0x40] =	vst v3  }
0x45c: {  	p4 =	sne.s32 s8, $0x1F;
	[tilespmem:s26+$0x30] =	vst v3  }
.Ltmp30:
0x45d: {  	[tilespmem:s26+$0x10] =	vst v3;
	(pc) =	sbr.rel @!p4 .LBB2_49-.Ltmp30, $4  }
0x45e: {  	s16 =	sadd.s32 $0x14400, s9;
	[tilespmem:s26+$0x20] =	vst v3  }
0x45f: {  	[tilespmem:s16+$0x70] =	vst v3  }
0x460: {  	[tilespmem:s16+$0x40] =	vst v3  }
0x461: {  	s14 =	smov.u32 s24;
	s18 =	sadd.s32 $0x1, s8;
	[tilespmem:s16+$0x60] =	vst v3  }
.LBB2_48:
0x462: {  	s15 =	sshrl.u32 s18, $0x3  }
0x463: {  	[tilespmem:s9+$0x14400] =	vst v3;
	s14 =	sadd.s32 $0x80, s14;
	s9 =	smov.u32 s18;
	s12 =	sadd.s32 $0x1, s18  }
0x464: {  	p4 =	sne.s32 s18, $0x1F;
	s9 =	smul.u32 $0x6000, s15;
	[tilespmem:s16+$0x20] =	vst v3  }
0x465: {  	[tilespmem:s16+$0x30] =	vst v3  }
0x466: {  	s15 =	sand.u32 $0x380, s14;
	s9 =	sshra.s32 s9, $0x2;
	[tilespmem:s16+$0x10] =	vst v3  }
0x467: {  	s9 =	sor.u32 s15, s9;
	[tilespmem:s16+$0x50] =	vst v3  }
0x468: {  	s15 =	sadd.s32 $0x13000, s9;
	[tilespmem:s9+$0x13000] =	vst v3  }
0x469: {  	[tilespmem:s15+$0x470] =	vst v3  }
0x46a: {  	[tilespmem:s15+$0x460] =	vst v3  }
0x46b: {  	[tilespmem:s15+$0x450] =	vst v3  }
0x46c: {  	[tilespmem:s15+$0x440] =	vst v3  }
0x46d: {  	[tilespmem:s15+$0x420] =	vst v3  }
0x46e: {  	[tilespmem:s15+$0x430] =	vst v3  }
0x46f: {  	[tilespmem:s15+$0x400] =	vst v3  }
0x470: {  	[tilespmem:s15+$0x410] =	vst v3  }
0x471: {  	[tilespmem:s15+$0x60] =	vst v3  }
0x472: {  	[tilespmem:s15+$0x50] =	vst v3  }
0x473: {  	[tilespmem:s15+$0x40] =	vst v3  }
0x474: {  	[tilespmem:s15+$0x30] =	vst v3  }
0x475: {  	[tilespmem:s15+$0x20] =	vst v3  }
0x476: {  	[tilespmem:s15+$0x70] =	vst v3  }
0x477: {  	[tilespmem:s15+$0x10] =	vst v3;
	s15 =	sadd.s32 $0x13800, s9  }
0x478: {  	[tilespmem:s15+$0x70] =	vst v3  }
0x479: {  	[tilespmem:s15+$0x60] =	vst v3  }
0x47a: {  	[tilespmem:s9+$0x13800] =	vst v3  }
0x47b: {  	[tilespmem:s15+$0x30] =	vst v3  }
0x47c: {  	[tilespmem:s15+$0x20] =	vst v3  }
0x47d: {  	[tilespmem:s15+$0x10] =	vst v3  }
0x47e: {  	[tilespmem:s15+$0x50] =	vst v3  }
0x47f: {  	[tilespmem:s15+$0x40] =	vst v3;
	s15 =	sadd.s32 $0x13C00, s9  }
0x480: {  	[tilespmem:s15+$0x70] =	vst v3  }
0x481: {  	[tilespmem:s15+$0x60] =	vst v3  }
0x482: {  	[tilespmem:s15+$0x50] =	vst v3  }
0x483: {  	[tilespmem:s9+$0x13C00] =	vst v3  }
0x484: {  	[tilespmem:s15+$0x20] =	vst v3  }
0x485: {  	[tilespmem:s15+$0x30] =	vst v3  }
0x486: {  	[tilespmem:s15+$0x10] =	vst v3  }
0x487: {  	[tilespmem:s15+$0x40] =	vst v3;
	s15 =	sadd.s32 $0x14000, s9  }
0x488: {  	[tilespmem:s15+$0x70] =	vst v3  }
0x489: {  	[tilespmem:s15+$0x60] =	vst v3  }
0x48a: {  	[tilespmem:s15+$0x50] =	vst v3  }
0x48b: {  	[tilespmem:s9+$0x14000] =	vst v3  }
0x48c: {  	[tilespmem:s15+$0x30] =	vst v3  }
0x48d: {  	[tilespmem:s15+$0x10] =	vst v3  }
.Ltmp31:
0x48e: {  	[tilespmem:s15+$0x40] =	vst v3;
	(pc) =	sbr.rel @p4 .LBB2_48-.Ltmp31, $4  }
0x48f: {  	s16 =	sadd.s32 $0x14400, s9;
	[tilespmem:s15+$0x20] =	vst v3  }
0x490: {  	[tilespmem:s16+$0x70] =	vst v3  }
0x491: {  	[tilespmem:s16+$0x40] =	vst v3  }
0x492: {  	s18 =	smov.u32 s12;
	[tilespmem:s16+$0x60] =	vst v3  }
.Ltmp32:
0x493: {  	_ = 	snop;
	(pc) =	sbr.rel .LBB2_49-.Ltmp32, $1  }
0x494: {  	_ =	sdelay $0x3  }
.LBB2_21:
.Ltmp33:
0x495: {  	(pc) =	sbr.rel .LBB2_25-.Ltmp33, $2  }
0x496: {  	_ =	sdelay $0x2  }
0x497: {  	s22 =	smov.u32 s24  }
.LBB2_30:
.Ltmp34:
0x498: {  	(pc) =	sbr.rel .LBB2_34-.Ltmp34, $2  }
0x499: {  	_ =	sdelay $0x2  }
0x49a: {  	s12 =	smov.u32 s24  }
.LBB2_39:
.Ltmp35:
0x49b: {  	(pc) =	sbr.rel .LBB2_43-.Ltmp35, $2  }
0x49c: {  	_ =	sdelay $0x2  }
0x49d: {  	s12 =	smov.u32 s24  }
.LBB2_23:
.Ltmp36:
0x49e: {  	(pc) =	sbr.rel .LBB2_25-.Ltmp36, $2  }
0x49f: {  	_ =	sdelay $0x2  }
0x4a0: {  	s22 =	smov.u32 s24  }
.LBB2_32:
.Ltmp37:
0x4a1: {  	(pc) =	sbr.rel .LBB2_34-.Ltmp37, $2  }
0x4a2: {  	_ =	sdelay $0x2  }
0x4a3: {  	s12 =	smov.u32 s24  }
.LBB2_41:
.Ltmp38:
0x4a4: {  	(pc) =	sbr.rel .LBB2_43-.Ltmp38, $2  }
0x4a5: {  	_ =	sdelay $0x2  }
0x4a6: {  	s12 =	smov.u32 s24  }
.LBB2_52:
0x4a7: {  	s9 =	rddreg [dreg:$0xc]  }
0x4a8: {  	s5 =	sand.u32 $0x3, s9  }
0x4a9: {  	p3 =	slt.s32 s3, $0x2;
	s8 =	sshra.s32 s9, $0x1F;
	p4 =	sne.s32 s5, $0x0  }
0x4aa: {  	s24 =	sshrl.u32 s8, $0x1E;
	p3 =	por !p3, !p4  }
0x4ab: {  	s8 =	simm.s32 $0x1;
	s5 =	sadd.s32 s24, s9;
	p3 =	por !p3, !p3  }
0x4ac: {  	s5 =	sshra.s32 s5, $0x2;
	s8 =	simm.s32 @!p3 $0x0  }
0x4ad: {  	s12 =	rddreg [dreg:$0xb];
	s5 =	ssub.s32 s5, s8  }
0x4ae: {  	s26 =	sadd.s32 $0x3, s12;
	p3 =	sgt.s32 s5, $0x0  }
0x4af: {  	s8 =	sshrl.u32 s26, $0x2;
	s5 =	simm.s32 @!p3 $0x0  }
0x4b0: {  	s5 =	ssub.s32 s8, s5  }
0x4b1: {  	p3 =	slt.s32 s5, $0x1  }
.Ltmp39:
0x4b2: {  	_ = 	snop;
	(pc) =	sbr.rel @p3 .LBB2_56-.Ltmp39, $1  }
0x4b3: {  	_ =	sdelay $0x3  }
0x4b4: {  	p3 =	sne.s32 s5, $0x1  }
.Ltmp40:
0x4b5: {  	_ = 	snop;
	(pc) =	sbr.rel @!p3 .LBB2_55-.Ltmp40, $3  }
0x4b6: {  	_ =	sdelay $0x1  }
0x4b7: {  	_ =	swait.ge [sflag:s28], $0x6000  }
0x4b8: {  	s5 =	sadd.s32 $0xFFFFFFFF, s5;
	[sflag:s28] =	ssyncset.done $0x0  }
.LBB2_54:
0x4b9: {  	p3 =	sne.s32 s5, $0x1;
	s5 =	sadd.s32 $0xFFFFFFFF, s5;
	[sflag:s28] =	ssyncadd.s32 $0xFFFFA000  }
.Ltmp41:
0x4ba: {  	(pc) =	sbr.rel @p3 .LBB2_54-.Ltmp41, $3  }
0x4bb: {  	_ =	sdelay $0x1  }
0x4bc: {  	_ =	swait.ge [sflag:s28], $0x6000  }
0x4bd: {  	[sflag:s28] =	ssyncset.done $0x0  }
.LBB2_55:
0x4be: {  	[sflag:s28] =	ssyncadd.s32 $0xFFFFA000  }
.LBB2_56:
0x4bf: {  	s5 =	sadd.s32 $0xFFFFFFFE, s12  }
0x4c0: {  	s8 =	sand.u32 $0x3, s5  }
0x4c1: {  	p3 =	slt.s32 s3, $0x3;
	s9 =	sshra.s32 s5, $0x1F;
	p4 =	sne.s32 s8, $0x0  }
0x4c2: {  	s24 =	sshrl.u32 s9, $0x1E;
	p3 =	por !p3, !p4  }
0x4c3: {  	s8 =	simm.s32 $0x1;
	s5 =	sadd.s32 s24, s5;
	p3 =	por !p3, !p3  }
0x4c4: {  	s5 =	sshra.s32 s5, $0x2;
	s8 =	simm.s32 @!p3 $0x0  }
0x4c5: {  	s5 =	ssub.s32 s5, s8  }
0x4c6: {  	s26 =	sadd.s32 $0x2, s12;
	p3 =	sgt.s32 s5, $0x0  }
0x4c7: {  	s8 =	sshrl.u32 s26, $0x2;
	s5 =	simm.s32 @!p3 $0x0  }
0x4c8: {  	s5 =	ssub.s32 s8, s5  }
0x4c9: {  	p3 =	slt.s32 s5, $0x1  }
.Ltmp42:
0x4ca: {  	_ = 	snop;
	(pc) =	sbr.rel @p3 .LBB2_60-.Ltmp42, $1  }
0x4cb: {  	_ =	sdelay $0x3  }
0x4cc: {  	p3 =	sne.s32 s5, $0x1  }
.Ltmp43:
0x4cd: {  	_ = 	snop;
	(pc) =	sbr.rel @!p3 .LBB2_59-.Ltmp43, $3  }
0x4ce: {  	_ =	sdelay $0x1  }
0x4cf: {  	_ =	swait.ge [sflag:s29], $0x6000  }
0x4d0: {  	s5 =	sadd.s32 $0xFFFFFFFF, s5;
	[sflag:s29] =	ssyncset.done $0x0  }
.LBB2_58:
0x4d1: {  	p3 =	sne.s32 s5, $0x1;
	s5 =	sadd.s32 $0xFFFFFFFF, s5;
	[sflag:s29] =	ssyncadd.s32 $0xFFFFA000  }
.Ltmp44:
0x4d2: {  	(pc) =	sbr.rel @p3 .LBB2_58-.Ltmp44, $3  }
0x4d3: {  	_ =	sdelay $0x1  }
0x4d4: {  	_ =	swait.ge [sflag:s29], $0x6000  }
0x4d5: {  	[sflag:s29] =	ssyncset.done $0x0  }
.LBB2_59:
0x4d6: {  	[sflag:s29] =	ssyncadd.s32 $0xFFFFA000  }
.LBB2_60:
0x4d7: {  	s5 =	sadd.s32 $0xFFFFFFFD, s12  }
0x4d8: {  	s8 =	sand.u32 $0x3, s5  }
0x4d9: {  	p3 =	slt.s32 s3, $0x4;
	s9 =	sshra.s32 s5, $0x1F;
	p4 =	sne.s32 s8, $0x0  }
0x4da: {  	s24 =	sshrl.u32 s9, $0x1E;
	p3 =	por !p3, !p4  }
0x4db: {  	s8 =	simm.s32 $0x1;
	s5 =	sadd.s32 s24, s5;
	p3 =	por !p3, !p3  }
0x4dc: {  	s5 =	sshra.s32 s5, $0x2;
	s8 =	simm.s32 @!p3 $0x0  }
0x4dd: {  	s5 =	ssub.s32 s5, s8  }
0x4de: {  	s26 =	sadd.s32 $0x1, s12;
	p3 =	sgt.s32 s5, $0x0  }
0x4df: {  	s8 =	sshrl.u32 s26, $0x2;
	s5 =	simm.s32 @!p3 $0x0  }
0x4e0: {  	s5 =	ssub.s32 s8, s5  }
0x4e1: {  	p3 =	slt.s32 s5, $0x1  }
.Ltmp45:
0x4e2: {  	_ = 	snop;
	(pc) =	sbr.rel @p3 .LBB2_64-.Ltmp45, $1  }
0x4e3: {  	_ =	sdelay $0x3  }
0x4e4: {  	p3 =	sne.s32 s5, $0x1  }
.Ltmp46:
0x4e5: {  	_ = 	snop;
	(pc) =	sbr.rel @!p3 .LBB2_63-.Ltmp46, $3  }
0x4e6: {  	_ =	sdelay $0x1  }
0x4e7: {  	_ =	swait.ge [sflag:s30], $0x6000  }
0x4e8: {  	s5 =	sadd.s32 $0xFFFFFFFF, s5;
	[sflag:s30] =	ssyncset.done $0x0  }
.LBB2_62:
0x4e9: {  	p3 =	sne.s32 s5, $0x1;
	s5 =	sadd.s32 $0xFFFFFFFF, s5;
	[sflag:s30] =	ssyncadd.s32 $0xFFFFA000  }
.Ltmp47:
0x4ea: {  	(pc) =	sbr.rel @p3 .LBB2_62-.Ltmp47, $3  }
0x4eb: {  	_ =	sdelay $0x1  }
0x4ec: {  	_ =	swait.ge [sflag:s30], $0x6000  }
0x4ed: {  	[sflag:s30] =	ssyncset.done $0x0  }
.LBB2_63:
0x4ee: {  	[sflag:s30] =	ssyncadd.s32 $0xFFFFA000  }
.LBB2_64:
0x4ef: {  	s5 =	sand.u32 $0x3, s12;
	s22 =	sadd.s32 $0xFFFFFFFC, s12  }
0x4f0: {  	p4 =	slt.s32 s3, $0x5;
	s24 =	sshrl.u32 s12, $0x2;
	p3 =	sne.s32 s5, $0x0  }
0x4f1: {  	s9 =	simm.s32 $0x1;
	s8 =	sshra.s32 s22, $0x1F;
	p2 =	por !p2, !p3  }
0x4f2: {  	p3 =	por !p4, !p3;
	s8 =	sshrl.u32 s8, $0x1E;
	p2 =	por !p2, !p2  }
0x4f3: {  	s5 =	sadd.s32 s8, s22;
	p3 =	por !p3, !p3;
	s8 =	simm.s32 $0x1  }
0x4f4: {  	s9 =	simm.s32 @!p2 $0x0;
	s5 =	sshra.s32 s5, $0x2;
	s8 =	simm.s32 @!p3 $0x0  }
0x4f5: {  	s3 =	ssub.s32 s24, s9;
	s5 =	ssub.s32 s5, s8  }
0x4f6: {  	p2 =	sgt.s32 s3, $0x0;
	p3 =	sgt.s32 s5, $0x0  }
0x4f7: {  	s3 =	simm.s32 @!p2 $0x0;
	s5 =	simm.s32 @!p3 $0x0  }
0x4f8: {  	s26 =	ssub.s32 s3, s5  }
0x4f9: {  	p2 =	slt.s32 s26, $0x1  }
.Ltmp48:
0x4fa: {  	_ = 	snop;
	(pc) =	sbr.rel @p2 .LBB2_68-.Ltmp48, $1  }
0x4fb: {  	_ =	sdelay $0x3  }
0x4fc: {  	s3 =	ssub.s32 s5, s3  }
0x4fd: {  	s3 =	sadd.s32 $0x1, s3  }
0x4fe: {  	p2 =	seq.s32 s3, $0x0  }
.Ltmp49:
0x4ff: {  	_ = 	snop;
	(pc) =	sbr.rel @p2 .LBB2_67-.Ltmp49, $3  }
0x500: {  	_ =	sdelay $0x1  }
0x501: {  	_ =	swait.ge [sflag:s31], $0x6000  }
0x502: {  	[sflag:s31] =	ssyncset.done $0x0  }
.LBB2_66:
0x503: {  	s3 =	sadd.s32 $0x1, s3  }
0x504: {  	[sflag:s31] =	ssyncadd.s32 $0xFFFFA000;
	p2 =	seq.s32 s3, $0x0  }
.Ltmp50:
0x505: {  	(pc) =	sbr.rel @!p2 .LBB2_66-.Ltmp50, $3  }
0x506: {  	_ =	sdelay $0x1  }
0x507: {  	_ =	swait.ge [sflag:s31], $0x6000  }
0x508: {  	[sflag:s31] =	ssyncset.done $0x0  }
.LBB2_67:
0x509: {  	[sflag:s31] =	ssyncadd.s32 $0xFFFFA000  }
.LBB2_68:
.Ltmp51:
0x50a: {  	(pc) =	sbr.rel @p1 .LBB2_72-.Ltmp51, $2  }
0x50b: {  	_ =	sdelay $0x2  }
0x50c: {  	s5 =	rddreg [dreg:$0xa]  }
0x50d: {  	s3 =	ssub.s32 $0x20, s12  }
0x50e: {  	p1 =	sgt.s32 s3, $0x1  }
0x50f: {  	s3 =	simm.s32 @!p1 $0x1  }
0x510: {  	p1 =	sne.s32 s3, $0x1  }
.Ltmp52:
0x511: {  	_ = 	snop;
	(pc) =	sbr.rel @!p1 .LBB2_71-.Ltmp52, $3  }
0x512: {  	_ =	sdelay $0x1  }
0x513: {  	_ =	swait.ge [sflag:s0], $0xC00  }
0x514: {  	[sflag:s0] =	ssyncset.done $0x0;
	s3 =	sadd.s32 $0xFFFFFFFF, s3  }
.LBB2_70:
0x515: {  	p1 =	sne.s32 s3, $0x1;
	s3 =	sadd.s32 $0xFFFFFFFF, s3;
	[sflag:s0] =	ssyncadd.s32 $0xFFFFF400  }
.Ltmp53:
0x516: {  	(pc) =	sbr.rel @p1 .LBB2_70-.Ltmp53, $3  }
0x517: {  	_ =	sdelay $0x1  }
0x518: {  	_ =	swait.ge [sflag:s0], $0xC00  }
0x519: {  	[sflag:s0] =	ssyncset.done $0x0  }
.Ltmp54:
0x51a: {  	_ = 	snop;
	(pc) =	sbr.rel .LBB2_71-.Ltmp54, $1  }
0x51b: {  	_ =	sdelay $0x3  }
.LBB2_73:
0x51c: {  	_ =	sfence.sel $0x180000  }
0x51d: {  	[bflag:$0x0] =	sbarrier.arrive $0xFFFF  }
0x51e: {  	_ =	strace $0x90000047  }
0x51f: {  	[bflag:$0x2] =	sbarrier.arrive $0xFFFF  }
0x520: {  	s0 =	rddreg [dreg:$0x4]  }
0x521: {  	s0 =	sadd.s32 @!p0 $0x100000, s0  }
0x522: {  	[sflag:s0] =	ssyncadd.tile.s32 @!p0 $0x1;
	_ =	shalt  }
.Lfunc_end2:
_tile_overlayer_lowered:
.L_overlay_start_2:
0x523: {  	(tag) =	ssettag $0x2  }
0x524: {  	s0 =	rddreg [dreg:$0x0];
	s2 =	stileid.u32  }
0x525: {  	s1 =	rddreg [dreg:$0x1];
	p0 =	sne.s32 s2, $0x0  }
0x526: {  	s3 =	rddreg [dreg:$0x2];
	[bflag:$0x3] =	sbarrier.arrive $0xFFFF;
	s2 =	simm.s32 @!p0 $0x1C0A  }
0x527: {  	[timem:s3], [sflag:s2] =	dma.local @!p0 [hbm:s0], s1  }
0x528: {  	s0 =	simm.s32 @!p0 $0xA  }
0x529: {  	_ =	swait.ge @!p0 [sflag:s0], s1  }
0x52a: {  	s1 =	ssub.s32 @!p0 $0x0, s1;
	[sflag:s0] =	ssyncset.done @!p0 $0x0  }
0x52b: {  	[sflag:s0] =	ssyncadd.s32 @!p0 s1  }
0x52c: {  	[bflag:$0x3] =	sbarrier.arrive $0xFFFF  }
0x52d: {  	_ =	shalt  }

</sc_bundles>
